<compile_context>
chip_gen: v7x
topology: tpu7x:2x2x1
jax: 0.10.2.dev20260603
libtpu: 0.0.44.dev20260713+nightly
codegen_flags: <defaults>
</compile_context>

<pallas_src>
import functools

import jax
import jax.numpy as jnp
from jax import lax
from jax.experimental import pallas as pl
from jax.experimental.pallas import tpu as pltpu
from jax.experimental.pallas import tpu_sc as plsc

N = 10000
E = 320000
D = 128

NC = 2
NS = 16
NW = NC * NS

CHUNK = 128
ROWS_PER_TILE = 640
N_PAD = NS * ROWS_PER_TILE

N_CHUNKS = 80
E_PAD = NW * CHUNK * N_CHUNKS
E_PER_TILE = E_PAD // NW
L = 16

_MESH = plsc.VectorSubcoreMesh(
    core_axis_name="c", subcore_axis_name="s", num_cores=NC, num_subcores=NS)


def _zero_acc(zeros_hbm, rows_v, acc_sh, s):
  base_r = s * ROWS_PER_TILE
  pltpu.sync_copy(zeros_hbm.at[pl.ds(0, CHUNK)], rows_v)
  for j in range(ROWS_PER_TILE // CHUNK):
    pltpu.sync_copy(rows_v, acc_sh.at[pl.ds(base_r + j * CHUNK, CHUNK)])


def _write_acc(acc_sh, rows_v, acc_out, c, s):
  base_r = s * ROWS_PER_TILE
  for j in range(ROWS_PER_TILE // CHUNK):
    r0 = base_r + j * CHUNK
    pltpu.sync_copy(acc_sh.at[pl.ds(r0, CHUNK)], rows_v)
    pltpu.sync_copy(rows_v, acc_out.at[c, pl.ds(r0, CHUNK)])


def _agg_body(x_hbm, edges_hbm, zeros_hbm, acc_out,
              ei0, ei1, ei2, ei3, rows0, rows1, acc_sh,
              se0, se1, se2, se3, sg0, sg1, ss0, ss1):
  c = lax.axis_index("c")
  s = lax.axis_index("s")
  _zero_acc(zeros_hbm, rows0, acc_sh, s)
  plsc.subcore_barrier()

  ei = [ei0, ei1, ei2, ei3]
  rows = [rows0, rows1]
  sem_e = [se0, se1, se2, se3]
  sem_g = [sg0, sg1]
  sem_s = [ss0, ss1]
  ebase = (c * NS + s) * E_PER_TILE

  def issue_idx(i, q):
    pltpu.async_copy(edges_hbm.at[:, pl.ds(ebase + i * CHUNK, CHUNK)],
                     ei[q], sem_e[q])

  def wait_idx(q):
    pltpu.make_async_copy(edges_hbm.at[:, pl.ds(0, CHUNK)],
                          ei[q], sem_e[q]).wait()

  def issue_gather(q, b):
    pltpu.async_copy(x_hbm.at[ei[q].at[0]], rows[b], sem_g[b])

  def wait_gather(b):
    pltpu.make_async_copy(x_hbm.at[pl.ds(0, CHUNK)],
                          rows[b], sem_g[b]).wait()

  def issue_scatter(q, b):
    pltpu.async_copy(rows[b], acc_sh.at[ei[q].at[1]], sem_s[b], add=True)

  def wait_scatter(b):
    pltpu.make_async_copy(rows[b], acc_sh.at[pl.ds(0, CHUNK)],
                          sem_s[b]).wait()

  def chunk_step(i, k, first, do_next_gather, do_idx):
    b, q = k % 2, k % 4
    wait_gather(b)
    issue_scatter(q, b)
    if do_next_gather:
      if not first:
        wait_scatter(1 - b)
      wait_idx((q + 1) % 4)
      issue_gather((q + 1) % 4, 1 - b)
    if do_idx:
      issue_idx(i + 3, (q + 3) % 4)

  for j in range(3):
    issue_idx(j, j)
  wait_idx(0)
  issue_gather(0, 0)

  for k in range(4):
    chunk_step(k, k, first=(k == 0), do_next_gather=True, do_idx=True)

  @pl.loop(1, N_CHUNKS // 4 - 1)
  def _(g):
    i0 = g * 4
    for k in range(4):
      chunk_step(i0 + k, k, first=False, do_next_gather=True, do_idx=True)

  for k in range(4):
    i = N_CHUNKS - 4 + k
    chunk_step(i, k, first=False,
               do_next_gather=(k != 3), do_idx=(k == 0))
  wait_scatter(0)
  wait_scatter(1)

  plsc.subcore_barrier()
  _write_acc(acc_sh, rows0, acc_out, c, s)


_sc_agg = pl.kernel(
    _agg_body,
    out_type=jax.ShapeDtypeStruct((NC, N_PAD, D), jnp.float32),
    mesh=_MESH,
    scratch_types=[
        pltpu.VMEM((2, CHUNK), jnp.int32),
        pltpu.VMEM((2, CHUNK), jnp.int32),
        pltpu.VMEM((2, CHUNK), jnp.int32),
        pltpu.VMEM((2, CHUNK), jnp.int32),
        pltpu.VMEM((CHUNK, D), jnp.float32),
        pltpu.VMEM((CHUNK, D), jnp.float32),
        pltpu.VMEM_SHARED((N_PAD, D), jnp.float32),
        pltpu.SemaphoreType.DMA,
        pltpu.SemaphoreType.DMA,
        pltpu.SemaphoreType.DMA,
        pltpu.SemaphoreType.DMA,
        pltpu.SemaphoreType.DMA,
        pltpu.SemaphoreType.DMA,
        pltpu.SemaphoreType.DMA,
        pltpu.SemaphoreType.DMA,
    ])


def _deg_body(edges_hbm, zeros_hbm, deg_out,
              ei0, ei1, ei2, ei3, ones_v, rows_v, deg_sh,
              se0, se1, se2, se3, ss):
  c = lax.axis_index("c")
  s = lax.axis_index("s")
  _zero_acc(zeros_hbm, rows_v, deg_sh, s)
  one = jnp.ones((L,), jnp.float32)
  def fill_ones(i, carry):
    ones_v[i // (D // L), pl.ds((i % (D // L)) * L, L)] = one
    return carry
  lax.fori_loop(0, CHUNK * (D // L), fill_ones, 0)
  plsc.subcore_barrier()

  ei = [ei0, ei1, ei2, ei3]
  sem_e = [se0, se1, se2, se3]
  ebase = (c * NS + s) * E_PER_TILE

  def issue_idx(i, q):
    pltpu.async_copy(edges_hbm.at[:, pl.ds(ebase + i * CHUNK, CHUNK)],
                     ei[q], sem_e[q])

  def wait_idx(q):
    pltpu.make_async_copy(edges_hbm.at[:, pl.ds(0, CHUNK)],
                          ei[q], sem_e[q]).wait()

  def chunk_step(i, k, first, do_idx):
    q = k % 4
    wait_idx(q)
    if not first:
      pltpu.make_async_copy(ones_v, deg_sh.at[pl.ds(0, CHUNK)], ss).wait()
    pltpu.async_copy(ones_v, deg_sh.at[ei[q].at[1]], ss, add=True)
    if do_idx:
      issue_idx(i + 3, (q + 3) % 4)

  for j in range(3):
    issue_idx(j, j)
  for k in range(4):
    chunk_step(k, k, first=(k == 0), do_idx=True)

  @pl.loop(1, N_CHUNKS // 4 - 1)
  def _(g):
    i0 = g * 4
    for k in range(4):
      chunk_step(i0 + k, k, first=False, do_idx=True)

  for k in range(4):
    chunk_step(N_CHUNKS - 4 + k, k, first=False, do_idx=(k == 0))
  pltpu.make_async_copy(ones_v, deg_sh.at[pl.ds(0, CHUNK)], ss).wait()

  plsc.subcore_barrier()
  _write_acc(deg_sh, rows_v, deg_out, c, s)


_sc_deg = pl.kernel(
    _deg_body,
    out_type=jax.ShapeDtypeStruct((NC, N_PAD, D), jnp.float32),
    mesh=_MESH,
    scratch_types=[
        pltpu.VMEM((2, CHUNK), jnp.int32),
        pltpu.VMEM((2, CHUNK), jnp.int32),
        pltpu.VMEM((2, CHUNK), jnp.int32),
        pltpu.VMEM((2, CHUNK), jnp.int32),
        pltpu.VMEM((CHUNK, D), jnp.float32),
        pltpu.VMEM((CHUNK, D), jnp.float32),
        pltpu.VMEM_SHARED((N_PAD, D), jnp.float32),
        pltpu.SemaphoreType.DMA,
        pltpu.SemaphoreType.DMA,
        pltpu.SemaphoreType.DMA,
        pltpu.SemaphoreType.DMA,
        pltpu.SemaphoreType.DMA,
    ])


BLK = 1000


def _tc_layer_body(activation, x_ref, p0_ref, p1_ref, deg_ref,
                   ws_ref, wn_ref, b_ref, o_ref):
  inv = 1.0 / jnp.maximum(deg_ref[...], 1.0)
  mean = (p0_ref[...] + p1_ref[...]) * inv
  h = (jnp.dot(x_ref[...], ws_ref[...], preferred_element_type=jnp.float32)
       + jnp.dot(mean, wn_ref[...], preferred_element_type=jnp.float32)
       + b_ref[...])
  if activation == "relu":
    o_ref[...] = jnp.maximum(h, 0.0)
  else:
    m = jnp.max(h, axis=1, keepdims=True)
    z = h - m
    lse = jnp.log(jnp.sum(jnp.exp(z), axis=1, keepdims=True))
    o_ref[...] = z - lse


def _tc_layer(x, p0, p1, deg, w_self, w_neigh, b, activation):
  grid = (N // BLK,)
  row_spec = pl.BlockSpec((BLK, D), lambda i: (i, 0))
  deg_spec = pl.BlockSpec((BLK, 1), lambda i: (i, 0))
  full_spec = pl.BlockSpec((D, D), lambda i: (0, 0))
  b_spec = pl.BlockSpec((1, D), lambda i: (0, 0))
  return pl.pallas_call(
      functools.partial(_tc_layer_body, activation),
      grid=grid,
      in_specs=[row_spec, row_spec, row_spec, deg_spec,
                full_spec, full_spec, b_spec],
      out_specs=row_spec,
      out_shape=jax.ShapeDtypeStruct((N, D), jnp.float32),
  )(x, p0, p1, deg, w_self, w_neigh, b.reshape(1, D))


@jax.jit
def kernel(x, edge_index, W1_self, W1_neigh, b1, W2_self, W2_neigh, b2):
  src = edge_index[0]
  dst = edge_index[1]
  pad = E_PAD - E
  src_p = jnp.concatenate([src, jnp.zeros((pad,), jnp.int32)])
  dst_p = jnp.concatenate([dst, jnp.full((pad,), N, jnp.int32)])
  edges = jnp.stack([src_p, dst_p])

  zeros = jnp.zeros((CHUNK, D), jnp.float32)

  deg_p = _sc_deg(edges, zeros)
  deg = (deg_p[0, :N, 0] + deg_p[1, :N, 0]).reshape(N, 1)
  agg1 = _sc_agg(x, edges, zeros)
  h = _tc_layer(x, agg1[0, :N], agg1[1, :N], deg,
                W1_self, W1_neigh, b1, "relu")
  agg2 = _sc_agg(h, edges, zeros)
  out = _tc_layer(h, agg2[0, :N], agg2[1, :N], deg,
                  W2_self, W2_neigh, b2, "log_softmax")
  return out

# --- scband reference (transcript-rebuilt; emitter-appended) ---
"""Pipeline reference for scband-graph-sage-9113920602386 (READ-ONLY COPY).

The authoritative reference and input builder live on the scoring server;
editing this copy changes nothing except your own understanding.
"""

import jax, jax.numpy as jnp
import numpy as np

N = 10000
E = 320000
D_IN = 128
D_H = 128
D_OUT = 128


def setup_inputs(seed: int = 0) -> dict:
    key = jax.random.key(seed)
    ks = jax.random.split(key, 9)
    x = jax.random.normal(ks[0], (N, D_IN), dtype=jnp.float32)
    edge_index = jax.random.randint(ks[1], (2, E), 0, N, dtype=jnp.int32)
    # SAGEConv params (PyG default: mean aggregation, out = x@W_self + mean_j(x_j)@W_neigh + b)
    s1 = 1.0 / np.sqrt(D_IN)
    s2 = 1.0 / np.sqrt(D_H)
    W1_self = jax.random.normal(ks[2], (D_IN, D_H), dtype=jnp.float32) * s1
    W1_neigh = jax.random.normal(ks[3], (D_IN, D_H), dtype=jnp.float32) * s1
    b1 = jnp.zeros((D_H,), dtype=jnp.float32)
    W2_self = jax.random.normal(ks[4], (D_H, D_OUT), dtype=jnp.float32) * s2
    W2_neigh = jax.random.normal(ks[5], (D_H, D_OUT), dtype=jnp.float32) * s2
    b2 = jnp.zeros((D_OUT,), dtype=jnp.float32)
    return {
        "x": x,
        "edge_index": edge_index,
        "W1_self": W1_self,
        "W1_neigh": W1_neigh,
        "b1": b1,
        "W2_self": W2_self,
        "W2_neigh": W2_neigh,
        "b2": b2,
    }


def _sage_conv(x, src, dst, W_self, W_neigh, b):
    # mean aggregation over incoming edges (messages flow src -> dst)
    msgs = jnp.take(x, src, axis=0)              # gather [E, d]
    agg = jax.ops.segment_sum(msgs, dst, num_segments=N)   # scatter-add [N, d]
    deg = jax.ops.segment_sum(jnp.ones((src.shape[0],), dtype=x.dtype), dst, num_segments=N)
    mean = agg / jnp.clip(deg, 1.0, None)[:, None]
    return x @ W_self + mean @ W_neigh + b


def reference(x, edge_index, W1_self, W1_neigh, b1, W2_self, W2_neigh, b2):
    src = edge_index[0]
    dst = edge_index[1]
    h = _sage_conv(x, src, dst, W1_self, W1_neigh, b1)
    h = jax.nn.relu(h)
    # dropout p=0.5 is identity in eval mode
    h = _sage_conv(h, src, dst, W2_self, W2_neigh, b2)
    return jax.nn.log_softmax(h, axis=1)

if __name__ == "__main__":
    import jax
    _d = setup_inputs()
    print(jax.jit(kernel)(*tuple(_d.values())))

</pallas_src>

<mosaic_0001>
#map = affine_map<(d0, d1) -> (0, 0)>
#map1 = affine_map<(d0, d1) -> (0, 0, 0)>
module attributes {stable_mosaic.version = 14 : i64} {
  func.func @_agg_body(%arg0: i32, %arg1: i32, %arg2: memref<10000x128xf32, #tpu.memory_space<hbm>>, %arg3: memref<2x327680xi32, #tpu.memory_space<hbm>>, %arg4: memref<128x128xf32, #tpu.memory_space<hbm>>, %arg5: memref<2x10240x128xf32, #tpu.memory_space<hbm>>, %arg6: memref<2x128xi32, #tpu.memory_space<vmem>>, %arg7: memref<2x128xi32, #tpu.memory_space<vmem>>, %arg8: memref<2x128xi32, #tpu.memory_space<vmem>>, %arg9: memref<2x128xi32, #tpu.memory_space<vmem>>, %arg10: memref<128x128xf32, #tpu.memory_space<vmem>>, %arg11: memref<128x128xf32, #tpu.memory_space<vmem>>, %arg12: memref<10240x128xf32, #tpu.memory_space<vmem_shared>>, %arg13: memref<!tpu.dma_semaphore, #tpu.memory_space<semaphore_mem>>, %arg14: memref<!tpu.dma_semaphore, #tpu.memory_space<semaphore_mem>>, %arg15: memref<!tpu.dma_semaphore, #tpu.memory_space<semaphore_mem>>, %arg16: memref<!tpu.dma_semaphore, #tpu.memory_space<semaphore_mem>>, %arg17: memref<!tpu.dma_semaphore, #tpu.memory_space<semaphore_mem>>, %arg18: memref<!tpu.dma_semaphore, #tpu.memory_space<semaphore_mem>>, %arg19: memref<!tpu.dma_semaphore, #tpu.memory_space<semaphore_mem>>, %arg20: memref<!tpu.dma_semaphore, #tpu.memory_space<semaphore_mem>>) attributes {dimension_semantics = [#tpu.dimension_semantics<core_parallel>, #tpu.dimension_semantics<subcore_parallel>], iteration_bounds = array<i64: 2, 16>, scalar_prefetch = 0 : i64, scratch_operands = 15 : i64, tpu.core_type = #tpu.core_type<sc_vector_subcore>, window_params = [{transform_indices = #map}, {transform_indices = #map}, {transform_indices = #map}, {transform_indices = #map1}]} {
    %mul3A = arith.constant 640 : i32
    %mul3A_0 = arith.muli %arg1, %mul3A : i32
    "tpu.region"() ({
      %run_scoped3A = tpu.sem_alloc : memref<!tpu.dma_semaphore, #tpu.memory_space<semaphore_mem>>
      %dma_start3A_334 = arith.constant 0 : i32
      %dma_start3A_335 = arith.constant 0 : i32
      %dma_start3A_336 = tpu.memref_slice %arg4[%dma_start3A_334, %dma_start3A_335] : memref<128x128xf32, #tpu.memory_space<hbm>> -> memref<128x128xf32, #tpu.memory_space<hbm>>
      %dma_start3A_337 = arith.constant 0 : i32
      %dma_start3A_338 = arith.constant 0 : i32
      %dma_start3A_339 = tpu.memref_slice %arg4[%dma_start3A_337, %dma_start3A_338] : memref<128x128xf32, #tpu.memory_space<hbm>> -> memref<128x128xf32, #tpu.memory_space<hbm>>
      tpu.enqueue_dma source(%dma_start3A_339 : memref<128x128xf32, #tpu.memory_space<hbm>>) target(%arg10 : memref<128x128xf32, #tpu.memory_space<vmem>>) target_semaphore(%run_scoped3A : memref<!tpu.dma_semaphore, #tpu.memory_space<semaphore_mem>>)
      %dma_wait3A_340 = arith.constant 0 : i32
      %dma_wait3A_341 = arith.constant 0 : i32
      %dma_wait3A_342 = tpu.memref_slice %arg4[%dma_wait3A_340, %dma_wait3A_341] : memref<128x128xf32, #tpu.memory_space<hbm>> -> memref<128x128xf32, #tpu.memory_space<hbm>>
      %dma_wait3A_343 = arith.constant 0 : i32
      %dma_wait3A_344 = arith.constant 0 : i32
      %dma_wait3A_345 = tpu.memref_slice %arg4[%dma_wait3A_343, %dma_wait3A_344] : memref<128x128xf32, #tpu.memory_space<hbm>> -> memref<128x128xf32, #tpu.memory_space<hbm>>
      tpu.wait_dma2 semaphore(%run_scoped3A : memref<!tpu.dma_semaphore, #tpu.memory_space<semaphore_mem>>) src(%dma_wait3A_345 : memref<128x128xf32, #tpu.memory_space<hbm>>) dst(%arg10 : memref<128x128xf32, #tpu.memory_space<vmem>>)
      tpu.yield
    }) : () -> ()
    %add3A = arith.constant 0 : i32
    %add3A_1 = arith.addi %mul3A_0, %add3A : i32
    "tpu.region"() ({
      %run_scoped3A = tpu.sem_alloc : memref<!tpu.dma_semaphore, #tpu.memory_space<semaphore_mem>>
      %dma_start3A_334 = arith.constant 0 : i32
      %dma_start3A_335 = tpu.memref_slice %arg12[%add3A_1, %dma_start3A_334] : memref<10240x128xf32, #tpu.memory_space<vmem_shared>> -> memref<128x128xf32, #tpu.memory_space<vmem_shared>>
      %dma_start3A_336 = arith.constant 0 : i32
      %dma_start3A_337 = tpu.memref_slice %arg12[%add3A_1, %dma_start3A_336] : memref<10240x128xf32, #tpu.memory_space<vmem_shared>> -> memref<128x128xf32, #tpu.memory_space<vmem_shared>>
      tpu.enqueue_dma source(%arg10 : memref<128x128xf32, #tpu.memory_space<vmem>>) target(%dma_start3A_337 : memref<128x128xf32, #tpu.memory_space<vmem_shared>>) target_semaphore(%run_scoped3A : memref<!tpu.dma_semaphore, #tpu.memory_space<semaphore_mem>>)
      %dma_wait3A_338 = arith.constant 0 : i32
      %dma_wait3A_339 = tpu.memref_slice %arg12[%add3A_1, %dma_wait3A_338] : memref<10240x128xf32, #tpu.memory_space<vmem_shared>> -> memref<128x128xf32, #tpu.memory_space<vmem_shared>>
      %dma_wait3A_340 = arith.constant 0 : i32
      %dma_wait3A_341 = tpu.memref_slice %arg12[%add3A_1, %dma_wait3A_340] : memref<10240x128xf32, #tpu.memory_space<vmem_shared>> -> memref<128x128xf32, #tpu.memory_space<vmem_shared>>
      tpu.wait_dma2 semaphore(%run_scoped3A : memref<!tpu.dma_semaphore, #tpu.memory_space<semaphore_mem>>) src(%arg10 : memref<128x128xf32, #tpu.memory_space<vmem>>) dst(%dma_wait3A_341 : memref<128x128xf32, #tpu.memory_space<vmem_shared>>)
      tpu.yield
    }) : () -> ()
    %add3A_2 = arith.constant 128 : i32
    %add3A_3 = arith.addi %mul3A_0, %add3A_2 : i32
    "tpu.region"() ({
      %run_scoped3A = tpu.sem_alloc : memref<!tpu.dma_semaphore, #tpu.memory_space<semaphore_mem>>
      %dma_start3A_334 = arith.constant 0 : i32
      %dma_start3A_335 = tpu.memref_slice %arg12[%add3A_3, %dma_start3A_334] : memref<10240x128xf32, #tpu.memory_space<vmem_shared>> -> memref<128x128xf32, #tpu.memory_space<vmem_shared>>
      %dma_start3A_336 = arith.constant 0 : i32
      %dma_start3A_337 = tpu.memref_slice %arg12[%add3A_3, %dma_start3A_336] : memref<10240x128xf32, #tpu.memory_space<vmem_shared>> -> memref<128x128xf32, #tpu.memory_space<vmem_shared>>
      tpu.enqueue_dma source(%arg10 : memref<128x128xf32, #tpu.memory_space<vmem>>) target(%dma_start3A_337 : memref<128x128xf32, #tpu.memory_space<vmem_shared>>) target_semaphore(%run_scoped3A : memref<!tpu.dma_semaphore, #tpu.memory_space<semaphore_mem>>)
      %dma_wait3A_338 = arith.constant 0 : i32
      %dma_wait3A_339 = tpu.memref_slice %arg12[%add3A_3, %dma_wait3A_338] : memref<10240x128xf32, #tpu.memory_space<vmem_shared>> -> memref<128x128xf32, #tpu.memory_space<vmem_shared>>
      %dma_wait3A_340 = arith.constant 0 : i32
      %dma_wait3A_341 = tpu.memref_slice %arg12[%add3A_3, %dma_wait3A_340] : memref<10240x128xf32, #tpu.memory_space<vmem_shared>> -> memref<128x128xf32, #tpu.memory_space<vmem_shared>>
      tpu.wait_dma2 semaphore(%run_scoped3A : memref<!tpu.dma_semaphore, #tpu.memory_space<semaphore_mem>>) src(%arg10 : memref<128x128xf32, #tpu.memory_space<vmem>>) dst(%dma_wait3A_341 : memref<128x128xf32, #tpu.memory_space<vmem_shared>>)
      tpu.yield
    }) : () -> ()
    %add3A_4 = arith.constant 256 : i32
    %add3A_5 = arith.addi %mul3A_0, %add3A_4 : i32
    "tpu.region"() ({
      %run_scoped3A = tpu.sem_alloc : memref<!tpu.dma_semaphore, #tpu.memory_space<semaphore_mem>>
      %dma_start3A_334 = arith.constant 0 : i32
      %dma_start3A_335 = tpu.memref_slice %arg12[%add3A_5, %dma_start3A_334] : memref<10240x128xf32, #tpu.memory_space<vmem_shared>> -> memref<128x128xf32, #tpu.memory_space<vmem_shared>>
      %dma_start3A_336 = arith.constant 0 : i32
      %dma_start3A_337 = tpu.memref_slice %arg12[%add3A_5, %dma_start3A_336] : memref<10240x128xf32, #tpu.memory_space<vmem_shared>> -> memref<128x128xf32, #tpu.memory_space<vmem_shared>>
      tpu.enqueue_dma source(%arg10 : memref<128x128xf32, #tpu.memory_space<vmem>>) target(%dma_start3A_337 : memref<128x128xf32, #tpu.memory_space<vmem_shared>>) target_semaphore(%run_scoped3A : memref<!tpu.dma_semaphore, #tpu.memory_space<semaphore_mem>>)
      %dma_wait3A_338 = arith.constant 0 : i32
      %dma_wait3A_339 = tpu.memref_slice %arg12[%add3A_5, %dma_wait3A_338] : memref<10240x128xf32, #tpu.memory_space<vmem_shared>> -> memref<128x128xf32, #tpu.memory_space<vmem_shared>>
      %dma_wait3A_340 = arith.constant 0 : i32
      %dma_wait3A_341 = tpu.memref_slice %arg12[%add3A_5, %dma_wait3A_340] : memref<10240x128xf32, #tpu.memory_space<vmem_shared>> -> memref<128x128xf32, #tpu.memory_space<vmem_shared>>
      tpu.wait_dma2 semaphore(%run_scoped3A : memref<!tpu.dma_semaphore, #tpu.memory_space<semaphore_mem>>) src(%arg10 : memref<128x128xf32, #tpu.memory_space<vmem>>) dst(%dma_wait3A_341 : memref<128x128xf32, #tpu.memory_space<vmem_shared>>)
      tpu.yield
    }) : () -> ()
    %add3A_6 = arith.constant 384 : i32
    %add3A_7 = arith.addi %mul3A_0, %add3A_6 : i32
    "tpu.region"() ({
      %run_scoped3A = tpu.sem_alloc : memref<!tpu.dma_semaphore, #tpu.memory_space<semaphore_mem>>
      %dma_start3A_334 = arith.constant 0 : i32
      %dma_start3A_335 = tpu.memref_slice %arg12[%add3A_7, %dma_start3A_334] : memref<10240x128xf32, #tpu.memory_space<vmem_shared>> -> memref<128x128xf32, #tpu.memory_space<vmem_shared>>
      %dma_start3A_336 = arith.constant 0 : i32
      %dma_start3A_337 = tpu.memref_slice %arg12[%add3A_7, %dma_start3A_336] : memref<10240x128xf32, #tpu.memory_space<vmem_shared>> -> memref<128x128xf32, #tpu.memory_space<vmem_shared>>
      tpu.enqueue_dma source(%arg10 : memref<128x128xf32, #tpu.memory_space<vmem>>) target(%dma_start3A_337 : memref<128x128xf32, #tpu.memory_space<vmem_shared>>) target_semaphore(%run_scoped3A : memref<!tpu.dma_semaphore, #tpu.memory_space<semaphore_mem>>)
      %dma_wait3A_338 = arith.constant 0 : i32
      %dma_wait3A_339 = tpu.memref_slice %arg12[%add3A_7, %dma_wait3A_338] : memref<10240x128xf32, #tpu.memory_space<vmem_shared>> -> memref<128x128xf32, #tpu.memory_space<vmem_shared>>
      %dma_wait3A_340 = arith.constant 0 : i32
      %dma_wait3A_341 = tpu.memref_slice %arg12[%add3A_7, %dma_wait3A_340] : memref<10240x128xf32, #tpu.memory_space<vmem_shared>> -> memref<128x128xf32, #tpu.memory_space<vmem_shared>>
      tpu.wait_dma2 semaphore(%run_scoped3A : memref<!tpu.dma_semaphore, #tpu.memory_space<semaphore_mem>>) src(%arg10 : memref<128x128xf32, #tpu.memory_space<vmem>>) dst(%dma_wait3A_341 : memref<128x128xf32, #tpu.memory_space<vmem_shared>>)
      tpu.yield
    }) : () -> ()
    %add3A_8 = arith.constant 512 : i32
    %add3A_9 = arith.addi %mul3A_0, %add3A_8 : i32
    "tpu.region"() ({
      %run_scoped3A = tpu.sem_alloc : memref<!tpu.dma_semaphore, #tpu.memory_space<semaphore_mem>>
      %dma_start3A_334 = arith.constant 0 : i32
      %dma_start3A_335 = tpu.memref_slice %arg12[%add3A_9, %dma_start3A_334] : memref<10240x128xf32, #tpu.memory_space<vmem_shared>> -> memref<128x128xf32, #tpu.memory_space<vmem_shared>>
      %dma_start3A_336 = arith.constant 0 : i32
      %dma_start3A_337 = tpu.memref_slice %arg12[%add3A_9, %dma_start3A_336] : memref<10240x128xf32, #tpu.memory_space<vmem_shared>> -> memref<128x128xf32, #tpu.memory_space<vmem_shared>>
      tpu.enqueue_dma source(%arg10 : memref<128x128xf32, #tpu.memory_space<vmem>>) target(%dma_start3A_337 : memref<128x128xf32, #tpu.memory_space<vmem_shared>>) target_semaphore(%run_scoped3A : memref<!tpu.dma_semaphore, #tpu.memory_space<semaphore_mem>>)
      %dma_wait3A_338 = arith.constant 0 : i32
      %dma_wait3A_339 = tpu.memref_slice %arg12[%add3A_9, %dma_wait3A_338] : memref<10240x128xf32, #tpu.memory_space<vmem_shared>> -> memref<128x128xf32, #tpu.memory_space<vmem_shared>>
      %dma_wait3A_340 = arith.constant 0 : i32
      %dma_wait3A_341 = tpu.memref_slice %arg12[%add3A_9, %dma_wait3A_340] : memref<10240x128xf32, #tpu.memory_space<vmem_shared>> -> memref<128x128xf32, #tpu.memory_space<vmem_shared>>
      tpu.wait_dma2 semaphore(%run_scoped3A : memref<!tpu.dma_semaphore, #tpu.memory_space<semaphore_mem>>) src(%arg10 : memref<128x128xf32, #tpu.memory_space<vmem>>) dst(%dma_wait3A_341 : memref<128x128xf32, #tpu.memory_space<vmem_shared>>)
      tpu.yield
    }) : () -> ()
    %barrier3A = arith.constant 0 : index
    tpu.barrier barrier_id(%barrier3A)
    %mul3A_10 = arith.constant 16 : i32
    %mul3A_11 = arith.muli %arg0, %mul3A_10 : i32
    %add3A_12 = arith.addi %mul3A_11, %arg1 : i32
    %mul3A_13 = arith.constant 10240 : i32
    %mul3A_14 = arith.muli %add3A_12, %mul3A_13 : i32
    %add3A_15 = arith.constant 0 : i32
    %add3A_16 = arith.addi %mul3A_14, %add3A_15 : i32
    %dma_start3A = arith.constant 0 : i32
    %dma_start3A_17 = tpu.memref_slice %arg3[%dma_start3A, %add3A_16] : memref<2x327680xi32, #tpu.memory_space<hbm>> -> memref<2x128xi32, #tpu.memory_space<hbm>>
    %dma_start3A_18 = arith.constant 0 : i32
    %dma_start3A_19 = tpu.memref_slice %arg3[%dma_start3A_18, %add3A_16] : memref<2x327680xi32, #tpu.memory_space<hbm>> -> memref<2x128xi32, #tpu.memory_space<hbm>>
    tpu.enqueue_dma source(%dma_start3A_19 : memref<2x128xi32, #tpu.memory_space<hbm>>) target(%arg6 : memref<2x128xi32, #tpu.memory_space<vmem>>) target_semaphore(%arg13 : memref<!tpu.dma_semaphore, #tpu.memory_space<semaphore_mem>>)
    %add3A_20 = arith.constant 128 : i32
    %add3A_21 = arith.addi %mul3A_14, %add3A_20 : i32
    %dma_start3A_22 = arith.constant 0 : i32
    %dma_start3A_23 = tpu.memref_slice %arg3[%dma_start3A_22, %add3A_21] : memref<2x327680xi32, #tpu.memory_space<hbm>> -> memref<2x128xi32, #tpu.memory_space<hbm>>
    %dma_start3A_24 = arith.constant 0 : i32
    %dma_start3A_25 = tpu.memref_slice %arg3[%dma_start3A_24, %add3A_21] : memref<2x327680xi32, #tpu.memory_space<hbm>> -> memref<2x128xi32, #tpu.memory_space<hbm>>
    tpu.enqueue_dma source(%dma_start3A_25 : memref<2x128xi32, #tpu.memory_space<hbm>>) target(%arg7 : memref<2x128xi32, #tpu.memory_space<vmem>>) target_semaphore(%arg14 : memref<!tpu.dma_semaphore, #tpu.memory_space<semaphore_mem>>)
    %add3A_26 = arith.constant 256 : i32
    %add3A_27 = arith.addi %mul3A_14, %add3A_26 : i32
    %dma_start3A_28 = arith.constant 0 : i32
    %dma_start3A_29 = tpu.memref_slice %arg3[%dma_start3A_28, %add3A_27] : memref<2x327680xi32, #tpu.memory_space<hbm>> -> memref<2x128xi32, #tpu.memory_space<hbm>>
    %dma_start3A_30 = arith.constant 0 : i32
    %dma_start3A_31 = tpu.memref_slice %arg3[%dma_start3A_30, %add3A_27] : memref<2x327680xi32, #tpu.memory_space<hbm>> -> memref<2x128xi32, #tpu.memory_space<hbm>>
    tpu.enqueue_dma source(%dma_start3A_31 : memref<2x128xi32, #tpu.memory_space<hbm>>) target(%arg8 : memref<2x128xi32, #tpu.memory_space<vmem>>) target_semaphore(%arg15 : memref<!tpu.dma_semaphore, #tpu.memory_space<semaphore_mem>>)
    %dma_wait3A = arith.constant 0 : i32
    %dma_wait3A_32 = arith.constant 0 : i32
    %dma_wait3A_33 = tpu.memref_slice %arg3[%dma_wait3A, %dma_wait3A_32] : memref<2x327680xi32, #tpu.memory_space<hbm>> -> memref<2x128xi32, #tpu.memory_space<hbm>>
    %dma_wait3A_34 = arith.constant 0 : i32
    %dma_wait3A_35 = arith.constant 0 : i32
    %dma_wait3A_36 = tpu.memref_slice %arg3[%dma_wait3A_34, %dma_wait3A_35] : memref<2x327680xi32, #tpu.memory_space<hbm>> -> memref<2x128xi32, #tpu.memory_space<hbm>>
    tpu.wait_dma2 semaphore(%arg13 : memref<!tpu.dma_semaphore, #tpu.memory_space<semaphore_mem>>) src(%dma_wait3A_36 : memref<2x128xi32, #tpu.memory_space<hbm>>) dst(%arg6 : memref<2x128xi32, #tpu.memory_space<vmem>>)
    %dma_start3A_37 = arith.constant 0 : i32
    %dma_start3A_38 = arith.constant 0 : i32
    %dma_start3A_39 = tpu.memref_slice %arg6[%dma_start3A_37, %dma_start3A_38] : memref<2x128xi32, #tpu.memory_space<vmem>> -> memref<1x128xi32, #tpu.memory_space<vmem>>
    %dma_start3A_40 = tpu.memref_squeeze %dma_start3A_39 : memref<1x128xi32, #tpu.memory_space<vmem>> -> memref<128xi32, #tpu.memory_space<vmem>>
    %dma_start3A_41 = arith.constant 0 : i32
    %dma_start3A_42 = arith.constant 0 : i32
    %dma_start3A_43 = tpu.memref_slice %arg2[%dma_start3A_41, %dma_start3A_42] : memref<10000x128xf32, #tpu.memory_space<hbm>> -> memref<10000x128xf32, #tpu.memory_space<hbm>>
    tpu.enqueue_indirect_dma source(%dma_start3A_43 : memref<10000x128xf32, #tpu.memory_space<hbm>>) target(%arg10 : memref<128x128xf32, #tpu.memory_space<vmem>>) offsets(%dma_start3A_40 : memref<128xi32, #tpu.memory_space<vmem>>) semaphore(%arg17 : memref<!tpu.dma_semaphore, #tpu.memory_space<semaphore_mem>>)
    %dma_wait3A_44 = arith.constant 0 : i32
    %dma_wait3A_45 = arith.constant 0 : i32
    %dma_wait3A_46 = tpu.memref_slice %arg2[%dma_wait3A_44, %dma_wait3A_45] : memref<10000x128xf32, #tpu.memory_space<hbm>> -> memref<128x128xf32, #tpu.memory_space<hbm>>
    %dma_wait3A_47 = arith.constant 0 : i32
    %dma_wait3A_48 = arith.constant 0 : i32
    %dma_wait3A_49 = tpu.memref_slice %arg2[%dma_wait3A_47, %dma_wait3A_48] : memref<10000x128xf32, #tpu.memory_space<hbm>> -> memref<128x128xf32, #tpu.memory_space<hbm>>
    tpu.wait_dma2 semaphore(%arg17 : memref<!tpu.dma_semaphore, #tpu.memory_space<semaphore_mem>>) src(%dma_wait3A_49 : memref<128x128xf32, #tpu.memory_space<hbm>>) dst(%arg10 : memref<128x128xf32, #tpu.memory_space<vmem>>)
    %dma_start3A_50 = arith.constant 1 : i32
    %dma_start3A_51 = arith.constant 0 : i32
    %dma_start3A_52 = tpu.memref_slice %arg6[%dma_start3A_50, %dma_start3A_51] : memref<2x128xi32, #tpu.memory_space<vmem>> -> memref<1x128xi32, #tpu.memory_space<vmem>>
    %dma_start3A_53 = tpu.memref_squeeze %dma_start3A_52 : memref<1x128xi32, #tpu.memory_space<vmem>> -> memref<128xi32, #tpu.memory_space<vmem>>
    %dma_start3A_54 = arith.constant 0 : i32
    %dma_start3A_55 = arith.constant 0 : i32
    %dma_start3A_56 = tpu.memref_slice %arg12[%dma_start3A_54, %dma_start3A_55] : memref<10240x128xf32, #tpu.memory_space<vmem_shared>> -> memref<10240x128xf32, #tpu.memory_space<vmem_shared>>
    tpu.enqueue_indirect_dma source(%arg10 : memref<128x128xf32, #tpu.memory_space<vmem>>) target(%dma_start3A_56 : memref<10240x128xf32, #tpu.memory_space<vmem_shared>>) offsets(%dma_start3A_53 : memref<128xi32, #tpu.memory_space<vmem>>) semaphore(%arg19 : memref<!tpu.dma_semaphore, #tpu.memory_space<semaphore_mem>>) {add = true}
    %dma_wait3A_57 = arith.constant 0 : i32
    %dma_wait3A_58 = arith.constant 0 : i32
    %dma_wait3A_59 = tpu.memref_slice %arg3[%dma_wait3A_57, %dma_wait3A_58] : memref<2x327680xi32, #tpu.memory_space<hbm>> -> memref<2x128xi32, #tpu.memory_space<hbm>>
    %dma_wait3A_60 = arith.constant 0 : i32
    %dma_wait3A_61 = arith.constant 0 : i32
    %dma_wait3A_62 = tpu.memref_slice %arg3[%dma_wait3A_60, %dma_wait3A_61] : memref<2x327680xi32, #tpu.memory_space<hbm>> -> memref<2x128xi32, #tpu.memory_space<hbm>>
    tpu.wait_dma2 semaphore(%arg14 : memref<!tpu.dma_semaphore, #tpu.memory_space<semaphore_mem>>) src(%dma_wait3A_62 : memref<2x128xi32, #tpu.memory_space<hbm>>) dst(%arg7 : memref<2x128xi32, #tpu.memory_space<vmem>>)
    %dma_start3A_63 = arith.constant 0 : i32
    %dma_start3A_64 = arith.constant 0 : i32
    %dma_start3A_65 = tpu.memref_slice %arg7[%dma_start3A_63, %dma_start3A_64] : memref<2x128xi32, #tpu.memory_space<vmem>> -> memref<1x128xi32, #tpu.memory_space<vmem>>
    %dma_start3A_66 = tpu.memref_squeeze %dma_start3A_65 : memref<1x128xi32, #tpu.memory_space<vmem>> -> memref<128xi32, #tpu.memory_space<vmem>>
    %dma_start3A_67 = arith.constant 0 : i32
    %dma_start3A_68 = arith.constant 0 : i32
    %dma_start3A_69 = tpu.memref_slice %arg2[%dma_start3A_67, %dma_start3A_68] : memref<10000x128xf32, #tpu.memory_space<hbm>> -> memref<10000x128xf32, #tpu.memory_space<hbm>>
    tpu.enqueue_indirect_dma source(%dma_start3A_69 : memref<10000x128xf32, #tpu.memory_space<hbm>>) target(%arg11 : memref<128x128xf32, #tpu.memory_space<vmem>>) offsets(%dma_start3A_66 : memref<128xi32, #tpu.memory_space<vmem>>) semaphore(%arg18 : memref<!tpu.dma_semaphore, #tpu.memory_space<semaphore_mem>>)
    %add3A_70 = arith.constant 384 : i32
    %add3A_71 = arith.addi %mul3A_14, %add3A_70 : i32
    %dma_start3A_72 = arith.constant 0 : i32
    %dma_start3A_73 = tpu.memref_slice %arg3[%dma_start3A_72, %add3A_71] : memref<2x327680xi32, #tpu.memory_space<hbm>> -> memref<2x128xi32, #tpu.memory_space<hbm>>
    %dma_start3A_74 = arith.constant 0 : i32
    %dma_start3A_75 = tpu.memref_slice %arg3[%dma_start3A_74, %add3A_71] : memref<2x327680xi32, #tpu.memory_space<hbm>> -> memref<2x128xi32, #tpu.memory_space<hbm>>
    tpu.enqueue_dma source(%dma_start3A_75 : memref<2x128xi32, #tpu.memory_space<hbm>>) target(%arg9 : memref<2x128xi32, #tpu.memory_space<vmem>>) target_semaphore(%arg16 : memref<!tpu.dma_semaphore, #tpu.memory_space<semaphore_mem>>)
    %dma_wait3A_76 = arith.constant 0 : i32
    %dma_wait3A_77 = arith.constant 0 : i32
    %dma_wait3A_78 = tpu.memref_slice %arg2[%dma_wait3A_76, %dma_wait3A_77] : memref<10000x128xf32, #tpu.memory_space<hbm>> -> memref<128x128xf32, #tpu.memory_space<hbm>>
    %dma_wait3A_79 = arith.constant 0 : i32
    %dma_wait3A_80 = arith.constant 0 : i32
    %dma_wait3A_81 = tpu.memref_slice %arg2[%dma_wait3A_79, %dma_wait3A_80] : memref<10000x128xf32, #tpu.memory_space<hbm>> -> memref<128x128xf32, #tpu.memory_space<hbm>>
    tpu.wait_dma2 semaphore(%arg18 : memref<!tpu.dma_semaphore, #tpu.memory_space<semaphore_mem>>) src(%dma_wait3A_81 : memref<128x128xf32, #tpu.memory_space<hbm>>) dst(%arg11 : memref<128x128xf32, #tpu.memory_space<vmem>>)
    %dma_start3A_82 = arith.constant 1 : i32
    %dma_start3A_83 = arith.constant 0 : i32
    %dma_start3A_84 = tpu.memref_slice %arg7[%dma_start3A_82, %dma_start3A_83] : memref<2x128xi32, #tpu.memory_space<vmem>> -> memref<1x128xi32, #tpu.memory_space<vmem>>
    %dma_start3A_85 = tpu.memref_squeeze %dma_start3A_84 : memref<1x128xi32, #tpu.memory_space<vmem>> -> memref<128xi32, #tpu.memory_space<vmem>>
    %dma_start3A_86 = arith.constant 0 : i32
    %dma_start3A_87 = arith.constant 0 : i32
    %dma_start3A_88 = tpu.memref_slice %arg12[%dma_start3A_86, %dma_start3A_87] : memref<10240x128xf32, #tpu.memory_space<vmem_shared>> -> memref<10240x128xf32, #tpu.memory_space<vmem_shared>>
    tpu.enqueue_indirect_dma source(%arg11 : memref<128x128xf32, #tpu.memory_space<vmem>>) target(%dma_start3A_88 : memref<10240x128xf32, #tpu.memory_space<vmem_shared>>) offsets(%dma_start3A_85 : memref<128xi32, #tpu.memory_space<vmem>>) semaphore(%arg20 : memref<!tpu.dma_semaphore, #tpu.memory_space<semaphore_mem>>) {add = true}
    %dma_wait3A_89 = arith.constant 0 : i32
    %dma_wait3A_90 = arith.constant 0 : i32
    %dma_wait3A_91 = tpu.memref_slice %arg12[%dma_wait3A_89, %dma_wait3A_90] : memref<10240x128xf32, #tpu.memory_space<vmem_shared>> -> memref<128x128xf32, #tpu.memory_space<vmem_shared>>
    %dma_wait3A_92 = arith.constant 0 : i32
    %dma_wait3A_93 = arith.constant 0 : i32
    %dma_wait3A_94 = tpu.memref_slice %arg12[%dma_wait3A_92, %dma_wait3A_93] : memref<10240x128xf32, #tpu.memory_space<vmem_shared>> -> memref<128x128xf32, #tpu.memory_space<vmem_shared>>
    tpu.wait_dma2 semaphore(%arg19 : memref<!tpu.dma_semaphore, #tpu.memory_space<semaphore_mem>>) src(%arg10 : memref<128x128xf32, #tpu.memory_space<vmem>>) dst(%dma_wait3A_94 : memref<128x128xf32, #tpu.memory_space<vmem_shared>>)
    %dma_wait3A_95 = arith.constant 0 : i32
    %dma_wait3A_96 = arith.constant 0 : i32
    %dma_wait3A_97 = tpu.memref_slice %arg3[%dma_wait3A_95, %dma_wait3A_96] : memref<2x327680xi32, #tpu.memory_space<hbm>> -> memref<2x128xi32, #tpu.memory_space<hbm>>
    %dma_wait3A_98 = arith.constant 0 : i32
    %dma_wait3A_99 = arith.constant 0 : i32
    %dma_wait3A_100 = tpu.memref_slice %arg3[%dma_wait3A_98, %dma_wait3A_99] : memref<2x327680xi32, #tpu.memory_space<hbm>> -> memref<2x128xi32, #tpu.memory_space<hbm>>
    tpu.wait_dma2 semaphore(%arg15 : memref<!tpu.dma_semaphore, #tpu.memory_space<semaphore_mem>>) src(%dma_wait3A_100 : memref<2x128xi32, #tpu.memory_space<hbm>>) dst(%arg8 : memref<2x128xi32, #tpu.memory_space<vmem>>)
    %dma_start3A_101 = arith.constant 0 : i32
    %dma_start3A_102 = arith.constant 0 : i32
    %dma_start3A_103 = tpu.memref_slice %arg8[%dma_start3A_101, %dma_start3A_102] : memref<2x128xi32, #tpu.memory_space<vmem>> -> memref<1x128xi32, #tpu.memory_space<vmem>>
    %dma_start3A_104 = tpu.memref_squeeze %dma_start3A_103 : memref<1x128xi32, #tpu.memory_space<vmem>> -> memref<128xi32, #tpu.memory_space<vmem>>
    %dma_start3A_105 = arith.constant 0 : i32
    %dma_start3A_106 = arith.constant 0 : i32
    %dma_start3A_107 = tpu.memref_slice %arg2[%dma_start3A_105, %dma_start3A_106] : memref<10000x128xf32, #tpu.memory_space<hbm>> -> memref<10000x128xf32, #tpu.memory_space<hbm>>
    tpu.enqueue_indirect_dma source(%dma_start3A_107 : memref<10000x128xf32, #tpu.memory_space<hbm>>) target(%arg10 : memref<128x128xf32, #tpu.memory_space<vmem>>) offsets(%dma_start3A_104 : memref<128xi32, #tpu.memory_space<vmem>>) semaphore(%arg17 : memref<!tpu.dma_semaphore, #tpu.memory_space<semaphore_mem>>)
    %add3A_108 = arith.constant 512 : i32
    %add3A_109 = arith.addi %mul3A_14, %add3A_108 : i32
    %dma_start3A_110 = arith.constant 0 : i32
    %dma_start3A_111 = tpu.memref_slice %arg3[%dma_start3A_110, %add3A_109] : memref<2x327680xi32, #tpu.memory_space<hbm>> -> memref<2x128xi32, #tpu.memory_space<hbm>>
    %dma_start3A_112 = arith.constant 0 : i32
    %dma_start3A_113 = tpu.memref_slice %arg3[%dma_start3A_112, %add3A_109] : memref<2x327680xi32, #tpu.memory_space<hbm>> -> memref<2x128xi32, #tpu.memory_space<hbm>>
    tpu.enqueue_dma source(%dma_start3A_113 : memref<2x128xi32, #tpu.memory_space<hbm>>) target(%arg6 : memref<2x128xi32, #tpu.memory_space<vmem>>) target_semaphore(%arg13 : memref<!tpu.dma_semaphore, #tpu.memory_space<semaphore_mem>>)
    %dma_wait3A_114 = arith.constant 0 : i32
    %dma_wait3A_115 = arith.constant 0 : i32
    %dma_wait3A_116 = tpu.memref_slice %arg2[%dma_wait3A_114, %dma_wait3A_115] : memref<10000x128xf32, #tpu.memory_space<hbm>> -> memref<128x128xf32, #tpu.memory_space<hbm>>
    %dma_wait3A_117 = arith.constant 0 : i32
    %dma_wait3A_118 = arith.constant 0 : i32
    %dma_wait3A_119 = tpu.memref_slice %arg2[%dma_wait3A_117, %dma_wait3A_118] : memref<10000x128xf32, #tpu.memory_space<hbm>> -> memref<128x128xf32, #tpu.memory_space<hbm>>
    tpu.wait_dma2 semaphore(%arg17 : memref<!tpu.dma_semaphore, #tpu.memory_space<semaphore_mem>>) src(%dma_wait3A_119 : memref<128x128xf32, #tpu.memory_space<hbm>>) dst(%arg10 : memref<128x128xf32, #tpu.memory_space<vmem>>)
    %dma_start3A_120 = arith.constant 1 : i32
    %dma_start3A_121 = arith.constant 0 : i32
    %dma_start3A_122 = tpu.memref_slice %arg8[%dma_start3A_120, %dma_start3A_121] : memref<2x128xi32, #tpu.memory_space<vmem>> -> memref<1x128xi32, #tpu.memory_space<vmem>>
    %dma_start3A_123 = tpu.memref_squeeze %dma_start3A_122 : memref<1x128xi32, #tpu.memory_space<vmem>> -> memref<128xi32, #tpu.memory_space<vmem>>
    %dma_start3A_124 = arith.constant 0 : i32
    %dma_start3A_125 = arith.constant 0 : i32
    %dma_start3A_126 = tpu.memref_slice %arg12[%dma_start3A_124, %dma_start3A_125] : memref<10240x128xf32, #tpu.memory_space<vmem_shared>> -> memref<10240x128xf32, #tpu.memory_space<vmem_shared>>
    tpu.enqueue_indirect_dma source(%arg10 : memref<128x128xf32, #tpu.memory_space<vmem>>) target(%dma_start3A_126 : memref<10240x128xf32, #tpu.memory_space<vmem_shared>>) offsets(%dma_start3A_123 : memref<128xi32, #tpu.memory_space<vmem>>) semaphore(%arg19 : memref<!tpu.dma_semaphore, #tpu.memory_space<semaphore_mem>>) {add = true}
    %dma_wait3A_127 = arith.constant 0 : i32
    %dma_wait3A_128 = arith.constant 0 : i32
    %dma_wait3A_129 = tpu.memref_slice %arg12[%dma_wait3A_127, %dma_wait3A_128] : memref<10240x128xf32, #tpu.memory_space<vmem_shared>> -> memref<128x128xf32, #tpu.memory_space<vmem_shared>>
    %dma_wait3A_130 = arith.constant 0 : i32
    %dma_wait3A_131 = arith.constant 0 : i32
    %dma_wait3A_132 = tpu.memref_slice %arg12[%dma_wait3A_130, %dma_wait3A_131] : memref<10240x128xf32, #tpu.memory_space<vmem_shared>> -> memref<128x128xf32, #tpu.memory_space<vmem_shared>>
    tpu.wait_dma2 semaphore(%arg20 : memref<!tpu.dma_semaphore, #tpu.memory_space<semaphore_mem>>) src(%arg11 : memref<128x128xf32, #tpu.memory_space<vmem>>) dst(%dma_wait3A_132 : memref<128x128xf32, #tpu.memory_space<vmem_shared>>)
    %dma_wait3A_133 = arith.constant 0 : i32
    %dma_wait3A_134 = arith.constant 0 : i32
    %dma_wait3A_135 = tpu.memref_slice %arg3[%dma_wait3A_133, %dma_wait3A_134] : memref<2x327680xi32, #tpu.memory_space<hbm>> -> memref<2x128xi32, #tpu.memory_space<hbm>>
    %dma_wait3A_136 = arith.constant 0 : i32
    %dma_wait3A_137 = arith.constant 0 : i32
    %dma_wait3A_138 = tpu.memref_slice %arg3[%dma_wait3A_136, %dma_wait3A_137] : memref<2x327680xi32, #tpu.memory_space<hbm>> -> memref<2x128xi32, #tpu.memory_space<hbm>>
    tpu.wait_dma2 semaphore(%arg16 : memref<!tpu.dma_semaphore, #tpu.memory_space<semaphore_mem>>) src(%dma_wait3A_138 : memref<2x128xi32, #tpu.memory_space<hbm>>) dst(%arg9 : memref<2x128xi32, #tpu.memory_space<vmem>>)
    %dma_start3A_139 = arith.constant 0 : i32
    %dma_start3A_140 = arith.constant 0 : i32
    %dma_start3A_141 = tpu.memref_slice %arg9[%dma_start3A_139, %dma_start3A_140] : memref<2x128xi32, #tpu.memory_space<vmem>> -> memref<1x128xi32, #tpu.memory_space<vmem>>
    %dma_start3A_142 = tpu.memref_squeeze %dma_start3A_141 : memref<1x128xi32, #tpu.memory_space<vmem>> -> memref<128xi32, #tpu.memory_space<vmem>>
    %dma_start3A_143 = arith.constant 0 : i32
    %dma_start3A_144 = arith.constant 0 : i32
    %dma_start3A_145 = tpu.memref_slice %arg2[%dma_start3A_143, %dma_start3A_144] : memref<10000x128xf32, #tpu.memory_space<hbm>> -> memref<10000x128xf32, #tpu.memory_space<hbm>>
    tpu.enqueue_indirect_dma source(%dma_start3A_145 : memref<10000x128xf32, #tpu.memory_space<hbm>>) target(%arg11 : memref<128x128xf32, #tpu.memory_space<vmem>>) offsets(%dma_start3A_142 : memref<128xi32, #tpu.memory_space<vmem>>) semaphore(%arg18 : memref<!tpu.dma_semaphore, #tpu.memory_space<semaphore_mem>>)
    %add3A_146 = arith.constant 640 : i32
    %add3A_147 = arith.addi %mul3A_14, %add3A_146 : i32
    %dma_start3A_148 = arith.constant 0 : i32
    %dma_start3A_149 = tpu.memref_slice %arg3[%dma_start3A_148, %add3A_147] : memref<2x327680xi32, #tpu.memory_space<hbm>> -> memref<2x128xi32, #tpu.memory_space<hbm>>
    %dma_start3A_150 = arith.constant 0 : i32
    %dma_start3A_151 = tpu.memref_slice %arg3[%dma_start3A_150, %add3A_147] : memref<2x327680xi32, #tpu.memory_space<hbm>> -> memref<2x128xi32, #tpu.memory_space<hbm>>
    tpu.enqueue_dma source(%dma_start3A_151 : memref<2x128xi32, #tpu.memory_space<hbm>>) target(%arg7 : memref<2x128xi32, #tpu.memory_space<vmem>>) target_semaphore(%arg14 : memref<!tpu.dma_semaphore, #tpu.memory_space<semaphore_mem>>)
    %dma_wait3A_152 = arith.constant 0 : i32
    %dma_wait3A_153 = arith.constant 0 : i32
    %dma_wait3A_154 = tpu.memref_slice %arg2[%dma_wait3A_152, %dma_wait3A_153] : memref<10000x128xf32, #tpu.memory_space<hbm>> -> memref<128x128xf32, #tpu.memory_space<hbm>>
    %dma_wait3A_155 = arith.constant 0 : i32
    %dma_wait3A_156 = arith.constant 0 : i32
    %dma_wait3A_157 = tpu.memref_slice %arg2[%dma_wait3A_155, %dma_wait3A_156] : memref<10000x128xf32, #tpu.memory_space<hbm>> -> memref<128x128xf32, #tpu.memory_space<hbm>>
    tpu.wait_dma2 semaphore(%arg18 : memref<!tpu.dma_semaphore, #tpu.memory_space<semaphore_mem>>) src(%dma_wait3A_157 : memref<128x128xf32, #tpu.memory_space<hbm>>) dst(%arg11 : memref<128x128xf32, #tpu.memory_space<vmem>>)
    %dma_start3A_158 = arith.constant 1 : i32
    %dma_start3A_159 = arith.constant 0 : i32
    %dma_start3A_160 = tpu.memref_slice %arg9[%dma_start3A_158, %dma_start3A_159] : memref<2x128xi32, #tpu.memory_space<vmem>> -> memref<1x128xi32, #tpu.memory_space<vmem>>
    %dma_start3A_161 = tpu.memref_squeeze %dma_start3A_160 : memref<1x128xi32, #tpu.memory_space<vmem>> -> memref<128xi32, #tpu.memory_space<vmem>>
    %dma_start3A_162 = arith.constant 0 : i32
    %dma_start3A_163 = arith.constant 0 : i32
    %dma_start3A_164 = tpu.memref_slice %arg12[%dma_start3A_162, %dma_start3A_163] : memref<10240x128xf32, #tpu.memory_space<vmem_shared>> -> memref<10240x128xf32, #tpu.memory_space<vmem_shared>>
    tpu.enqueue_indirect_dma source(%arg11 : memref<128x128xf32, #tpu.memory_space<vmem>>) target(%dma_start3A_164 : memref<10240x128xf32, #tpu.memory_space<vmem_shared>>) offsets(%dma_start3A_161 : memref<128xi32, #tpu.memory_space<vmem>>) semaphore(%arg20 : memref<!tpu.dma_semaphore, #tpu.memory_space<semaphore_mem>>) {add = true}
    %dma_wait3A_165 = arith.constant 0 : i32
    %dma_wait3A_166 = arith.constant 0 : i32
    %dma_wait3A_167 = tpu.memref_slice %arg12[%dma_wait3A_165, %dma_wait3A_166] : memref<10240x128xf32, #tpu.memory_space<vmem_shared>> -> memref<128x128xf32, #tpu.memory_space<vmem_shared>>
    %dma_wait3A_168 = arith.constant 0 : i32
    %dma_wait3A_169 = arith.constant 0 : i32
    %dma_wait3A_170 = tpu.memref_slice %arg12[%dma_wait3A_168, %dma_wait3A_169] : memref<10240x128xf32, #tpu.memory_space<vmem_shared>> -> memref<128x128xf32, #tpu.memory_space<vmem_shared>>
    tpu.wait_dma2 semaphore(%arg19 : memref<!tpu.dma_semaphore, #tpu.memory_space<semaphore_mem>>) src(%arg10 : memref<128x128xf32, #tpu.memory_space<vmem>>) dst(%dma_wait3A_170 : memref<128x128xf32, #tpu.memory_space<vmem_shared>>)
    %dma_wait3A_171 = arith.constant 0 : i32
    %dma_wait3A_172 = arith.constant 0 : i32
    %dma_wait3A_173 = tpu.memref_slice %arg3[%dma_wait3A_171, %dma_wait3A_172] : memref<2x327680xi32, #tpu.memory_space<hbm>> -> memref<2x128xi32, #tpu.memory_space<hbm>>
    %dma_wait3A_174 = arith.constant 0 : i32
    %dma_wait3A_175 = arith.constant 0 : i32
    %dma_wait3A_176 = tpu.memref_slice %arg3[%dma_wait3A_174, %dma_wait3A_175] : memref<2x327680xi32, #tpu.memory_space<hbm>> -> memref<2x128xi32, #tpu.memory_space<hbm>>
    tpu.wait_dma2 semaphore(%arg13 : memref<!tpu.dma_semaphore, #tpu.memory_space<semaphore_mem>>) src(%dma_wait3A_176 : memref<2x128xi32, #tpu.memory_space<hbm>>) dst(%arg6 : memref<2x128xi32, #tpu.memory_space<vmem>>)
    %dma_start3A_177 = arith.constant 0 : i32
    %dma_start3A_178 = arith.constant 0 : i32
    %dma_start3A_179 = tpu.memref_slice %arg6[%dma_start3A_177, %dma_start3A_178] : memref<2x128xi32, #tpu.memory_space<vmem>> -> memref<1x128xi32, #tpu.memory_space<vmem>>
    %dma_start3A_180 = tpu.memref_squeeze %dma_start3A_179 : memref<1x128xi32, #tpu.memory_space<vmem>> -> memref<128xi32, #tpu.memory_space<vmem>>
    %dma_start3A_181 = arith.constant 0 : i32
    %dma_start3A_182 = arith.constant 0 : i32
    %dma_start3A_183 = tpu.memref_slice %arg2[%dma_start3A_181, %dma_start3A_182] : memref<10000x128xf32, #tpu.memory_space<hbm>> -> memref<10000x128xf32, #tpu.memory_space<hbm>>
    tpu.enqueue_indirect_dma source(%dma_start3A_183 : memref<10000x128xf32, #tpu.memory_space<hbm>>) target(%arg10 : memref<128x128xf32, #tpu.memory_space<vmem>>) offsets(%dma_start3A_180 : memref<128xi32, #tpu.memory_space<vmem>>) semaphore(%arg17 : memref<!tpu.dma_semaphore, #tpu.memory_space<semaphore_mem>>)
    %add3A_184 = arith.constant 768 : i32
    %add3A_185 = arith.addi %mul3A_14, %add3A_184 : i32
    %dma_start3A_186 = arith.constant 0 : i32
    %dma_start3A_187 = tpu.memref_slice %arg3[%dma_start3A_186, %add3A_185] : memref<2x327680xi32, #tpu.memory_space<hbm>> -> memref<2x128xi32, #tpu.memory_space<hbm>>
    %dma_start3A_188 = arith.constant 0 : i32
    %dma_start3A_189 = tpu.memref_slice %arg3[%dma_start3A_188, %add3A_185] : memref<2x327680xi32, #tpu.memory_space<hbm>> -> memref<2x128xi32, #tpu.memory_space<hbm>>
    tpu.enqueue_dma source(%dma_start3A_189 : memref<2x128xi32, #tpu.memory_space<hbm>>) target(%arg8 : memref<2x128xi32, #tpu.memory_space<vmem>>) target_semaphore(%arg15 : memref<!tpu.dma_semaphore, #tpu.memory_space<semaphore_mem>>)
    %scan3A = arith.constant 0 : i32
    %scan3A_190 = arith.constant 18 : i32
    %scan3A_191 = arith.addi %scan3A, %scan3A_190 : i32
    %scan3A_192 = arith.constant 1 : i32
    scf.for %scan3A_334 = %scan3A to %scan3A_191 step %scan3A_192  : i32 {
      %mul3A_335 = arith.constant 1 : i32
      %mul3A_336 = arith.muli %scan3A_334, %mul3A_335 : i32
      %add3A_337 = arith.constant 1 : i32
      %add3A_338 = arith.addi %add3A_337, %mul3A_336 : i32
      %mul3A_339 = arith.constant 4 : i32
      %mul3A_340 = arith.muli %add3A_338, %mul3A_339 : i32
      %add3A_341 = arith.constant 0 : i32
      %add3A_342 = arith.addi %mul3A_340, %add3A_341 : i32
      %dma_wait3A_343 = arith.constant 0 : i32
      %dma_wait3A_344 = arith.constant 0 : i32
      %dma_wait3A_345 = tpu.memref_slice %arg2[%dma_wait3A_343, %dma_wait3A_344] : memref<10000x128xf32, #tpu.memory_space<hbm>> -> memref<128x128xf32, #tpu.memory_space<hbm>>
      %dma_wait3A_346 = arith.constant 0 : i32
      %dma_wait3A_347 = arith.constant 0 : i32
      %dma_wait3A_348 = tpu.memref_slice %arg2[%dma_wait3A_346, %dma_wait3A_347] : memref<10000x128xf32, #tpu.memory_space<hbm>> -> memref<128x128xf32, #tpu.memory_space<hbm>>
      tpu.wait_dma2 semaphore(%arg17 : memref<!tpu.dma_semaphore, #tpu.memory_space<semaphore_mem>>) src(%dma_wait3A_348 : memref<128x128xf32, #tpu.memory_space<hbm>>) dst(%arg10 : memref<128x128xf32, #tpu.memory_space<vmem>>)
      %dma_start3A_349 = arith.constant 1 : i32
      %dma_start3A_350 = arith.constant 0 : i32
      %dma_start3A_351 = tpu.memref_slice %arg6[%dma_start3A_349, %dma_start3A_350] : memref<2x128xi32, #tpu.memory_space<vmem>> -> memref<1x128xi32, #tpu.memory_space<vmem>>
      %dma_start3A_352 = tpu.memref_squeeze %dma_start3A_351 : memref<1x128xi32, #tpu.memory_space<vmem>> -> memref<128xi32, #tpu.memory_space<vmem>>
      %dma_start3A_353 = arith.constant 0 : i32
      %dma_start3A_354 = arith.constant 0 : i32
      %dma_start3A_355 = tpu.memref_slice %arg12[%dma_start3A_353, %dma_start3A_354] : memref<10240x128xf32, #tpu.memory_space<vmem_shared>> -> memref<10240x128xf32, #tpu.memory_space<vmem_shared>>
      tpu.enqueue_indirect_dma source(%arg10 : memref<128x128xf32, #tpu.memory_space<vmem>>) target(%dma_start3A_355 : memref<10240x128xf32, #tpu.memory_space<vmem_shared>>) offsets(%dma_start3A_352 : memref<128xi32, #tpu.memory_space<vmem>>) semaphore(%arg19 : memref<!tpu.dma_semaphore, #tpu.memory_space<semaphore_mem>>) {add = true}
      %dma_wait3A_356 = arith.constant 0 : i32
      %dma_wait3A_357 = arith.constant 0 : i32
      %dma_wait3A_358 = tpu.memref_slice %arg12[%dma_wait3A_356, %dma_wait3A_357] : memref<10240x128xf32, #tpu.memory_space<vmem_shared>> -> memref<128x128xf32, #tpu.memory_space<vmem_shared>>
      %dma_wait3A_359 = arith.constant 0 : i32
      %dma_wait3A_360 = arith.constant 0 : i32
      %dma_wait3A_361 = tpu.memref_slice %arg12[%dma_wait3A_359, %dma_wait3A_360] : memref<10240x128xf32, #tpu.memory_space<vmem_shared>> -> memref<128x128xf32, #tpu.memory_space<vmem_shared>>
      tpu.wait_dma2 semaphore(%arg20 : memref<!tpu.dma_semaphore, #tpu.memory_space<semaphore_mem>>) src(%arg11 : memref<128x128xf32, #tpu.memory_space<vmem>>) dst(%dma_wait3A_361 : memref<128x128xf32, #tpu.memory_space<vmem_shared>>)
      %dma_wait3A_362 = arith.constant 0 : i32
      %dma_wait3A_363 = arith.constant 0 : i32
      %dma_wait3A_364 = tpu.memref_slice %arg3[%dma_wait3A_362, %dma_wait3A_363] : memref<2x327680xi32, #tpu.memory_space<hbm>> -> memref<2x128xi32, #tpu.memory_space<hbm>>
      %dma_wait3A_365 = arith.constant 0 : i32
      %dma_wait3A_366 = arith.constant 0 : i32
      %dma_wait3A_367 = tpu.memref_slice %arg3[%dma_wait3A_365, %dma_wait3A_366] : memref<2x327680xi32, #tpu.memory_space<hbm>> -> memref<2x128xi32, #tpu.memory_space<hbm>>
      tpu.wait_dma2 semaphore(%arg14 : memref<!tpu.dma_semaphore, #tpu.memory_space<semaphore_mem>>) src(%dma_wait3A_367 : memref<2x128xi32, #tpu.memory_space<hbm>>) dst(%arg7 : memref<2x128xi32, #tpu.memory_space<vmem>>)
      %dma_start3A_368 = arith.constant 0 : i32
      %dma_start3A_369 = arith.constant 0 : i32
      %dma_start3A_370 = tpu.memref_slice %arg7[%dma_start3A_368, %dma_start3A_369] : memref<2x128xi32, #tpu.memory_space<vmem>> -> memref<1x128xi32, #tpu.memory_space<vmem>>
      %dma_start3A_371 = tpu.memref_squeeze %dma_start3A_370 : memref<1x128xi32, #tpu.memory_space<vmem>> -> memref<128xi32, #tpu.memory_space<vmem>>
      %dma_start3A_372 = arith.constant 0 : i32
      %dma_start3A_373 = arith.constant 0 : i32
      %dma_start3A_374 = tpu.memref_slice %arg2[%dma_start3A_372, %dma_start3A_373] : memref<10000x128xf32, #tpu.memory_space<hbm>> -> memref<10000x128xf32, #tpu.memory_space<hbm>>
      tpu.enqueue_indirect_dma source(%dma_start3A_374 : memref<10000x128xf32, #tpu.memory_space<hbm>>) target(%arg11 : memref<128x128xf32, #tpu.memory_space<vmem>>) offsets(%dma_start3A_371 : memref<128xi32, #tpu.memory_space<vmem>>) semaphore(%arg18 : memref<!tpu.dma_semaphore, #tpu.memory_space<semaphore_mem>>)
      %add3A_375 = arith.constant 3 : i32
      %add3A_376 = arith.addi %add3A_342, %add3A_375 : i32
      %mul3A_377 = arith.constant 128 : i32
      %mul3A_378 = arith.muli %add3A_376, %mul3A_377 : i32
      %add3A_379 = arith.addi %mul3A_14, %mul3A_378 : i32
      %dma_start3A_380 = arith.constant 0 : i32
      %dma_start3A_381 = tpu.memref_slice %arg3[%dma_start3A_380, %add3A_379] : memref<2x327680xi32, #tpu.memory_space<hbm>> -> memref<2x128xi32, #tpu.memory_space<hbm>>
      %dma_start3A_382 = arith.constant 0 : i32
      %dma_start3A_383 = tpu.memref_slice %arg3[%dma_start3A_382, %add3A_379] : memref<2x327680xi32, #tpu.memory_space<hbm>> -> memref<2x128xi32, #tpu.memory_space<hbm>>
      tpu.enqueue_dma source(%dma_start3A_383 : memref<2x128xi32, #tpu.memory_space<hbm>>) target(%arg9 : memref<2x128xi32, #tpu.memory_space<vmem>>) target_semaphore(%arg16 : memref<!tpu.dma_semaphore, #tpu.memory_space<semaphore_mem>>)
      %add3A_384 = arith.constant 1 : i32
      %add3A_385 = arith.addi %mul3A_340, %add3A_384 : i32
      %dma_wait3A_386 = arith.constant 0 : i32
      %dma_wait3A_387 = arith.constant 0 : i32
      %dma_wait3A_388 = tpu.memref_slice %arg2[%dma_wait3A_386, %dma_wait3A_387] : memref<10000x128xf32, #tpu.memory_space<hbm>> -> memref<128x128xf32, #tpu.memory_space<hbm>>
      %dma_wait3A_389 = arith.constant 0 : i32
      %dma_wait3A_390 = arith.constant 0 : i32
      %dma_wait3A_391 = tpu.memref_slice %arg2[%dma_wait3A_389, %dma_wait3A_390] : memref<10000x128xf32, #tpu.memory_space<hbm>> -> memref<128x128xf32, #tpu.memory_space<hbm>>
      tpu.wait_dma2 semaphore(%arg18 : memref<!tpu.dma_semaphore, #tpu.memory_space<semaphore_mem>>) src(%dma_wait3A_391 : memref<128x128xf32, #tpu.memory_space<hbm>>) dst(%arg11 : memref<128x128xf32, #tpu.memory_space<vmem>>)
      %dma_start3A_392 = arith.constant 1 : i32
      %dma_start3A_393 = arith.constant 0 : i32
      %dma_start3A_394 = tpu.memref_slice %arg7[%dma_start3A_392, %dma_start3A_393] : memref<2x128xi32, #tpu.memory_space<vmem>> -> memref<1x128xi32, #tpu.memory_space<vmem>>
      %dma_start3A_395 = tpu.memref_squeeze %dma_start3A_394 : memref<1x128xi32, #tpu.memory_space<vmem>> -> memref<128xi32, #tpu.memory_space<vmem>>
      %dma_start3A_396 = arith.constant 0 : i32
      %dma_start3A_397 = arith.constant 0 : i32
      %dma_start3A_398 = tpu.memref_slice %arg12[%dma_start3A_396, %dma_start3A_397] : memref<10240x128xf32, #tpu.memory_space<vmem_shared>> -> memref<10240x128xf32, #tpu.memory_space<vmem_shared>>
      tpu.enqueue_indirect_dma source(%arg11 : memref<128x128xf32, #tpu.memory_space<vmem>>) target(%dma_start3A_398 : memref<10240x128xf32, #tpu.memory_space<vmem_shared>>) offsets(%dma_start3A_395 : memref<128xi32, #tpu.memory_space<vmem>>) semaphore(%arg20 : memref<!tpu.dma_semaphore, #tpu.memory_space<semaphore_mem>>) {add = true}
      %dma_wait3A_399 = arith.constant 0 : i32
      %dma_wait3A_400 = arith.constant 0 : i32
      %dma_wait3A_401 = tpu.memref_slice %arg12[%dma_wait3A_399, %dma_wait3A_400] : memref<10240x128xf32, #tpu.memory_space<vmem_shared>> -> memref<128x128xf32, #tpu.memory_space<vmem_shared>>
      %dma_wait3A_402 = arith.constant 0 : i32
      %dma_wait3A_403 = arith.constant 0 : i32
      %dma_wait3A_404 = tpu.memref_slice %arg12[%dma_wait3A_402, %dma_wait3A_403] : memref<10240x128xf32, #tpu.memory_space<vmem_shared>> -> memref<128x128xf32, #tpu.memory_space<vmem_shared>>
      tpu.wait_dma2 semaphore(%arg19 : memref<!tpu.dma_semaphore, #tpu.memory_space<semaphore_mem>>) src(%arg10 : memref<128x128xf32, #tpu.memory_space<vmem>>) dst(%dma_wait3A_404 : memref<128x128xf32, #tpu.memory_space<vmem_shared>>)
      %dma_wait3A_405 = arith.constant 0 : i32
      %dma_wait3A_406 = arith.constant 0 : i32
      %dma_wait3A_407 = tpu.memref_slice %arg3[%dma_wait3A_405, %dma_wait3A_406] : memref<2x327680xi32, #tpu.memory_space<hbm>> -> memref<2x128xi32, #tpu.memory_space<hbm>>
      %dma_wait3A_408 = arith.constant 0 : i32
      %dma_wait3A_409 = arith.constant 0 : i32
      %dma_wait3A_410 = tpu.memref_slice %arg3[%dma_wait3A_408, %dma_wait3A_409] : memref<2x327680xi32, #tpu.memory_space<hbm>> -> memref<2x128xi32, #tpu.memory_space<hbm>>
      tpu.wait_dma2 semaphore(%arg15 : memref<!tpu.dma_semaphore, #tpu.memory_space<semaphore_mem>>) src(%dma_wait3A_410 : memref<2x128xi32, #tpu.memory_space<hbm>>) dst(%arg8 : memref<2x128xi32, #tpu.memory_space<vmem>>)
      %dma_start3A_411 = arith.constant 0 : i32
      %dma_start3A_412 = arith.constant 0 : i32
      %dma_start3A_413 = tpu.memref_slice %arg8[%dma_start3A_411, %dma_start3A_412] : memref<2x128xi32, #tpu.memory_space<vmem>> -> memref<1x128xi32, #tpu.memory_space<vmem>>
      %dma_start3A_414 = tpu.memref_squeeze %dma_start3A_413 : memref<1x128xi32, #tpu.memory_space<vmem>> -> memref<128xi32, #tpu.memory_space<vmem>>
      %dma_start3A_415 = arith.constant 0 : i32
      %dma_start3A_416 = arith.constant 0 : i32
      %dma_start3A_417 = tpu.memref_slice %arg2[%dma_start3A_415, %dma_start3A_416] : memref<10000x128xf32, #tpu.memory_space<hbm>> -> memref<10000x128xf32, #tpu.memory_space<hbm>>
      tpu.enqueue_indirect_dma source(%dma_start3A_417 : memref<10000x128xf32, #tpu.memory_space<hbm>>) target(%arg10 : memref<128x128xf32, #tpu.memory_space<vmem>>) offsets(%dma_start3A_414 : memref<128xi32, #tpu.memory_space<vmem>>) semaphore(%arg17 : memref<!tpu.dma_semaphore, #tpu.memory_space<semaphore_mem>>)
      %add3A_418 = arith.constant 3 : i32
      %add3A_419 = arith.addi %add3A_385, %add3A_418 : i32
      %mul3A_420 = arith.constant 128 : i32
      %mul3A_421 = arith.muli %add3A_419, %mul3A_420 : i32
      %add3A_422 = arith.addi %mul3A_14, %mul3A_421 : i32
      %dma_start3A_423 = arith.constant 0 : i32
      %dma_start3A_424 = tpu.memref_slice %arg3[%dma_start3A_423, %add3A_422] : memref<2x327680xi32, #tpu.memory_space<hbm>> -> memref<2x128xi32, #tpu.memory_space<hbm>>
      %dma_start3A_425 = arith.constant 0 : i32
      %dma_start3A_426 = tpu.memref_slice %arg3[%dma_start3A_425, %add3A_422] : memref<2x327680xi32, #tpu.memory_space<hbm>> -> memref<2x128xi32, #tpu.memory_space<hbm>>
      tpu.enqueue_dma source(%dma_start3A_426 : memref<2x128xi32, #tpu.memory_space<hbm>>) target(%arg6 : memref<2x128xi32, #tpu.memory_space<vmem>>) target_semaphore(%arg13 : memref<!tpu.dma_semaphore, #tpu.memory_space<semaphore_mem>>)
      %add3A_427 = arith.constant 2 : i32
      %add3A_428 = arith.addi %mul3A_340, %add3A_427 : i32
      %dma_wait3A_429 = arith.constant 0 : i32
      %dma_wait3A_430 = arith.constant 0 : i32
      %dma_wait3A_431 = tpu.memref_slice %arg2[%dma_wait3A_429, %dma_wait3A_430] : memref<10000x128xf32, #tpu.memory_space<hbm>> -> memref<128x128xf32, #tpu.memory_space<hbm>>
      %dma_wait3A_432 = arith.constant 0 : i32
      %dma_wait3A_433 = arith.constant 0 : i32
      %dma_wait3A_434 = tpu.memref_slice %arg2[%dma_wait3A_432, %dma_wait3A_433] : memref<10000x128xf32, #tpu.memory_space<hbm>> -> memref<128x128xf32, #tpu.memory_space<hbm>>
      tpu.wait_dma2 semaphore(%arg17 : memref<!tpu.dma_semaphore, #tpu.memory_space<semaphore_mem>>) src(%dma_wait3A_434 : memref<128x128xf32, #tpu.memory_space<hbm>>) dst(%arg10 : memref<128x128xf32, #tpu.memory_space<vmem>>)
      %dma_start3A_435 = arith.constant 1 : i32
      %dma_start3A_436 = arith.constant 0 : i32
      %dma_start3A_437 = tpu.memref_slice %arg8[%dma_start3A_435, %dma_start3A_436] : memref<2x128xi32, #tpu.memory_space<vmem>> -> memref<1x128xi32, #tpu.memory_space<vmem>>
      %dma_start3A_438 = tpu.memref_squeeze %dma_start3A_437 : memref<1x128xi32, #tpu.memory_space<vmem>> -> memref<128xi32, #tpu.memory_space<vmem>>
      %dma_start3A_439 = arith.constant 0 : i32
      %dma_start3A_440 = arith.constant 0 : i32
      %dma_start3A_441 = tpu.memref_slice %arg12[%dma_start3A_439, %dma_start3A_440] : memref<10240x128xf32, #tpu.memory_space<vmem_shared>> -> memref<10240x128xf32, #tpu.memory_space<vmem_shared>>
      tpu.enqueue_indirect_dma source(%arg10 : memref<128x128xf32, #tpu.memory_space<vmem>>) target(%dma_start3A_441 : memref<10240x128xf32, #tpu.memory_space<vmem_shared>>) offsets(%dma_start3A_438 : memref<128xi32, #tpu.memory_space<vmem>>) semaphore(%arg19 : memref<!tpu.dma_semaphore, #tpu.memory_space<semaphore_mem>>) {add = true}
      %dma_wait3A_442 = arith.constant 0 : i32
      %dma_wait3A_443 = arith.constant 0 : i32
      %dma_wait3A_444 = tpu.memref_slice %arg12[%dma_wait3A_442, %dma_wait3A_443] : memref<10240x128xf32, #tpu.memory_space<vmem_shared>> -> memref<128x128xf32, #tpu.memory_space<vmem_shared>>
      %dma_wait3A_445 = arith.constant 0 : i32
      %dma_wait3A_446 = arith.constant 0 : i32
      %dma_wait3A_447 = tpu.memref_slice %arg12[%dma_wait3A_445, %dma_wait3A_446] : memref<10240x128xf32, #tpu.memory_space<vmem_shared>> -> memref<128x128xf32, #tpu.memory_space<vmem_shared>>
      tpu.wait_dma2 semaphore(%arg20 : memref<!tpu.dma_semaphore, #tpu.memory_space<semaphore_mem>>) src(%arg11 : memref<128x128xf32, #tpu.memory_space<vmem>>) dst(%dma_wait3A_447 : memref<128x128xf32, #tpu.memory_space<vmem_shared>>)
      %dma_wait3A_448 = arith.constant 0 : i32
      %dma_wait3A_449 = arith.constant 0 : i32
      %dma_wait3A_450 = tpu.memref_slice %arg3[%dma_wait3A_448, %dma_wait3A_449] : memref<2x327680xi32, #tpu.memory_space<hbm>> -> memref<2x128xi32, #tpu.memory_space<hbm>>
      %dma_wait3A_451 = arith.constant 0 : i32
      %dma_wait3A_452 = arith.constant 0 : i32
      %dma_wait3A_453 = tpu.memref_slice %arg3[%dma_wait3A_451, %dma_wait3A_452] : memref<2x327680xi32, #tpu.memory_space<hbm>> -> memref<2x128xi32, #tpu.memory_space<hbm>>
      tpu.wait_dma2 semaphore(%arg16 : memref<!tpu.dma_semaphore, #tpu.memory_space<semaphore_mem>>) src(%dma_wait3A_453 : memref<2x128xi32, #tpu.memory_space<hbm>>) dst(%arg9 : memref<2x128xi32, #tpu.memory_space<vmem>>)
      %dma_start3A_454 = arith.constant 0 : i32
      %dma_start3A_455 = arith.constant 0 : i32
      %dma_start3A_456 = tpu.memref_slice %arg9[%dma_start3A_454, %dma_start3A_455] : memref<2x128xi32, #tpu.memory_space<vmem>> -> memref<1x128xi32, #tpu.memory_space<vmem>>
      %dma_start3A_457 = tpu.memref_squeeze %dma_start3A_456 : memref<1x128xi32, #tpu.memory_space<vmem>> -> memref<128xi32, #tpu.memory_space<vmem>>
      %dma_start3A_458 = arith.constant 0 : i32
      %dma_start3A_459 = arith.constant 0 : i32
      %dma_start3A_460 = tpu.memref_slice %arg2[%dma_start3A_458, %dma_start3A_459] : memref<10000x128xf32, #tpu.memory_space<hbm>> -> memref<10000x128xf32, #tpu.memory_space<hbm>>
      tpu.enqueue_indirect_dma source(%dma_start3A_460 : memref<10000x128xf32, #tpu.memory_space<hbm>>) target(%arg11 : memref<128x128xf32, #tpu.memory_space<vmem>>) offsets(%dma_start3A_457 : memref<128xi32, #tpu.memory_space<vmem>>) semaphore(%arg18 : memref<!tpu.dma_semaphore, #tpu.memory_space<semaphore_mem>>)
      %add3A_461 = arith.constant 3 : i32
      %add3A_462 = arith.addi %add3A_428, %add3A_461 : i32
      %mul3A_463 = arith.constant 128 : i32
      %mul3A_464 = arith.muli %add3A_462, %mul3A_463 : i32
      %add3A_465 = arith.addi %mul3A_14, %mul3A_464 : i32
      %dma_start3A_466 = arith.constant 0 : i32
      %dma_start3A_467 = tpu.memref_slice %arg3[%dma_start3A_466, %add3A_465] : memref<2x327680xi32, #tpu.memory_space<hbm>> -> memref<2x128xi32, #tpu.memory_space<hbm>>
      %dma_start3A_468 = arith.constant 0 : i32
      %dma_start3A_469 = tpu.memref_slice %arg3[%dma_start3A_468, %add3A_465] : memref<2x327680xi32, #tpu.memory_space<hbm>> -> memref<2x128xi32, #tpu.memory_space<hbm>>
      tpu.enqueue_dma source(%dma_start3A_469 : memref<2x128xi32, #tpu.memory_space<hbm>>) target(%arg7 : memref<2x128xi32, #tpu.memory_space<vmem>>) target_semaphore(%arg14 : memref<!tpu.dma_semaphore, #tpu.memory_space<semaphore_mem>>)
      %add3A_470 = arith.constant 3 : i32
      %add3A_471 = arith.addi %mul3A_340, %add3A_470 : i32
      %dma_wait3A_472 = arith.constant 0 : i32
      %dma_wait3A_473 = arith.constant 0 : i32
      %dma_wait3A_474 = tpu.memref_slice %arg2[%dma_wait3A_472, %dma_wait3A_473] : memref<10000x128xf32, #tpu.memory_space<hbm>> -> memref<128x128xf32, #tpu.memory_space<hbm>>
      %dma_wait3A_475 = arith.constant 0 : i32
      %dma_wait3A_476 = arith.constant 0 : i32
      %dma_wait3A_477 = tpu.memref_slice %arg2[%dma_wait3A_475, %dma_wait3A_476] : memref<10000x128xf32, #tpu.memory_space<hbm>> -> memref<128x128xf32, #tpu.memory_space<hbm>>
      tpu.wait_dma2 semaphore(%arg18 : memref<!tpu.dma_semaphore, #tpu.memory_space<semaphore_mem>>) src(%dma_wait3A_477 : memref<128x128xf32, #tpu.memory_space<hbm>>) dst(%arg11 : memref<128x128xf32, #tpu.memory_space<vmem>>)
      %dma_start3A_478 = arith.constant 1 : i32
      %dma_start3A_479 = arith.constant 0 : i32
      %dma_start3A_480 = tpu.memref_slice %arg9[%dma_start3A_478, %dma_start3A_479] : memref<2x128xi32, #tpu.memory_space<vmem>> -> memref<1x128xi32, #tpu.memory_space<vmem>>
      %dma_start3A_481 = tpu.memref_squeeze %dma_start3A_480 : memref<1x128xi32, #tpu.memory_space<vmem>> -> memref<128xi32, #tpu.memory_space<vmem>>
      %dma_start3A_482 = arith.constant 0 : i32
      %dma_start3A_483 = arith.constant 0 : i32
      %dma_start3A_484 = tpu.memref_slice %arg12[%dma_start3A_482, %dma_start3A_483] : memref<10240x128xf32, #tpu.memory_space<vmem_shared>> -> memref<10240x128xf32, #tpu.memory_space<vmem_shared>>
      tpu.enqueue_indirect_dma source(%arg11 : memref<128x128xf32, #tpu.memory_space<vmem>>) target(%dma_start3A_484 : memref<10240x128xf32, #tpu.memory_space<vmem_shared>>) offsets(%dma_start3A_481 : memref<128xi32, #tpu.memory_space<vmem>>) semaphore(%arg20 : memref<!tpu.dma_semaphore, #tpu.memory_space<semaphore_mem>>) {add = true}
      %dma_wait3A_485 = arith.constant 0 : i32
      %dma_wait3A_486 = arith.constant 0 : i32
      %dma_wait3A_487 = tpu.memref_slice %arg12[%dma_wait3A_485, %dma_wait3A_486] : memref<10240x128xf32, #tpu.memory_space<vmem_shared>> -> memref<128x128xf32, #tpu.memory_space<vmem_shared>>
      %dma_wait3A_488 = arith.constant 0 : i32
      %dma_wait3A_489 = arith.constant 0 : i32
      %dma_wait3A_490 = tpu.memref_slice %arg12[%dma_wait3A_488, %dma_wait3A_489] : memref<10240x128xf32, #tpu.memory_space<vmem_shared>> -> memref<128x128xf32, #tpu.memory_space<vmem_shared>>
      tpu.wait_dma2 semaphore(%arg19 : memref<!tpu.dma_semaphore, #tpu.memory_space<semaphore_mem>>) src(%arg10 : memref<128x128xf32, #tpu.memory_space<vmem>>) dst(%dma_wait3A_490 : memref<128x128xf32, #tpu.memory_space<vmem_shared>>)
      %dma_wait3A_491 = arith.constant 0 : i32
      %dma_wait3A_492 = arith.constant 0 : i32
      %dma_wait3A_493 = tpu.memref_slice %arg3[%dma_wait3A_491, %dma_wait3A_492] : memref<2x327680xi32, #tpu.memory_space<hbm>> -> memref<2x128xi32, #tpu.memory_space<hbm>>
      %dma_wait3A_494 = arith.constant 0 : i32
      %dma_wait3A_495 = arith.constant 0 : i32
      %dma_wait3A_496 = tpu.memref_slice %arg3[%dma_wait3A_494, %dma_wait3A_495] : memref<2x327680xi32, #tpu.memory_space<hbm>> -> memref<2x128xi32, #tpu.memory_space<hbm>>
      tpu.wait_dma2 semaphore(%arg13 : memref<!tpu.dma_semaphore, #tpu.memory_space<semaphore_mem>>) src(%dma_wait3A_496 : memref<2x128xi32, #tpu.memory_space<hbm>>) dst(%arg6 : memref<2x128xi32, #tpu.memory_space<vmem>>)
      %dma_start3A_497 = arith.constant 0 : i32
      %dma_start3A_498 = arith.constant 0 : i32
      %dma_start3A_499 = tpu.memref_slice %arg6[%dma_start3A_497, %dma_start3A_498] : memref<2x128xi32, #tpu.memory_space<vmem>> -> memref<1x128xi32, #tpu.memory_space<vmem>>
      %dma_start3A_500 = tpu.memref_squeeze %dma_start3A_499 : memref<1x128xi32, #tpu.memory_space<vmem>> -> memref<128xi32, #tpu.memory_space<vmem>>
      %dma_start3A_501 = arith.constant 0 : i32
      %dma_start3A_502 = arith.constant 0 : i32
      %dma_start3A_503 = tpu.memref_slice %arg2[%dma_start3A_501, %dma_start3A_502] : memref<10000x128xf32, #tpu.memory_space<hbm>> -> memref<10000x128xf32, #tpu.memory_space<hbm>>
      tpu.enqueue_indirect_dma source(%dma_start3A_503 : memref<10000x128xf32, #tpu.memory_space<hbm>>) target(%arg10 : memref<128x128xf32, #tpu.memory_space<vmem>>) offsets(%dma_start3A_500 : memref<128xi32, #tpu.memory_space<vmem>>) semaphore(%arg17 : memref<!tpu.dma_semaphore, #tpu.memory_space<semaphore_mem>>)
      %add3A_504 = arith.constant 3 : i32
      %add3A_505 = arith.addi %add3A_471, %add3A_504 : i32
      %mul3A_506 = arith.constant 128 : i32
      %mul3A_507 = arith.muli %add3A_505, %mul3A_506 : i32
      %add3A_508 = arith.addi %mul3A_14, %mul3A_507 : i32
      %dma_start3A_509 = arith.constant 0 : i32
      %dma_start3A_510 = tpu.memref_slice %arg3[%dma_start3A_509, %add3A_508] : memref<2x327680xi32, #tpu.memory_space<hbm>> -> memref<2x128xi32, #tpu.memory_space<hbm>>
      %dma_start3A_511 = arith.constant 0 : i32
      %dma_start3A_512 = tpu.memref_slice %arg3[%dma_start3A_511, %add3A_508] : memref<2x327680xi32, #tpu.memory_space<hbm>> -> memref<2x128xi32, #tpu.memory_space<hbm>>
      tpu.enqueue_dma source(%dma_start3A_512 : memref<2x128xi32, #tpu.memory_space<hbm>>) target(%arg8 : memref<2x128xi32, #tpu.memory_space<vmem>>) target_semaphore(%arg15 : memref<!tpu.dma_semaphore, #tpu.memory_space<semaphore_mem>>)
    }
    %scan3A_193 = arith.constant 18 : i32
    %dma_wait3A_194 = arith.constant 0 : i32
    %dma_wait3A_195 = arith.constant 0 : i32
    %dma_wait3A_196 = tpu.memref_slice %arg2[%dma_wait3A_194, %dma_wait3A_195] : memref<10000x128xf32, #tpu.memory_space<hbm>> -> memref<128x128xf32, #tpu.memory_space<hbm>>
    %dma_wait3A_197 = arith.constant 0 : i32
    %dma_wait3A_198 = arith.constant 0 : i32
    %dma_wait3A_199 = tpu.memref_slice %arg2[%dma_wait3A_197, %dma_wait3A_198] : memref<10000x128xf32, #tpu.memory_space<hbm>> -> memref<128x128xf32, #tpu.memory_space<hbm>>
    tpu.wait_dma2 semaphore(%arg17 : memref<!tpu.dma_semaphore, #tpu.memory_space<semaphore_mem>>) src(%dma_wait3A_199 : memref<128x128xf32, #tpu.memory_space<hbm>>) dst(%arg10 : memref<128x128xf32, #tpu.memory_space<vmem>>)
    %dma_start3A_200 = arith.constant 1 : i32
    %dma_start3A_201 = arith.constant 0 : i32
    %dma_start3A_202 = tpu.memref_slice %arg6[%dma_start3A_200, %dma_start3A_201] : memref<2x128xi32, #tpu.memory_space<vmem>> -> memref<1x128xi32, #tpu.memory_space<vmem>>
    %dma_start3A_203 = tpu.memref_squeeze %dma_start3A_202 : memref<1x128xi32, #tpu.memory_space<vmem>> -> memref<128xi32, #tpu.memory_space<vmem>>
    %dma_start3A_204 = arith.constant 0 : i32
    %dma_start3A_205 = arith.constant 0 : i32
    %dma_start3A_206 = tpu.memref_slice %arg12[%dma_start3A_204, %dma_start3A_205] : memref<10240x128xf32, #tpu.memory_space<vmem_shared>> -> memref<10240x128xf32, #tpu.memory_space<vmem_shared>>
    tpu.enqueue_indirect_dma source(%arg10 : memref<128x128xf32, #tpu.memory_space<vmem>>) target(%dma_start3A_206 : memref<10240x128xf32, #tpu.memory_space<vmem_shared>>) offsets(%dma_start3A_203 : memref<128xi32, #tpu.memory_space<vmem>>) semaphore(%arg19 : memref<!tpu.dma_semaphore, #tpu.memory_space<semaphore_mem>>) {add = true}
    %dma_wait3A_207 = arith.constant 0 : i32
    %dma_wait3A_208 = arith.constant 0 : i32
    %dma_wait3A_209 = tpu.memref_slice %arg12[%dma_wait3A_207, %dma_wait3A_208] : memref<10240x128xf32, #tpu.memory_space<vmem_shared>> -> memref<128x128xf32, #tpu.memory_space<vmem_shared>>
    %dma_wait3A_210 = arith.constant 0 : i32
    %dma_wait3A_211 = arith.constant 0 : i32
    %dma_wait3A_212 = tpu.memref_slice %arg12[%dma_wait3A_210, %dma_wait3A_211] : memref<10240x128xf32, #tpu.memory_space<vmem_shared>> -> memref<128x128xf32, #tpu.memory_space<vmem_shared>>
    tpu.wait_dma2 semaphore(%arg20 : memref<!tpu.dma_semaphore, #tpu.memory_space<semaphore_mem>>) src(%arg11 : memref<128x128xf32, #tpu.memory_space<vmem>>) dst(%dma_wait3A_212 : memref<128x128xf32, #tpu.memory_space<vmem_shared>>)
    %dma_wait3A_213 = arith.constant 0 : i32
    %dma_wait3A_214 = arith.constant 0 : i32
    %dma_wait3A_215 = tpu.memref_slice %arg3[%dma_wait3A_213, %dma_wait3A_214] : memref<2x327680xi32, #tpu.memory_space<hbm>> -> memref<2x128xi32, #tpu.memory_space<hbm>>
    %dma_wait3A_216 = arith.constant 0 : i32
    %dma_wait3A_217 = arith.constant 0 : i32
    %dma_wait3A_218 = tpu.memref_slice %arg3[%dma_wait3A_216, %dma_wait3A_217] : memref<2x327680xi32, #tpu.memory_space<hbm>> -> memref<2x128xi32, #tpu.memory_space<hbm>>
    tpu.wait_dma2 semaphore(%arg14 : memref<!tpu.dma_semaphore, #tpu.memory_space<semaphore_mem>>) src(%dma_wait3A_218 : memref<2x128xi32, #tpu.memory_space<hbm>>) dst(%arg7 : memref<2x128xi32, #tpu.memory_space<vmem>>)
    %dma_start3A_219 = arith.constant 0 : i32
    %dma_start3A_220 = arith.constant 0 : i32
    %dma_start3A_221 = tpu.memref_slice %arg7[%dma_start3A_219, %dma_start3A_220] : memref<2x128xi32, #tpu.memory_space<vmem>> -> memref<1x128xi32, #tpu.memory_space<vmem>>
    %dma_start3A_222 = tpu.memref_squeeze %dma_start3A_221 : memref<1x128xi32, #tpu.memory_space<vmem>> -> memref<128xi32, #tpu.memory_space<vmem>>
    %dma_start3A_223 = arith.constant 0 : i32
    %dma_start3A_224 = arith.constant 0 : i32
    %dma_start3A_225 = tpu.memref_slice %arg2[%dma_start3A_223, %dma_start3A_224] : memref<10000x128xf32, #tpu.memory_space<hbm>> -> memref<10000x128xf32, #tpu.memory_space<hbm>>
    tpu.enqueue_indirect_dma source(%dma_start3A_225 : memref<10000x128xf32, #tpu.memory_space<hbm>>) target(%arg11 : memref<128x128xf32, #tpu.memory_space<vmem>>) offsets(%dma_start3A_222 : memref<128xi32, #tpu.memory_space<vmem>>) semaphore(%arg18 : memref<!tpu.dma_semaphore, #tpu.memory_space<semaphore_mem>>)
    %add3A_226 = arith.constant 10112 : i32
    %add3A_227 = arith.addi %mul3A_14, %add3A_226 : i32
    %dma_start3A_228 = arith.constant 0 : i32
    %dma_start3A_229 = tpu.memref_slice %arg3[%dma_start3A_228, %add3A_227] : memref<2x327680xi32, #tpu.memory_space<hbm>> -> memref<2x128xi32, #tpu.memory_space<hbm>>
    %dma_start3A_230 = arith.constant 0 : i32
    %dma_start3A_231 = tpu.memref_slice %arg3[%dma_start3A_230, %add3A_227] : memref<2x327680xi32, #tpu.memory_space<hbm>> -> memref<2x128xi32, #tpu.memory_space<hbm>>
    tpu.enqueue_dma source(%dma_start3A_231 : memref<2x128xi32, #tpu.memory_space<hbm>>) target(%arg9 : memref<2x128xi32, #tpu.memory_space<vmem>>) target_semaphore(%arg16 : memref<!tpu.dma_semaphore, #tpu.memory_space<semaphore_mem>>)
    %dma_wait3A_232 = arith.constant 0 : i32
    %dma_wait3A_233 = arith.constant 0 : i32
    %dma_wait3A_234 = tpu.memref_slice %arg2[%dma_wait3A_232, %dma_wait3A_233] : memref<10000x128xf32, #tpu.memory_space<hbm>> -> memref<128x128xf32, #tpu.memory_space<hbm>>
    %dma_wait3A_235 = arith.constant 0 : i32
    %dma_wait3A_236 = arith.constant 0 : i32
    %dma_wait3A_237 = tpu.memref_slice %arg2[%dma_wait3A_235, %dma_wait3A_236] : memref<10000x128xf32, #tpu.memory_space<hbm>> -> memref<128x128xf32, #tpu.memory_space<hbm>>
    tpu.wait_dma2 semaphore(%arg18 : memref<!tpu.dma_semaphore, #tpu.memory_space<semaphore_mem>>) src(%dma_wait3A_237 : memref<128x128xf32, #tpu.memory_space<hbm>>) dst(%arg11 : memref<128x128xf32, #tpu.memory_space<vmem>>)
    %dma_start3A_238 = arith.constant 1 : i32
    %dma_start3A_239 = arith.constant 0 : i32
    %dma_start3A_240 = tpu.memref_slice %arg7[%dma_start3A_238, %dma_start3A_239] : memref<2x128xi32, #tpu.memory_space<vmem>> -> memref<1x128xi32, #tpu.memory_space<vmem>>
    %dma_start3A_241 = tpu.memref_squeeze %dma_start3A_240 : memref<1x128xi32, #tpu.memory_space<vmem>> -> memref<128xi32, #tpu.memory_space<vmem>>
    %dma_start3A_242 = arith.constant 0 : i32
    %dma_start3A_243 = arith.constant 0 : i32
    %dma_start3A_244 = tpu.memref_slice %arg12[%dma_start3A_242, %dma_start3A_243] : memref<10240x128xf32, #tpu.memory_space<vmem_shared>> -> memref<10240x128xf32, #tpu.memory_space<vmem_shared>>
    tpu.enqueue_indirect_dma source(%arg11 : memref<128x128xf32, #tpu.memory_space<vmem>>) target(%dma_start3A_244 : memref<10240x128xf32, #tpu.memory_space<vmem_shared>>) offsets(%dma_start3A_241 : memref<128xi32, #tpu.memory_space<vmem>>) semaphore(%arg20 : memref<!tpu.dma_semaphore, #tpu.memory_space<semaphore_mem>>) {add = true}
    %dma_wait3A_245 = arith.constant 0 : i32
    %dma_wait3A_246 = arith.constant 0 : i32
    %dma_wait3A_247 = tpu.memref_slice %arg12[%dma_wait3A_245, %dma_wait3A_246] : memref<10240x128xf32, #tpu.memory_space<vmem_shared>> -> memref<128x128xf32, #tpu.memory_space<vmem_shared>>
    %dma_wait3A_248 = arith.constant 0 : i32
    %dma_wait3A_249 = arith.constant 0 : i32
    %dma_wait3A_250 = tpu.memref_slice %arg12[%dma_wait3A_248, %dma_wait3A_249] : memref<10240x128xf32, #tpu.memory_space<vmem_shared>> -> memref<128x128xf32, #tpu.memory_space<vmem_shared>>
    tpu.wait_dma2 semaphore(%arg19 : memref<!tpu.dma_semaphore, #tpu.memory_space<semaphore_mem>>) src(%arg10 : memref<128x128xf32, #tpu.memory_space<vmem>>) dst(%dma_wait3A_250 : memref<128x128xf32, #tpu.memory_space<vmem_shared>>)
    %dma_wait3A_251 = arith.constant 0 : i32
    %dma_wait3A_252 = arith.constant 0 : i32
    %dma_wait3A_253 = tpu.memref_slice %arg3[%dma_wait3A_251, %dma_wait3A_252] : memref<2x327680xi32, #tpu.memory_space<hbm>> -> memref<2x128xi32, #tpu.memory_space<hbm>>
    %dma_wait3A_254 = arith.constant 0 : i32
    %dma_wait3A_255 = arith.constant 0 : i32
    %dma_wait3A_256 = tpu.memref_slice %arg3[%dma_wait3A_254, %dma_wait3A_255] : memref<2x327680xi32, #tpu.memory_space<hbm>> -> memref<2x128xi32, #tpu.memory_space<hbm>>
    tpu.wait_dma2 semaphore(%arg15 : memref<!tpu.dma_semaphore, #tpu.memory_space<semaphore_mem>>) src(%dma_wait3A_256 : memref<2x128xi32, #tpu.memory_space<hbm>>) dst(%arg8 : memref<2x128xi32, #tpu.memory_space<vmem>>)
    %dma_start3A_257 = arith.constant 0 : i32
    %dma_start3A_258 = arith.constant 0 : i32
    %dma_start3A_259 = tpu.memref_slice %arg8[%dma_start3A_257, %dma_start3A_258] : memref<2x128xi32, #tpu.memory_space<vmem>> -> memref<1x128xi32, #tpu.memory_space<vmem>>
    %dma_start3A_260 = tpu.memref_squeeze %dma_start3A_259 : memref<1x128xi32, #tpu.memory_space<vmem>> -> memref<128xi32, #tpu.memory_space<vmem>>
    %dma_start3A_261 = arith.constant 0 : i32
    %dma_start3A_262 = arith.constant 0 : i32
    %dma_start3A_263 = tpu.memref_slice %arg2[%dma_start3A_261, %dma_start3A_262] : memref<10000x128xf32, #tpu.memory_space<hbm>> -> memref<10000x128xf32, #tpu.memory_space<hbm>>
    tpu.enqueue_indirect_dma source(%dma_start3A_263 : memref<10000x128xf32, #tpu.memory_space<hbm>>) target(%arg10 : memref<128x128xf32, #tpu.memory_space<vmem>>) offsets(%dma_start3A_260 : memref<128xi32, #tpu.memory_space<vmem>>) semaphore(%arg17 : memref<!tpu.dma_semaphore, #tpu.memory_space<semaphore_mem>>)
    %dma_wait3A_264 = arith.constant 0 : i32
    %dma_wait3A_265 = arith.constant 0 : i32
    %dma_wait3A_266 = tpu.memref_slice %arg2[%dma_wait3A_264, %dma_wait3A_265] : memref<10000x128xf32, #tpu.memory_space<hbm>> -> memref<128x128xf32, #tpu.memory_space<hbm>>
    %dma_wait3A_267 = arith.constant 0 : i32
    %dma_wait3A_268 = arith.constant 0 : i32
    %dma_wait3A_269 = tpu.memref_slice %arg2[%dma_wait3A_267, %dma_wait3A_268] : memref<10000x128xf32, #tpu.memory_space<hbm>> -> memref<128x128xf32, #tpu.memory_space<hbm>>
    tpu.wait_dma2 semaphore(%arg17 : memref<!tpu.dma_semaphore, #tpu.memory_space<semaphore_mem>>) src(%dma_wait3A_269 : memref<128x128xf32, #tpu.memory_space<hbm>>) dst(%arg10 : memref<128x128xf32, #tpu.memory_space<vmem>>)
    %dma_start3A_270 = arith.constant 1 : i32
    %dma_start3A_271 = arith.constant 0 : i32
    %dma_start3A_272 = tpu.memref_slice %arg8[%dma_start3A_270, %dma_start3A_271] : memref<2x128xi32, #tpu.memory_space<vmem>> -> memref<1x128xi32, #tpu.memory_space<vmem>>
    %dma_start3A_273 = tpu.memref_squeeze %dma_start3A_272 : memref<1x128xi32, #tpu.memory_space<vmem>> -> memref<128xi32, #tpu.memory_space<vmem>>
    %dma_start3A_274 = arith.constant 0 : i32
    %dma_start3A_275 = arith.constant 0 : i32
    %dma_start3A_276 = tpu.memref_slice %arg12[%dma_start3A_274, %dma_start3A_275] : memref<10240x128xf32, #tpu.memory_space<vmem_shared>> -> memref<10240x128xf32, #tpu.memory_space<vmem_shared>>
    tpu.enqueue_indirect_dma source(%arg10 : memref<128x128xf32, #tpu.memory_space<vmem>>) target(%dma_start3A_276 : memref<10240x128xf32, #tpu.memory_space<vmem_shared>>) offsets(%dma_start3A_273 : memref<128xi32, #tpu.memory_space<vmem>>) semaphore(%arg19 : memref<!tpu.dma_semaphore, #tpu.memory_space<semaphore_mem>>) {add = true}
    %dma_wait3A_277 = arith.constant 0 : i32
    %dma_wait3A_278 = arith.constant 0 : i32
    %dma_wait3A_279 = tpu.memref_slice %arg12[%dma_wait3A_277, %dma_wait3A_278] : memref<10240x128xf32, #tpu.memory_space<vmem_shared>> -> memref<128x128xf32, #tpu.memory_space<vmem_shared>>
    %dma_wait3A_280 = arith.constant 0 : i32
    %dma_wait3A_281 = arith.constant 0 : i32
    %dma_wait3A_282 = tpu.memref_slice %arg12[%dma_wait3A_280, %dma_wait3A_281] : memref<10240x128xf32, #tpu.memory_space<vmem_shared>> -> memref<128x128xf32, #tpu.memory_space<vmem_shared>>
    tpu.wait_dma2 semaphore(%arg20 : memref<!tpu.dma_semaphore, #tpu.memory_space<semaphore_mem>>) src(%arg11 : memref<128x128xf32, #tpu.memory_space<vmem>>) dst(%dma_wait3A_282 : memref<128x128xf32, #tpu.memory_space<vmem_shared>>)
    %dma_wait3A_283 = arith.constant 0 : i32
    %dma_wait3A_284 = arith.constant 0 : i32
    %dma_wait3A_285 = tpu.memref_slice %arg3[%dma_wait3A_283, %dma_wait3A_284] : memref<2x327680xi32, #tpu.memory_space<hbm>> -> memref<2x128xi32, #tpu.memory_space<hbm>>
    %dma_wait3A_286 = arith.constant 0 : i32
    %dma_wait3A_287 = arith.constant 0 : i32
    %dma_wait3A_288 = tpu.memref_slice %arg3[%dma_wait3A_286, %dma_wait3A_287] : memref<2x327680xi32, #tpu.memory_space<hbm>> -> memref<2x128xi32, #tpu.memory_space<hbm>>
    tpu.wait_dma2 semaphore(%arg16 : memref<!tpu.dma_semaphore, #tpu.memory_space<semaphore_mem>>) src(%dma_wait3A_288 : memref<2x128xi32, #tpu.memory_space<hbm>>) dst(%arg9 : memref<2x128xi32, #tpu.memory_space<vmem>>)
    %dma_start3A_289 = arith.constant 0 : i32
    %dma_start3A_290 = arith.constant 0 : i32
    %dma_start3A_291 = tpu.memref_slice %arg9[%dma_start3A_289, %dma_start3A_290] : memref<2x128xi32, #tpu.memory_space<vmem>> -> memref<1x128xi32, #tpu.memory_space<vmem>>
    %dma_start3A_292 = tpu.memref_squeeze %dma_start3A_291 : memref<1x128xi32, #tpu.memory_space<vmem>> -> memref<128xi32, #tpu.memory_space<vmem>>
    %dma_start3A_293 = arith.constant 0 : i32
    %dma_start3A_294 = arith.constant 0 : i32
    %dma_start3A_295 = tpu.memref_slice %arg2[%dma_start3A_293, %dma_start3A_294] : memref<10000x128xf32, #tpu.memory_space<hbm>> -> memref<10000x128xf32, #tpu.memory_space<hbm>>
    tpu.enqueue_indirect_dma source(%dma_start3A_295 : memref<10000x128xf32, #tpu.memory_space<hbm>>) target(%arg11 : memref<128x128xf32, #tpu.memory_space<vmem>>) offsets(%dma_start3A_292 : memref<128xi32, #tpu.memory_space<vmem>>) semaphore(%arg18 : memref<!tpu.dma_semaphore, #tpu.memory_space<semaphore_mem>>)
    %dma_wait3A_296 = arith.constant 0 : i32
    %dma_wait3A_297 = arith.constant 0 : i32
    %dma_wait3A_298 = tpu.memref_slice %arg2[%dma_wait3A_296, %dma_wait3A_297] : memref<10000x128xf32, #tpu.memory_space<hbm>> -> memref<128x128xf32, #tpu.memory_space<hbm>>
    %dma_wait3A_299 = arith.constant 0 : i32
    %dma_wait3A_300 = arith.constant 0 : i32
    %dma_wait3A_301 = tpu.memref_slice %arg2[%dma_wait3A_299, %dma_wait3A_300] : memref<10000x128xf32, #tpu.memory_space<hbm>> -> memref<128x128xf32, #tpu.memory_space<hbm>>
    tpu.wait_dma2 semaphore(%arg18 : memref<!tpu.dma_semaphore, #tpu.memory_space<semaphore_mem>>) src(%dma_wait3A_301 : memref<128x128xf32, #tpu.memory_space<hbm>>) dst(%arg11 : memref<128x128xf32, #tpu.memory_space<vmem>>)
    %dma_start3A_302 = arith.constant 1 : i32
    %dma_start3A_303 = arith.constant 0 : i32
    %dma_start3A_304 = tpu.memref_slice %arg9[%dma_start3A_302, %dma_start3A_303] : memref<2x128xi32, #tpu.memory_space<vmem>> -> memref<1x128xi32, #tpu.memory_space<vmem>>
    %dma_start3A_305 = tpu.memref_squeeze %dma_start3A_304 : memref<1x128xi32, #tpu.memory_space<vmem>> -> memref<128xi32, #tpu.memory_space<vmem>>
    %dma_start3A_306 = arith.constant 0 : i32
    %dma_start3A_307 = arith.constant 0 : i32
    %dma_start3A_308 = tpu.memref_slice %arg12[%dma_start3A_306, %dma_start3A_307] : memref<10240x128xf32, #tpu.memory_space<vmem_shared>> -> memref<10240x128xf32, #tpu.memory_space<vmem_shared>>
    tpu.enqueue_indirect_dma source(%arg11 : memref<128x128xf32, #tpu.memory_space<vmem>>) target(%dma_start3A_308 : memref<10240x128xf32, #tpu.memory_space<vmem_shared>>) offsets(%dma_start3A_305 : memref<128xi32, #tpu.memory_space<vmem>>) semaphore(%arg20 : memref<!tpu.dma_semaphore, #tpu.memory_space<semaphore_mem>>) {add = true}
    %dma_wait3A_309 = arith.constant 0 : i32
    %dma_wait3A_310 = arith.constant 0 : i32
    %dma_wait3A_311 = tpu.memref_slice %arg12[%dma_wait3A_309, %dma_wait3A_310] : memref<10240x128xf32, #tpu.memory_space<vmem_shared>> -> memref<128x128xf32, #tpu.memory_space<vmem_shared>>
    %dma_wait3A_312 = arith.constant 0 : i32
    %dma_wait3A_313 = arith.constant 0 : i32
    %dma_wait3A_314 = tpu.memref_slice %arg12[%dma_wait3A_312, %dma_wait3A_313] : memref<10240x128xf32, #tpu.memory_space<vmem_shared>> -> memref<128x128xf32, #tpu.memory_space<vmem_shared>>
    tpu.wait_dma2 semaphore(%arg19 : memref<!tpu.dma_semaphore, #tpu.memory_space<semaphore_mem>>) src(%arg10 : memref<128x128xf32, #tpu.memory_space<vmem>>) dst(%dma_wait3A_314 : memref<128x128xf32, #tpu.memory_space<vmem_shared>>)
    %dma_wait3A_315 = arith.constant 0 : i32
    %dma_wait3A_316 = arith.constant 0 : i32
    %dma_wait3A_317 = tpu.memref_slice %arg12[%dma_wait3A_315, %dma_wait3A_316] : memref<10240x128xf32, #tpu.memory_space<vmem_shared>> -> memref<128x128xf32, #tpu.memory_space<vmem_shared>>
    %dma_wait3A_318 = arith.constant 0 : i32
    %dma_wait3A_319 = arith.constant 0 : i32
    %dma_wait3A_320 = tpu.memref_slice %arg12[%dma_wait3A_318, %dma_wait3A_319] : memref<10240x128xf32, #tpu.memory_space<vmem_shared>> -> memref<128x128xf32, #tpu.memory_space<vmem_shared>>
    tpu.wait_dma2 semaphore(%arg20 : memref<!tpu.dma_semaphore, #tpu.memory_space<semaphore_mem>>) src(%arg11 : memref<128x128xf32, #tpu.memory_space<vmem>>) dst(%dma_wait3A_320 : memref<128x128xf32, #tpu.memory_space<vmem_shared>>)
    %barrier3A_321 = arith.constant 0 : index
    tpu.barrier barrier_id(%barrier3A_321)
    %mul3A_322 = arith.constant 640 : i32
    %mul3A_323 = arith.muli %arg1, %mul3A_322 : i32
    %add3A_324 = arith.constant 0 : i32
    %add3A_325 = arith.addi %mul3A_323, %add3A_324 : i32
    "tpu.region"() ({
      %run_scoped3A = tpu.sem_alloc : memref<!tpu.dma_semaphore, #tpu.memory_space<semaphore_mem>>
      %dma_start3A_334 = arith.constant 0 : i32
      %dma_start3A_335 = tpu.memref_slice %arg12[%add3A_325, %dma_start3A_334] : memref<10240x128xf32, #tpu.memory_space<vmem_shared>> -> memref<128x128xf32, #tpu.memory_space<vmem_shared>>
      %dma_start3A_336 = arith.constant 0 : i32
      %dma_start3A_337 = tpu.memref_slice %arg12[%add3A_325, %dma_start3A_336] : memref<10240x128xf32, #tpu.memory_space<vmem_shared>> -> memref<128x128xf32, #tpu.memory_space<vmem_shared>>
      tpu.enqueue_dma source(%dma_start3A_337 : memref<128x128xf32, #tpu.memory_space<vmem_shared>>) target(%arg10 : memref<128x128xf32, #tpu.memory_space<vmem>>) target_semaphore(%run_scoped3A : memref<!tpu.dma_semaphore, #tpu.memory_space<semaphore_mem>>)
      %dma_wait3A_338 = arith.constant 0 : i32
      %dma_wait3A_339 = tpu.memref_slice %arg12[%add3A_325, %dma_wait3A_338] : memref<10240x128xf32, #tpu.memory_space<vmem_shared>> -> memref<128x128xf32, #tpu.memory_space<vmem_shared>>
      %dma_wait3A_340 = arith.constant 0 : i32
      %dma_wait3A_341 = tpu.memref_slice %arg12[%add3A_325, %dma_wait3A_340] : memref<10240x128xf32, #tpu.memory_space<vmem_shared>> -> memref<128x128xf32, #tpu.memory_space<vmem_shared>>
      tpu.wait_dma2 semaphore(%run_scoped3A : memref<!tpu.dma_semaphore, #tpu.memory_space<semaphore_mem>>) src(%dma_wait3A_341 : memref<128x128xf32, #tpu.memory_space<vmem_shared>>) dst(%arg10 : memref<128x128xf32, #tpu.memory_space<vmem>>)
      tpu.yield
    }) : () -> ()
    "tpu.region"() ({
      %run_scoped3A = tpu.sem_alloc : memref<!tpu.dma_semaphore, #tpu.memory_space<semaphore_mem>>
      %dma_start3A_334 = arith.constant 0 : i32
      %dma_start3A_335 = tpu.memref_slice %arg5[%arg0, %add3A_325, %dma_start3A_334] : memref<2x10240x128xf32, #tpu.memory_space<hbm>> -> memref<1x128x128xf32, #tpu.memory_space<hbm>>
      %dma_start3A_336 = tpu.memref_squeeze %dma_start3A_335 : memref<1x128x128xf32, #tpu.memory_space<hbm>> -> memref<128x128xf32, #tpu.memory_space<hbm>>
      %dma_start3A_337 = arith.constant 0 : i32
      %dma_start3A_338 = tpu.memref_slice %arg5[%arg0, %add3A_325, %dma_start3A_337] : memref<2x10240x128xf32, #tpu.memory_space<hbm>> -> memref<1x128x128xf32, #tpu.memory_space<hbm>>
      %dma_start3A_339 = tpu.memref_squeeze %dma_start3A_338 : memref<1x128x128xf32, #tpu.memory_space<hbm>> -> memref<128x128xf32, #tpu.memory_space<hbm>>
      tpu.enqueue_dma source(%arg10 : memref<128x128xf32, #tpu.memory_space<vmem>>) target(%dma_start3A_339 : memref<128x128xf32, #tpu.memory_space<hbm>>) target_semaphore(%run_scoped3A : memref<!tpu.dma_semaphore, #tpu.memory_space<semaphore_mem>>)
      %dma_wait3A_340 = arith.constant 0 : i32
      %dma_wait3A_341 = tpu.memref_slice %arg5[%arg0, %add3A_325, %dma_wait3A_340] : memref<2x10240x128xf32, #tpu.memory_space<hbm>> -> memref<1x128x128xf32, #tpu.memory_space<hbm>>
      %dma_wait3A_342 = tpu.memref_squeeze %dma_wait3A_341 : memref<1x128x128xf32, #tpu.memory_space<hbm>> -> memref<128x128xf32, #tpu.memory_space<hbm>>
      %dma_wait3A_343 = arith.constant 0 : i32
      %dma_wait3A_344 = tpu.memref_slice %arg5[%arg0, %add3A_325, %dma_wait3A_343] : memref<2x10240x128xf32, #tpu.memory_space<hbm>> -> memref<1x128x128xf32, #tpu.memory_space<hbm>>
      %dma_wait3A_345 = tpu.memref_squeeze %dma_wait3A_344 : memref<1x128x128xf32, #tpu.memory_space<hbm>> -> memref<128x128xf32, #tpu.memory_space<hbm>>
      tpu.wait_dma2 semaphore(%run_scoped3A : memref<!tpu.dma_semaphore, #tpu.memory_space<semaphore_mem>>) src(%arg10 : memref<128x128xf32, #tpu.memory_space<vmem>>) dst(%dma_wait3A_345 : memref<128x128xf32, #tpu.memory_space<hbm>>)
      tpu.yield
    }) : () -> ()
    %add3A_326 = arith.constant 128 : i32
    %add3A_327 = arith.addi %mul3A_323, %add3A_326 : i32
    "tpu.region"() ({
      %run_scoped3A = tpu.sem_alloc : memref<!tpu.dma_semaphore, #tpu.memory_space<semaphore_mem>>
      %dma_start3A_334 = arith.constant 0 : i32
      %dma_start3A_335 = tpu.memref_slice %arg12[%add3A_327, %dma_start3A_334] : memref<10240x128xf32, #tpu.memory_space<vmem_shared>> -> memref<128x128xf32, #tpu.memory_space<vmem_shared>>
      %dma_start3A_336 = arith.constant 0 : i32
      %dma_start3A_337 = tpu.memref_slice %arg12[%add3A_327, %dma_start3A_336] : memref<10240x128xf32, #tpu.memory_space<vmem_shared>> -> memref<128x128xf32, #tpu.memory_space<vmem_shared>>
      tpu.enqueue_dma source(%dma_start3A_337 : memref<128x128xf32, #tpu.memory_space<vmem_shared>>) target(%arg10 : memref<128x128xf32, #tpu.memory_space<vmem>>) target_semaphore(%run_scoped3A : memref<!tpu.dma_semaphore, #tpu.memory_space<semaphore_mem>>)
      %dma_wait3A_338 = arith.constant 0 : i32
      %dma_wait3A_339 = tpu.memref_slice %arg12[%add3A_327, %dma_wait3A_338] : memref<10240x128xf32, #tpu.memory_space<vmem_shared>> -> memref<128x128xf32, #tpu.memory_space<vmem_shared>>
      %dma_wait3A_340 = arith.constant 0 : i32
      %dma_wait3A_341 = tpu.memref_slice %arg12[%add3A_327, %dma_wait3A_340] : memref<10240x128xf32, #tpu.memory_space<vmem_shared>> -> memref<128x128xf32, #tpu.memory_space<vmem_shared>>
      tpu.wait_dma2 semaphore(%run_scoped3A : memref<!tpu.dma_semaphore, #tpu.memory_space<semaphore_mem>>) src(%dma_wait3A_341 : memref<128x128xf32, #tpu.memory_space<vmem_shared>>) dst(%arg10 : memref<128x128xf32, #tpu.memory_space<vmem>>)
      tpu.yield
    }) : () -> ()
    "tpu.region"() ({
      %run_scoped3A = tpu.sem_alloc : memref<!tpu.dma_semaphore, #tpu.memory_space<semaphore_mem>>
      %dma_start3A_334 = arith.constant 0 : i32
      %dma_start3A_335 = tpu.memref_slice %arg5[%arg0, %add3A_327, %dma_start3A_334] : memref<2x10240x128xf32, #tpu.memory_space<hbm>> -> memref<1x128x128xf32, #tpu.memory_space<hbm>>
      %dma_start3A_336 = tpu.memref_squeeze %dma_start3A_335 : memref<1x128x128xf32, #tpu.memory_space<hbm>> -> memref<128x128xf32, #tpu.memory_space<hbm>>
      %dma_start3A_337 = arith.constant 0 : i32
      %dma_start3A_338 = tpu.memref_slice %arg5[%arg0, %add3A_327, %dma_start3A_337] : memref<2x10240x128xf32, #tpu.memory_space<hbm>> -> memref<1x128x128xf32, #tpu.memory_space<hbm>>
      %dma_start3A_339 = tpu.memref_squeeze %dma_start3A_338 : memref<1x128x128xf32, #tpu.memory_space<hbm>> -> memref<128x128xf32, #tpu.memory_space<hbm>>
      tpu.enqueue_dma source(%arg10 : memref<128x128xf32, #tpu.memory_space<vmem>>) target(%dma_start3A_339 : memref<128x128xf32, #tpu.memory_space<hbm>>) target_semaphore(%run_scoped3A : memref<!tpu.dma_semaphore, #tpu.memory_space<semaphore_mem>>)
      %dma_wait3A_340 = arith.constant 0 : i32
      %dma_wait3A_341 = tpu.memref_slice %arg5[%arg0, %add3A_327, %dma_wait3A_340] : memref<2x10240x128xf32, #tpu.memory_space<hbm>> -> memref<1x128x128xf32, #tpu.memory_space<hbm>>
      %dma_wait3A_342 = tpu.memref_squeeze %dma_wait3A_341 : memref<1x128x128xf32, #tpu.memory_space<hbm>> -> memref<128x128xf32, #tpu.memory_space<hbm>>
      %dma_wait3A_343 = arith.constant 0 : i32
      %dma_wait3A_344 = tpu.memref_slice %arg5[%arg0, %add3A_327, %dma_wait3A_343] : memref<2x10240x128xf32, #tpu.memory_space<hbm>> -> memref<1x128x128xf32, #tpu.memory_space<hbm>>
      %dma_wait3A_345 = tpu.memref_squeeze %dma_wait3A_344 : memref<1x128x128xf32, #tpu.memory_space<hbm>> -> memref<128x128xf32, #tpu.memory_space<hbm>>
      tpu.wait_dma2 semaphore(%run_scoped3A : memref<!tpu.dma_semaphore, #tpu.memory_space<semaphore_mem>>) src(%arg10 : memref<128x128xf32, #tpu.memory_space<vmem>>) dst(%dma_wait3A_345 : memref<128x128xf32, #tpu.memory_space<hbm>>)
      tpu.yield
    }) : () -> ()
    %add3A_328 = arith.constant 256 : i32
    %add3A_329 = arith.addi %mul3A_323, %add3A_328 : i32
    "tpu.region"() ({
      %run_scoped3A = tpu.sem_alloc : memref<!tpu.dma_semaphore, #tpu.memory_space<semaphore_mem>>
      %dma_start3A_334 = arith.constant 0 : i32
      %dma_start3A_335 = tpu.memref_slice %arg12[%add3A_329, %dma_start3A_334] : memref<10240x128xf32, #tpu.memory_space<vmem_shared>> -> memref<128x128xf32, #tpu.memory_space<vmem_shared>>
      %dma_start3A_336 = arith.constant 0 : i32
      %dma_start3A_337 = tpu.memref_slice %arg12[%add3A_329, %dma_start3A_336] : memref<10240x128xf32, #tpu.memory_space<vmem_shared>> -> memref<128x128xf32, #tpu.memory_space<vmem_shared>>
      tpu.enqueue_dma source(%dma_start3A_337 : memref<128x128xf32, #tpu.memory_space<vmem_shared>>) target(%arg10 : memref<128x128xf32, #tpu.memory_space<vmem>>) target_semaphore(%run_scoped3A : memref<!tpu.dma_semaphore, #tpu.memory_space<semaphore_mem>>)
      %dma_wait3A_338 = arith.constant 0 : i32
      %dma_wait3A_339 = tpu.memref_slice %arg12[%add3A_329, %dma_wait3A_338] : memref<10240x128xf32, #tpu.memory_space<vmem_shared>> -> memref<128x128xf32, #tpu.memory_space<vmem_shared>>
      %dma_wait3A_340 = arith.constant 0 : i32
      %dma_wait3A_341 = tpu.memref_slice %arg12[%add3A_329, %dma_wait3A_340] : memref<10240x128xf32, #tpu.memory_space<vmem_shared>> -> memref<128x128xf32, #tpu.memory_space<vmem_shared>>
      tpu.wait_dma2 semaphore(%run_scoped3A : memref<!tpu.dma_semaphore, #tpu.memory_space<semaphore_mem>>) src(%dma_wait3A_341 : memref<128x128xf32, #tpu.memory_space<vmem_shared>>) dst(%arg10 : memref<128x128xf32, #tpu.memory_space<vmem>>)
      tpu.yield
    }) : () -> ()
    "tpu.region"() ({
      %run_scoped3A = tpu.sem_alloc : memref<!tpu.dma_semaphore, #tpu.memory_space<semaphore_mem>>
      %dma_start3A_334 = arith.constant 0 : i32
      %dma_start3A_335 = tpu.memref_slice %arg5[%arg0, %add3A_329, %dma_start3A_334] : memref<2x10240x128xf32, #tpu.memory_space<hbm>> -> memref<1x128x128xf32, #tpu.memory_space<hbm>>
      %dma_start3A_336 = tpu.memref_squeeze %dma_start3A_335 : memref<1x128x128xf32, #tpu.memory_space<hbm>> -> memref<128x128xf32, #tpu.memory_space<hbm>>
      %dma_start3A_337 = arith.constant 0 : i32
      %dma_start3A_338 = tpu.memref_slice %arg5[%arg0, %add3A_329, %dma_start3A_337] : memref<2x10240x128xf32, #tpu.memory_space<hbm>> -> memref<1x128x128xf32, #tpu.memory_space<hbm>>
      %dma_start3A_339 = tpu.memref_squeeze %dma_start3A_338 : memref<1x128x128xf32, #tpu.memory_space<hbm>> -> memref<128x128xf32, #tpu.memory_space<hbm>>
      tpu.enqueue_dma source(%arg10 : memref<128x128xf32, #tpu.memory_space<vmem>>) target(%dma_start3A_339 : memref<128x128xf32, #tpu.memory_space<hbm>>) target_semaphore(%run_scoped3A : memref<!tpu.dma_semaphore, #tpu.memory_space<semaphore_mem>>)
      %dma_wait3A_340 = arith.constant 0 : i32
      %dma_wait3A_341 = tpu.memref_slice %arg5[%arg0, %add3A_329, %dma_wait3A_340] : memref<2x10240x128xf32, #tpu.memory_space<hbm>> -> memref<1x128x128xf32, #tpu.memory_space<hbm>>
      %dma_wait3A_342 = tpu.memref_squeeze %dma_wait3A_341 : memref<1x128x128xf32, #tpu.memory_space<hbm>> -> memref<128x128xf32, #tpu.memory_space<hbm>>
      %dma_wait3A_343 = arith.constant 0 : i32
      %dma_wait3A_344 = tpu.memref_slice %arg5[%arg0, %add3A_329, %dma_wait3A_343] : memref<2x10240x128xf32, #tpu.memory_space<hbm>> -> memref<1x128x128xf32, #tpu.memory_space<hbm>>
      %dma_wait3A_345 = tpu.memref_squeeze %dma_wait3A_344 : memref<1x128x128xf32, #tpu.memory_space<hbm>> -> memref<128x128xf32, #tpu.memory_space<hbm>>
      tpu.wait_dma2 semaphore(%run_scoped3A : memref<!tpu.dma_semaphore, #tpu.memory_space<semaphore_mem>>) src(%arg10 : memref<128x128xf32, #tpu.memory_space<vmem>>) dst(%dma_wait3A_345 : memref<128x128xf32, #tpu.memory_space<hbm>>)
      tpu.yield
    }) : () -> ()
    %add3A_330 = arith.constant 384 : i32
    %add3A_331 = arith.addi %mul3A_323, %add3A_330 : i32
    "tpu.region"() ({
      %run_scoped3A = tpu.sem_alloc : memref<!tpu.dma_semaphore, #tpu.memory_space<semaphore_mem>>
      %dma_start3A_334 = arith.constant 0 : i32
      %dma_start3A_335 = tpu.memref_slice %arg12[%add3A_331, %dma_start3A_334] : memref<10240x128xf32, #tpu.memory_space<vmem_shared>> -> memref<128x128xf32, #tpu.memory_space<vmem_shared>>
      %dma_start3A_336 = arith.constant 0 : i32
      %dma_start3A_337 = tpu.memref_slice %arg12[%add3A_331, %dma_start3A_336] : memref<10240x128xf32, #tpu.memory_space<vmem_shared>> -> memref<128x128xf32, #tpu.memory_space<vmem_shared>>
      tpu.enqueue_dma source(%dma_start3A_337 : memref<128x128xf32, #tpu.memory_space<vmem_shared>>) target(%arg10 : memref<128x128xf32, #tpu.memory_space<vmem>>) target_semaphore(%run_scoped3A : memref<!tpu.dma_semaphore, #tpu.memory_space<semaphore_mem>>)
      %dma_wait3A_338 = arith.constant 0 : i32
      %dma_wait3A_339 = tpu.memref_slice %arg12[%add3A_331, %dma_wait3A_338] : memref<10240x128xf32, #tpu.memory_space<vmem_shared>> -> memref<128x128xf32, #tpu.memory_space<vmem_shared>>
      %dma_wait3A_340 = arith.constant 0 : i32
      %dma_wait3A_341 = tpu.memref_slice %arg12[%add3A_331, %dma_wait3A_340] : memref<10240x128xf32, #tpu.memory_space<vmem_shared>> -> memref<128x128xf32, #tpu.memory_space<vmem_shared>>
      tpu.wait_dma2 semaphore(%run_scoped3A : memref<!tpu.dma_semaphore, #tpu.memory_space<semaphore_mem>>) src(%dma_wait3A_341 : memref<128x128xf32, #tpu.memory_space<vmem_shared>>) dst(%arg10 : memref<128x128xf32, #tpu.memory_space<vmem>>)
      tpu.yield
    }) : () -> ()
    "tpu.region"() ({
      %run_scoped3A = tpu.sem_alloc : memref<!tpu.dma_semaphore, #tpu.memory_space<semaphore_mem>>
      %dma_start3A_334 = arith.constant 0 : i32
      %dma_start3A_335 = tpu.memref_slice %arg5[%arg0, %add3A_331, %dma_start3A_334] : memref<2x10240x128xf32, #tpu.memory_space<hbm>> -> memref<1x128x128xf32, #tpu.memory_space<hbm>>
      %dma_start3A_336 = tpu.memref_squeeze %dma_start3A_335 : memref<1x128x128xf32, #tpu.memory_space<hbm>> -> memref<128x128xf32, #tpu.memory_space<hbm>>
      %dma_start3A_337 = arith.constant 0 : i32
      %dma_start3A_338 = tpu.memref_slice %arg5[%arg0, %add3A_331, %dma_start3A_337] : memref<2x10240x128xf32, #tpu.memory_space<hbm>> -> memref<1x128x128xf32, #tpu.memory_space<hbm>>
      %dma_start3A_339 = tpu.memref_squeeze %dma_start3A_338 : memref<1x128x128xf32, #tpu.memory_space<hbm>> -> memref<128x128xf32, #tpu.memory_space<hbm>>
      tpu.enqueue_dma source(%arg10 : memref<128x128xf32, #tpu.memory_space<vmem>>) target(%dma_start3A_339 : memref<128x128xf32, #tpu.memory_space<hbm>>) target_semaphore(%run_scoped3A : memref<!tpu.dma_semaphore, #tpu.memory_space<semaphore_mem>>)
      %dma_wait3A_340 = arith.constant 0 : i32
      %dma_wait3A_341 = tpu.memref_slice %arg5[%arg0, %add3A_331, %dma_wait3A_340] : memref<2x10240x128xf32, #tpu.memory_space<hbm>> -> memref<1x128x128xf32, #tpu.memory_space<hbm>>
      %dma_wait3A_342 = tpu.memref_squeeze %dma_wait3A_341 : memref<1x128x128xf32, #tpu.memory_space<hbm>> -> memref<128x128xf32, #tpu.memory_space<hbm>>
      %dma_wait3A_343 = arith.constant 0 : i32
      %dma_wait3A_344 = tpu.memref_slice %arg5[%arg0, %add3A_331, %dma_wait3A_343] : memref<2x10240x128xf32, #tpu.memory_space<hbm>> -> memref<1x128x128xf32, #tpu.memory_space<hbm>>
      %dma_wait3A_345 = tpu.memref_squeeze %dma_wait3A_344 : memref<1x128x128xf32, #tpu.memory_space<hbm>> -> memref<128x128xf32, #tpu.memory_space<hbm>>
      tpu.wait_dma2 semaphore(%run_scoped3A : memref<!tpu.dma_semaphore, #tpu.memory_space<semaphore_mem>>) src(%arg10 : memref<128x128xf32, #tpu.memory_space<vmem>>) dst(%dma_wait3A_345 : memref<128x128xf32, #tpu.memory_space<hbm>>)
      tpu.yield
    }) : () -> ()
    %add3A_332 = arith.constant 512 : i32
    %add3A_333 = arith.addi %mul3A_323, %add3A_332 : i32
    "tpu.region"() ({
      %run_scoped3A = tpu.sem_alloc : memref<!tpu.dma_semaphore, #tpu.memory_space<semaphore_mem>>
      %dma_start3A_334 = arith.constant 0 : i32
      %dma_start3A_335 = tpu.memref_slice %arg12[%add3A_333, %dma_start3A_334] : memref<10240x128xf32, #tpu.memory_space<vmem_shared>> -> memref<128x128xf32, #tpu.memory_space<vmem_shared>>
      %dma_start3A_336 = arith.constant 0 : i32
      %dma_start3A_337 = tpu.memref_slice %arg12[%add3A_333, %dma_start3A_336] : memref<10240x128xf32, #tpu.memory_space<vmem_shared>> -> memref<128x128xf32, #tpu.memory_space<vmem_shared>>
      tpu.enqueue_dma source(%dma_start3A_337 : memref<128x128xf32, #tpu.memory_space<vmem_shared>>) target(%arg10 : memref<128x128xf32, #tpu.memory_space<vmem>>) target_semaphore(%run_scoped3A : memref<!tpu.dma_semaphore, #tpu.memory_space<semaphore_mem>>)
      %dma_wait3A_338 = arith.constant 0 : i32
      %dma_wait3A_339 = tpu.memref_slice %arg12[%add3A_333, %dma_wait3A_338] : memref<10240x128xf32, #tpu.memory_space<vmem_shared>> -> memref<128x128xf32, #tpu.memory_space<vmem_shared>>
      %dma_wait3A_340 = arith.constant 0 : i32
      %dma_wait3A_341 = tpu.memref_slice %arg12[%add3A_333, %dma_wait3A_340] : memref<10240x128xf32, #tpu.memory_space<vmem_shared>> -> memref<128x128xf32, #tpu.memory_space<vmem_shared>>
      tpu.wait_dma2 semaphore(%run_scoped3A : memref<!tpu.dma_semaphore, #tpu.memory_space<semaphore_mem>>) src(%dma_wait3A_341 : memref<128x128xf32, #tpu.memory_space<vmem_shared>>) dst(%arg10 : memref<128x128xf32, #tpu.memory_space<vmem>>)
      tpu.yield
    }) : () -> ()
    "tpu.region"() ({
      %run_scoped3A = tpu.sem_alloc : memref<!tpu.dma_semaphore, #tpu.memory_space<semaphore_mem>>
      %dma_start3A_334 = arith.constant 0 : i32
      %dma_start3A_335 = tpu.memref_slice %arg5[%arg0, %add3A_333, %dma_start3A_334] : memref<2x10240x128xf32, #tpu.memory_space<hbm>> -> memref<1x128x128xf32, #tpu.memory_space<hbm>>
      %dma_start3A_336 = tpu.memref_squeeze %dma_start3A_335 : memref<1x128x128xf32, #tpu.memory_space<hbm>> -> memref<128x128xf32, #tpu.memory_space<hbm>>
      %dma_start3A_337 = arith.constant 0 : i32
      %dma_start3A_338 = tpu.memref_slice %arg5[%arg0, %add3A_333, %dma_start3A_337] : memref<2x10240x128xf32, #tpu.memory_space<hbm>> -> memref<1x128x128xf32, #tpu.memory_space<hbm>>
      %dma_start3A_339 = tpu.memref_squeeze %dma_start3A_338 : memref<1x128x128xf32, #tpu.memory_space<hbm>> -> memref<128x128xf32, #tpu.memory_space<hbm>>
      tpu.enqueue_dma source(%arg10 : memref<128x128xf32, #tpu.memory_space<vmem>>) target(%dma_start3A_339 : memref<128x128xf32, #tpu.memory_space<hbm>>) target_semaphore(%run_scoped3A : memref<!tpu.dma_semaphore, #tpu.memory_space<semaphore_mem>>)
      %dma_wait3A_340 = arith.constant 0 : i32
      %dma_wait3A_341 = tpu.memref_slice %arg5[%arg0, %add3A_333, %dma_wait3A_340] : memref<2x10240x128xf32, #tpu.memory_space<hbm>> -> memref<1x128x128xf32, #tpu.memory_space<hbm>>
      %dma_wait3A_342 = tpu.memref_squeeze %dma_wait3A_341 : memref<1x128x128xf32, #tpu.memory_space<hbm>> -> memref<128x128xf32, #tpu.memory_space<hbm>>
      %dma_wait3A_343 = arith.constant 0 : i32
      %dma_wait3A_344 = tpu.memref_slice %arg5[%arg0, %add3A_333, %dma_wait3A_343] : memref<2x10240x128xf32, #tpu.memory_space<hbm>> -> memref<1x128x128xf32, #tpu.memory_space<hbm>>
      %dma_wait3A_345 = tpu.memref_squeeze %dma_wait3A_344 : memref<1x128x128xf32, #tpu.memory_space<hbm>> -> memref<128x128xf32, #tpu.memory_space<hbm>>
      tpu.wait_dma2 semaphore(%run_scoped3A : memref<!tpu.dma_semaphore, #tpu.memory_space<semaphore_mem>>) src(%arg10 : memref<128x128xf32, #tpu.memory_space<vmem>>) dst(%dma_wait3A_345 : memref<128x128xf32, #tpu.memory_space<hbm>>)
      tpu.yield
    }) : () -> ()
    return
  }
}

#map = affine_map<(d0, d1) -> (0, 0)>
#map1 = affine_map<(d0, d1) -> (0, 0, 0)>
module attributes {stable_mosaic.version = 14 : i64} {
  func.func @_deg_body(%arg0: i32, %arg1: i32, %arg2: memref<2x327680xi32, #tpu.memory_space<hbm>>, %arg3: memref<128x128xf32, #tpu.memory_space<hbm>>, %arg4: memref<2x10240x128xf32, #tpu.memory_space<hbm>>, %arg5: memref<2x128xi32, #tpu.memory_space<vmem>>, %arg6: memref<2x128xi32, #tpu.memory_space<vmem>>, %arg7: memref<2x128xi32, #tpu.memory_space<vmem>>, %arg8: memref<2x128xi32, #tpu.memory_space<vmem>>, %arg9: memref<128x128xf32, #tpu.memory_space<vmem>>, %arg10: memref<128x128xf32, #tpu.memory_space<vmem>>, %arg11: memref<10240x128xf32, #tpu.memory_space<vmem_shared>>, %arg12: memref<!tpu.dma_semaphore, #tpu.memory_space<semaphore_mem>>, %arg13: memref<!tpu.dma_semaphore, #tpu.memory_space<semaphore_mem>>, %arg14: memref<!tpu.dma_semaphore, #tpu.memory_space<semaphore_mem>>, %arg15: memref<!tpu.dma_semaphore, #tpu.memory_space<semaphore_mem>>, %arg16: memref<!tpu.dma_semaphore, #tpu.memory_space<semaphore_mem>>) attributes {dimension_semantics = [#tpu.dimension_semantics<core_parallel>, #tpu.dimension_semantics<subcore_parallel>], iteration_bounds = array<i64: 2, 16>, scalar_prefetch = 0 : i64, scratch_operands = 12 : i64, tpu.core_type = #tpu.core_type<sc_vector_subcore>, window_params = [{transform_indices = #map}, {transform_indices = #map}, {transform_indices = #map1}]} {
    %mul3A = arith.constant 640 : i32
    %mul3A_0 = arith.muli %arg1, %mul3A : i32
    "tpu.region"() ({
      %run_scoped3A = tpu.sem_alloc : memref<!tpu.dma_semaphore, #tpu.memory_space<semaphore_mem>>
      %dma_start3A_237 = arith.constant 0 : i32
      %dma_start3A_238 = arith.constant 0 : i32
      %dma_start3A_239 = tpu.memref_slice %arg3[%dma_start3A_237, %dma_start3A_238] : memref<128x128xf32, #tpu.memory_space<hbm>> -> memref<128x128xf32, #tpu.memory_space<hbm>>
      %dma_start3A_240 = arith.constant 0 : i32
      %dma_start3A_241 = arith.constant 0 : i32
      %dma_start3A_242 = tpu.memref_slice %arg3[%dma_start3A_240, %dma_start3A_241] : memref<128x128xf32, #tpu.memory_space<hbm>> -> memref<128x128xf32, #tpu.memory_space<hbm>>
      tpu.enqueue_dma source(%dma_start3A_242 : memref<128x128xf32, #tpu.memory_space<hbm>>) target(%arg10 : memref<128x128xf32, #tpu.memory_space<vmem>>) target_semaphore(%run_scoped3A : memref<!tpu.dma_semaphore, #tpu.memory_space<semaphore_mem>>)
      %dma_wait3A_243 = arith.constant 0 : i32
      %dma_wait3A_244 = arith.constant 0 : i32
      %dma_wait3A_245 = tpu.memref_slice %arg3[%dma_wait3A_243, %dma_wait3A_244] : memref<128x128xf32, #tpu.memory_space<hbm>> -> memref<128x128xf32, #tpu.memory_space<hbm>>
      %dma_wait3A_246 = arith.constant 0 : i32
      %dma_wait3A_247 = arith.constant 0 : i32
      %dma_wait3A_248 = tpu.memref_slice %arg3[%dma_wait3A_246, %dma_wait3A_247] : memref<128x128xf32, #tpu.memory_space<hbm>> -> memref<128x128xf32, #tpu.memory_space<hbm>>
      tpu.wait_dma2 semaphore(%run_scoped3A : memref<!tpu.dma_semaphore, #tpu.memory_space<semaphore_mem>>) src(%dma_wait3A_248 : memref<128x128xf32, #tpu.memory_space<hbm>>) dst(%arg10 : memref<128x128xf32, #tpu.memory_space<vmem>>)
      tpu.yield
    }) : () -> ()
    %add3A = arith.constant 0 : i32
    %add3A_1 = arith.addi %mul3A_0, %add3A : i32
    "tpu.region"() ({
      %run_scoped3A = tpu.sem_alloc : memref<!tpu.dma_semaphore, #tpu.memory_space<semaphore_mem>>
      %dma_start3A_237 = arith.constant 0 : i32
      %dma_start3A_238 = tpu.memref_slice %arg11[%add3A_1, %dma_start3A_237] : memref<10240x128xf32, #tpu.memory_space<vmem_shared>> -> memref<128x128xf32, #tpu.memory_space<vmem_shared>>
      %dma_start3A_239 = arith.constant 0 : i32
      %dma_start3A_240 = tpu.memref_slice %arg11[%add3A_1, %dma_start3A_239] : memref<10240x128xf32, #tpu.memory_space<vmem_shared>> -> memref<128x128xf32, #tpu.memory_space<vmem_shared>>
      tpu.enqueue_dma source(%arg10 : memref<128x128xf32, #tpu.memory_space<vmem>>) target(%dma_start3A_240 : memref<128x128xf32, #tpu.memory_space<vmem_shared>>) target_semaphore(%run_scoped3A : memref<!tpu.dma_semaphore, #tpu.memory_space<semaphore_mem>>)
      %dma_wait3A_241 = arith.constant 0 : i32
      %dma_wait3A_242 = tpu.memref_slice %arg11[%add3A_1, %dma_wait3A_241] : memref<10240x128xf32, #tpu.memory_space<vmem_shared>> -> memref<128x128xf32, #tpu.memory_space<vmem_shared>>
      %dma_wait3A_243 = arith.constant 0 : i32
      %dma_wait3A_244 = tpu.memref_slice %arg11[%add3A_1, %dma_wait3A_243] : memref<10240x128xf32, #tpu.memory_space<vmem_shared>> -> memref<128x128xf32, #tpu.memory_space<vmem_shared>>
      tpu.wait_dma2 semaphore(%run_scoped3A : memref<!tpu.dma_semaphore, #tpu.memory_space<semaphore_mem>>) src(%arg10 : memref<128x128xf32, #tpu.memory_space<vmem>>) dst(%dma_wait3A_244 : memref<128x128xf32, #tpu.memory_space<vmem_shared>>)
      tpu.yield
    }) : () -> ()
    %add3A_2 = arith.constant 128 : i32
    %add3A_3 = arith.addi %mul3A_0, %add3A_2 : i32
    "tpu.region"() ({
      %run_scoped3A = tpu.sem_alloc : memref<!tpu.dma_semaphore, #tpu.memory_space<semaphore_mem>>
      %dma_start3A_237 = arith.constant 0 : i32
      %dma_start3A_238 = tpu.memref_slice %arg11[%add3A_3, %dma_start3A_237] : memref<10240x128xf32, #tpu.memory_space<vmem_shared>> -> memref<128x128xf32, #tpu.memory_space<vmem_shared>>
      %dma_start3A_239 = arith.constant 0 : i32
      %dma_start3A_240 = tpu.memref_slice %arg11[%add3A_3, %dma_start3A_239] : memref<10240x128xf32, #tpu.memory_space<vmem_shared>> -> memref<128x128xf32, #tpu.memory_space<vmem_shared>>
      tpu.enqueue_dma source(%arg10 : memref<128x128xf32, #tpu.memory_space<vmem>>) target(%dma_start3A_240 : memref<128x128xf32, #tpu.memory_space<vmem_shared>>) target_semaphore(%run_scoped3A : memref<!tpu.dma_semaphore, #tpu.memory_space<semaphore_mem>>)
      %dma_wait3A_241 = arith.constant 0 : i32
      %dma_wait3A_242 = tpu.memref_slice %arg11[%add3A_3, %dma_wait3A_241] : memref<10240x128xf32, #tpu.memory_space<vmem_shared>> -> memref<128x128xf32, #tpu.memory_space<vmem_shared>>
      %dma_wait3A_243 = arith.constant 0 : i32
      %dma_wait3A_244 = tpu.memref_slice %arg11[%add3A_3, %dma_wait3A_243] : memref<10240x128xf32, #tpu.memory_space<vmem_shared>> -> memref<128x128xf32, #tpu.memory_space<vmem_shared>>
      tpu.wait_dma2 semaphore(%run_scoped3A : memref<!tpu.dma_semaphore, #tpu.memory_space<semaphore_mem>>) src(%arg10 : memref<128x128xf32, #tpu.memory_space<vmem>>) dst(%dma_wait3A_244 : memref<128x128xf32, #tpu.memory_space<vmem_shared>>)
      tpu.yield
    }) : () -> ()
    %add3A_4 = arith.constant 256 : i32
    %add3A_5 = arith.addi %mul3A_0, %add3A_4 : i32
    "tpu.region"() ({
      %run_scoped3A = tpu.sem_alloc : memref<!tpu.dma_semaphore, #tpu.memory_space<semaphore_mem>>
      %dma_start3A_237 = arith.constant 0 : i32
      %dma_start3A_238 = tpu.memref_slice %arg11[%add3A_5, %dma_start3A_237] : memref<10240x128xf32, #tpu.memory_space<vmem_shared>> -> memref<128x128xf32, #tpu.memory_space<vmem_shared>>
      %dma_start3A_239 = arith.constant 0 : i32
      %dma_start3A_240 = tpu.memref_slice %arg11[%add3A_5, %dma_start3A_239] : memref<10240x128xf32, #tpu.memory_space<vmem_shared>> -> memref<128x128xf32, #tpu.memory_space<vmem_shared>>
      tpu.enqueue_dma source(%arg10 : memref<128x128xf32, #tpu.memory_space<vmem>>) target(%dma_start3A_240 : memref<128x128xf32, #tpu.memory_space<vmem_shared>>) target_semaphore(%run_scoped3A : memref<!tpu.dma_semaphore, #tpu.memory_space<semaphore_mem>>)
      %dma_wait3A_241 = arith.constant 0 : i32
      %dma_wait3A_242 = tpu.memref_slice %arg11[%add3A_5, %dma_wait3A_241] : memref<10240x128xf32, #tpu.memory_space<vmem_shared>> -> memref<128x128xf32, #tpu.memory_space<vmem_shared>>
      %dma_wait3A_243 = arith.constant 0 : i32
      %dma_wait3A_244 = tpu.memref_slice %arg11[%add3A_5, %dma_wait3A_243] : memref<10240x128xf32, #tpu.memory_space<vmem_shared>> -> memref<128x128xf32, #tpu.memory_space<vmem_shared>>
      tpu.wait_dma2 semaphore(%run_scoped3A : memref<!tpu.dma_semaphore, #tpu.memory_space<semaphore_mem>>) src(%arg10 : memref<128x128xf32, #tpu.memory_space<vmem>>) dst(%dma_wait3A_244 : memref<128x128xf32, #tpu.memory_space<vmem_shared>>)
      tpu.yield
    }) : () -> ()
    %add3A_6 = arith.constant 384 : i32
    %add3A_7 = arith.addi %mul3A_0, %add3A_6 : i32
    "tpu.region"() ({
      %run_scoped3A = tpu.sem_alloc : memref<!tpu.dma_semaphore, #tpu.memory_space<semaphore_mem>>
      %dma_start3A_237 = arith.constant 0 : i32
      %dma_start3A_238 = tpu.memref_slice %arg11[%add3A_7, %dma_start3A_237] : memref<10240x128xf32, #tpu.memory_space<vmem_shared>> -> memref<128x128xf32, #tpu.memory_space<vmem_shared>>
      %dma_start3A_239 = arith.constant 0 : i32
      %dma_start3A_240 = tpu.memref_slice %arg11[%add3A_7, %dma_start3A_239] : memref<10240x128xf32, #tpu.memory_space<vmem_shared>> -> memref<128x128xf32, #tpu.memory_space<vmem_shared>>
      tpu.enqueue_dma source(%arg10 : memref<128x128xf32, #tpu.memory_space<vmem>>) target(%dma_start3A_240 : memref<128x128xf32, #tpu.memory_space<vmem_shared>>) target_semaphore(%run_scoped3A : memref<!tpu.dma_semaphore, #tpu.memory_space<semaphore_mem>>)
      %dma_wait3A_241 = arith.constant 0 : i32
      %dma_wait3A_242 = tpu.memref_slice %arg11[%add3A_7, %dma_wait3A_241] : memref<10240x128xf32, #tpu.memory_space<vmem_shared>> -> memref<128x128xf32, #tpu.memory_space<vmem_shared>>
      %dma_wait3A_243 = arith.constant 0 : i32
      %dma_wait3A_244 = tpu.memref_slice %arg11[%add3A_7, %dma_wait3A_243] : memref<10240x128xf32, #tpu.memory_space<vmem_shared>> -> memref<128x128xf32, #tpu.memory_space<vmem_shared>>
      tpu.wait_dma2 semaphore(%run_scoped3A : memref<!tpu.dma_semaphore, #tpu.memory_space<semaphore_mem>>) src(%arg10 : memref<128x128xf32, #tpu.memory_space<vmem>>) dst(%dma_wait3A_244 : memref<128x128xf32, #tpu.memory_space<vmem_shared>>)
      tpu.yield
    }) : () -> ()
    %add3A_8 = arith.constant 512 : i32
    %add3A_9 = arith.addi %mul3A_0, %add3A_8 : i32
    "tpu.region"() ({
      %run_scoped3A = tpu.sem_alloc : memref<!tpu.dma_semaphore, #tpu.memory_space<semaphore_mem>>
      %dma_start3A_237 = arith.constant 0 : i32
      %dma_start3A_238 = tpu.memref_slice %arg11[%add3A_9, %dma_start3A_237] : memref<10240x128xf32, #tpu.memory_space<vmem_shared>> -> memref<128x128xf32, #tpu.memory_space<vmem_shared>>
      %dma_start3A_239 = arith.constant 0 : i32
      %dma_start3A_240 = tpu.memref_slice %arg11[%add3A_9, %dma_start3A_239] : memref<10240x128xf32, #tpu.memory_space<vmem_shared>> -> memref<128x128xf32, #tpu.memory_space<vmem_shared>>
      tpu.enqueue_dma source(%arg10 : memref<128x128xf32, #tpu.memory_space<vmem>>) target(%dma_start3A_240 : memref<128x128xf32, #tpu.memory_space<vmem_shared>>) target_semaphore(%run_scoped3A : memref<!tpu.dma_semaphore, #tpu.memory_space<semaphore_mem>>)
      %dma_wait3A_241 = arith.constant 0 : i32
      %dma_wait3A_242 = tpu.memref_slice %arg11[%add3A_9, %dma_wait3A_241] : memref<10240x128xf32, #tpu.memory_space<vmem_shared>> -> memref<128x128xf32, #tpu.memory_space<vmem_shared>>
      %dma_wait3A_243 = arith.constant 0 : i32
      %dma_wait3A_244 = tpu.memref_slice %arg11[%add3A_9, %dma_wait3A_243] : memref<10240x128xf32, #tpu.memory_space<vmem_shared>> -> memref<128x128xf32, #tpu.memory_space<vmem_shared>>
      tpu.wait_dma2 semaphore(%run_scoped3A : memref<!tpu.dma_semaphore, #tpu.memory_space<semaphore_mem>>) src(%arg10 : memref<128x128xf32, #tpu.memory_space<vmem>>) dst(%dma_wait3A_244 : memref<128x128xf32, #tpu.memory_space<vmem_shared>>)
      tpu.yield
    }) : () -> ()
    %broadcast_in_dim3A = arith.constant 1.000000e+00 : f32
    %broadcast_in_dim3A_10 = vector.broadcast %broadcast_in_dim3A : f32 to vector<16xf32>
    %scan3A = arith.constant 0 : i32
    %scan3A_11 = arith.constant 0 : i32
    %scan3A_12 = arith.constant 1024 : i32
    %scan3A_13 = arith.addi %scan3A_11, %scan3A_12 : i32
    %scan3A_14 = arith.constant 1 : i32
    scf.for %scan3A_237 = %scan3A_11 to %scan3A_13 step %scan3A_14  : i32 {
      %jit3A = arith.constant 8 : i32
      %div3A = arith.divsi %scan3A_237, %jit3A : i32
      %sign3A = arith.constant 0 : i32
      %sign3A_238 = arith.cmpi sgt, %scan3A_237, %sign3A : i32
      %sign3A_239 = arith.extui %sign3A_238 : i1 to i32
      %sign3A_240 = arith.constant 0 : i32
      %sign3A_241 = arith.cmpi slt, %scan3A_237, %sign3A_240 : i32
      %sign3A_242 = arith.extui %sign3A_241 : i1 to i32
      %sign3A_243 = arith.subi %sign3A_239, %sign3A_242 : i32
      %sign3A_244 = arith.constant 0 : i32
      %sign3A_245 = arith.cmpi sgt, %jit3A, %sign3A_244 : i32
      %sign3A_246 = arith.extui %sign3A_245 : i1 to i32
      %sign3A_247 = arith.constant 0 : i32
      %sign3A_248 = arith.cmpi slt, %jit3A, %sign3A_247 : i32
      %sign3A_249 = arith.extui %sign3A_248 : i1 to i32
      %sign3A_250 = arith.subi %sign3A_246, %sign3A_249 : i32
      %ne3A = arith.cmpi ne, %sign3A_243, %sign3A_250 : i32
      %rem3A = arith.remsi %scan3A_237, %jit3A : i32
      %ne3A_251 = arith.constant 0 : i32
      %ne3A_252 = arith.cmpi ne, %rem3A, %ne3A_251 : i32
      %and3A = arith.andi %ne3A, %ne3A_252 : i1
      %sub3A = arith.constant 1 : i32
      %sub3A_253 = arith.subi %div3A, %sub3A : i32
      %select_n3A = arith.select %and3A, %sub3A_253, %div3A : i32
      %jit3A_254 = arith.constant 8 : i32
      %eq3A = arith.constant 0 : i32
      %eq3A_255 = arith.cmpi eq, %jit3A_254, %eq3A : i32
      %jit3A_256 = arith.constant 1 : i32
      %select_n3A_257 = arith.select %eq3A_255, %jit3A_256, %jit3A_254 : i32
      %rem3A_258 = arith.remsi %scan3A_237, %select_n3A_257 : i32
      %ne3A_259 = arith.constant 0 : i32
      %ne3A_260 = arith.cmpi ne, %rem3A_258, %ne3A_259 : i32
      %lt3A = arith.constant 0 : i32
      %lt3A_261 = arith.cmpi slt, %rem3A_258, %lt3A : i32
      %lt3A_262 = arith.constant 0 : i32
      %lt3A_263 = arith.cmpi slt, %select_n3A_257, %lt3A_262 : i32
      %ne3A_264 = arith.xori %lt3A_261, %lt3A_263 : i1
      %and3A_265 = arith.andi %ne3A_264, %ne3A_260 : i1
      %add3A_266 = arith.addi %rem3A_258, %select_n3A_257 : i32
      %select_n3A_267 = arith.select %and3A_265, %add3A_266, %rem3A_258 : i32
      %mul3A_268 = arith.constant 16 : i32
      %mul3A_269 = arith.muli %select_n3A_267, %mul3A_268 : i32
      %swap3A = arith.index_cast %select_n3A : i32 to index
      %swap3A_270 = arith.index_cast %mul3A_269 : i32 to index
      %swap3A_271 = tpu.vector_load %arg9[%swap3A, %swap3A_270] {strides = array<i32>} : memref<128x128xf32, #tpu.memory_space<vmem>>, vector<1x16xf32>,
      %swap3A_272 = vector.shape_cast %swap3A_271 : vector<1x16xf32> to vector<16xf32>
      %swap3A_273 = vector.shape_cast %broadcast_in_dim3A_10 : vector<16xf32> to vector<1x16xf32>
      tpu.vector_store %arg9[%swap3A, %swap3A_270], %swap3A_273 {strides = array<i32>} : memref<128x128xf32, #tpu.memory_space<vmem>>, vector<1x16xf32>,
    }
    %scan3A_15 = arith.constant 1024 : i32
    %barrier3A = arith.constant 0 : index
    tpu.barrier barrier_id(%barrier3A)
    %mul3A_16 = arith.constant 16 : i32
    %mul3A_17 = arith.muli %arg0, %mul3A_16 : i32
    %add3A_18 = arith.addi %mul3A_17, %arg1 : i32
    %mul3A_19 = arith.constant 10240 : i32
    %mul3A_20 = arith.muli %add3A_18, %mul3A_19 : i32
    %add3A_21 = arith.constant 0 : i32
    %add3A_22 = arith.addi %mul3A_20, %add3A_21 : i32
    %dma_start3A = arith.constant 0 : i32
    %dma_start3A_23 = tpu.memref_slice %arg2[%dma_start3A, %add3A_22] : memref<2x327680xi32, #tpu.memory_space<hbm>> -> memref<2x128xi32, #tpu.memory_space<hbm>>
    %dma_start3A_24 = arith.constant 0 : i32
    %dma_start3A_25 = tpu.memref_slice %arg2[%dma_start3A_24, %add3A_22] : memref<2x327680xi32, #tpu.memory_space<hbm>> -> memref<2x128xi32, #tpu.memory_space<hbm>>
    tpu.enqueue_dma source(%dma_start3A_25 : memref<2x128xi32, #tpu.memory_space<hbm>>) target(%arg5 : memref<2x128xi32, #tpu.memory_space<vmem>>) target_semaphore(%arg12 : memref<!tpu.dma_semaphore, #tpu.memory_space<semaphore_mem>>)
    %add3A_26 = arith.constant 128 : i32
    %add3A_27 = arith.addi %mul3A_20, %add3A_26 : i32
    %dma_start3A_28 = arith.constant 0 : i32
    %dma_start3A_29 = tpu.memref_slice %arg2[%dma_start3A_28, %add3A_27] : memref<2x327680xi32, #tpu.memory_space<hbm>> -> memref<2x128xi32, #tpu.memory_space<hbm>>
    %dma_start3A_30 = arith.constant 0 : i32
    %dma_start3A_31 = tpu.memref_slice %arg2[%dma_start3A_30, %add3A_27] : memref<2x327680xi32, #tpu.memory_space<hbm>> -> memref<2x128xi32, #tpu.memory_space<hbm>>
    tpu.enqueue_dma source(%dma_start3A_31 : memref<2x128xi32, #tpu.memory_space<hbm>>) target(%arg6 : memref<2x128xi32, #tpu.memory_space<vmem>>) target_semaphore(%arg13 : memref<!tpu.dma_semaphore, #tpu.memory_space<semaphore_mem>>)
    %add3A_32 = arith.constant 256 : i32
    %add3A_33 = arith.addi %mul3A_20, %add3A_32 : i32
    %dma_start3A_34 = arith.constant 0 : i32
    %dma_start3A_35 = tpu.memref_slice %arg2[%dma_start3A_34, %add3A_33] : memref<2x327680xi32, #tpu.memory_space<hbm>> -> memref<2x128xi32, #tpu.memory_space<hbm>>
    %dma_start3A_36 = arith.constant 0 : i32
    %dma_start3A_37 = tpu.memref_slice %arg2[%dma_start3A_36, %add3A_33] : memref<2x327680xi32, #tpu.memory_space<hbm>> -> memref<2x128xi32, #tpu.memory_space<hbm>>
    tpu.enqueue_dma source(%dma_start3A_37 : memref<2x128xi32, #tpu.memory_space<hbm>>) target(%arg7 : memref<2x128xi32, #tpu.memory_space<vmem>>) target_semaphore(%arg14 : memref<!tpu.dma_semaphore, #tpu.memory_space<semaphore_mem>>)
    %dma_wait3A = arith.constant 0 : i32
    %dma_wait3A_38 = arith.constant 0 : i32
    %dma_wait3A_39 = tpu.memref_slice %arg2[%dma_wait3A, %dma_wait3A_38] : memref<2x327680xi32, #tpu.memory_space<hbm>> -> memref<2x128xi32, #tpu.memory_space<hbm>>
    %dma_wait3A_40 = arith.constant 0 : i32
    %dma_wait3A_41 = arith.constant 0 : i32
    %dma_wait3A_42 = tpu.memref_slice %arg2[%dma_wait3A_40, %dma_wait3A_41] : memref<2x327680xi32, #tpu.memory_space<hbm>> -> memref<2x128xi32, #tpu.memory_space<hbm>>
    tpu.wait_dma2 semaphore(%arg12 : memref<!tpu.dma_semaphore, #tpu.memory_space<semaphore_mem>>) src(%dma_wait3A_42 : memref<2x128xi32, #tpu.memory_space<hbm>>) dst(%arg5 : memref<2x128xi32, #tpu.memory_space<vmem>>)
    %dma_start3A_43 = arith.constant 1 : i32
    %dma_start3A_44 = arith.constant 0 : i32
    %dma_start3A_45 = tpu.memref_slice %arg5[%dma_start3A_43, %dma_start3A_44] : memref<2x128xi32, #tpu.memory_space<vmem>> -> memref<1x128xi32, #tpu.memory_space<vmem>>
    %dma_start3A_46 = tpu.memref_squeeze %dma_start3A_45 : memref<1x128xi32, #tpu.memory_space<vmem>> -> memref<128xi32, #tpu.memory_space<vmem>>
    %dma_start3A_47 = arith.constant 0 : i32
    %dma_start3A_48 = arith.constant 0 : i32
    %dma_start3A_49 = tpu.memref_slice %arg11[%dma_start3A_47, %dma_start3A_48] : memref<10240x128xf32, #tpu.memory_space<vmem_shared>> -> memref<10240x128xf32, #tpu.memory_space<vmem_shared>>
    tpu.enqueue_indirect_dma source(%arg9 : memref<128x128xf32, #tpu.memory_space<vmem>>) target(%dma_start3A_49 : memref<10240x128xf32, #tpu.memory_space<vmem_shared>>) offsets(%dma_start3A_46 : memref<128xi32, #tpu.memory_space<vmem>>) semaphore(%arg16 : memref<!tpu.dma_semaphore, #tpu.memory_space<semaphore_mem>>) {add = true}
    %add3A_50 = arith.constant 384 : i32
    %add3A_51 = arith.addi %mul3A_20, %add3A_50 : i32
    %dma_start3A_52 = arith.constant 0 : i32
    %dma_start3A_53 = tpu.memref_slice %arg2[%dma_start3A_52, %add3A_51] : memref<2x327680xi32, #tpu.memory_space<hbm>> -> memref<2x128xi32, #tpu.memory_space<hbm>>
    %dma_start3A_54 = arith.constant 0 : i32
    %dma_start3A_55 = tpu.memref_slice %arg2[%dma_start3A_54, %add3A_51] : memref<2x327680xi32, #tpu.memory_space<hbm>> -> memref<2x128xi32, #tpu.memory_space<hbm>>
    tpu.enqueue_dma source(%dma_start3A_55 : memref<2x128xi32, #tpu.memory_space<hbm>>) target(%arg8 : memref<2x128xi32, #tpu.memory_space<vmem>>) target_semaphore(%arg15 : memref<!tpu.dma_semaphore, #tpu.memory_space<semaphore_mem>>)
    %dma_wait3A_56 = arith.constant 0 : i32
    %dma_wait3A_57 = arith.constant 0 : i32
    %dma_wait3A_58 = tpu.memref_slice %arg2[%dma_wait3A_56, %dma_wait3A_57] : memref<2x327680xi32, #tpu.memory_space<hbm>> -> memref<2x128xi32, #tpu.memory_space<hbm>>
    %dma_wait3A_59 = arith.constant 0 : i32
    %dma_wait3A_60 = arith.constant 0 : i32
    %dma_wait3A_61 = tpu.memref_slice %arg2[%dma_wait3A_59, %dma_wait3A_60] : memref<2x327680xi32, #tpu.memory_space<hbm>> -> memref<2x128xi32, #tpu.memory_space<hbm>>
    tpu.wait_dma2 semaphore(%arg13 : memref<!tpu.dma_semaphore, #tpu.memory_space<semaphore_mem>>) src(%dma_wait3A_61 : memref<2x128xi32, #tpu.memory_space<hbm>>) dst(%arg6 : memref<2x128xi32, #tpu.memory_space<vmem>>)
    %dma_wait3A_62 = arith.constant 0 : i32
    %dma_wait3A_63 = arith.constant 0 : i32
    %dma_wait3A_64 = tpu.memref_slice %arg11[%dma_wait3A_62, %dma_wait3A_63] : memref<10240x128xf32, #tpu.memory_space<vmem_shared>> -> memref<128x128xf32, #tpu.memory_space<vmem_shared>>
    %dma_wait3A_65 = arith.constant 0 : i32
    %dma_wait3A_66 = arith.constant 0 : i32
    %dma_wait3A_67 = tpu.memref_slice %arg11[%dma_wait3A_65, %dma_wait3A_66] : memref<10240x128xf32, #tpu.memory_space<vmem_shared>> -> memref<128x128xf32, #tpu.memory_space<vmem_shared>>
    tpu.wait_dma2 semaphore(%arg16 : memref<!tpu.dma_semaphore, #tpu.memory_space<semaphore_mem>>) src(%arg9 : memref<128x128xf32, #tpu.memory_space<vmem>>) dst(%dma_wait3A_67 : memref<128x128xf32, #tpu.memory_space<vmem_shared>>)
    %dma_start3A_68 = arith.constant 1 : i32
    %dma_start3A_69 = arith.constant 0 : i32
    %dma_start3A_70 = tpu.memref_slice %arg6[%dma_start3A_68, %dma_start3A_69] : memref<2x128xi32, #tpu.memory_space<vmem>> -> memref<1x128xi32, #tpu.memory_space<vmem>>
    %dma_start3A_71 = tpu.memref_squeeze %dma_start3A_70 : memref<1x128xi32, #tpu.memory_space<vmem>> -> memref<128xi32, #tpu.memory_space<vmem>>
    %dma_start3A_72 = arith.constant 0 : i32
    %dma_start3A_73 = arith.constant 0 : i32
    %dma_start3A_74 = tpu.memref_slice %arg11[%dma_start3A_72, %dma_start3A_73] : memref<10240x128xf32, #tpu.memory_space<vmem_shared>> -> memref<10240x128xf32, #tpu.memory_space<vmem_shared>>
    tpu.enqueue_indirect_dma source(%arg9 : memref<128x128xf32, #tpu.memory_space<vmem>>) target(%dma_start3A_74 : memref<10240x128xf32, #tpu.memory_space<vmem_shared>>) offsets(%dma_start3A_71 : memref<128xi32, #tpu.memory_space<vmem>>) semaphore(%arg16 : memref<!tpu.dma_semaphore, #tpu.memory_space<semaphore_mem>>) {add = true}
    %add3A_75 = arith.constant 512 : i32
    %add3A_76 = arith.addi %mul3A_20, %add3A_75 : i32
    %dma_start3A_77 = arith.constant 0 : i32
    %dma_start3A_78 = tpu.memref_slice %arg2[%dma_start3A_77, %add3A_76] : memref<2x327680xi32, #tpu.memory_space<hbm>> -> memref<2x128xi32, #tpu.memory_space<hbm>>
    %dma_start3A_79 = arith.constant 0 : i32
    %dma_start3A_80 = tpu.memref_slice %arg2[%dma_start3A_79, %add3A_76] : memref<2x327680xi32, #tpu.memory_space<hbm>> -> memref<2x128xi32, #tpu.memory_space<hbm>>
    tpu.enqueue_dma source(%dma_start3A_80 : memref<2x128xi32, #tpu.memory_space<hbm>>) target(%arg5 : memref<2x128xi32, #tpu.memory_space<vmem>>) target_semaphore(%arg12 : memref<!tpu.dma_semaphore, #tpu.memory_space<semaphore_mem>>)
    %dma_wait3A_81 = arith.constant 0 : i32
    %dma_wait3A_82 = arith.constant 0 : i32
    %dma_wait3A_83 = tpu.memref_slice %arg2[%dma_wait3A_81, %dma_wait3A_82] : memref<2x327680xi32, #tpu.memory_space<hbm>> -> memref<2x128xi32, #tpu.memory_space<hbm>>
    %dma_wait3A_84 = arith.constant 0 : i32
    %dma_wait3A_85 = arith.constant 0 : i32
    %dma_wait3A_86 = tpu.memref_slice %arg2[%dma_wait3A_84, %dma_wait3A_85] : memref<2x327680xi32, #tpu.memory_space<hbm>> -> memref<2x128xi32, #tpu.memory_space<hbm>>
    tpu.wait_dma2 semaphore(%arg14 : memref<!tpu.dma_semaphore, #tpu.memory_space<semaphore_mem>>) src(%dma_wait3A_86 : memref<2x128xi32, #tpu.memory_space<hbm>>) dst(%arg7 : memref<2x128xi32, #tpu.memory_space<vmem>>)
    %dma_wait3A_87 = arith.constant 0 : i32
    %dma_wait3A_88 = arith.constant 0 : i32
    %dma_wait3A_89 = tpu.memref_slice %arg11[%dma_wait3A_87, %dma_wait3A_88] : memref<10240x128xf32, #tpu.memory_space<vmem_shared>> -> memref<128x128xf32, #tpu.memory_space<vmem_shared>>
    %dma_wait3A_90 = arith.constant 0 : i32
    %dma_wait3A_91 = arith.constant 0 : i32
    %dma_wait3A_92 = tpu.memref_slice %arg11[%dma_wait3A_90, %dma_wait3A_91] : memref<10240x128xf32, #tpu.memory_space<vmem_shared>> -> memref<128x128xf32, #tpu.memory_space<vmem_shared>>
    tpu.wait_dma2 semaphore(%arg16 : memref<!tpu.dma_semaphore, #tpu.memory_space<semaphore_mem>>) src(%arg9 : memref<128x128xf32, #tpu.memory_space<vmem>>) dst(%dma_wait3A_92 : memref<128x128xf32, #tpu.memory_space<vmem_shared>>)
    %dma_start3A_93 = arith.constant 1 : i32
    %dma_start3A_94 = arith.constant 0 : i32
    %dma_start3A_95 = tpu.memref_slice %arg7[%dma_start3A_93, %dma_start3A_94] : memref<2x128xi32, #tpu.memory_space<vmem>> -> memref<1x128xi32, #tpu.memory_space<vmem>>
    %dma_start3A_96 = tpu.memref_squeeze %dma_start3A_95 : memref<1x128xi32, #tpu.memory_space<vmem>> -> memref<128xi32, #tpu.memory_space<vmem>>
    %dma_start3A_97 = arith.constant 0 : i32
    %dma_start3A_98 = arith.constant 0 : i32
    %dma_start3A_99 = tpu.memref_slice %arg11[%dma_start3A_97, %dma_start3A_98] : memref<10240x128xf32, #tpu.memory_space<vmem_shared>> -> memref<10240x128xf32, #tpu.memory_space<vmem_shared>>
    tpu.enqueue_indirect_dma source(%arg9 : memref<128x128xf32, #tpu.memory_space<vmem>>) target(%dma_start3A_99 : memref<10240x128xf32, #tpu.memory_space<vmem_shared>>) offsets(%dma_start3A_96 : memref<128xi32, #tpu.memory_space<vmem>>) semaphore(%arg16 : memref<!tpu.dma_semaphore, #tpu.memory_space<semaphore_mem>>) {add = true}
    %add3A_100 = arith.constant 640 : i32
    %add3A_101 = arith.addi %mul3A_20, %add3A_100 : i32
    %dma_start3A_102 = arith.constant 0 : i32
    %dma_start3A_103 = tpu.memref_slice %arg2[%dma_start3A_102, %add3A_101] : memref<2x327680xi32, #tpu.memory_space<hbm>> -> memref<2x128xi32, #tpu.memory_space<hbm>>
    %dma_start3A_104 = arith.constant 0 : i32
    %dma_start3A_105 = tpu.memref_slice %arg2[%dma_start3A_104, %add3A_101] : memref<2x327680xi32, #tpu.memory_space<hbm>> -> memref<2x128xi32, #tpu.memory_space<hbm>>
    tpu.enqueue_dma source(%dma_start3A_105 : memref<2x128xi32, #tpu.memory_space<hbm>>) target(%arg6 : memref<2x128xi32, #tpu.memory_space<vmem>>) target_semaphore(%arg13 : memref<!tpu.dma_semaphore, #tpu.memory_space<semaphore_mem>>)
    %dma_wait3A_106 = arith.constant 0 : i32
    %dma_wait3A_107 = arith.constant 0 : i32
    %dma_wait3A_108 = tpu.memref_slice %arg2[%dma_wait3A_106, %dma_wait3A_107] : memref<2x327680xi32, #tpu.memory_space<hbm>> -> memref<2x128xi32, #tpu.memory_space<hbm>>
    %dma_wait3A_109 = arith.constant 0 : i32
    %dma_wait3A_110 = arith.constant 0 : i32
    %dma_wait3A_111 = tpu.memref_slice %arg2[%dma_wait3A_109, %dma_wait3A_110] : memref<2x327680xi32, #tpu.memory_space<hbm>> -> memref<2x128xi32, #tpu.memory_space<hbm>>
    tpu.wait_dma2 semaphore(%arg15 : memref<!tpu.dma_semaphore, #tpu.memory_space<semaphore_mem>>) src(%dma_wait3A_111 : memref<2x128xi32, #tpu.memory_space<hbm>>) dst(%arg8 : memref<2x128xi32, #tpu.memory_space<vmem>>)
    %dma_wait3A_112 = arith.constant 0 : i32
    %dma_wait3A_113 = arith.constant 0 : i32
    %dma_wait3A_114 = tpu.memref_slice %arg11[%dma_wait3A_112, %dma_wait3A_113] : memref<10240x128xf32, #tpu.memory_space<vmem_shared>> -> memref<128x128xf32, #tpu.memory_space<vmem_shared>>
    %dma_wait3A_115 = arith.constant 0 : i32
    %dma_wait3A_116 = arith.constant 0 : i32
    %dma_wait3A_117 = tpu.memref_slice %arg11[%dma_wait3A_115, %dma_wait3A_116] : memref<10240x128xf32, #tpu.memory_space<vmem_shared>> -> memref<128x128xf32, #tpu.memory_space<vmem_shared>>
    tpu.wait_dma2 semaphore(%arg16 : memref<!tpu.dma_semaphore, #tpu.memory_space<semaphore_mem>>) src(%arg9 : memref<128x128xf32, #tpu.memory_space<vmem>>) dst(%dma_wait3A_117 : memref<128x128xf32, #tpu.memory_space<vmem_shared>>)
    %dma_start3A_118 = arith.constant 1 : i32
    %dma_start3A_119 = arith.constant 0 : i32
    %dma_start3A_120 = tpu.memref_slice %arg8[%dma_start3A_118, %dma_start3A_119] : memref<2x128xi32, #tpu.memory_space<vmem>> -> memref<1x128xi32, #tpu.memory_space<vmem>>
    %dma_start3A_121 = tpu.memref_squeeze %dma_start3A_120 : memref<1x128xi32, #tpu.memory_space<vmem>> -> memref<128xi32, #tpu.memory_space<vmem>>
    %dma_start3A_122 = arith.constant 0 : i32
    %dma_start3A_123 = arith.constant 0 : i32
    %dma_start3A_124 = tpu.memref_slice %arg11[%dma_start3A_122, %dma_start3A_123] : memref<10240x128xf32, #tpu.memory_space<vmem_shared>> -> memref<10240x128xf32, #tpu.memory_space<vmem_shared>>
    tpu.enqueue_indirect_dma source(%arg9 : memref<128x128xf32, #tpu.memory_space<vmem>>) target(%dma_start3A_124 : memref<10240x128xf32, #tpu.memory_space<vmem_shared>>) offsets(%dma_start3A_121 : memref<128xi32, #tpu.memory_space<vmem>>) semaphore(%arg16 : memref<!tpu.dma_semaphore, #tpu.memory_space<semaphore_mem>>) {add = true}
    %add3A_125 = arith.constant 768 : i32
    %add3A_126 = arith.addi %mul3A_20, %add3A_125 : i32
    %dma_start3A_127 = arith.constant 0 : i32
    %dma_start3A_128 = tpu.memref_slice %arg2[%dma_start3A_127, %add3A_126] : memref<2x327680xi32, #tpu.memory_space<hbm>> -> memref<2x128xi32, #tpu.memory_space<hbm>>
    %dma_start3A_129 = arith.constant 0 : i32
    %dma_start3A_130 = tpu.memref_slice %arg2[%dma_start3A_129, %add3A_126] : memref<2x327680xi32, #tpu.memory_space<hbm>> -> memref<2x128xi32, #tpu.memory_space<hbm>>
    tpu.enqueue_dma source(%dma_start3A_130 : memref<2x128xi32, #tpu.memory_space<hbm>>) target(%arg7 : memref<2x128xi32, #tpu.memory_space<vmem>>) target_semaphore(%arg14 : memref<!tpu.dma_semaphore, #tpu.memory_space<semaphore_mem>>)
    %scan3A_131 = arith.constant 0 : i32
    %scan3A_132 = arith.constant 18 : i32
    %scan3A_133 = arith.addi %scan3A_131, %scan3A_132 : i32
    %scan3A_134 = arith.constant 1 : i32
    scf.for %scan3A_237 = %scan3A_131 to %scan3A_133 step %scan3A_134  : i32 {
      %mul3A_238 = arith.constant 1 : i32
      %mul3A_239 = arith.muli %scan3A_237, %mul3A_238 : i32
      %add3A_240 = arith.constant 1 : i32
      %add3A_241 = arith.addi %add3A_240, %mul3A_239 : i32
      %mul3A_242 = arith.constant 4 : i32
      %mul3A_243 = arith.muli %add3A_241, %mul3A_242 : i32
      %add3A_244 = arith.constant 0 : i32
      %add3A_245 = arith.addi %mul3A_243, %add3A_244 : i32
      %dma_wait3A_246 = arith.constant 0 : i32
      %dma_wait3A_247 = arith.constant 0 : i32
      %dma_wait3A_248 = tpu.memref_slice %arg2[%dma_wait3A_246, %dma_wait3A_247] : memref<2x327680xi32, #tpu.memory_space<hbm>> -> memref<2x128xi32, #tpu.memory_space<hbm>>
      %dma_wait3A_249 = arith.constant 0 : i32
      %dma_wait3A_250 = arith.constant 0 : i32
      %dma_wait3A_251 = tpu.memref_slice %arg2[%dma_wait3A_249, %dma_wait3A_250] : memref<2x327680xi32, #tpu.memory_space<hbm>> -> memref<2x128xi32, #tpu.memory_space<hbm>>
      tpu.wait_dma2 semaphore(%arg12 : memref<!tpu.dma_semaphore, #tpu.memory_space<semaphore_mem>>) src(%dma_wait3A_251 : memref<2x128xi32, #tpu.memory_space<hbm>>) dst(%arg5 : memref<2x128xi32, #tpu.memory_space<vmem>>)
      %dma_wait3A_252 = arith.constant 0 : i32
      %dma_wait3A_253 = arith.constant 0 : i32
      %dma_wait3A_254 = tpu.memref_slice %arg11[%dma_wait3A_252, %dma_wait3A_253] : memref<10240x128xf32, #tpu.memory_space<vmem_shared>> -> memref<128x128xf32, #tpu.memory_space<vmem_shared>>
      %dma_wait3A_255 = arith.constant 0 : i32
      %dma_wait3A_256 = arith.constant 0 : i32
      %dma_wait3A_257 = tpu.memref_slice %arg11[%dma_wait3A_255, %dma_wait3A_256] : memref<10240x128xf32, #tpu.memory_space<vmem_shared>> -> memref<128x128xf32, #tpu.memory_space<vmem_shared>>
      tpu.wait_dma2 semaphore(%arg16 : memref<!tpu.dma_semaphore, #tpu.memory_space<semaphore_mem>>) src(%arg9 : memref<128x128xf32, #tpu.memory_space<vmem>>) dst(%dma_wait3A_257 : memref<128x128xf32, #tpu.memory_space<vmem_shared>>)
      %dma_start3A_258 = arith.constant 1 : i32
      %dma_start3A_259 = arith.constant 0 : i32
      %dma_start3A_260 = tpu.memref_slice %arg5[%dma_start3A_258, %dma_start3A_259] : memref<2x128xi32, #tpu.memory_space<vmem>> -> memref<1x128xi32, #tpu.memory_space<vmem>>
      %dma_start3A_261 = tpu.memref_squeeze %dma_start3A_260 : memref<1x128xi32, #tpu.memory_space<vmem>> -> memref<128xi32, #tpu.memory_space<vmem>>
      %dma_start3A_262 = arith.constant 0 : i32
      %dma_start3A_263 = arith.constant 0 : i32
      %dma_start3A_264 = tpu.memref_slice %arg11[%dma_start3A_262, %dma_start3A_263] : memref<10240x128xf32, #tpu.memory_space<vmem_shared>> -> memref<10240x128xf32, #tpu.memory_space<vmem_shared>>
      tpu.enqueue_indirect_dma source(%arg9 : memref<128x128xf32, #tpu.memory_space<vmem>>) target(%dma_start3A_264 : memref<10240x128xf32, #tpu.memory_space<vmem_shared>>) offsets(%dma_start3A_261 : memref<128xi32, #tpu.memory_space<vmem>>) semaphore(%arg16 : memref<!tpu.dma_semaphore, #tpu.memory_space<semaphore_mem>>) {add = true}
      %add3A_265 = arith.constant 3 : i32
      %add3A_266 = arith.addi %add3A_245, %add3A_265 : i32
      %mul3A_267 = arith.constant 128 : i32
      %mul3A_268 = arith.muli %add3A_266, %mul3A_267 : i32
      %add3A_269 = arith.addi %mul3A_20, %mul3A_268 : i32
      %dma_start3A_270 = arith.constant 0 : i32
      %dma_start3A_271 = tpu.memref_slice %arg2[%dma_start3A_270, %add3A_269] : memref<2x327680xi32, #tpu.memory_space<hbm>> -> memref<2x128xi32, #tpu.memory_space<hbm>>
      %dma_start3A_272 = arith.constant 0 : i32
      %dma_start3A_273 = tpu.memref_slice %arg2[%dma_start3A_272, %add3A_269] : memref<2x327680xi32, #tpu.memory_space<hbm>> -> memref<2x128xi32, #tpu.memory_space<hbm>>
      tpu.enqueue_dma source(%dma_start3A_273 : memref<2x128xi32, #tpu.memory_space<hbm>>) target(%arg8 : memref<2x128xi32, #tpu.memory_space<vmem>>) target_semaphore(%arg15 : memref<!tpu.dma_semaphore, #tpu.memory_space<semaphore_mem>>)
      %add3A_274 = arith.constant 1 : i32
      %add3A_275 = arith.addi %mul3A_243, %add3A_274 : i32
      %dma_wait3A_276 = arith.constant 0 : i32
      %dma_wait3A_277 = arith.constant 0 : i32
      %dma_wait3A_278 = tpu.memref_slice %arg2[%dma_wait3A_276, %dma_wait3A_277] : memref<2x327680xi32, #tpu.memory_space<hbm>> -> memref<2x128xi32, #tpu.memory_space<hbm>>
      %dma_wait3A_279 = arith.constant 0 : i32
      %dma_wait3A_280 = arith.constant 0 : i32
      %dma_wait3A_281 = tpu.memref_slice %arg2[%dma_wait3A_279, %dma_wait3A_280] : memref<2x327680xi32, #tpu.memory_space<hbm>> -> memref<2x128xi32, #tpu.memory_space<hbm>>
      tpu.wait_dma2 semaphore(%arg13 : memref<!tpu.dma_semaphore, #tpu.memory_space<semaphore_mem>>) src(%dma_wait3A_281 : memref<2x128xi32, #tpu.memory_space<hbm>>) dst(%arg6 : memref<2x128xi32, #tpu.memory_space<vmem>>)
      %dma_wait3A_282 = arith.constant 0 : i32
      %dma_wait3A_283 = arith.constant 0 : i32
      %dma_wait3A_284 = tpu.memref_slice %arg11[%dma_wait3A_282, %dma_wait3A_283] : memref<10240x128xf32, #tpu.memory_space<vmem_shared>> -> memref<128x128xf32, #tpu.memory_space<vmem_shared>>
      %dma_wait3A_285 = arith.constant 0 : i32
      %dma_wait3A_286 = arith.constant 0 : i32
      %dma_wait3A_287 = tpu.memref_slice %arg11[%dma_wait3A_285, %dma_wait3A_286] : memref<10240x128xf32, #tpu.memory_space<vmem_shared>> -> memref<128x128xf32, #tpu.memory_space<vmem_shared>>
      tpu.wait_dma2 semaphore(%arg16 : memref<!tpu.dma_semaphore, #tpu.memory_space<semaphore_mem>>) src(%arg9 : memref<128x128xf32, #tpu.memory_space<vmem>>) dst(%dma_wait3A_287 : memref<128x128xf32, #tpu.memory_space<vmem_shared>>)
      %dma_start3A_288 = arith.constant 1 : i32
      %dma_start3A_289 = arith.constant 0 : i32
      %dma_start3A_290 = tpu.memref_slice %arg6[%dma_start3A_288, %dma_start3A_289] : memref<2x128xi32, #tpu.memory_space<vmem>> -> memref<1x128xi32, #tpu.memory_space<vmem>>
      %dma_start3A_291 = tpu.memref_squeeze %dma_start3A_290 : memref<1x128xi32, #tpu.memory_space<vmem>> -> memref<128xi32, #tpu.memory_space<vmem>>
      %dma_start3A_292 = arith.constant 0 : i32
      %dma_start3A_293 = arith.constant 0 : i32
      %dma_start3A_294 = tpu.memref_slice %arg11[%dma_start3A_292, %dma_start3A_293] : memref<10240x128xf32, #tpu.memory_space<vmem_shared>> -> memref<10240x128xf32, #tpu.memory_space<vmem_shared>>
      tpu.enqueue_indirect_dma source(%arg9 : memref<128x128xf32, #tpu.memory_space<vmem>>) target(%dma_start3A_294 : memref<10240x128xf32, #tpu.memory_space<vmem_shared>>) offsets(%dma_start3A_291 : memref<128xi32, #tpu.memory_space<vmem>>) semaphore(%arg16 : memref<!tpu.dma_semaphore, #tpu.memory_space<semaphore_mem>>) {add = true}
      %add3A_295 = arith.constant 3 : i32
      %add3A_296 = arith.addi %add3A_275, %add3A_295 : i32
      %mul3A_297 = arith.constant 128 : i32
      %mul3A_298 = arith.muli %add3A_296, %mul3A_297 : i32
      %add3A_299 = arith.addi %mul3A_20, %mul3A_298 : i32
      %dma_start3A_300 = arith.constant 0 : i32
      %dma_start3A_301 = tpu.memref_slice %arg2[%dma_start3A_300, %add3A_299] : memref<2x327680xi32, #tpu.memory_space<hbm>> -> memref<2x128xi32, #tpu.memory_space<hbm>>
      %dma_start3A_302 = arith.constant 0 : i32
      %dma_start3A_303 = tpu.memref_slice %arg2[%dma_start3A_302, %add3A_299] : memref<2x327680xi32, #tpu.memory_space<hbm>> -> memref<2x128xi32, #tpu.memory_space<hbm>>
      tpu.enqueue_dma source(%dma_start3A_303 : memref<2x128xi32, #tpu.memory_space<hbm>>) target(%arg5 : memref<2x128xi32, #tpu.memory_space<vmem>>) target_semaphore(%arg12 : memref<!tpu.dma_semaphore, #tpu.memory_space<semaphore_mem>>)
      %add3A_304 = arith.constant 2 : i32
      %add3A_305 = arith.addi %mul3A_243, %add3A_304 : i32
      %dma_wait3A_306 = arith.constant 0 : i32
      %dma_wait3A_307 = arith.constant 0 : i32
      %dma_wait3A_308 = tpu.memref_slice %arg2[%dma_wait3A_306, %dma_wait3A_307] : memref<2x327680xi32, #tpu.memory_space<hbm>> -> memref<2x128xi32, #tpu.memory_space<hbm>>
      %dma_wait3A_309 = arith.constant 0 : i32
      %dma_wait3A_310 = arith.constant 0 : i32
      %dma_wait3A_311 = tpu.memref_slice %arg2[%dma_wait3A_309, %dma_wait3A_310] : memref<2x327680xi32, #tpu.memory_space<hbm>> -> memref<2x128xi32, #tpu.memory_space<hbm>>
      tpu.wait_dma2 semaphore(%arg14 : memref<!tpu.dma_semaphore, #tpu.memory_space<semaphore_mem>>) src(%dma_wait3A_311 : memref<2x128xi32, #tpu.memory_space<hbm>>) dst(%arg7 : memref<2x128xi32, #tpu.memory_space<vmem>>)
      %dma_wait3A_312 = arith.constant 0 : i32
      %dma_wait3A_313 = arith.constant 0 : i32
      %dma_wait3A_314 = tpu.memref_slice %arg11[%dma_wait3A_312, %dma_wait3A_313] : memref<10240x128xf32, #tpu.memory_space<vmem_shared>> -> memref<128x128xf32, #tpu.memory_space<vmem_shared>>
      %dma_wait3A_315 = arith.constant 0 : i32
      %dma_wait3A_316 = arith.constant 0 : i32
      %dma_wait3A_317 = tpu.memref_slice %arg11[%dma_wait3A_315, %dma_wait3A_316] : memref<10240x128xf32, #tpu.memory_space<vmem_shared>> -> memref<128x128xf32, #tpu.memory_space<vmem_shared>>
      tpu.wait_dma2 semaphore(%arg16 : memref<!tpu.dma_semaphore, #tpu.memory_space<semaphore_mem>>) src(%arg9 : memref<128x128xf32, #tpu.memory_space<vmem>>) dst(%dma_wait3A_317 : memref<128x128xf32, #tpu.memory_space<vmem_shared>>)
      %dma_start3A_318 = arith.constant 1 : i32
      %dma_start3A_319 = arith.constant 0 : i32
      %dma_start3A_320 = tpu.memref_slice %arg7[%dma_start3A_318, %dma_start3A_319] : memref<2x128xi32, #tpu.memory_space<vmem>> -> memref<1x128xi32, #tpu.memory_space<vmem>>
      %dma_start3A_321 = tpu.memref_squeeze %dma_start3A_320 : memref<1x128xi32, #tpu.memory_space<vmem>> -> memref<128xi32, #tpu.memory_space<vmem>>
      %dma_start3A_322 = arith.constant 0 : i32
      %dma_start3A_323 = arith.constant 0 : i32
      %dma_start3A_324 = tpu.memref_slice %arg11[%dma_start3A_322, %dma_start3A_323] : memref<10240x128xf32, #tpu.memory_space<vmem_shared>> -> memref<10240x128xf32, #tpu.memory_space<vmem_shared>>
      tpu.enqueue_indirect_dma source(%arg9 : memref<128x128xf32, #tpu.memory_space<vmem>>) target(%dma_start3A_324 : memref<10240x128xf32, #tpu.memory_space<vmem_shared>>) offsets(%dma_start3A_321 : memref<128xi32, #tpu.memory_space<vmem>>) semaphore(%arg16 : memref<!tpu.dma_semaphore, #tpu.memory_space<semaphore_mem>>) {add = true}
      %add3A_325 = arith.constant 3 : i32
      %add3A_326 = arith.addi %add3A_305, %add3A_325 : i32
      %mul3A_327 = arith.constant 128 : i32
      %mul3A_328 = arith.muli %add3A_326, %mul3A_327 : i32
      %add3A_329 = arith.addi %mul3A_20, %mul3A_328 : i32
      %dma_start3A_330 = arith.constant 0 : i32
      %dma_start3A_331 = tpu.memref_slice %arg2[%dma_start3A_330, %add3A_329] : memref<2x327680xi32, #tpu.memory_space<hbm>> -> memref<2x128xi32, #tpu.memory_space<hbm>>
      %dma_start3A_332 = arith.constant 0 : i32
      %dma_start3A_333 = tpu.memref_slice %arg2[%dma_start3A_332, %add3A_329] : memref<2x327680xi32, #tpu.memory_space<hbm>> -> memref<2x128xi32, #tpu.memory_space<hbm>>
      tpu.enqueue_dma source(%dma_start3A_333 : memref<2x128xi32, #tpu.memory_space<hbm>>) target(%arg6 : memref<2x128xi32, #tpu.memory_space<vmem>>) target_semaphore(%arg13 : memref<!tpu.dma_semaphore, #tpu.memory_space<semaphore_mem>>)
      %add3A_334 = arith.constant 3 : i32
      %add3A_335 = arith.addi %mul3A_243, %add3A_334 : i32
      %dma_wait3A_336 = arith.constant 0 : i32
      %dma_wait3A_337 = arith.constant 0 : i32
      %dma_wait3A_338 = tpu.memref_slice %arg2[%dma_wait3A_336, %dma_wait3A_337] : memref<2x327680xi32, #tpu.memory_space<hbm>> -> memref<2x128xi32, #tpu.memory_space<hbm>>
      %dma_wait3A_339 = arith.constant 0 : i32
      %dma_wait3A_340 = arith.constant 0 : i32
      %dma_wait3A_341 = tpu.memref_slice %arg2[%dma_wait3A_339, %dma_wait3A_340] : memref<2x327680xi32, #tpu.memory_space<hbm>> -> memref<2x128xi32, #tpu.memory_space<hbm>>
      tpu.wait_dma2 semaphore(%arg15 : memref<!tpu.dma_semaphore, #tpu.memory_space<semaphore_mem>>) src(%dma_wait3A_341 : memref<2x128xi32, #tpu.memory_space<hbm>>) dst(%arg8 : memref<2x128xi32, #tpu.memory_space<vmem>>)
      %dma_wait3A_342 = arith.constant 0 : i32
      %dma_wait3A_343 = arith.constant 0 : i32
      %dma_wait3A_344 = tpu.memref_slice %arg11[%dma_wait3A_342, %dma_wait3A_343] : memref<10240x128xf32, #tpu.memory_space<vmem_shared>> -> memref<128x128xf32, #tpu.memory_space<vmem_shared>>
      %dma_wait3A_345 = arith.constant 0 : i32
      %dma_wait3A_346 = arith.constant 0 : i32
      %dma_wait3A_347 = tpu.memref_slice %arg11[%dma_wait3A_345, %dma_wait3A_346] : memref<10240x128xf32, #tpu.memory_space<vmem_shared>> -> memref<128x128xf32, #tpu.memory_space<vmem_shared>>
      tpu.wait_dma2 semaphore(%arg16 : memref<!tpu.dma_semaphore, #tpu.memory_space<semaphore_mem>>) src(%arg9 : memref<128x128xf32, #tpu.memory_space<vmem>>) dst(%dma_wait3A_347 : memref<128x128xf32, #tpu.memory_space<vmem_shared>>)
      %dma_start3A_348 = arith.constant 1 : i32
      %dma_start3A_349 = arith.constant 0 : i32
      %dma_start3A_350 = tpu.memref_slice %arg8[%dma_start3A_348, %dma_start3A_349] : memref<2x128xi32, #tpu.memory_space<vmem>> -> memref<1x128xi32, #tpu.memory_space<vmem>>
      %dma_start3A_351 = tpu.memref_squeeze %dma_start3A_350 : memref<1x128xi32, #tpu.memory_space<vmem>> -> memref<128xi32, #tpu.memory_space<vmem>>
      %dma_start3A_352 = arith.constant 0 : i32
      %dma_start3A_353 = arith.constant 0 : i32
      %dma_start3A_354 = tpu.memref_slice %arg11[%dma_start3A_352, %dma_start3A_353] : memref<10240x128xf32, #tpu.memory_space<vmem_shared>> -> memref<10240x128xf32, #tpu.memory_space<vmem_shared>>
      tpu.enqueue_indirect_dma source(%arg9 : memref<128x128xf32, #tpu.memory_space<vmem>>) target(%dma_start3A_354 : memref<10240x128xf32, #tpu.memory_space<vmem_shared>>) offsets(%dma_start3A_351 : memref<128xi32, #tpu.memory_space<vmem>>) semaphore(%arg16 : memref<!tpu.dma_semaphore, #tpu.memory_space<semaphore_mem>>) {add = true}
      %add3A_355 = arith.constant 3 : i32
      %add3A_356 = arith.addi %add3A_335, %add3A_355 : i32
      %mul3A_357 = arith.constant 128 : i32
      %mul3A_358 = arith.muli %add3A_356, %mul3A_357 : i32
      %add3A_359 = arith.addi %mul3A_20, %mul3A_358 : i32
      %dma_start3A_360 = arith.constant 0 : i32
      %dma_start3A_361 = tpu.memref_slice %arg2[%dma_start3A_360, %add3A_359] : memref<2x327680xi32, #tpu.memory_space<hbm>> -> memref<2x128xi32, #tpu.memory_space<hbm>>
      %dma_start3A_362 = arith.constant 0 : i32
      %dma_start3A_363 = tpu.memref_slice %arg2[%dma_start3A_362, %add3A_359] : memref<2x327680xi32, #tpu.memory_space<hbm>> -> memref<2x128xi32, #tpu.memory_space<hbm>>
      tpu.enqueue_dma source(%dma_start3A_363 : memref<2x128xi32, #tpu.memory_space<hbm>>) target(%arg7 : memref<2x128xi32, #tpu.memory_space<vmem>>) target_semaphore(%arg14 : memref<!tpu.dma_semaphore, #tpu.memory_space<semaphore_mem>>)
    }
    %scan3A_135 = arith.constant 18 : i32
    %dma_wait3A_136 = arith.constant 0 : i32
    %dma_wait3A_137 = arith.constant 0 : i32
    %dma_wait3A_138 = tpu.memref_slice %arg2[%dma_wait3A_136, %dma_wait3A_137] : memref<2x327680xi32, #tpu.memory_space<hbm>> -> memref<2x128xi32, #tpu.memory_space<hbm>>
    %dma_wait3A_139 = arith.constant 0 : i32
    %dma_wait3A_140 = arith.constant 0 : i32
    %dma_wait3A_141 = tpu.memref_slice %arg2[%dma_wait3A_139, %dma_wait3A_140] : memref<2x327680xi32, #tpu.memory_space<hbm>> -> memref<2x128xi32, #tpu.memory_space<hbm>>
    tpu.wait_dma2 semaphore(%arg12 : memref<!tpu.dma_semaphore, #tpu.memory_space<semaphore_mem>>) src(%dma_wait3A_141 : memref<2x128xi32, #tpu.memory_space<hbm>>) dst(%arg5 : memref<2x128xi32, #tpu.memory_space<vmem>>)
    %dma_wait3A_142 = arith.constant 0 : i32
    %dma_wait3A_143 = arith.constant 0 : i32
    %dma_wait3A_144 = tpu.memref_slice %arg11[%dma_wait3A_142, %dma_wait3A_143] : memref<10240x128xf32, #tpu.memory_space<vmem_shared>> -> memref<128x128xf32, #tpu.memory_space<vmem_shared>>
    %dma_wait3A_145 = arith.constant 0 : i32
    %dma_wait3A_146 = arith.constant 0 : i32
    %dma_wait3A_147 = tpu.memref_slice %arg11[%dma_wait3A_145, %dma_wait3A_146] : memref<10240x128xf32, #tpu.memory_space<vmem_shared>> -> memref<128x128xf32, #tpu.memory_space<vmem_shared>>
    tpu.wait_dma2 semaphore(%arg16 : memref<!tpu.dma_semaphore, #tpu.memory_space<semaphore_mem>>) src(%arg9 : memref<128x128xf32, #tpu.memory_space<vmem>>) dst(%dma_wait3A_147 : memref<128x128xf32, #tpu.memory_space<vmem_shared>>)
    %dma_start3A_148 = arith.constant 1 : i32
    %dma_start3A_149 = arith.constant 0 : i32
    %dma_start3A_150 = tpu.memref_slice %arg5[%dma_start3A_148, %dma_start3A_149] : memref<2x128xi32, #tpu.memory_space<vmem>> -> memref<1x128xi32, #tpu.memory_space<vmem>>
    %dma_start3A_151 = tpu.memref_squeeze %dma_start3A_150 : memref<1x128xi32, #tpu.memory_space<vmem>> -> memref<128xi32, #tpu.memory_space<vmem>>
    %dma_start3A_152 = arith.constant 0 : i32
    %dma_start3A_153 = arith.constant 0 : i32
    %dma_start3A_154 = tpu.memref_slice %arg11[%dma_start3A_152, %dma_start3A_153] : memref<10240x128xf32, #tpu.memory_space<vmem_shared>> -> memref<10240x128xf32, #tpu.memory_space<vmem_shared>>
    tpu.enqueue_indirect_dma source(%arg9 : memref<128x128xf32, #tpu.memory_space<vmem>>) target(%dma_start3A_154 : memref<10240x128xf32, #tpu.memory_space<vmem_shared>>) offsets(%dma_start3A_151 : memref<128xi32, #tpu.memory_space<vmem>>) semaphore(%arg16 : memref<!tpu.dma_semaphore, #tpu.memory_space<semaphore_mem>>) {add = true}
    %add3A_155 = arith.constant 10112 : i32
    %add3A_156 = arith.addi %mul3A_20, %add3A_155 : i32
    %dma_start3A_157 = arith.constant 0 : i32
    %dma_start3A_158 = tpu.memref_slice %arg2[%dma_start3A_157, %add3A_156] : memref<2x327680xi32, #tpu.memory_space<hbm>> -> memref<2x128xi32, #tpu.memory_space<hbm>>
    %dma_start3A_159 = arith.constant 0 : i32
    %dma_start3A_160 = tpu.memref_slice %arg2[%dma_start3A_159, %add3A_156] : memref<2x327680xi32, #tpu.memory_space<hbm>> -> memref<2x128xi32, #tpu.memory_space<hbm>>
    tpu.enqueue_dma source(%dma_start3A_160 : memref<2x128xi32, #tpu.memory_space<hbm>>) target(%arg8 : memref<2x128xi32, #tpu.memory_space<vmem>>) target_semaphore(%arg15 : memref<!tpu.dma_semaphore, #tpu.memory_space<semaphore_mem>>)
    %dma_wait3A_161 = arith.constant 0 : i32
    %dma_wait3A_162 = arith.constant 0 : i32
    %dma_wait3A_163 = tpu.memref_slice %arg2[%dma_wait3A_161, %dma_wait3A_162] : memref<2x327680xi32, #tpu.memory_space<hbm>> -> memref<2x128xi32, #tpu.memory_space<hbm>>
    %dma_wait3A_164 = arith.constant 0 : i32
    %dma_wait3A_165 = arith.constant 0 : i32
    %dma_wait3A_166 = tpu.memref_slice %arg2[%dma_wait3A_164, %dma_wait3A_165] : memref<2x327680xi32, #tpu.memory_space<hbm>> -> memref<2x128xi32, #tpu.memory_space<hbm>>
    tpu.wait_dma2 semaphore(%arg13 : memref<!tpu.dma_semaphore, #tpu.memory_space<semaphore_mem>>) src(%dma_wait3A_166 : memref<2x128xi32, #tpu.memory_space<hbm>>) dst(%arg6 : memref<2x128xi32, #tpu.memory_space<vmem>>)
    %dma_wait3A_167 = arith.constant 0 : i32
    %dma_wait3A_168 = arith.constant 0 : i32
    %dma_wait3A_169 = tpu.memref_slice %arg11[%dma_wait3A_167, %dma_wait3A_168] : memref<10240x128xf32, #tpu.memory_space<vmem_shared>> -> memref<128x128xf32, #tpu.memory_space<vmem_shared>>
    %dma_wait3A_170 = arith.constant 0 : i32
    %dma_wait3A_171 = arith.constant 0 : i32
    %dma_wait3A_172 = tpu.memref_slice %arg11[%dma_wait3A_170, %dma_wait3A_171] : memref<10240x128xf32, #tpu.memory_space<vmem_shared>> -> memref<128x128xf32, #tpu.memory_space<vmem_shared>>
    tpu.wait_dma2 semaphore(%arg16 : memref<!tpu.dma_semaphore, #tpu.memory_space<semaphore_mem>>) src(%arg9 : memref<128x128xf32, #tpu.memory_space<vmem>>) dst(%dma_wait3A_172 : memref<128x128xf32, #tpu.memory_space<vmem_shared>>)
    %dma_start3A_173 = arith.constant 1 : i32
    %dma_start3A_174 = arith.constant 0 : i32
    %dma_start3A_175 = tpu.memref_slice %arg6[%dma_start3A_173, %dma_start3A_174] : memref<2x128xi32, #tpu.memory_space<vmem>> -> memref<1x128xi32, #tpu.memory_space<vmem>>
    %dma_start3A_176 = tpu.memref_squeeze %dma_start3A_175 : memref<1x128xi32, #tpu.memory_space<vmem>> -> memref<128xi32, #tpu.memory_space<vmem>>
    %dma_start3A_177 = arith.constant 0 : i32
    %dma_start3A_178 = arith.constant 0 : i32
    %dma_start3A_179 = tpu.memref_slice %arg11[%dma_start3A_177, %dma_start3A_178] : memref<10240x128xf32, #tpu.memory_space<vmem_shared>> -> memref<10240x128xf32, #tpu.memory_space<vmem_shared>>
    tpu.enqueue_indirect_dma source(%arg9 : memref<128x128xf32, #tpu.memory_space<vmem>>) target(%dma_start3A_179 : memref<10240x128xf32, #tpu.memory_space<vmem_shared>>) offsets(%dma_start3A_176 : memref<128xi32, #tpu.memory_space<vmem>>) semaphore(%arg16 : memref<!tpu.dma_semaphore, #tpu.memory_space<semaphore_mem>>) {add = true}
    %dma_wait3A_180 = arith.constant 0 : i32
    %dma_wait3A_181 = arith.constant 0 : i32
    %dma_wait3A_182 = tpu.memref_slice %arg2[%dma_wait3A_180, %dma_wait3A_181] : memref<2x327680xi32, #tpu.memory_space<hbm>> -> memref<2x128xi32, #tpu.memory_space<hbm>>
    %dma_wait3A_183 = arith.constant 0 : i32
    %dma_wait3A_184 = arith.constant 0 : i32
    %dma_wait3A_185 = tpu.memref_slice %arg2[%dma_wait3A_183, %dma_wait3A_184] : memref<2x327680xi32, #tpu.memory_space<hbm>> -> memref<2x128xi32, #tpu.memory_space<hbm>>
    tpu.wait_dma2 semaphore(%arg14 : memref<!tpu.dma_semaphore, #tpu.memory_space<semaphore_mem>>) src(%dma_wait3A_185 : memref<2x128xi32, #tpu.memory_space<hbm>>) dst(%arg7 : memref<2x128xi32, #tpu.memory_space<vmem>>)
    %dma_wait3A_186 = arith.constant 0 : i32
    %dma_wait3A_187 = arith.constant 0 : i32
    %dma_wait3A_188 = tpu.memref_slice %arg11[%dma_wait3A_186, %dma_wait3A_187] : memref<10240x128xf32, #tpu.memory_space<vmem_shared>> -> memref<128x128xf32, #tpu.memory_space<vmem_shared>>
    %dma_wait3A_189 = arith.constant 0 : i32
    %dma_wait3A_190 = arith.constant 0 : i32
    %dma_wait3A_191 = tpu.memref_slice %arg11[%dma_wait3A_189, %dma_wait3A_190] : memref<10240x128xf32, #tpu.memory_space<vmem_shared>> -> memref<128x128xf32, #tpu.memory_space<vmem_shared>>
    tpu.wait_dma2 semaphore(%arg16 : memref<!tpu.dma_semaphore, #tpu.memory_space<semaphore_mem>>) src(%arg9 : memref<128x128xf32, #tpu.memory_space<vmem>>) dst(%dma_wait3A_191 : memref<128x128xf32, #tpu.memory_space<vmem_shared>>)
    %dma_start3A_192 = arith.constant 1 : i32
    %dma_start3A_193 = arith.constant 0 : i32
    %dma_start3A_194 = tpu.memref_slice %arg7[%dma_start3A_192, %dma_start3A_193] : memref<2x128xi32, #tpu.memory_space<vmem>> -> memref<1x128xi32, #tpu.memory_space<vmem>>
    %dma_start3A_195 = tpu.memref_squeeze %dma_start3A_194 : memref<1x128xi32, #tpu.memory_space<vmem>> -> memref<128xi32, #tpu.memory_space<vmem>>
    %dma_start3A_196 = arith.constant 0 : i32
    %dma_start3A_197 = arith.constant 0 : i32
    %dma_start3A_198 = tpu.memref_slice %arg11[%dma_start3A_196, %dma_start3A_197] : memref<10240x128xf32, #tpu.memory_space<vmem_shared>> -> memref<10240x128xf32, #tpu.memory_space<vmem_shared>>
    tpu.enqueue_indirect_dma source(%arg9 : memref<128x128xf32, #tpu.memory_space<vmem>>) target(%dma_start3A_198 : memref<10240x128xf32, #tpu.memory_space<vmem_shared>>) offsets(%dma_start3A_195 : memref<128xi32, #tpu.memory_space<vmem>>) semaphore(%arg16 : memref<!tpu.dma_semaphore, #tpu.memory_space<semaphore_mem>>) {add = true}
    %dma_wait3A_199 = arith.constant 0 : i32
    %dma_wait3A_200 = arith.constant 0 : i32
    %dma_wait3A_201 = tpu.memref_slice %arg2[%dma_wait3A_199, %dma_wait3A_200] : memref<2x327680xi32, #tpu.memory_space<hbm>> -> memref<2x128xi32, #tpu.memory_space<hbm>>
    %dma_wait3A_202 = arith.constant 0 : i32
    %dma_wait3A_203 = arith.constant 0 : i32
    %dma_wait3A_204 = tpu.memref_slice %arg2[%dma_wait3A_202, %dma_wait3A_203] : memref<2x327680xi32, #tpu.memory_space<hbm>> -> memref<2x128xi32, #tpu.memory_space<hbm>>
    tpu.wait_dma2 semaphore(%arg15 : memref<!tpu.dma_semaphore, #tpu.memory_space<semaphore_mem>>) src(%dma_wait3A_204 : memref<2x128xi32, #tpu.memory_space<hbm>>) dst(%arg8 : memref<2x128xi32, #tpu.memory_space<vmem>>)
    %dma_wait3A_205 = arith.constant 0 : i32
    %dma_wait3A_206 = arith.constant 0 : i32
    %dma_wait3A_207 = tpu.memref_slice %arg11[%dma_wait3A_205, %dma_wait3A_206] : memref<10240x128xf32, #tpu.memory_space<vmem_shared>> -> memref<128x128xf32, #tpu.memory_space<vmem_shared>>
    %dma_wait3A_208 = arith.constant 0 : i32
    %dma_wait3A_209 = arith.constant 0 : i32
    %dma_wait3A_210 = tpu.memref_slice %arg11[%dma_wait3A_208, %dma_wait3A_209] : memref<10240x128xf32, #tpu.memory_space<vmem_shared>> -> memref<128x128xf32, #tpu.memory_space<vmem_shared>>
    tpu.wait_dma2 semaphore(%arg16 : memref<!tpu.dma_semaphore, #tpu.memory_space<semaphore_mem>>) src(%arg9 : memref<128x128xf32, #tpu.memory_space<vmem>>) dst(%dma_wait3A_210 : memref<128x128xf32, #tpu.memory_space<vmem_shared>>)
    %dma_start3A_211 = arith.constant 1 : i32
    %dma_start3A_212 = arith.constant 0 : i32
    %dma_start3A_213 = tpu.memref_slice %arg8[%dma_start3A_211, %dma_start3A_212] : memref<2x128xi32, #tpu.memory_space<vmem>> -> memref<1x128xi32, #tpu.memory_space<vmem>>
    %dma_start3A_214 = tpu.memref_squeeze %dma_start3A_213 : memref<1x128xi32, #tpu.memory_space<vmem>> -> memref<128xi32, #tpu.memory_space<vmem>>
    %dma_start3A_215 = arith.constant 0 : i32
    %dma_start3A_216 = arith.constant 0 : i32
    %dma_start3A_217 = tpu.memref_slice %arg11[%dma_start3A_215, %dma_start3A_216] : memref<10240x128xf32, #tpu.memory_space<vmem_shared>> -> memref<10240x128xf32, #tpu.memory_space<vmem_shared>>
    tpu.enqueue_indirect_dma source(%arg9 : memref<128x128xf32, #tpu.memory_space<vmem>>) target(%dma_start3A_217 : memref<10240x128xf32, #tpu.memory_space<vmem_shared>>) offsets(%dma_start3A_214 : memref<128xi32, #tpu.memory_space<vmem>>) semaphore(%arg16 : memref<!tpu.dma_semaphore, #tpu.memory_space<semaphore_mem>>) {add = true}
    %dma_wait3A_218 = arith.constant 0 : i32
    %dma_wait3A_219 = arith.constant 0 : i32
    %dma_wait3A_220 = tpu.memref_slice %arg11[%dma_wait3A_218, %dma_wait3A_219] : memref<10240x128xf32, #tpu.memory_space<vmem_shared>> -> memref<128x128xf32, #tpu.memory_space<vmem_shared>>
    %dma_wait3A_221 = arith.constant 0 : i32
    %dma_wait3A_222 = arith.constant 0 : i32
    %dma_wait3A_223 = tpu.memref_slice %arg11[%dma_wait3A_221, %dma_wait3A_222] : memref<10240x128xf32, #tpu.memory_space<vmem_shared>> -> memref<128x128xf32, #tpu.memory_space<vmem_shared>>
    tpu.wait_dma2 semaphore(%arg16 : memref<!tpu.dma_semaphore, #tpu.memory_space<semaphore_mem>>) src(%arg9 : memref<128x128xf32, #tpu.memory_space<vmem>>) dst(%dma_wait3A_223 : memref<128x128xf32, #tpu.memory_space<vmem_shared>>)
    %barrier3A_224 = arith.constant 0 : index
    tpu.barrier barrier_id(%barrier3A_224)
    %mul3A_225 = arith.constant 640 : i32
    %mul3A_226 = arith.muli %arg1, %mul3A_225 : i32
    %add3A_227 = arith.constant 0 : i32
    %add3A_228 = arith.addi %mul3A_226, %add3A_227 : i32
    "tpu.region"() ({
      %run_scoped3A = tpu.sem_alloc : memref<!tpu.dma_semaphore, #tpu.memory_space<semaphore_mem>>
      %dma_start3A_237 = arith.constant 0 : i32
      %dma_start3A_238 = tpu.memref_slice %arg11[%add3A_228, %dma_start3A_237] : memref<10240x128xf32, #tpu.memory_space<vmem_shared>> -> memref<128x128xf32, #tpu.memory_space<vmem_shared>>
      %dma_start3A_239 = arith.constant 0 : i32
      %dma_start3A_240 = tpu.memref_slice %arg11[%add3A_228, %dma_start3A_239] : memref<10240x128xf32, #tpu.memory_space<vmem_shared>> -> memref<128x128xf32, #tpu.memory_space<vmem_shared>>
      tpu.enqueue_dma source(%dma_start3A_240 : memref<128x128xf32, #tpu.memory_space<vmem_shared>>) target(%arg10 : memref<128x128xf32, #tpu.memory_space<vmem>>) target_semaphore(%run_scoped3A : memref<!tpu.dma_semaphore, #tpu.memory_space<semaphore_mem>>)
      %dma_wait3A_241 = arith.constant 0 : i32
      %dma_wait3A_242 = tpu.memref_slice %arg11[%add3A_228, %dma_wait3A_241] : memref<10240x128xf32, #tpu.memory_space<vmem_shared>> -> memref<128x128xf32, #tpu.memory_space<vmem_shared>>
      %dma_wait3A_243 = arith.constant 0 : i32
      %dma_wait3A_244 = tpu.memref_slice %arg11[%add3A_228, %dma_wait3A_243] : memref<10240x128xf32, #tpu.memory_space<vmem_shared>> -> memref<128x128xf32, #tpu.memory_space<vmem_shared>>
      tpu.wait_dma2 semaphore(%run_scoped3A : memref<!tpu.dma_semaphore, #tpu.memory_space<semaphore_mem>>) src(%dma_wait3A_244 : memref<128x128xf32, #tpu.memory_space<vmem_shared>>) dst(%arg10 : memref<128x128xf32, #tpu.memory_space<vmem>>)
      tpu.yield
    }) : () -> ()
    "tpu.region"() ({
      %run_scoped3A = tpu.sem_alloc : memref<!tpu.dma_semaphore, #tpu.memory_space<semaphore_mem>>
      %dma_start3A_237 = arith.constant 0 : i32
      %dma_start3A_238 = tpu.memref_slice %arg4[%arg0, %add3A_228, %dma_start3A_237] : memref<2x10240x128xf32, #tpu.memory_space<hbm>> -> memref<1x128x128xf32, #tpu.memory_space<hbm>>
      %dma_start3A_239 = tpu.memref_squeeze %dma_start3A_238 : memref<1x128x128xf32, #tpu.memory_space<hbm>> -> memref<128x128xf32, #tpu.memory_space<hbm>>
      %dma_start3A_240 = arith.constant 0 : i32
      %dma_start3A_241 = tpu.memref_slice %arg4[%arg0, %add3A_228, %dma_start3A_240] : memref<2x10240x128xf32, #tpu.memory_space<hbm>> -> memref<1x128x128xf32, #tpu.memory_space<hbm>>
      %dma_start3A_242 = tpu.memref_squeeze %dma_start3A_241 : memref<1x128x128xf32, #tpu.memory_space<hbm>> -> memref<128x128xf32, #tpu.memory_space<hbm>>
      tpu.enqueue_dma source(%arg10 : memref<128x128xf32, #tpu.memory_space<vmem>>) target(%dma_start3A_242 : memref<128x128xf32, #tpu.memory_space<hbm>>) target_semaphore(%run_scoped3A : memref<!tpu.dma_semaphore, #tpu.memory_space<semaphore_mem>>)
      %dma_wait3A_243 = arith.constant 0 : i32
      %dma_wait3A_244 = tpu.memref_slice %arg4[%arg0, %add3A_228, %dma_wait3A_243] : memref<2x10240x128xf32, #tpu.memory_space<hbm>> -> memref<1x128x128xf32, #tpu.memory_space<hbm>>
      %dma_wait3A_245 = tpu.memref_squeeze %dma_wait3A_244 : memref<1x128x128xf32, #tpu.memory_space<hbm>> -> memref<128x128xf32, #tpu.memory_space<hbm>>
      %dma_wait3A_246 = arith.constant 0 : i32
      %dma_wait3A_247 = tpu.memref_slice %arg4[%arg0, %add3A_228, %dma_wait3A_246] : memref<2x10240x128xf32, #tpu.memory_space<hbm>> -> memref<1x128x128xf32, #tpu.memory_space<hbm>>
      %dma_wait3A_248 = tpu.memref_squeeze %dma_wait3A_247 : memref<1x128x128xf32, #tpu.memory_space<hbm>> -> memref<128x128xf32, #tpu.memory_space<hbm>>
      tpu.wait_dma2 semaphore(%run_scoped3A : memref<!tpu.dma_semaphore, #tpu.memory_space<semaphore_mem>>) src(%arg10 : memref<128x128xf32, #tpu.memory_space<vmem>>) dst(%dma_wait3A_248 : memref<128x128xf32, #tpu.memory_space<hbm>>)
      tpu.yield
    }) : () -> ()
    %add3A_229 = arith.constant 128 : i32
    %add3A_230 = arith.addi %mul3A_226, %add3A_229 : i32
    "tpu.region"() ({
      %run_scoped3A = tpu.sem_alloc : memref<!tpu.dma_semaphore, #tpu.memory_space<semaphore_mem>>
      %dma_start3A_237 = arith.constant 0 : i32
      %dma_start3A_238 = tpu.memref_slice %arg11[%add3A_230, %dma_start3A_237] : memref<10240x128xf32, #tpu.memory_space<vmem_shared>> -> memref<128x128xf32, #tpu.memory_space<vmem_shared>>
      %dma_start3A_239 = arith.constant 0 : i32
      %dma_start3A_240 = tpu.memref_slice %arg11[%add3A_230, %dma_start3A_239] : memref<10240x128xf32, #tpu.memory_space<vmem_shared>> -> memref<128x128xf32, #tpu.memory_space<vmem_shared>>
      tpu.enqueue_dma source(%dma_start3A_240 : memref<128x128xf32, #tpu.memory_space<vmem_shared>>) target(%arg10 : memref<128x128xf32, #tpu.memory_space<vmem>>) target_semaphore(%run_scoped3A : memref<!tpu.dma_semaphore, #tpu.memory_space<semaphore_mem>>)
      %dma_wait3A_241 = arith.constant 0 : i32
      %dma_wait3A_242 = tpu.memref_slice %arg11[%add3A_230, %dma_wait3A_241] : memref<10240x128xf32, #tpu.memory_space<vmem_shared>> -> memref<128x128xf32, #tpu.memory_space<vmem_shared>>
      %dma_wait3A_243 = arith.constant 0 : i32
      %dma_wait3A_244 = tpu.memref_slice %arg11[%add3A_230, %dma_wait3A_243] : memref<10240x128xf32, #tpu.memory_space<vmem_shared>> -> memref<128x128xf32, #tpu.memory_space<vmem_shared>>
      tpu.wait_dma2 semaphore(%run_scoped3A : memref<!tpu.dma_semaphore, #tpu.memory_space<semaphore_mem>>) src(%dma_wait3A_244 : memref<128x128xf32, #tpu.memory_space<vmem_shared>>) dst(%arg10 : memref<128x128xf32, #tpu.memory_space<vmem>>)
      tpu.yield
    }) : () -> ()
    "tpu.region"() ({
      %run_scoped3A = tpu.sem_alloc : memref<!tpu.dma_semaphore, #tpu.memory_space<semaphore_mem>>
      %dma_start3A_237 = arith.constant 0 : i32
      %dma_start3A_238 = tpu.memref_slice %arg4[%arg0, %add3A_230, %dma_start3A_237] : memref<2x10240x128xf32, #tpu.memory_space<hbm>> -> memref<1x128x128xf32, #tpu.memory_space<hbm>>
      %dma_start3A_239 = tpu.memref_squeeze %dma_start3A_238 : memref<1x128x128xf32, #tpu.memory_space<hbm>> -> memref<128x128xf32, #tpu.memory_space<hbm>>
      %dma_start3A_240 = arith.constant 0 : i32
      %dma_start3A_241 = tpu.memref_slice %arg4[%arg0, %add3A_230, %dma_start3A_240] : memref<2x10240x128xf32, #tpu.memory_space<hbm>> -> memref<1x128x128xf32, #tpu.memory_space<hbm>>
      %dma_start3A_242 = tpu.memref_squeeze %dma_start3A_241 : memref<1x128x128xf32, #tpu.memory_space<hbm>> -> memref<128x128xf32, #tpu.memory_space<hbm>>
      tpu.enqueue_dma source(%arg10 : memref<128x128xf32, #tpu.memory_space<vmem>>) target(%dma_start3A_242 : memref<128x128xf32, #tpu.memory_space<hbm>>) target_semaphore(%run_scoped3A : memref<!tpu.dma_semaphore, #tpu.memory_space<semaphore_mem>>)
      %dma_wait3A_243 = arith.constant 0 : i32
      %dma_wait3A_244 = tpu.memref_slice %arg4[%arg0, %add3A_230, %dma_wait3A_243] : memref<2x10240x128xf32, #tpu.memory_space<hbm>> -> memref<1x128x128xf32, #tpu.memory_space<hbm>>
      %dma_wait3A_245 = tpu.memref_squeeze %dma_wait3A_244 : memref<1x128x128xf32, #tpu.memory_space<hbm>> -> memref<128x128xf32, #tpu.memory_space<hbm>>
      %dma_wait3A_246 = arith.constant 0 : i32
      %dma_wait3A_247 = tpu.memref_slice %arg4[%arg0, %add3A_230, %dma_wait3A_246] : memref<2x10240x128xf32, #tpu.memory_space<hbm>> -> memref<1x128x128xf32, #tpu.memory_space<hbm>>
      %dma_wait3A_248 = tpu.memref_squeeze %dma_wait3A_247 : memref<1x128x128xf32, #tpu.memory_space<hbm>> -> memref<128x128xf32, #tpu.memory_space<hbm>>
      tpu.wait_dma2 semaphore(%run_scoped3A : memref<!tpu.dma_semaphore, #tpu.memory_space<semaphore_mem>>) src(%arg10 : memref<128x128xf32, #tpu.memory_space<vmem>>) dst(%dma_wait3A_248 : memref<128x128xf32, #tpu.memory_space<hbm>>)
      tpu.yield
    }) : () -> ()
    %add3A_231 = arith.constant 256 : i32
    %add3A_232 = arith.addi %mul3A_226, %add3A_231 : i32
    "tpu.region"() ({
      %run_scoped3A = tpu.sem_alloc : memref<!tpu.dma_semaphore, #tpu.memory_space<semaphore_mem>>
      %dma_start3A_237 = arith.constant 0 : i32
      %dma_start3A_238 = tpu.memref_slice %arg11[%add3A_232, %dma_start3A_237] : memref<10240x128xf32, #tpu.memory_space<vmem_shared>> -> memref<128x128xf32, #tpu.memory_space<vmem_shared>>
      %dma_start3A_239 = arith.constant 0 : i32
      %dma_start3A_240 = tpu.memref_slice %arg11[%add3A_232, %dma_start3A_239] : memref<10240x128xf32, #tpu.memory_space<vmem_shared>> -> memref<128x128xf32, #tpu.memory_space<vmem_shared>>
      tpu.enqueue_dma source(%dma_start3A_240 : memref<128x128xf32, #tpu.memory_space<vmem_shared>>) target(%arg10 : memref<128x128xf32, #tpu.memory_space<vmem>>) target_semaphore(%run_scoped3A : memref<!tpu.dma_semaphore, #tpu.memory_space<semaphore_mem>>)
      %dma_wait3A_241 = arith.constant 0 : i32
      %dma_wait3A_242 = tpu.memref_slice %arg11[%add3A_232, %dma_wait3A_241] : memref<10240x128xf32, #tpu.memory_space<vmem_shared>> -> memref<128x128xf32, #tpu.memory_space<vmem_shared>>
      %dma_wait3A_243 = arith.constant 0 : i32
      %dma_wait3A_244 = tpu.memref_slice %arg11[%add3A_232, %dma_wait3A_243] : memref<10240x128xf32, #tpu.memory_space<vmem_shared>> -> memref<128x128xf32, #tpu.memory_space<vmem_shared>>
      tpu.wait_dma2 semaphore(%run_scoped3A : memref<!tpu.dma_semaphore, #tpu.memory_space<semaphore_mem>>) src(%dma_wait3A_244 : memref<128x128xf32, #tpu.memory_space<vmem_shared>>) dst(%arg10 : memref<128x128xf32, #tpu.memory_space<vmem>>)
      tpu.yield
    }) : () -> ()
    "tpu.region"() ({
      %run_scoped3A = tpu.sem_alloc : memref<!tpu.dma_semaphore, #tpu.memory_space<semaphore_mem>>
      %dma_start3A_237 = arith.constant 0 : i32
      %dma_start3A_238 = tpu.memref_slice %arg4[%arg0, %add3A_232, %dma_start3A_237] : memref<2x10240x128xf32, #tpu.memory_space<hbm>> -> memref<1x128x128xf32, #tpu.memory_space<hbm>>
      %dma_start3A_239 = tpu.memref_squeeze %dma_start3A_238 : memref<1x128x128xf32, #tpu.memory_space<hbm>> -> memref<128x128xf32, #tpu.memory_space<hbm>>
      %dma_start3A_240 = arith.constant 0 : i32
      %dma_start3A_241 = tpu.memref_slice %arg4[%arg0, %add3A_232, %dma_start3A_240] : memref<2x10240x128xf32, #tpu.memory_space<hbm>> -> memref<1x128x128xf32, #tpu.memory_space<hbm>>
      %dma_start3A_242 = tpu.memref_squeeze %dma_start3A_241 : memref<1x128x128xf32, #tpu.memory_space<hbm>> -> memref<128x128xf32, #tpu.memory_space<hbm>>
      tpu.enqueue_dma source(%arg10 : memref<128x128xf32, #tpu.memory_space<vmem>>) target(%dma_start3A_242 : memref<128x128xf32, #tpu.memory_space<hbm>>) target_semaphore(%run_scoped3A : memref<!tpu.dma_semaphore, #tpu.memory_space<semaphore_mem>>)
      %dma_wait3A_243 = arith.constant 0 : i32
      %dma_wait3A_244 = tpu.memref_slice %arg4[%arg0, %add3A_232, %dma_wait3A_243] : memref<2x10240x128xf32, #tpu.memory_space<hbm>> -> memref<1x128x128xf32, #tpu.memory_space<hbm>>
      %dma_wait3A_245 = tpu.memref_squeeze %dma_wait3A_244 : memref<1x128x128xf32, #tpu.memory_space<hbm>> -> memref<128x128xf32, #tpu.memory_space<hbm>>
      %dma_wait3A_246 = arith.constant 0 : i32
      %dma_wait3A_247 = tpu.memref_slice %arg4[%arg0, %add3A_232, %dma_wait3A_246] : memref<2x10240x128xf32, #tpu.memory_space<hbm>> -> memref<1x128x128xf32, #tpu.memory_space<hbm>>
      %dma_wait3A_248 = tpu.memref_squeeze %dma_wait3A_247 : memref<1x128x128xf32, #tpu.memory_space<hbm>> -> memref<128x128xf32, #tpu.memory_space<hbm>>
      tpu.wait_dma2 semaphore(%run_scoped3A : memref<!tpu.dma_semaphore, #tpu.memory_space<semaphore_mem>>) src(%arg10 : memref<128x128xf32, #tpu.memory_space<vmem>>) dst(%dma_wait3A_248 : memref<128x128xf32, #tpu.memory_space<hbm>>)
      tpu.yield
    }) : () -> ()
    %add3A_233 = arith.constant 384 : i32
    %add3A_234 = arith.addi %mul3A_226, %add3A_233 : i32
    "tpu.region"() ({
      %run_scoped3A = tpu.sem_alloc : memref<!tpu.dma_semaphore, #tpu.memory_space<semaphore_mem>>
      %dma_start3A_237 = arith.constant 0 : i32
      %dma_start3A_238 = tpu.memref_slice %arg11[%add3A_234, %dma_start3A_237] : memref<10240x128xf32, #tpu.memory_space<vmem_shared>> -> memref<128x128xf32, #tpu.memory_space<vmem_shared>>
      %dma_start3A_239 = arith.constant 0 : i32
      %dma_start3A_240 = tpu.memref_slice %arg11[%add3A_234, %dma_start3A_239] : memref<10240x128xf32, #tpu.memory_space<vmem_shared>> -> memref<128x128xf32, #tpu.memory_space<vmem_shared>>
      tpu.enqueue_dma source(%dma_start3A_240 : memref<128x128xf32, #tpu.memory_space<vmem_shared>>) target(%arg10 : memref<128x128xf32, #tpu.memory_space<vmem>>) target_semaphore(%run_scoped3A : memref<!tpu.dma_semaphore, #tpu.memory_space<semaphore_mem>>)
      %dma_wait3A_241 = arith.constant 0 : i32
      %dma_wait3A_242 = tpu.memref_slice %arg11[%add3A_234, %dma_wait3A_241] : memref<10240x128xf32, #tpu.memory_space<vmem_shared>> -> memref<128x128xf32, #tpu.memory_space<vmem_shared>>
      %dma_wait3A_243 = arith.constant 0 : i32
      %dma_wait3A_244 = tpu.memref_slice %arg11[%add3A_234, %dma_wait3A_243] : memref<10240x128xf32, #tpu.memory_space<vmem_shared>> -> memref<128x128xf32, #tpu.memory_space<vmem_shared>>
      tpu.wait_dma2 semaphore(%run_scoped3A : memref<!tpu.dma_semaphore, #tpu.memory_space<semaphore_mem>>) src(%dma_wait3A_244 : memref<128x128xf32, #tpu.memory_space<vmem_shared>>) dst(%arg10 : memref<128x128xf32, #tpu.memory_space<vmem>>)
      tpu.yield
    }) : () -> ()
    "tpu.region"() ({
      %run_scoped3A = tpu.sem_alloc : memref<!tpu.dma_semaphore, #tpu.memory_space<semaphore_mem>>
      %dma_start3A_237 = arith.constant 0 : i32
      %dma_start3A_238 = tpu.memref_slice %arg4[%arg0, %add3A_234, %dma_start3A_237] : memref<2x10240x128xf32, #tpu.memory_space<hbm>> -> memref<1x128x128xf32, #tpu.memory_space<hbm>>
      %dma_start3A_239 = tpu.memref_squeeze %dma_start3A_238 : memref<1x128x128xf32, #tpu.memory_space<hbm>> -> memref<128x128xf32, #tpu.memory_space<hbm>>
      %dma_start3A_240 = arith.constant 0 : i32
      %dma_start3A_241 = tpu.memref_slice %arg4[%arg0, %add3A_234, %dma_start3A_240] : memref<2x10240x128xf32, #tpu.memory_space<hbm>> -> memref<1x128x128xf32, #tpu.memory_space<hbm>>
      %dma_start3A_242 = tpu.memref_squeeze %dma_start3A_241 : memref<1x128x128xf32, #tpu.memory_space<hbm>> -> memref<128x128xf32, #tpu.memory_space<hbm>>
      tpu.enqueue_dma source(%arg10 : memref<128x128xf32, #tpu.memory_space<vmem>>) target(%dma_start3A_242 : memref<128x128xf32, #tpu.memory_space<hbm>>) target_semaphore(%run_scoped3A : memref<!tpu.dma_semaphore, #tpu.memory_space<semaphore_mem>>)
      %dma_wait3A_243 = arith.constant 0 : i32
      %dma_wait3A_244 = tpu.memref_slice %arg4[%arg0, %add3A_234, %dma_wait3A_243] : memref<2x10240x128xf32, #tpu.memory_space<hbm>> -> memref<1x128x128xf32, #tpu.memory_space<hbm>>
      %dma_wait3A_245 = tpu.memref_squeeze %dma_wait3A_244 : memref<1x128x128xf32, #tpu.memory_space<hbm>> -> memref<128x128xf32, #tpu.memory_space<hbm>>
      %dma_wait3A_246 = arith.constant 0 : i32
      %dma_wait3A_247 = tpu.memref_slice %arg4[%arg0, %add3A_234, %dma_wait3A_246] : memref<2x10240x128xf32, #tpu.memory_space<hbm>> -> memref<1x128x128xf32, #tpu.memory_space<hbm>>
      %dma_wait3A_248 = tpu.memref_squeeze %dma_wait3A_247 : memref<1x128x128xf32, #tpu.memory_space<hbm>> -> memref<128x128xf32, #tpu.memory_space<hbm>>
      tpu.wait_dma2 semaphore(%run_scoped3A : memref<!tpu.dma_semaphore, #tpu.memory_space<semaphore_mem>>) src(%arg10 : memref<128x128xf32, #tpu.memory_space<vmem>>) dst(%dma_wait3A_248 : memref<128x128xf32, #tpu.memory_space<hbm>>)
      tpu.yield
    }) : () -> ()
    %add3A_235 = arith.constant 512 : i32
    %add3A_236 = arith.addi %mul3A_226, %add3A_235 : i32
    "tpu.region"() ({
      %run_scoped3A = tpu.sem_alloc : memref<!tpu.dma_semaphore, #tpu.memory_space<semaphore_mem>>
      %dma_start3A_237 = arith.constant 0 : i32
      %dma_start3A_238 = tpu.memref_slice %arg11[%add3A_236, %dma_start3A_237] : memref<10240x128xf32, #tpu.memory_space<vmem_shared>> -> memref<128x128xf32, #tpu.memory_space<vmem_shared>>
      %dma_start3A_239 = arith.constant 0 : i32
      %dma_start3A_240 = tpu.memref_slice %arg11[%add3A_236, %dma_start3A_239] : memref<10240x128xf32, #tpu.memory_space<vmem_shared>> -> memref<128x128xf32, #tpu.memory_space<vmem_shared>>
      tpu.enqueue_dma source(%dma_start3A_240 : memref<128x128xf32, #tpu.memory_space<vmem_shared>>) target(%arg10 : memref<128x128xf32, #tpu.memory_space<vmem>>) target_semaphore(%run_scoped3A : memref<!tpu.dma_semaphore, #tpu.memory_space<semaphore_mem>>)
      %dma_wait3A_241 = arith.constant 0 : i32
      %dma_wait3A_242 = tpu.memref_slice %arg11[%add3A_236, %dma_wait3A_241] : memref<10240x128xf32, #tpu.memory_space<vmem_shared>> -> memref<128x128xf32, #tpu.memory_space<vmem_shared>>
      %dma_wait3A_243 = arith.constant 0 : i32
      %dma_wait3A_244 = tpu.memref_slice %arg11[%add3A_236, %dma_wait3A_243] : memref<10240x128xf32, #tpu.memory_space<vmem_shared>> -> memref<128x128xf32, #tpu.memory_space<vmem_shared>>
      tpu.wait_dma2 semaphore(%run_scoped3A : memref<!tpu.dma_semaphore, #tpu.memory_space<semaphore_mem>>) src(%dma_wait3A_244 : memref<128x128xf32, #tpu.memory_space<vmem_shared>>) dst(%arg10 : memref<128x128xf32, #tpu.memory_space<vmem>>)
      tpu.yield
    }) : () -> ()
    "tpu.region"() ({
      %run_scoped3A = tpu.sem_alloc : memref<!tpu.dma_semaphore, #tpu.memory_space<semaphore_mem>>
      %dma_start3A_237 = arith.constant 0 : i32
      %dma_start3A_238 = tpu.memref_slice %arg4[%arg0, %add3A_236, %dma_start3A_237] : memref<2x10240x128xf32, #tpu.memory_space<hbm>> -> memref<1x128x128xf32, #tpu.memory_space<hbm>>
      %dma_start3A_239 = tpu.memref_squeeze %dma_start3A_238 : memref<1x128x128xf32, #tpu.memory_space<hbm>> -> memref<128x128xf32, #tpu.memory_space<hbm>>
      %dma_start3A_240 = arith.constant 0 : i32
      %dma_start3A_241 = tpu.memref_slice %arg4[%arg0, %add3A_236, %dma_start3A_240] : memref<2x10240x128xf32, #tpu.memory_space<hbm>> -> memref<1x128x128xf32, #tpu.memory_space<hbm>>
      %dma_start3A_242 = tpu.memref_squeeze %dma_start3A_241 : memref<1x128x128xf32, #tpu.memory_space<hbm>> -> memref<128x128xf32, #tpu.memory_space<hbm>>
      tpu.enqueue_dma source(%arg10 : memref<128x128xf32, #tpu.memory_space<vmem>>) target(%dma_start3A_242 : memref<128x128xf32, #tpu.memory_space<hbm>>) target_semaphore(%run_scoped3A : memref<!tpu.dma_semaphore, #tpu.memory_space<semaphore_mem>>)
      %dma_wait3A_243 = arith.constant 0 : i32
      %dma_wait3A_244 = tpu.memref_slice %arg4[%arg0, %add3A_236, %dma_wait3A_243] : memref<2x10240x128xf32, #tpu.memory_space<hbm>> -> memref<1x128x128xf32, #tpu.memory_space<hbm>>
      %dma_wait3A_245 = tpu.memref_squeeze %dma_wait3A_244 : memref<1x128x128xf32, #tpu.memory_space<hbm>> -> memref<128x128xf32, #tpu.memory_space<hbm>>
      %dma_wait3A_246 = arith.constant 0 : i32
      %dma_wait3A_247 = tpu.memref_slice %arg4[%arg0, %add3A_236, %dma_wait3A_246] : memref<2x10240x128xf32, #tpu.memory_space<hbm>> -> memref<1x128x128xf32, #tpu.memory_space<hbm>>
      %dma_wait3A_248 = tpu.memref_squeeze %dma_wait3A_247 : memref<1x128x128xf32, #tpu.memory_space<hbm>> -> memref<128x128xf32, #tpu.memory_space<hbm>>
      tpu.wait_dma2 semaphore(%run_scoped3A : memref<!tpu.dma_semaphore, #tpu.memory_space<semaphore_mem>>) src(%arg10 : memref<128x128xf32, #tpu.memory_space<vmem>>) dst(%dma_wait3A_248 : memref<128x128xf32, #tpu.memory_space<hbm>>)
      tpu.yield
    }) : () -> ()
    return
  }
}

#map = affine_map<(d0, d1) -> (0, 0)>
#map1 = affine_map<(d0, d1) -> (0, 0, 0)>
module attributes {stable_mosaic.version = 14 : i64} {
  func.func @_agg_body(%arg0: i32, %arg1: i32, %arg2: memref<10000x128xf32, #tpu.memory_space<hbm>>, %arg3: memref<2x327680xi32, #tpu.memory_space<hbm>>, %arg4: memref<128x128xf32, #tpu.memory_space<hbm>>, %arg5: memref<2x10240x128xf32, #tpu.memory_space<hbm>>, %arg6: memref<2x128xi32, #tpu.memory_space<vmem>>, %arg7: memref<2x128xi32, #tpu.memory_space<vmem>>, %arg8: memref<2x128xi32, #tpu.memory_space<vmem>>, %arg9: memref<2x128xi32, #tpu.memory_space<vmem>>, %arg10: memref<128x128xf32, #tpu.memory_space<vmem>>, %arg11: memref<128x128xf32, #tpu.memory_space<vmem>>, %arg12: memref<10240x128xf32, #tpu.memory_space<vmem_shared>>, %arg13: memref<!tpu.dma_semaphore, #tpu.memory_space<semaphore_mem>>, %arg14: memref<!tpu.dma_semaphore, #tpu.memory_space<semaphore_mem>>, %arg15: memref<!tpu.dma_semaphore, #tpu.memory_space<semaphore_mem>>, %arg16: memref<!tpu.dma_semaphore, #tpu.memory_space<semaphore_mem>>, %arg17: memref<!tpu.dma_semaphore, #tpu.memory_space<semaphore_mem>>, %arg18: memref<!tpu.dma_semaphore, #tpu.memory_space<semaphore_mem>>, %arg19: memref<!tpu.dma_semaphore, #tpu.memory_space<semaphore_mem>>, %arg20: memref<!tpu.dma_semaphore, #tpu.memory_space<semaphore_mem>>) attributes {dimension_semantics = [#tpu.dimension_semantics<core_parallel>, #tpu.dimension_semantics<subcore_parallel>], iteration_bounds = array<i64: 2, 16>, scalar_prefetch = 0 : i64, scratch_operands = 15 : i64, tpu.core_type = #tpu.core_type<sc_vector_subcore>, window_params = [{transform_indices = #map}, {transform_indices = #map}, {transform_indices = #map}, {transform_indices = #map1}]} {
    %mul3A = arith.constant 640 : i32
    %mul3A_0 = arith.muli %arg1, %mul3A : i32
    "tpu.region"() ({
      %run_scoped3A = tpu.sem_alloc : memref<!tpu.dma_semaphore, #tpu.memory_space<semaphore_mem>>
      %dma_start3A_334 = arith.constant 0 : i32
      %dma_start3A_335 = arith.constant 0 : i32
      %dma_start3A_336 = tpu.memref_slice %arg4[%dma_start3A_334, %dma_start3A_335] : memref<128x128xf32, #tpu.memory_space<hbm>> -> memref<128x128xf32, #tpu.memory_space<hbm>>
      %dma_start3A_337 = arith.constant 0 : i32
      %dma_start3A_338 = arith.constant 0 : i32
      %dma_start3A_339 = tpu.memref_slice %arg4[%dma_start3A_337, %dma_start3A_338] : memref<128x128xf32, #tpu.memory_space<hbm>> -> memref<128x128xf32, #tpu.memory_space<hbm>>
      tpu.enqueue_dma source(%dma_start3A_339 : memref<128x128xf32, #tpu.memory_space<hbm>>) target(%arg10 : memref<128x128xf32, #tpu.memory_space<vmem>>) target_semaphore(%run_scoped3A : memref<!tpu.dma_semaphore, #tpu.memory_space<semaphore_mem>>)
      %dma_wait3A_340 = arith.constant 0 : i32
      %dma_wait3A_341 = arith.constant 0 : i32
      %dma_wait3A_342 = tpu.memref_slice %arg4[%dma_wait3A_340, %dma_wait3A_341] : memref<128x128xf32, #tpu.memory_space<hbm>> -> memref<128x128xf32, #tpu.memory_space<hbm>>
      %dma_wait3A_343 = arith.constant 0 : i32
      %dma_wait3A_344 = arith.constant 0 : i32
      %dma_wait3A_345 = tpu.memref_slice %arg4[%dma_wait3A_343, %dma_wait3A_344] : memref<128x128xf32, #tpu.memory_space<hbm>> -> memref<128x128xf32, #tpu.memory_space<hbm>>
      tpu.wait_dma2 semaphore(%run_scoped3A : memref<!tpu.dma_semaphore, #tpu.memory_space<semaphore_mem>>) src(%dma_wait3A_345 : memref<128x128xf32, #tpu.memory_space<hbm>>) dst(%arg10 : memref<128x128xf32, #tpu.memory_space<vmem>>)
      tpu.yield
    }) : () -> ()
    %add3A = arith.constant 0 : i32
    %add3A_1 = arith.addi %mul3A_0, %add3A : i32
    "tpu.region"() ({
      %run_scoped3A = tpu.sem_alloc : memref<!tpu.dma_semaphore, #tpu.memory_space<semaphore_mem>>
      %dma_start3A_334 = arith.constant 0 : i32
      %dma_start3A_335 = tpu.memref_slice %arg12[%add3A_1, %dma_start3A_334] : memref<10240x128xf32, #tpu.memory_space<vmem_shared>> -> memref<128x128xf32, #tpu.memory_space<vmem_shared>>
      %dma_start3A_336 = arith.constant 0 : i32
      %dma_start3A_337 = tpu.memref_slice %arg12[%add3A_1, %dma_start3A_336] : memref<10240x128xf32, #tpu.memory_space<vmem_shared>> -> memref<128x128xf32, #tpu.memory_space<vmem_shared>>
      tpu.enqueue_dma source(%arg10 : memref<128x128xf32, #tpu.memory_space<vmem>>) target(%dma_start3A_337 : memref<128x128xf32, #tpu.memory_space<vmem_shared>>) target_semaphore(%run_scoped3A : memref<!tpu.dma_semaphore, #tpu.memory_space<semaphore_mem>>)
      %dma_wait3A_338 = arith.constant 0 : i32
      %dma_wait3A_339 = tpu.memref_slice %arg12[%add3A_1, %dma_wait3A_338] : memref<10240x128xf32, #tpu.memory_space<vmem_shared>> -> memref<128x128xf32, #tpu.memory_space<vmem_shared>>
      %dma_wait3A_340 = arith.constant 0 : i32
      %dma_wait3A_341 = tpu.memref_slice %arg12[%add3A_1, %dma_wait3A_340] : memref<10240x128xf32, #tpu.memory_space<vmem_shared>> -> memref<128x128xf32, #tpu.memory_space<vmem_shared>>
      tpu.wait_dma2 semaphore(%run_scoped3A : memref<!tpu.dma_semaphore, #tpu.memory_space<semaphore_mem>>) src(%arg10 : memref<128x128xf32, #tpu.memory_space<vmem>>) dst(%dma_wait3A_341 : memref<128x128xf32, #tpu.memory_space<vmem_shared>>)
      tpu.yield
    }) : () -> ()
    %add3A_2 = arith.constant 128 : i32
    %add3A_3 = arith.addi %mul3A_0, %add3A_2 : i32
    "tpu.region"() ({
      %run_scoped3A = tpu.sem_alloc : memref<!tpu.dma_semaphore, #tpu.memory_space<semaphore_mem>>
      %dma_start3A_334 = arith.constant 0 : i32
      %dma_start3A_335 = tpu.memref_slice %arg12[%add3A_3, %dma_start3A_334] : memref<10240x128xf32, #tpu.memory_space<vmem_shared>> -> memref<128x128xf32, #tpu.memory_space<vmem_shared>>
      %dma_start3A_336 = arith.constant 0 : i32
      %dma_start3A_337 = tpu.memref_slice %arg12[%add3A_3, %dma_start3A_336] : memref<10240x128xf32, #tpu.memory_space<vmem_shared>> -> memref<128x128xf32, #tpu.memory_space<vmem_shared>>
      tpu.enqueue_dma source(%arg10 : memref<128x128xf32, #tpu.memory_space<vmem>>) target(%dma_start3A_337 : memref<128x128xf32, #tpu.memory_space<vmem_shared>>) target_semaphore(%run_scoped3A : memref<!tpu.dma_semaphore, #tpu.memory_space<semaphore_mem>>)
      %dma_wait3A_338 = arith.constant 0 : i32
      %dma_wait3A_339 = tpu.memref_slice %arg12[%add3A_3, %dma_wait3A_338] : memref<10240x128xf32, #tpu.memory_space<vmem_shared>> -> memref<128x128xf32, #tpu.memory_space<vmem_shared>>
      %dma_wait3A_340 = arith.constant 0 : i32
      %dma_wait3A_341 = tpu.memref_slice %arg12[%add3A_3, %dma_wait3A_340] : memref<10240x128xf32, #tpu.memory_space<vmem_shared>> -> memref<128x128xf32, #tpu.memory_space<vmem_shared>>
      tpu.wait_dma2 semaphore(%run_scoped3A : memref<!tpu.dma_semaphore, #tpu.memory_space<semaphore_mem>>) src(%arg10 : memref<128x128xf32, #tpu.memory_space<vmem>>) dst(%dma_wait3A_341 : memref<128x128xf32, #tpu.memory_space<vmem_shared>>)
      tpu.yield
    }) : () -> ()
    %add3A_4 = arith.constant 256 : i32
    %add3A_5 = arith.addi %mul3A_0, %add3A_4 : i32
    "tpu.region"() ({
      %run_scoped3A = tpu.sem_alloc : memref<!tpu.dma_semaphore, #tpu.memory_space<semaphore_mem>>
      %dma_start3A_334 = arith.constant 0 : i32
      %dma_start3A_335 = tpu.memref_slice %arg12[%add3A_5, %dma_start3A_334] : memref<10240x128xf32, #tpu.memory_space<vmem_shared>> -> memref<128x128xf32, #tpu.memory_space<vmem_shared>>
      %dma_start3A_336 = arith.constant 0 : i32
      %dma_start3A_337 = tpu.memref_slice %arg12[%add3A_5, %dma_start3A_336] : memref<10240x128xf32, #tpu.memory_space<vmem_shared>> -> memref<128x128xf32, #tpu.memory_space<vmem_shared>>
      tpu.enqueue_dma source(%arg10 : memref<128x128xf32, #tpu.memory_space<vmem>>) target(%dma_start3A_337 : memref<128x128xf32, #tpu.memory_space<vmem_shared>>) target_semaphore(%run_scoped3A : memref<!tpu.dma_semaphore, #tpu.memory_space<semaphore_mem>>)
      %dma_wait3A_338 = arith.constant 0 : i32
      %dma_wait3A_339 = tpu.memref_slice %arg12[%add3A_5, %dma_wait3A_338] : memref<10240x128xf32, #tpu.memory_space<vmem_shared>> -> memref<128x128xf32, #tpu.memory_space<vmem_shared>>
      %dma_wait3A_340 = arith.constant 0 : i32
      %dma_wait3A_341 = tpu.memref_slice %arg12[%add3A_5, %dma_wait3A_340] : memref<10240x128xf32, #tpu.memory_space<vmem_shared>> -> memref<128x128xf32, #tpu.memory_space<vmem_shared>>
      tpu.wait_dma2 semaphore(%run_scoped3A : memref<!tpu.dma_semaphore, #tpu.memory_space<semaphore_mem>>) src(%arg10 : memref<128x128xf32, #tpu.memory_space<vmem>>) dst(%dma_wait3A_341 : memref<128x128xf32, #tpu.memory_space<vmem_shared>>)
      tpu.yield
    }) : () -> ()
    %add3A_6 = arith.constant 384 : i32
    %add3A_7 = arith.addi %mul3A_0, %add3A_6 : i32
    "tpu.region"() ({
      %run_scoped3A = tpu.sem_alloc : memref<!tpu.dma_semaphore, #tpu.memory_space<semaphore_mem>>
      %dma_start3A_334 = arith.constant 0 : i32
      %dma_start3A_335 = tpu.memref_slice %arg12[%add3A_7, %dma_start3A_334] : memref<10240x128xf32, #tpu.memory_space<vmem_shared>> -> memref<128x128xf32, #tpu.memory_space<vmem_shared>>
      %dma_start3A_336 = arith.constant 0 : i32
      %dma_start3A_337 = tpu.memref_slice %arg12[%add3A_7, %dma_start3A_336] : memref<10240x128xf32, #tpu.memory_space<vmem_shared>> -> memref<128x128xf32, #tpu.memory_space<vmem_shared>>
      tpu.enqueue_dma source(%arg10 : memref<128x128xf32, #tpu.memory_space<vmem>>) target(%dma_start3A_337 : memref<128x128xf32, #tpu.memory_space<vmem_shared>>) target_semaphore(%run_scoped3A : memref<!tpu.dma_semaphore, #tpu.memory_space<semaphore_mem>>)
      %dma_wait3A_338 = arith.constant 0 : i32
      %dma_wait3A_339 = tpu.memref_slice %arg12[%add3A_7, %dma_wait3A_338] : memref<10240x128xf32, #tpu.memory_space<vmem_shared>> -> memref<128x128xf32, #tpu.memory_space<vmem_shared>>
      %dma_wait3A_340 = arith.constant 0 : i32
      %dma_wait3A_341 = tpu.memref_slice %arg12[%add3A_7, %dma_wait3A_340] : memref<10240x128xf32, #tpu.memory_space<vmem_shared>> -> memref<128x128xf32, #tpu.memory_space<vmem_shared>>
      tpu.wait_dma2 semaphore(%run_scoped3A : memref<!tpu.dma_semaphore, #tpu.memory_space<semaphore_mem>>) src(%arg10 : memref<128x128xf32, #tpu.memory_space<vmem>>) dst(%dma_wait3A_341 : memref<128x128xf32, #tpu.memory_space<vmem_shared>>)
      tpu.yield
    }) : () -> ()
    %add3A_8 = arith.constant 512 : i32
    %add3A_9 = arith.addi %mul3A_0, %add3A_8 : i32
    "tpu.region"() ({
      %run_scoped3A = tpu.sem_alloc : memref<!tpu.dma_semaphore, #tpu.memory_space<semaphore_mem>>
      %dma_start3A_334 = arith.constant 0 : i32
      %dma_start3A_335 = tpu.memref_slice %arg12[%add3A_9, %dma_start3A_334] : memref<10240x128xf32, #tpu.memory_space<vmem_shared>> -> memref<128x128xf32, #tpu.memory_space<vmem_shared>>
      %dma_start3A_336 = arith.constant 0 : i32
      %dma_start3A_337 = tpu.memref_slice %arg12[%add3A_9, %dma_start3A_336] : memref<10240x128xf32, #tpu.memory_space<vmem_shared>> -> memref<128x128xf32, #tpu.memory_space<vmem_shared>>
      tpu.enqueue_dma source(%arg10 : memref<128x128xf32, #tpu.memory_space<vmem>>) target(%dma_start3A_337 : memref<128x128xf32, #tpu.memory_space<vmem_shared>>) target_semaphore(%run_scoped3A : memref<!tpu.dma_semaphore, #tpu.memory_space<semaphore_mem>>)
      %dma_wait3A_338 = arith.constant 0 : i32
      %dma_wait3A_339 = tpu.memref_slice %arg12[%add3A_9, %dma_wait3A_338] : memref<10240x128xf32, #tpu.memory_space<vmem_shared>> -> memref<128x128xf32, #tpu.memory_space<vmem_shared>>
      %dma_wait3A_340 = arith.constant 0 : i32
      %dma_wait3A_341 = tpu.memref_slice %arg12[%add3A_9, %dma_wait3A_340] : memref<10240x128xf32, #tpu.memory_space<vmem_shared>> -> memref<128x128xf32, #tpu.memory_space<vmem_shared>>
      tpu.wait_dma2 semaphore(%run_scoped3A : memref<!tpu.dma_semaphore, #tpu.memory_space<semaphore_mem>>) src(%arg10 : memref<128x128xf32, #tpu.memory_space<vmem>>) dst(%dma_wait3A_341 : memref<128x128xf32, #tpu.memory_space<vmem_shared>>)
      tpu.yield
    }) : () -> ()
    %barrier3A = arith.constant 0 : index
    tpu.barrier barrier_id(%barrier3A)
    %mul3A_10 = arith.constant 16 : i32
    %mul3A_11 = arith.muli %arg0, %mul3A_10 : i32
    %add3A_12 = arith.addi %mul3A_11, %arg1 : i32
    %mul3A_13 = arith.constant 10240 : i32
    %mul3A_14 = arith.muli %add3A_12, %mul3A_13 : i32
    %add3A_15 = arith.constant 0 : i32
    %add3A_16 = arith.addi %mul3A_14, %add3A_15 : i32
    %dma_start3A = arith.constant 0 : i32
    %dma_start3A_17 = tpu.memref_slice %arg3[%dma_start3A, %add3A_16] : memref<2x327680xi32, #tpu.memory_space<hbm>> -> memref<2x128xi32, #tpu.memory_space<hbm>>
    %dma_start3A_18 = arith.constant 0 : i32
    %dma_start3A_19 = tpu.memref_slice %arg3[%dma_start3A_18, %add3A_16] : memref<2x327680xi32, #tpu.memory_space<hbm>> -> memref<2x128xi32, #tpu.memory_space<hbm>>
    tpu.enqueue_dma source(%dma_start3A_19 : memref<2x128xi32, #tpu.memory_space<hbm>>) target(%arg6 : memref<2x128xi32, #tpu.memory_space<vmem>>) target_semaphore(%arg13 : memref<!tpu.dma_semaphore, #tpu.memory_space<semaphore_mem>>)
    %add3A_20 = arith.constant 128 : i32
    %add3A_21 = arith.addi %mul3A_14, %add3A_20 : i32
    %dma_start3A_22 = arith.constant 0 : i32
    %dma_start3A_23 = tpu.memref_slice %arg3[%dma_start3A_22, %add3A_21] : memref<2x327680xi32, #tpu.memory_space<hbm>> -> memref<2x128xi32, #tpu.memory_space<hbm>>
    %dma_start3A_24 = arith.constant 0 : i32
    %dma_start3A_25 = tpu.memref_slice %arg3[%dma_start3A_24, %add3A_21] : memref<2x327680xi32, #tpu.memory_space<hbm>> -> memref<2x128xi32, #tpu.memory_space<hbm>>
    tpu.enqueue_dma source(%dma_start3A_25 : memref<2x128xi32, #tpu.memory_space<hbm>>) target(%arg7 : memref<2x128xi32, #tpu.memory_space<vmem>>) target_semaphore(%arg14 : memref<!tpu.dma_semaphore, #tpu.memory_space<semaphore_mem>>)
    %add3A_26 = arith.constant 256 : i32
    %add3A_27 = arith.addi %mul3A_14, %add3A_26 : i32
    %dma_start3A_28 = arith.constant 0 : i32
    %dma_start3A_29 = tpu.memref_slice %arg3[%dma_start3A_28, %add3A_27] : memref<2x327680xi32, #tpu.memory_space<hbm>> -> memref<2x128xi32, #tpu.memory_space<hbm>>
    %dma_start3A_30 = arith.constant 0 : i32
    %dma_start3A_31 = tpu.memref_slice %arg3[%dma_start3A_30, %add3A_27] : memref<2x327680xi32, #tpu.memory_space<hbm>> -> memref<2x128xi32, #tpu.memory_space<hbm>>
    tpu.enqueue_dma source(%dma_start3A_31 : memref<2x128xi32, #tpu.memory_space<hbm>>) target(%arg8 : memref<2x128xi32, #tpu.memory_space<vmem>>) target_semaphore(%arg15 : memref<!tpu.dma_semaphore, #tpu.memory_space<semaphore_mem>>)
    %dma_wait3A = arith.constant 0 : i32
    %dma_wait3A_32 = arith.constant 0 : i32
    %dma_wait3A_33 = tpu.memref_slice %arg3[%dma_wait3A, %dma_wait3A_32] : memref<2x327680xi32, #tpu.memory_space<hbm>> -> memref<2x128xi32, #tpu.memory_space<hbm>>
    %dma_wait3A_34 = arith.constant 0 : i32
    %dma_wait3A_35 = arith.constant 0 : i32
    %dma_wait3A_36 = tpu.memref_slice %arg3[%dma_wait3A_34, %dma_wait3A_35] : memref<2x327680xi32, #tpu.memory_space<hbm>> -> memref<2x128xi32, #tpu.memory_space<hbm>>
    tpu.wait_dma2 semaphore(%arg13 : memref<!tpu.dma_semaphore, #tpu.memory_space<semaphore_mem>>) src(%dma_wait3A_36 : memref<2x128xi32, #tpu.memory_space<hbm>>) dst(%arg6 : memref<2x128xi32, #tpu.memory_space<vmem>>)
    %dma_start3A_37 = arith.constant 0 : i32
    %dma_start3A_38 = arith.constant 0 : i32
    %dma_start3A_39 = tpu.memref_slice %arg6[%dma_start3A_37, %dma_start3A_38] : memref<2x128xi32, #tpu.memory_space<vmem>> -> memref<1x128xi32, #tpu.memory_space<vmem>>
    %dma_start3A_40 = tpu.memref_squeeze %dma_start3A_39 : memref<1x128xi32, #tpu.memory_space<vmem>> -> memref<128xi32, #tpu.memory_space<vmem>>
    %dma_start3A_41 = arith.constant 0 : i32
    %dma_start3A_42 = arith.constant 0 : i32
    %dma_start3A_43 = tpu.memref_slice %arg2[%dma_start3A_41, %dma_start3A_42] : memref<10000x128xf32, #tpu.memory_space<hbm>> -> memref<10000x128xf32, #tpu.memory_space<hbm>>
    tpu.enqueue_indirect_dma source(%dma_start3A_43 : memref<10000x128xf32, #tpu.memory_space<hbm>>) target(%arg10 : memref<128x128xf32, #tpu.memory_space<vmem>>) offsets(%dma_start3A_40 : memref<128xi32, #tpu.memory_space<vmem>>) semaphore(%arg17 : memref<!tpu.dma_semaphore, #tpu.memory_space<semaphore_mem>>)
    %dma_wait3A_44 = arith.constant 0 : i32
    %dma_wait3A_45 = arith.constant 0 : i32
    %dma_wait3A_46 = tpu.memref_slice %arg2[%dma_wait3A_44, %dma_wait3A_45] : memref<10000x128xf32, #tpu.memory_space<hbm>> -> memref<128x128xf32, #tpu.memory_space<hbm>>
    %dma_wait3A_47 = arith.constant 0 : i32
    %dma_wait3A_48 = arith.constant 0 : i32
    %dma_wait3A_49 = tpu.memref_slice %arg2[%dma_wait3A_47, %dma_wait3A_48] : memref<10000x128xf32, #tpu.memory_space<hbm>> -> memref<128x128xf32, #tpu.memory_space<hbm>>
    tpu.wait_dma2 semaphore(%arg17 : memref<!tpu.dma_semaphore, #tpu.memory_space<semaphore_mem>>) src(%dma_wait3A_49 : memref<128x128xf32, #tpu.memory_space<hbm>>) dst(%arg10 : memref<128x128xf32, #tpu.memory_space<vmem>>)
    %dma_start3A_50 = arith.constant 1 : i32
    %dma_start3A_51 = arith.constant 0 : i32
    %dma_start3A_52 = tpu.memref_slice %arg6[%dma_start3A_50, %dma_start3A_51] : memref<2x128xi32, #tpu.memory_space<vmem>> -> memref<1x128xi32, #tpu.memory_space<vmem>>
    %dma_start3A_53 = tpu.memref_squeeze %dma_start3A_52 : memref<1x128xi32, #tpu.memory_space<vmem>> -> memref<128xi32, #tpu.memory_space<vmem>>
    %dma_start3A_54 = arith.constant 0 : i32
    %dma_start3A_55 = arith.constant 0 : i32
    %dma_start3A_56 = tpu.memref_slice %arg12[%dma_start3A_54, %dma_start3A_55] : memref<10240x128xf32, #tpu.memory_space<vmem_shared>> -> memref<10240x128xf32, #tpu.memory_space<vmem_shared>>
    tpu.enqueue_indirect_dma source(%arg10 : memref<128x128xf32, #tpu.memory_space<vmem>>) target(%dma_start3A_56 : memref<10240x128xf32, #tpu.memory_space<vmem_shared>>) offsets(%dma_start3A_53 : memref<128xi32, #tpu.memory_space<vmem>>) semaphore(%arg19 : memref<!tpu.dma_semaphore, #tpu.memory_space<semaphore_mem>>) {add = true}
    %dma_wait3A_57 = arith.constant 0 : i32
    %dma_wait3A_58 = arith.constant 0 : i32
    %dma_wait3A_59 = tpu.memref_slice %arg3[%dma_wait3A_57, %dma_wait3A_58] : memref<2x327680xi32, #tpu.memory_space<hbm>> -> memref<2x128xi32, #tpu.memory_space<hbm>>
    %dma_wait3A_60 = arith.constant 0 : i32
    %dma_wait3A_61 = arith.constant 0 : i32
    %dma_wait3A_62 = tpu.memref_slice %arg3[%dma_wait3A_60, %dma_wait3A_61] : memref<2x327680xi32, #tpu.memory_space<hbm>> -> memref<2x128xi32, #tpu.memory_space<hbm>>
    tpu.wait_dma2 semaphore(%arg14 : memref<!tpu.dma_semaphore, #tpu.memory_space<semaphore_mem>>) src(%dma_wait3A_62 : memref<2x128xi32, #tpu.memory_space<hbm>>) dst(%arg7 : memref<2x128xi32, #tpu.memory_space<vmem>>)
    %dma_start3A_63 = arith.constant 0 : i32
    %dma_start3A_64 = arith.constant 0 : i32
    %dma_start3A_65 = tpu.memref_slice %arg7[%dma_start3A_63, %dma_start3A_64] : memref<2x128xi32, #tpu.memory_space<vmem>> -> memref<1x128xi32, #tpu.memory_space<vmem>>
    %dma_start3A_66 = tpu.memref_squeeze %dma_start3A_65 : memref<1x128xi32, #tpu.memory_space<vmem>> -> memref<128xi32, #tpu.memory_space<vmem>>
    %dma_start3A_67 = arith.constant 0 : i32
    %dma_start3A_68 = arith.constant 0 : i32
    %dma_start3A_69 = tpu.memref_slice %arg2[%dma_start3A_67, %dma_start3A_68] : memref<10000x128xf32, #tpu.memory_space<hbm>> -> memref<10000x128xf32, #tpu.memory_space<hbm>>
    tpu.enqueue_indirect_dma source(%dma_start3A_69 : memref<10000x128xf32, #tpu.memory_space<hbm>>) target(%arg11 : memref<128x128xf32, #tpu.memory_space<vmem>>) offsets(%dma_start3A_66 : memref<128xi32, #tpu.memory_space<vmem>>) semaphore(%arg18 : memref<!tpu.dma_semaphore, #tpu.memory_space<semaphore_mem>>)
    %add3A_70 = arith.constant 384 : i32
    %add3A_71 = arith.addi %mul3A_14, %add3A_70 : i32
    %dma_start3A_72 = arith.constant 0 : i32
    %dma_start3A_73 = tpu.memref_slice %arg3[%dma_start3A_72, %add3A_71] : memref<2x327680xi32, #tpu.memory_space<hbm>> -> memref<2x128xi32, #tpu.memory_space<hbm>>
    %dma_start3A_74 = arith.constant 0 : i32
    %dma_start3A_75 = tpu.memref_slice %arg3[%dma_start3A_74, %add3A_71] : memref<2x327680xi32, #tpu.memory_space<hbm>> -> memref<2x128xi32, #tpu.memory_space<hbm>>
    tpu.enqueue_dma source(%dma_start3A_75 : memref<2x128xi32, #tpu.memory_space<hbm>>) target(%arg9 : memref<2x128xi32, #tpu.memory_space<vmem>>) target_semaphore(%arg16 : memref<!tpu.dma_semaphore, #tpu.memory_space<semaphore_mem>>)
    %dma_wait3A_76 = arith.constant 0 : i32
    %dma_wait3A_77 = arith.constant 0 : i32
    %dma_wait3A_78 = tpu.memref_slice %arg2[%dma_wait3A_76, %dma_wait3A_77] : memref<10000x128xf32, #tpu.memory_space<hbm>> -> memref<128x128xf32, #tpu.memory_space<hbm>>
    %dma_wait3A_79 = arith.constant 0 : i32
    %dma_wait3A_80 = arith.constant 0 : i32
    %dma_wait3A_81 = tpu.memref_slice %arg2[%dma_wait3A_79, %dma_wait3A_80] : memref<10000x128xf32, #tpu.memory_space<hbm>> -> memref<128x128xf32, #tpu.memory_space<hbm>>
    tpu.wait_dma2 semaphore(%arg18 : memref<!tpu.dma_semaphore, #tpu.memory_space<semaphore_mem>>) src(%dma_wait3A_81 : memref<128x128xf32, #tpu.memory_space<hbm>>) dst(%arg11 : memref<128x128xf32, #tpu.memory_space<vmem>>)
    %dma_start3A_82 = arith.constant 1 : i32
    %dma_start3A_83 = arith.constant 0 : i32
    %dma_start3A_84 = tpu.memref_slice %arg7[%dma_start3A_82, %dma_start3A_83] : memref<2x128xi32, #tpu.memory_space<vmem>> -> memref<1x128xi32, #tpu.memory_space<vmem>>
    %dma_start3A_85 = tpu.memref_squeeze %dma_start3A_84 : memref<1x128xi32, #tpu.memory_space<vmem>> -> memref<128xi32, #tpu.memory_space<vmem>>
    %dma_start3A_86 = arith.constant 0 : i32
    %dma_start3A_87 = arith.constant 0 : i32
    %dma_start3A_88 = tpu.memref_slice %arg12[%dma_start3A_86, %dma_start3A_87] : memref<10240x128xf32, #tpu.memory_space<vmem_shared>> -> memref<10240x128xf32, #tpu.memory_space<vmem_shared>>
    tpu.enqueue_indirect_dma source(%arg11 : memref<128x128xf32, #tpu.memory_space<vmem>>) target(%dma_start3A_88 : memref<10240x128xf32, #tpu.memory_space<vmem_shared>>) offsets(%dma_start3A_85 : memref<128xi32, #tpu.memory_space<vmem>>) semaphore(%arg20 : memref<!tpu.dma_semaphore, #tpu.memory_space<semaphore_mem>>) {add = true}
    %dma_wait3A_89 = arith.constant 0 : i32
    %dma_wait3A_90 = arith.constant 0 : i32
    %dma_wait3A_91 = tpu.memref_slice %arg12[%dma_wait3A_89, %dma_wait3A_90] : memref<10240x128xf32, #tpu.memory_space<vmem_shared>> -> memref<128x128xf32, #tpu.memory_space<vmem_shared>>
    %dma_wait3A_92 = arith.constant 0 : i32
    %dma_wait3A_93 = arith.constant 0 : i32
    %dma_wait3A_94 = tpu.memref_slice %arg12[%dma_wait3A_92, %dma_wait3A_93] : memref<10240x128xf32, #tpu.memory_space<vmem_shared>> -> memref<128x128xf32, #tpu.memory_space<vmem_shared>>
    tpu.wait_dma2 semaphore(%arg19 : memref<!tpu.dma_semaphore, #tpu.memory_space<semaphore_mem>>) src(%arg10 : memref<128x128xf32, #tpu.memory_space<vmem>>) dst(%dma_wait3A_94 : memref<128x128xf32, #tpu.memory_space<vmem_shared>>)
    %dma_wait3A_95 = arith.constant 0 : i32
    %dma_wait3A_96 = arith.constant 0 : i32
    %dma_wait3A_97 = tpu.memref_slice %arg3[%dma_wait3A_95, %dma_wait3A_96] : memref<2x327680xi32, #tpu.memory_space<hbm>> -> memref<2x128xi32, #tpu.memory_space<hbm>>
    %dma_wait3A_98 = arith.constant 0 : i32
    %dma_wait3A_99 = arith.constant 0 : i32
    %dma_wait3A_100 = tpu.memref_slice %arg3[%dma_wait3A_98, %dma_wait3A_99] : memref<2x327680xi32, #tpu.memory_space<hbm>> -> memref<2x128xi32, #tpu.memory_space<hbm>>
    tpu.wait_dma2 semaphore(%arg15 : memref<!tpu.dma_semaphore, #tpu.memory_space<semaphore_mem>>) src(%dma_wait3A_100 : memref<2x128xi32, #tpu.memory_space<hbm>>) dst(%arg8 : memref<2x128xi32, #tpu.memory_space<vmem>>)
    %dma_start3A_101 = arith.constant 0 : i32
    %dma_start3A_102 = arith.constant 0 : i32
    %dma_start3A_103 = tpu.memref_slice %arg8[%dma_start3A_101, %dma_start3A_102] : memref<2x128xi32, #tpu.memory_space<vmem>> -> memref<1x128xi32, #tpu.memory_space<vmem>>
    %dma_start3A_104 = tpu.memref_squeeze %dma_start3A_103 : memref<1x128xi32, #tpu.memory_space<vmem>> -> memref<128xi32, #tpu.memory_space<vmem>>
    %dma_start3A_105 = arith.constant 0 : i32
    %dma_start3A_106 = arith.constant 0 : i32
    %dma_start3A_107 = tpu.memref_slice %arg2[%dma_start3A_105, %dma_start3A_106] : memref<10000x128xf32, #tpu.memory_space<hbm>> -> memref<10000x128xf32, #tpu.memory_space<hbm>>
    tpu.enqueue_indirect_dma source(%dma_start3A_107 : memref<10000x128xf32, #tpu.memory_space<hbm>>) target(%arg10 : memref<128x128xf32, #tpu.memory_space<vmem>>) offsets(%dma_start3A_104 : memref<128xi32, #tpu.memory_space<vmem>>) semaphore(%arg17 : memref<!tpu.dma_semaphore, #tpu.memory_space<semaphore_mem>>)
    %add3A_108 = arith.constant 512 : i32
    %add3A_109 = arith.addi %mul3A_14, %add3A_108 : i32
    %dma_start3A_110 = arith.constant 0 : i32
    %dma_start3A_111 = tpu.memref_slice %arg3[%dma_start3A_110, %add3A_109] : memref<2x327680xi32, #tpu.memory_space<hbm>> -> memref<2x128xi32, #tpu.memory_space<hbm>>
    %dma_start3A_112 = arith.constant 0 : i32
    %dma_start3A_113 = tpu.memref_slice %arg3[%dma_start3A_112, %add3A_109] : memref<2x327680xi32, #tpu.memory_space<hbm>> -> memref<2x128xi32, #tpu.memory_space<hbm>>
    tpu.enqueue_dma source(%dma_start3A_113 : memref<2x128xi32, #tpu.memory_space<hbm>>) target(%arg6 : memref<2x128xi32, #tpu.memory_space<vmem>>) target_semaphore(%arg13 : memref<!tpu.dma_semaphore, #tpu.memory_space<semaphore_mem>>)
    %dma_wait3A_114 = arith.constant 0 : i32
    %dma_wait3A_115 = arith.constant 0 : i32
    %dma_wait3A_116 = tpu.memref_slice %arg2[%dma_wait3A_114, %dma_wait3A_115] : memref<10000x128xf32, #tpu.memory_space<hbm>> -> memref<128x128xf32, #tpu.memory_space<hbm>>
    %dma_wait3A_117 = arith.constant 0 : i32
    %dma_wait3A_118 = arith.constant 0 : i32
    %dma_wait3A_119 = tpu.memref_slice %arg2[%dma_wait3A_117, %dma_wait3A_118] : memref<10000x128xf32, #tpu.memory_space<hbm>> -> memref<128x128xf32, #tpu.memory_space<hbm>>
    tpu.wait_dma2 semaphore(%arg17 : memref<!tpu.dma_semaphore, #tpu.memory_space<semaphore_mem>>) src(%dma_wait3A_119 : memref<128x128xf32, #tpu.memory_space<hbm>>) dst(%arg10 : memref<128x128xf32, #tpu.memory_space<vmem>>)
    %dma_start3A_120 = arith.constant 1 : i32
    %dma_start3A_121 = arith.constant 0 : i32
    %dma_start3A_122 = tpu.memref_slice %arg8[%dma_start3A_120, %dma_start3A_121] : memref<2x128xi32, #tpu.memory_space<vmem>> -> memref<1x128xi32, #tpu.memory_space<vmem>>
    %dma_start3A_123 = tpu.memref_squeeze %dma_start3A_122 : memref<1x128xi32, #tpu.memory_space<vmem>> -> memref<128xi32, #tpu.memory_space<vmem>>
    %dma_start3A_124 = arith.constant 0 : i32
    %dma_start3A_125 = arith.constant 0 : i32
    %dma_start3A_126 = tpu.memref_slice %arg12[%dma_start3A_124, %dma_start3A_125] : memref<10240x128xf32, #tpu.memory_space<vmem_shared>> -> memref<10240x128xf32, #tpu.memory_space<vmem_shared>>
    tpu.enqueue_indirect_dma source(%arg10 : memref<128x128xf32, #tpu.memory_space<vmem>>) target(%dma_start3A_126 : memref<10240x128xf32, #tpu.memory_space<vmem_shared>>) offsets(%dma_start3A_123 : memref<128xi32, #tpu.memory_space<vmem>>) semaphore(%arg19 : memref<!tpu.dma_semaphore, #tpu.memory_space<semaphore_mem>>) {add = true}
    %dma_wait3A_127 = arith.constant 0 : i32
    %dma_wait3A_128 = arith.constant 0 : i32
    %dma_wait3A_129 = tpu.memref_slice %arg12[%dma_wait3A_127, %dma_wait3A_128] : memref<10240x128xf32, #tpu.memory_space<vmem_shared>> -> memref<128x128xf32, #tpu.memory_space<vmem_shared>>
    %dma_wait3A_130 = arith.constant 0 : i32
    %dma_wait3A_131 = arith.constant 0 : i32
    %dma_wait3A_132 = tpu.memref_slice %arg12[%dma_wait3A_130, %dma_wait3A_131] : memref<10240x128xf32, #tpu.memory_space<vmem_shared>> -> memref<128x128xf32, #tpu.memory_space<vmem_shared>>
    tpu.wait_dma2 semaphore(%arg20 : memref<!tpu.dma_semaphore, #tpu.memory_space<semaphore_mem>>) src(%arg11 : memref<128x128xf32, #tpu.memory_space<vmem>>) dst(%dma_wait3A_132 : memref<128x128xf32, #tpu.memory_space<vmem_shared>>)
    %dma_wait3A_133 = arith.constant 0 : i32
    %dma_wait3A_134 = arith.constant 0 : i32
    %dma_wait3A_135 = tpu.memref_slice %arg3[%dma_wait3A_133, %dma_wait3A_134] : memref<2x327680xi32, #tpu.memory_space<hbm>> -> memref<2x128xi32, #tpu.memory_space<hbm>>
    %dma_wait3A_136 = arith.constant 0 : i32
    %dma_wait3A_137 = arith.constant 0 : i32
    %dma_wait3A_138 = tpu.memref_slice %arg3[%dma_wait3A_136, %dma_wait3A_137] : memref<2x327680xi32, #tpu.memory_space<hbm>> -> memref<2x128xi32, #tpu.memory_space<hbm>>
    tpu.wait_dma2 semaphore(%arg16 : memref<!tpu.dma_semaphore, #tpu.memory_space<semaphore_mem>>) src(%dma_wait3A_138 : memref<2x128xi32, #tpu.memory_space<hbm>>) dst(%arg9 : memref<2x128xi32, #tpu.memory_space<vmem>>)
    %dma_start3A_139 = arith.constant 0 : i32
    %dma_start3A_140 = arith.constant 0 : i32
    %dma_start3A_141 = tpu.memref_slice %arg9[%dma_start3A_139, %dma_start3A_140] : memref<2x128xi32, #tpu.memory_space<vmem>> -> memref<1x128xi32, #tpu.memory_space<vmem>>
    %dma_start3A_142 = tpu.memref_squeeze %dma_start3A_141 : memref<1x128xi32, #tpu.memory_space<vmem>> -> memref<128xi32, #tpu.memory_space<vmem>>
    %dma_start3A_143 = arith.constant 0 : i32
    %dma_start3A_144 = arith.constant 0 : i32
    %dma_start3A_145 = tpu.memref_slice %arg2[%dma_start3A_143, %dma_start3A_144] : memref<10000x128xf32, #tpu.memory_space<hbm>> -> memref<10000x128xf32, #tpu.memory_space<hbm>>
    tpu.enqueue_indirect_dma source(%dma_start3A_145 : memref<10000x128xf32, #tpu.memory_space<hbm>>) target(%arg11 : memref<128x128xf32, #tpu.memory_space<vmem>>) offsets(%dma_start3A_142 : memref<128xi32, #tpu.memory_space<vmem>>) semaphore(%arg18 : memref<!tpu.dma_semaphore, #tpu.memory_space<semaphore_mem>>)
    %add3A_146 = arith.constant 640 : i32
    %add3A_147 = arith.addi %mul3A_14, %add3A_146 : i32
    %dma_start3A_148 = arith.constant 0 : i32
    %dma_start3A_149 = tpu.memref_slice %arg3[%dma_start3A_148, %add3A_147] : memref<2x327680xi32, #tpu.memory_space<hbm>> -> memref<2x128xi32, #tpu.memory_space<hbm>>
    %dma_start3A_150 = arith.constant 0 : i32
    %dma_start3A_151 = tpu.memref_slice %arg3[%dma_start3A_150, %add3A_147] : memref<2x327680xi32, #tpu.memory_space<hbm>> -> memref<2x128xi32, #tpu.memory_space<hbm>>
    tpu.enqueue_dma source(%dma_start3A_151 : memref<2x128xi32, #tpu.memory_space<hbm>>) target(%arg7 : memref<2x128xi32, #tpu.memory_space<vmem>>) target_semaphore(%arg14 : memref<!tpu.dma_semaphore, #tpu.memory_space<semaphore_mem>>)
    %dma_wait3A_152 = arith.constant 0 : i32
    %dma_wait3A_153 = arith.constant 0 : i32
    %dma_wait3A_154 = tpu.memref_slice %arg2[%dma_wait3A_152, %dma_wait3A_153] : memref<10000x128xf32, #tpu.memory_space<hbm>> -> memref<128x128xf32, #tpu.memory_space<hbm>>
    %dma_wait3A_155 = arith.constant 0 : i32
    %dma_wait3A_156 = arith.constant 0 : i32
    %dma_wait3A_157 = tpu.memref_slice %arg2[%dma_wait3A_155, %dma_wait3A_156] : memref<10000x128xf32, #tpu.memory_space<hbm>> -> memref<128x128xf32, #tpu.memory_space<hbm>>
    tpu.wait_dma2 semaphore(%arg18 : memref<!tpu.dma_semaphore, #tpu.memory_space<semaphore_mem>>) src(%dma_wait3A_157 : memref<128x128xf32, #tpu.memory_space<hbm>>) dst(%arg11 : memref<128x128xf32, #tpu.memory_space<vmem>>)
    %dma_start3A_158 = arith.constant 1 : i32
    %dma_start3A_159 = arith.constant 0 : i32
    %dma_start3A_160 = tpu.memref_slice %arg9[%dma_start3A_158, %dma_start3A_159] : memref<2x128xi32, #tpu.memory_space<vmem>> -> memref<1x128xi32, #tpu.memory_space<vmem>>
    %dma_start3A_161 = tpu.memref_squeeze %dma_start3A_160 : memref<1x128xi32, #tpu.memory_space<vmem>> -> memref<128xi32, #tpu.memory_space<vmem>>
    %dma_start3A_162 = arith.constant 0 : i32
    %dma_start3A_163 = arith.constant 0 : i32
    %dma_start3A_164 = tpu.memref_slice %arg12[%dma_start3A_162, %dma_start3A_163] : memref<10240x128xf32, #tpu.memory_space<vmem_shared>> -> memref<10240x128xf32, #tpu.memory_space<vmem_shared>>
    tpu.enqueue_indirect_dma source(%arg11 : memref<128x128xf32, #tpu.memory_space<vmem>>) target(%dma_start3A_164 : memref<10240x128xf32, #tpu.memory_space<vmem_shared>>) offsets(%dma_start3A_161 : memref<128xi32, #tpu.memory_space<vmem>>) semaphore(%arg20 : memref<!tpu.dma_semaphore, #tpu.memory_space<semaphore_mem>>) {add = true}
    %dma_wait3A_165 = arith.constant 0 : i32
    %dma_wait3A_166 = arith.constant 0 : i32
    %dma_wait3A_167 = tpu.memref_slice %arg12[%dma_wait3A_165, %dma_wait3A_166] : memref<10240x128xf32, #tpu.memory_space<vmem_shared>> -> memref<128x128xf32, #tpu.memory_space<vmem_shared>>
    %dma_wait3A_168 = arith.constant 0 : i32
    %dma_wait3A_169 = arith.constant 0 : i32
    %dma_wait3A_170 = tpu.memref_slice %arg12[%dma_wait3A_168, %dma_wait3A_169] : memref<10240x128xf32, #tpu.memory_space<vmem_shared>> -> memref<128x128xf32, #tpu.memory_space<vmem_shared>>
    tpu.wait_dma2 semaphore(%arg19 : memref<!tpu.dma_semaphore, #tpu.memory_space<semaphore_mem>>) src(%arg10 : memref<128x128xf32, #tpu.memory_space<vmem>>) dst(%dma_wait3A_170 : memref<128x128xf32, #tpu.memory_space<vmem_shared>>)
    %dma_wait3A_171 = arith.constant 0 : i32
    %dma_wait3A_172 = arith.constant 0 : i32
    %dma_wait3A_173 = tpu.memref_slice %arg3[%dma_wait3A_171, %dma_wait3A_172] : memref<2x327680xi32, #tpu.memory_space<hbm>> -> memref<2x128xi32, #tpu.memory_space<hbm>>
    %dma_wait3A_174 = arith.constant 0 : i32
    %dma_wait3A_175 = arith.constant 0 : i32
    %dma_wait3A_176 = tpu.memref_slice %arg3[%dma_wait3A_174, %dma_wait3A_175] : memref<2x327680xi32, #tpu.memory_space<hbm>> -> memref<2x128xi32, #tpu.memory_space<hbm>>
    tpu.wait_dma2 semaphore(%arg13 : memref<!tpu.dma_semaphore, #tpu.memory_space<semaphore_mem>>) src(%dma_wait3A_176 : memref<2x128xi32, #tpu.memory_space<hbm>>) dst(%arg6 : memref<2x128xi32, #tpu.memory_space<vmem>>)
    %dma_start3A_177 = arith.constant 0 : i32
    %dma_start3A_178 = arith.constant 0 : i32
    %dma_start3A_179 = tpu.memref_slice %arg6[%dma_start3A_177, %dma_start3A_178] : memref<2x128xi32, #tpu.memory_space<vmem>> -> memref<1x128xi32, #tpu.memory_space<vmem>>
    %dma_start3A_180 = tpu.memref_squeeze %dma_start3A_179 : memref<1x128xi32, #tpu.memory_space<vmem>> -> memref<128xi32, #tpu.memory_space<vmem>>
    %dma_start3A_181 = arith.constant 0 : i32
    %dma_start3A_182 = arith.constant 0 : i32
    %dma_start3A_183 = tpu.memref_slice %arg2[%dma_start3A_181, %dma_start3A_182] : memref<10000x128xf32, #tpu.memory_space<hbm>> -> memref<10000x128xf32, #tpu.memory_space<hbm>>
    tpu.enqueue_indirect_dma source(%dma_start3A_183 : memref<10000x128xf32, #tpu.memory_space<hbm>>) target(%arg10 : memref<128x128xf32, #tpu.memory_space<vmem>>) offsets(%dma_start3A_180 : memref<128xi32, #tpu.memory_space<vmem>>) semaphore(%arg17 : memref<!tpu.dma_semaphore, #tpu.memory_space<semaphore_mem>>)
    %add3A_184 = arith.constant 768 : i32
    %add3A_185 = arith.addi %mul3A_14, %add3A_184 : i32
    %dma_start3A_186 = arith.constant 0 : i32
    %dma_start3A_187 = tpu.memref_slice %arg3[%dma_start3A_186, %add3A_185] : memref<2x327680xi32, #tpu.memory_space<hbm>> -> memref<2x128xi32, #tpu.memory_space<hbm>>
    %dma_start3A_188 = arith.constant 0 : i32
    %dma_start3A_189 = tpu.memref_slice %arg3[%dma_start3A_188, %add3A_185] : memref<2x327680xi32, #tpu.memory_space<hbm>> -> memref<2x128xi32, #tpu.memory_space<hbm>>
    tpu.enqueue_dma source(%dma_start3A_189 : memref<2x128xi32, #tpu.memory_space<hbm>>) target(%arg8 : memref<2x128xi32, #tpu.memory_space<vmem>>) target_semaphore(%arg15 : memref<!tpu.dma_semaphore, #tpu.memory_space<semaphore_mem>>)
    %scan3A = arith.constant 0 : i32
    %scan3A_190 = arith.constant 18 : i32
    %scan3A_191 = arith.addi %scan3A, %scan3A_190 : i32
    %scan3A_192 = arith.constant 1 : i32
    scf.for %scan3A_334 = %scan3A to %scan3A_191 step %scan3A_192  : i32 {
      %mul3A_335 = arith.constant 1 : i32
      %mul3A_336 = arith.muli %scan3A_334, %mul3A_335 : i32
      %add3A_337 = arith.constant 1 : i32
      %add3A_338 = arith.addi %add3A_337, %mul3A_336 : i32
      %mul3A_339 = arith.constant 4 : i32
      %mul3A_340 = arith.muli %add3A_338, %mul3A_339 : i32
      %add3A_341 = arith.constant 0 : i32
      %add3A_342 = arith.addi %mul3A_340, %add3A_341 : i32
      %dma_wait3A_343 = arith.constant 0 : i32
      %dma_wait3A_344 = arith.constant 0 : i32
      %dma_wait3A_345 = tpu.memref_slice %arg2[%dma_wait3A_343, %dma_wait3A_344] : memref<10000x128xf32, #tpu.memory_space<hbm>> -> memref<128x128xf32, #tpu.memory_space<hbm>>
      %dma_wait3A_346 = arith.constant 0 : i32
      %dma_wait3A_347 = arith.constant 0 : i32
      %dma_wait3A_348 = tpu.memref_slice %arg2[%dma_wait3A_346, %dma_wait3A_347] : memref<10000x128xf32, #tpu.memory_space<hbm>> -> memref<128x128xf32, #tpu.memory_space<hbm>>
      tpu.wait_dma2 semaphore(%arg17 : memref<!tpu.dma_semaphore, #tpu.memory_space<semaphore_mem>>) src(%dma_wait3A_348 : memref<128x128xf32, #tpu.memory_space<hbm>>) dst(%arg10 : memref<128x128xf32, #tpu.memory_space<vmem>>)
      %dma_start3A_349 = arith.constant 1 : i32
      %dma_start3A_350 = arith.constant 0 : i32
      %dma_start3A_351 = tpu.memref_slice %arg6[%dma_start3A_349, %dma_start3A_350] : memref<2x128xi32, #tpu.memory_space<vmem>> -> memref<1x128xi32, #tpu.memory_space<vmem>>
      %dma_start3A_352 = tpu.memref_squeeze %dma_start3A_351 : memref<1x128xi32, #tpu.memory_space<vmem>> -> memref<128xi32, #tpu.memory_space<vmem>>
      %dma_start3A_353 = arith.constant 0 : i32
      %dma_start3A_354 = arith.constant 0 : i32
      %dma_start3A_355 = tpu.memref_slice %arg12[%dma_start3A_353, %dma_start3A_354] : memref<10240x128xf32, #tpu.memory_space<vmem_shared>> -> memref<10240x128xf32, #tpu.memory_space<vmem_shared>>
      tpu.enqueue_indirect_dma source(%arg10 : memref<128x128xf32, #tpu.memory_space<vmem>>) target(%dma_start3A_355 : memref<10240x128xf32, #tpu.memory_space<vmem_shared>>) offsets(%dma_start3A_352 : memref<128xi32, #tpu.memory_space<vmem>>) semaphore(%arg19 : memref<!tpu.dma_semaphore, #tpu.memory_space<semaphore_mem>>) {add = true}
      %dma_wait3A_356 = arith.constant 0 : i32
      %dma_wait3A_357 = arith.constant 0 : i32
      %dma_wait3A_358 = tpu.memref_slice %arg12[%dma_wait3A_356, %dma_wait3A_357] : memref<10240x128xf32, #tpu.memory_space<vmem_shared>> -> memref<128x128xf32, #tpu.memory_space<vmem_shared>>
      %dma_wait3A_359 = arith.constant 0 : i32
      %dma_wait3A_360 = arith.constant 0 : i32
      %dma_wait3A_361 = tpu.memref_slice %arg12[%dma_wait3A_359, %dma_wait3A_360] : memref<10240x128xf32, #tpu.memory_space<vmem_shared>> -> memref<128x128xf32, #tpu.memory_space<vmem_shared>>
      tpu.wait_dma2 semaphore(%arg20 : memref<!tpu.dma_semaphore, #tpu.memory_space<semaphore_mem>>) src(%arg11 : memref<128x128xf32, #tpu.memory_space<vmem>>) dst(%dma_wait3A_361 : memref<128x128xf32, #tpu.memory_space<vmem_shared>>)
      %dma_wait3A_362 = arith.constant 0 : i32
      %dma_wait3A_363 = arith.constant 0 : i32
      %dma_wait3A_364 = tpu.memref_slice %arg3[%dma_wait3A_362, %dma_wait3A_363] : memref<2x327680xi32, #tpu.memory_space<hbm>> -> memref<2x128xi32, #tpu.memory_space<hbm>>
      %dma_wait3A_365 = arith.constant 0 : i32
      %dma_wait3A_366 = arith.constant 0 : i32
      %dma_wait3A_367 = tpu.memref_slice %arg3[%dma_wait3A_365, %dma_wait3A_366] : memref<2x327680xi32, #tpu.memory_space<hbm>> -> memref<2x128xi32, #tpu.memory_space<hbm>>
      tpu.wait_dma2 semaphore(%arg14 : memref<!tpu.dma_semaphore, #tpu.memory_space<semaphore_mem>>) src(%dma_wait3A_367 : memref<2x128xi32, #tpu.memory_space<hbm>>) dst(%arg7 : memref<2x128xi32, #tpu.memory_space<vmem>>)
      %dma_start3A_368 = arith.constant 0 : i32
      %dma_start3A_369 = arith.constant 0 : i32
      %dma_start3A_370 = tpu.memref_slice %arg7[%dma_start3A_368, %dma_start3A_369] : memref<2x128xi32, #tpu.memory_space<vmem>> -> memref<1x128xi32, #tpu.memory_space<vmem>>
      %dma_start3A_371 = tpu.memref_squeeze %dma_start3A_370 : memref<1x128xi32, #tpu.memory_space<vmem>> -> memref<128xi32, #tpu.memory_space<vmem>>
      %dma_start3A_372 = arith.constant 0 : i32
      %dma_start3A_373 = arith.constant 0 : i32
      %dma_start3A_374 = tpu.memref_slice %arg2[%dma_start3A_372, %dma_start3A_373] : memref<10000x128xf32, #tpu.memory_space<hbm>> -> memref<10000x128xf32, #tpu.memory_space<hbm>>
      tpu.enqueue_indirect_dma source(%dma_start3A_374 : memref<10000x128xf32, #tpu.memory_space<hbm>>) target(%arg11 : memref<128x128xf32, #tpu.memory_space<vmem>>) offsets(%dma_start3A_371 : memref<128xi32, #tpu.memory_space<vmem>>) semaphore(%arg18 : memref<!tpu.dma_semaphore, #tpu.memory_space<semaphore_mem>>)
      %add3A_375 = arith.constant 3 : i32
      %add3A_376 = arith.addi %add3A_342, %add3A_375 : i32
      %mul3A_377 = arith.constant 128 : i32
      %mul3A_378 = arith.muli %add3A_376, %mul3A_377 : i32
      %add3A_379 = arith.addi %mul3A_14, %mul3A_378 : i32
      %dma_start3A_380 = arith.constant 0 : i32
      %dma_start3A_381 = tpu.memref_slice %arg3[%dma_start3A_380, %add3A_379] : memref<2x327680xi32, #tpu.memory_space<hbm>> -> memref<2x128xi32, #tpu.memory_space<hbm>>
      %dma_start3A_382 = arith.constant 0 : i32
      %dma_start3A_383 = tpu.memref_slice %arg3[%dma_start3A_382, %add3A_379] : memref<2x327680xi32, #tpu.memory_space<hbm>> -> memref<2x128xi32, #tpu.memory_space<hbm>>
      tpu.enqueue_dma source(%dma_start3A_383 : memref<2x128xi32, #tpu.memory_space<hbm>>) target(%arg9 : memref<2x128xi32, #tpu.memory_space<vmem>>) target_semaphore(%arg16 : memref<!tpu.dma_semaphore, #tpu.memory_space<semaphore_mem>>)
      %add3A_384 = arith.constant 1 : i32
      %add3A_385 = arith.addi %mul3A_340, %add3A_384 : i32
      %dma_wait3A_386 = arith.constant 0 : i32
      %dma_wait3A_387 = arith.constant 0 : i32
      %dma_wait3A_388 = tpu.memref_slice %arg2[%dma_wait3A_386, %dma_wait3A_387] : memref<10000x128xf32, #tpu.memory_space<hbm>> -> memref<128x128xf32, #tpu.memory_space<hbm>>
      %dma_wait3A_389 = arith.constant 0 : i32
      %dma_wait3A_390 = arith.constant 0 : i32
      %dma_wait3A_391 = tpu.memref_slice %arg2[%dma_wait3A_389, %dma_wait3A_390] : memref<10000x128xf32, #tpu.memory_space<hbm>> -> memref<128x128xf32, #tpu.memory_space<hbm>>
      tpu.wait_dma2 semaphore(%arg18 : memref<!tpu.dma_semaphore, #tpu.memory_space<semaphore_mem>>) src(%dma_wait3A_391 : memref<128x128xf32, #tpu.memory_space<hbm>>) dst(%arg11 : memref<128x128xf32, #tpu.memory_space<vmem>>)
      %dma_start3A_392 = arith.constant 1 : i32
      %dma_start3A_393 = arith.constant 0 : i32
      %dma_start3A_394 = tpu.memref_slice %arg7[%dma_start3A_392, %dma_start3A_393] : memref<2x128xi32, #tpu.memory_space<vmem>> -> memref<1x128xi32, #tpu.memory_space<vmem>>
      %dma_start3A_395 = tpu.memref_squeeze %dma_start3A_394 : memref<1x128xi32, #tpu.memory_space<vmem>> -> memref<128xi32, #tpu.memory_space<vmem>>
      %dma_start3A_396 = arith.constant 0 : i32
      %dma_start3A_397 = arith.constant 0 : i32
      %dma_start3A_398 = tpu.memref_slice %arg12[%dma_start3A_396, %dma_start3A_397] : memref<10240x128xf32, #tpu.memory_space<vmem_shared>> -> memref<10240x128xf32, #tpu.memory_space<vmem_shared>>
      tpu.enqueue_indirect_dma source(%arg11 : memref<128x128xf32, #tpu.memory_space<vmem>>) target(%dma_start3A_398 : memref<10240x128xf32, #tpu.memory_space<vmem_shared>>) offsets(%dma_start3A_395 : memref<128xi32, #tpu.memory_space<vmem>>) semaphore(%arg20 : memref<!tpu.dma_semaphore, #tpu.memory_space<semaphore_mem>>) {add = true}
      %dma_wait3A_399 = arith.constant 0 : i32
      %dma_wait3A_400 = arith.constant 0 : i32
      %dma_wait3A_401 = tpu.memref_slice %arg12[%dma_wait3A_399, %dma_wait3A_400] : memref<10240x128xf32, #tpu.memory_space<vmem_shared>> -> memref<128x128xf32, #tpu.memory_space<vmem_shared>>
      %dma_wait3A_402 = arith.constant 0 : i32
      %dma_wait3A_403 = arith.constant 0 : i32
      %dma_wait3A_404 = tpu.memref_slice %arg12[%dma_wait3A_402, %dma_wait3A_403] : memref<10240x128xf32, #tpu.memory_space<vmem_shared>> -> memref<128x128xf32, #tpu.memory_space<vmem_shared>>
      tpu.wait_dma2 semaphore(%arg19 : memref<!tpu.dma_semaphore, #tpu.memory_space<semaphore_mem>>) src(%arg10 : memref<128x128xf32, #tpu.memory_space<vmem>>) dst(%dma_wait3A_404 : memref<128x128xf32, #tpu.memory_space<vmem_shared>>)
      %dma_wait3A_405 = arith.constant 0 : i32
      %dma_wait3A_406 = arith.constant 0 : i32
      %dma_wait3A_407 = tpu.memref_slice %arg3[%dma_wait3A_405, %dma_wait3A_406] : memref<2x327680xi32, #tpu.memory_space<hbm>> -> memref<2x128xi32, #tpu.memory_space<hbm>>
      %dma_wait3A_408 = arith.constant 0 : i32
      %dma_wait3A_409 = arith.constant 0 : i32
      %dma_wait3A_410 = tpu.memref_slice %arg3[%dma_wait3A_408, %dma_wait3A_409] : memref<2x327680xi32, #tpu.memory_space<hbm>> -> memref<2x128xi32, #tpu.memory_space<hbm>>
      tpu.wait_dma2 semaphore(%arg15 : memref<!tpu.dma_semaphore, #tpu.memory_space<semaphore_mem>>) src(%dma_wait3A_410 : memref<2x128xi32, #tpu.memory_space<hbm>>) dst(%arg8 : memref<2x128xi32, #tpu.memory_space<vmem>>)
      %dma_start3A_411 = arith.constant 0 : i32
      %dma_start3A_412 = arith.constant 0 : i32
      %dma_start3A_413 = tpu.memref_slice %arg8[%dma_start3A_411, %dma_start3A_412] : memref<2x128xi32, #tpu.memory_space<vmem>> -> memref<1x128xi32, #tpu.memory_space<vmem>>
      %dma_start3A_414 = tpu.memref_squeeze %dma_start3A_413 : memref<1x128xi32, #tpu.memory_space<vmem>> -> memref<128xi32, #tpu.memory_space<vmem>>
      %dma_start3A_415 = arith.constant 0 : i32
      %dma_start3A_416 = arith.constant 0 : i32
      %dma_start3A_417 = tpu.memref_slice %arg2[%dma_start3A_415, %dma_start3A_416] : memref<10000x128xf32, #tpu.memory_space<hbm>> -> memref<10000x128xf32, #tpu.memory_space<hbm>>
      tpu.enqueue_indirect_dma source(%dma_start3A_417 : memref<10000x128xf32, #tpu.memory_space<hbm>>) target(%arg10 : memref<128x128xf32, #tpu.memory_space<vmem>>) offsets(%dma_start3A_414 : memref<128xi32, #tpu.memory_space<vmem>>) semaphore(%arg17 : memref<!tpu.dma_semaphore, #tpu.memory_space<semaphore_mem>>)
      %add3A_418 = arith.constant 3 : i32
      %add3A_419 = arith.addi %add3A_385, %add3A_418 : i32
      %mul3A_420 = arith.constant 128 : i32
      %mul3A_421 = arith.muli %add3A_419, %mul3A_420 : i32
      %add3A_422 = arith.addi %mul3A_14, %mul3A_421 : i32
      %dma_start3A_423 = arith.constant 0 : i32
      %dma_start3A_424 = tpu.memref_slice %arg3[%dma_start3A_423, %add3A_422] : memref<2x327680xi32, #tpu.memory_space<hbm>> -> memref<2x128xi32, #tpu.memory_space<hbm>>
      %dma_start3A_425 = arith.constant 0 : i32
      %dma_start3A_426 = tpu.memref_slice %arg3[%dma_start3A_425, %add3A_422] : memref<2x327680xi32, #tpu.memory_space<hbm>> -> memref<2x128xi32, #tpu.memory_space<hbm>>
      tpu.enqueue_dma source(%dma_start3A_426 : memref<2x128xi32, #tpu.memory_space<hbm>>) target(%arg6 : memref<2x128xi32, #tpu.memory_space<vmem>>) target_semaphore(%arg13 : memref<!tpu.dma_semaphore, #tpu.memory_space<semaphore_mem>>)
      %add3A_427 = arith.constant 2 : i32
      %add3A_428 = arith.addi %mul3A_340, %add3A_427 : i32
      %dma_wait3A_429 = arith.constant 0 : i32
      %dma_wait3A_430 = arith.constant 0 : i32
      %dma_wait3A_431 = tpu.memref_slice %arg2[%dma_wait3A_429, %dma_wait3A_430] : memref<10000x128xf32, #tpu.memory_space<hbm>> -> memref<128x128xf32, #tpu.memory_space<hbm>>
      %dma_wait3A_432 = arith.constant 0 : i32
      %dma_wait3A_433 = arith.constant 0 : i32
      %dma_wait3A_434 = tpu.memref_slice %arg2[%dma_wait3A_432, %dma_wait3A_433] : memref<10000x128xf32, #tpu.memory_space<hbm>> -> memref<128x128xf32, #tpu.memory_space<hbm>>
      tpu.wait_dma2 semaphore(%arg17 : memref<!tpu.dma_semaphore, #tpu.memory_space<semaphore_mem>>) src(%dma_wait3A_434 : memref<128x128xf32, #tpu.memory_space<hbm>>) dst(%arg10 : memref<128x128xf32, #tpu.memory_space<vmem>>)
      %dma_start3A_435 = arith.constant 1 : i32
      %dma_start3A_436 = arith.constant 0 : i32
      %dma_start3A_437 = tpu.memref_slice %arg8[%dma_start3A_435, %dma_start3A_436] : memref<2x128xi32, #tpu.memory_space<vmem>> -> memref<1x128xi32, #tpu.memory_space<vmem>>
      %dma_start3A_438 = tpu.memref_squeeze %dma_start3A_437 : memref<1x128xi32, #tpu.memory_space<vmem>> -> memref<128xi32, #tpu.memory_space<vmem>>
      %dma_start3A_439 = arith.constant 0 : i32
      %dma_start3A_440 = arith.constant 0 : i32
      %dma_start3A_441 = tpu.memref_slice %arg12[%dma_start3A_439, %dma_start3A_440] : memref<10240x128xf32, #tpu.memory_space<vmem_shared>> -> memref<10240x128xf32, #tpu.memory_space<vmem_shared>>
      tpu.enqueue_indirect_dma source(%arg10 : memref<128x128xf32, #tpu.memory_space<vmem>>) target(%dma_start3A_441 : memref<10240x128xf32, #tpu.memory_space<vmem_shared>>) offsets(%dma_start3A_438 : memref<128xi32, #tpu.memory_space<vmem>>) semaphore(%arg19 : memref<!tpu.dma_semaphore, #tpu.memory_space<semaphore_mem>>) {add = true}
      %dma_wait3A_442 = arith.constant 0 : i32
      %dma_wait3A_443 = arith.constant 0 : i32
      %dma_wait3A_444 = tpu.memref_slice %arg12[%dma_wait3A_442, %dma_wait3A_443] : memref<10240x128xf32, #tpu.memory_space<vmem_shared>> -> memref<128x128xf32, #tpu.memory_space<vmem_shared>>
      %dma_wait3A_445 = arith.constant 0 : i32
      %dma_wait3A_446 = arith.constant 0 : i32
      %dma_wait3A_447 = tpu.memref_slice %arg12[%dma_wait3A_445, %dma_wait3A_446] : memref<10240x128xf32, #tpu.memory_space<vmem_shared>> -> memref<128x128xf32, #tpu.memory_space<vmem_shared>>
      tpu.wait_dma2 semaphore(%arg20 : memref<!tpu.dma_semaphore, #tpu.memory_space<semaphore_mem>>) src(%arg11 : memref<128x128xf32, #tpu.memory_space<vmem>>) dst(%dma_wait3A_447 : memref<128x128xf32, #tpu.memory_space<vmem_shared>>)
      %dma_wait3A_448 = arith.constant 0 : i32
      %dma_wait3A_449 = arith.constant 0 : i32
      %dma_wait3A_450 = tpu.memref_slice %arg3[%dma_wait3A_448, %dma_wait3A_449] : memref<2x327680xi32, #tpu.memory_space<hbm>> -> memref<2x128xi32, #tpu.memory_space<hbm>>
      %dma_wait3A_451 = arith.constant 0 : i32
      %dma_wait3A_452 = arith.constant 0 : i32
      %dma_wait3A_453 = tpu.memref_slice %arg3[%dma_wait3A_451, %dma_wait3A_452] : memref<2x327680xi32, #tpu.memory_space<hbm>> -> memref<2x128xi32, #tpu.memory_space<hbm>>
      tpu.wait_dma2 semaphore(%arg16 : memref<!tpu.dma_semaphore, #tpu.memory_space<semaphore_mem>>) src(%dma_wait3A_453 : memref<2x128xi32, #tpu.memory_space<hbm>>) dst(%arg9 : memref<2x128xi32, #tpu.memory_space<vmem>>)
      %dma_start3A_454 = arith.constant 0 : i32
      %dma_start3A_455 = arith.constant 0 : i32
      %dma_start3A_456 = tpu.memref_slice %arg9[%dma_start3A_454, %dma_start3A_455] : memref<2x128xi32, #tpu.memory_space<vmem>> -> memref<1x128xi32, #tpu.memory_space<vmem>>
      %dma_start3A_457 = tpu.memref_squeeze %dma_start3A_456 : memref<1x128xi32, #tpu.memory_space<vmem>> -> memref<128xi32, #tpu.memory_space<vmem>>
      %dma_start3A_458 = arith.constant 0 : i32
      %dma_start3A_459 = arith.constant 0 : i32
      %dma_start3A_460 = tpu.memref_slice %arg2[%dma_start3A_458, %dma_start3A_459] : memref<10000x128xf32, #tpu.memory_space<hbm>> -> memref<10000x128xf32, #tpu.memory_space<hbm>>
      tpu.enqueue_indirect_dma source(%dma_start3A_460 : memref<10000x128xf32, #tpu.memory_space<hbm>>) target(%arg11 : memref<128x128xf32, #tpu.memory_space<vmem>>) offsets(%dma_start3A_457 : memref<128xi32, #tpu.memory_space<vmem>>) semaphore(%arg18 : memref<!tpu.dma_semaphore, #tpu.memory_space<semaphore_mem>>)
      %add3A_461 = arith.constant 3 : i32
      %add3A_462 = arith.addi %add3A_428, %add3A_461 : i32
      %mul3A_463 = arith.constant 128 : i32
      %mul3A_464 = arith.muli %add3A_462, %mul3A_463 : i32
      %add3A_465 = arith.addi %mul3A_14, %mul3A_464 : i32
      %dma_start3A_466 = arith.constant 0 : i32
      %dma_start3A_467 = tpu.memref_slice %arg3[%dma_start3A_466, %add3A_465] : memref<2x327680xi32, #tpu.memory_space<hbm>> -> memref<2x128xi32, #tpu.memory_space<hbm>>
      %dma_start3A_468 = arith.constant 0 : i32
      %dma_start3A_469 = tpu.memref_slice %arg3[%dma_start3A_468, %add3A_465] : memref<2x327680xi32, #tpu.memory_space<hbm>> -> memref<2x128xi32, #tpu.memory_space<hbm>>
      tpu.enqueue_dma source(%dma_start3A_469 : memref<2x128xi32, #tpu.memory_space<hbm>>) target(%arg7 : memref<2x128xi32, #tpu.memory_space<vmem>>) target_semaphore(%arg14 : memref<!tpu.dma_semaphore, #tpu.memory_space<semaphore_mem>>)
      %add3A_470 = arith.constant 3 : i32
      %add3A_471 = arith.addi %mul3A_340, %add3A_470 : i32
      %dma_wait3A_472 = arith.constant 0 : i32
      %dma_wait3A_473 = arith.constant 0 : i32
      %dma_wait3A_474 = tpu.memref_slice %arg2[%dma_wait3A_472, %dma_wait3A_473] : memref<10000x128xf32, #tpu.memory_space<hbm>> -> memref<128x128xf32, #tpu.memory_space<hbm>>
      %dma_wait3A_475 = arith.constant 0 : i32
      %dma_wait3A_476 = arith.constant 0 : i32
      %dma_wait3A_477 = tpu.memref_slice %arg2[%dma_wait3A_475, %dma_wait3A_476] : memref<10000x128xf32, #tpu.memory_space<hbm>> -> memref<128x128xf32, #tpu.memory_space<hbm>>
      tpu.wait_dma2 semaphore(%arg18 : memref<!tpu.dma_semaphore, #tpu.memory_space<semaphore_mem>>) src(%dma_wait3A_477 : memref<128x128xf32, #tpu.memory_space<hbm>>) dst(%arg11 : memref<128x128xf32, #tpu.memory_space<vmem>>)
      %dma_start3A_478 = arith.constant 1 : i32
      %dma_start3A_479 = arith.constant 0 : i32
      %dma_start3A_480 = tpu.memref_slice %arg9[%dma_start3A_478, %dma_start3A_479] : memref<2x128xi32, #tpu.memory_space<vmem>> -> memref<1x128xi32, #tpu.memory_space<vmem>>
      %dma_start3A_481 = tpu.memref_squeeze %dma_start3A_480 : memref<1x128xi32, #tpu.memory_space<vmem>> -> memref<128xi32, #tpu.memory_space<vmem>>
      %dma_start3A_482 = arith.constant 0 : i32
      %dma_start3A_483 = arith.constant 0 : i32
      %dma_start3A_484 = tpu.memref_slice %arg12[%dma_start3A_482, %dma_start3A_483] : memref<10240x128xf32, #tpu.memory_space<vmem_shared>> -> memref<10240x128xf32, #tpu.memory_space<vmem_shared>>
      tpu.enqueue_indirect_dma source(%arg11 : memref<128x128xf32, #tpu.memory_space<vmem>>) target(%dma_start3A_484 : memref<10240x128xf32, #tpu.memory_space<vmem_shared>>) offsets(%dma_start3A_481 : memref<128xi32, #tpu.memory_space<vmem>>) semaphore(%arg20 : memref<!tpu.dma_semaphore, #tpu.memory_space<semaphore_mem>>) {add = true}
      %dma_wait3A_485 = arith.constant 0 : i32
      %dma_wait3A_486 = arith.constant 0 : i32
      %dma_wait3A_487 = tpu.memref_slice %arg12[%dma_wait3A_485, %dma_wait3A_486] : memref<10240x128xf32, #tpu.memory_space<vmem_shared>> -> memref<128x128xf32, #tpu.memory_space<vmem_shared>>
      %dma_wait3A_488 = arith.constant 0 : i32
      %dma_wait3A_489 = arith.constant 0 : i32
      %dma_wait3A_490 = tpu.memref_slice %arg12[%dma_wait3A_488, %dma_wait3A_489] : memref<10240x128xf32, #tpu.memory_space<vmem_shared>> -> memref<128x128xf32, #tpu.memory_space<vmem_shared>>
      tpu.wait_dma2 semaphore(%arg19 : memref<!tpu.dma_semaphore, #tpu.memory_space<semaphore_mem>>) src(%arg10 : memref<128x128xf32, #tpu.memory_space<vmem>>) dst(%dma_wait3A_490 : memref<128x128xf32, #tpu.memory_space<vmem_shared>>)
      %dma_wait3A_491 = arith.constant 0 : i32
      %dma_wait3A_492 = arith.constant 0 : i32
      %dma_wait3A_493 = tpu.memref_slice %arg3[%dma_wait3A_491, %dma_wait3A_492] : memref<2x327680xi32, #tpu.memory_space<hbm>> -> memref<2x128xi32, #tpu.memory_space<hbm>>
      %dma_wait3A_494 = arith.constant 0 : i32
      %dma_wait3A_495 = arith.constant 0 : i32
      %dma_wait3A_496 = tpu.memref_slice %arg3[%dma_wait3A_494, %dma_wait3A_495] : memref<2x327680xi32, #tpu.memory_space<hbm>> -> memref<2x128xi32, #tpu.memory_space<hbm>>
      tpu.wait_dma2 semaphore(%arg13 : memref<!tpu.dma_semaphore, #tpu.memory_space<semaphore_mem>>) src(%dma_wait3A_496 : memref<2x128xi32, #tpu.memory_space<hbm>>) dst(%arg6 : memref<2x128xi32, #tpu.memory_space<vmem>>)
      %dma_start3A_497 = arith.constant 0 : i32
      %dma_start3A_498 = arith.constant 0 : i32
      %dma_start3A_499 = tpu.memref_slice %arg6[%dma_start3A_497, %dma_start3A_498] : memref<2x128xi32, #tpu.memory_space<vmem>> -> memref<1x128xi32, #tpu.memory_space<vmem>>
      %dma_start3A_500 = tpu.memref_squeeze %dma_start3A_499 : memref<1x128xi32, #tpu.memory_space<vmem>> -> memref<128xi32, #tpu.memory_space<vmem>>
      %dma_start3A_501 = arith.constant 0 : i32
      %dma_start3A_502 = arith.constant 0 : i32
      %dma_start3A_503 = tpu.memref_slice %arg2[%dma_start3A_501, %dma_start3A_502] : memref<10000x128xf32, #tpu.memory_space<hbm>> -> memref<10000x128xf32, #tpu.memory_space<hbm>>
      tpu.enqueue_indirect_dma source(%dma_start3A_503 : memref<10000x128xf32, #tpu.memory_space<hbm>>) target(%arg10 : memref<128x128xf32, #tpu.memory_space<vmem>>) offsets(%dma_start3A_500 : memref<128xi32, #tpu.memory_space<vmem>>) semaphore(%arg17 : memref<!tpu.dma_semaphore, #tpu.memory_space<semaphore_mem>>)
      %add3A_504 = arith.constant 3 : i32
      %add3A_505 = arith.addi %add3A_471, %add3A_504 : i32
      %mul3A_506 = arith.constant 128 : i32
      %mul3A_507 = arith.muli %add3A_505, %mul3A_506 : i32
      %add3A_508 = arith.addi %mul3A_14, %mul3A_507 : i32
      %dma_start3A_509 = arith.constant 0 : i32
      %dma_start3A_510 = tpu.memref_slice %arg3[%dma_start3A_509, %add3A_508] : memref<2x327680xi32, #tpu.memory_space<hbm>> -> memref<2x128xi32, #tpu.memory_space<hbm>>
      %dma_start3A_511 = arith.constant 0 : i32
      %dma_start3A_512 = tpu.memref_slice %arg3[%dma_start3A_511, %add3A_508] : memref<2x327680xi32, #tpu.memory_space<hbm>> -> memref<2x128xi32, #tpu.memory_space<hbm>>
      tpu.enqueue_dma source(%dma_start3A_512 : memref<2x128xi32, #tpu.memory_space<hbm>>) target(%arg8 : memref<2x128xi32, #tpu.memory_space<vmem>>) target_semaphore(%arg15 : memref<!tpu.dma_semaphore, #tpu.memory_space<semaphore_mem>>)
    }
    %scan3A_193 = arith.constant 18 : i32
    %dma_wait3A_194 = arith.constant 0 : i32
    %dma_wait3A_195 = arith.constant 0 : i32
    %dma_wait3A_196 = tpu.memref_slice %arg2[%dma_wait3A_194, %dma_wait3A_195] : memref<10000x128xf32, #tpu.memory_space<hbm>> -> memref<128x128xf32, #tpu.memory_space<hbm>>
    %dma_wait3A_197 = arith.constant 0 : i32
    %dma_wait3A_198 = arith.constant 0 : i32
    %dma_wait3A_199 = tpu.memref_slice %arg2[%dma_wait3A_197, %dma_wait3A_198] : memref<10000x128xf32, #tpu.memory_space<hbm>> -> memref<128x128xf32, #tpu.memory_space<hbm>>
    tpu.wait_dma2 semaphore(%arg17 : memref<!tpu.dma_semaphore, #tpu.memory_space<semaphore_mem>>) src(%dma_wait3A_199 : memref<128x128xf32, #tpu.memory_space<hbm>>) dst(%arg10 : memref<128x128xf32, #tpu.memory_space<vmem>>)
    %dma_start3A_200 = arith.constant 1 : i32
    %dma_start3A_201 = arith.constant 0 : i32
    %dma_start3A_202 = tpu.memref_slice %arg6[%dma_start3A_200, %dma_start3A_201] : memref<2x128xi32, #tpu.memory_space<vmem>> -> memref<1x128xi32, #tpu.memory_space<vmem>>
    %dma_start3A_203 = tpu.memref_squeeze %dma_start3A_202 : memref<1x128xi32, #tpu.memory_space<vmem>> -> memref<128xi32, #tpu.memory_space<vmem>>
    %dma_start3A_204 = arith.constant 0 : i32
    %dma_start3A_205 = arith.constant 0 : i32
    %dma_start3A_206 = tpu.memref_slice %arg12[%dma_start3A_204, %dma_start3A_205] : memref<10240x128xf32, #tpu.memory_space<vmem_shared>> -> memref<10240x128xf32, #tpu.memory_space<vmem_shared>>
    tpu.enqueue_indirect_dma source(%arg10 : memref<128x128xf32, #tpu.memory_space<vmem>>) target(%dma_start3A_206 : memref<10240x128xf32, #tpu.memory_space<vmem_shared>>) offsets(%dma_start3A_203 : memref<128xi32, #tpu.memory_space<vmem>>) semaphore(%arg19 : memref<!tpu.dma_semaphore, #tpu.memory_space<semaphore_mem>>) {add = true}
    %dma_wait3A_207 = arith.constant 0 : i32
    %dma_wait3A_208 = arith.constant 0 : i32
    %dma_wait3A_209 = tpu.memref_slice %arg12[%dma_wait3A_207, %dma_wait3A_208] : memref<10240x128xf32, #tpu.memory_space<vmem_shared>> -> memref<128x128xf32, #tpu.memory_space<vmem_shared>>
    %dma_wait3A_210 = arith.constant 0 : i32
    %dma_wait3A_211 = arith.constant 0 : i32
    %dma_wait3A_212 = tpu.memref_slice %arg12[%dma_wait3A_210, %dma_wait3A_211] : memref<10240x128xf32, #tpu.memory_space<vmem_shared>> -> memref<128x128xf32, #tpu.memory_space<vmem_shared>>
    tpu.wait_dma2 semaphore(%arg20 : memref<!tpu.dma_semaphore, #tpu.memory_space<semaphore_mem>>) src(%arg11 : memref<128x128xf32, #tpu.memory_space<vmem>>) dst(%dma_wait3A_212 : memref<128x128xf32, #tpu.memory_space<vmem_shared>>)
    %dma_wait3A_213 = arith.constant 0 : i32
    %dma_wait3A_214 = arith.constant 0 : i32
    %dma_wait3A_215 = tpu.memref_slice %arg3[%dma_wait3A_213, %dma_wait3A_214] : memref<2x327680xi32, #tpu.memory_space<hbm>> -> memref<2x128xi32, #tpu.memory_space<hbm>>
    %dma_wait3A_216 = arith.constant 0 : i32
    %dma_wait3A_217 = arith.constant 0 : i32
    %dma_wait3A_218 = tpu.memref_slice %arg3[%dma_wait3A_216, %dma_wait3A_217] : memref<2x327680xi32, #tpu.memory_space<hbm>> -> memref<2x128xi32, #tpu.memory_space<hbm>>
    tpu.wait_dma2 semaphore(%arg14 : memref<!tpu.dma_semaphore, #tpu.memory_space<semaphore_mem>>) src(%dma_wait3A_218 : memref<2x128xi32, #tpu.memory_space<hbm>>) dst(%arg7 : memref<2x128xi32, #tpu.memory_space<vmem>>)
    %dma_start3A_219 = arith.constant 0 : i32
    %dma_start3A_220 = arith.constant 0 : i32
    %dma_start3A_221 = tpu.memref_slice %arg7[%dma_start3A_219, %dma_start3A_220] : memref<2x128xi32, #tpu.memory_space<vmem>> -> memref<1x128xi32, #tpu.memory_space<vmem>>
    %dma_start3A_222 = tpu.memref_squeeze %dma_start3A_221 : memref<1x128xi32, #tpu.memory_space<vmem>> -> memref<128xi32, #tpu.memory_space<vmem>>
    %dma_start3A_223 = arith.constant 0 : i32
    %dma_start3A_224 = arith.constant 0 : i32
    %dma_start3A_225 = tpu.memref_slice %arg2[%dma_start3A_223, %dma_start3A_224] : memref<10000x128xf32, #tpu.memory_space<hbm>> -> memref<10000x128xf32, #tpu.memory_space<hbm>>
    tpu.enqueue_indirect_dma source(%dma_start3A_225 : memref<10000x128xf32, #tpu.memory_space<hbm>>) target(%arg11 : memref<128x128xf32, #tpu.memory_space<vmem>>) offsets(%dma_start3A_222 : memref<128xi32, #tpu.memory_space<vmem>>) semaphore(%arg18 : memref<!tpu.dma_semaphore, #tpu.memory_space<semaphore_mem>>)
    %add3A_226 = arith.constant 10112 : i32
    %add3A_227 = arith.addi %mul3A_14, %add3A_226 : i32
    %dma_start3A_228 = arith.constant 0 : i32
    %dma_start3A_229 = tpu.memref_slice %arg3[%dma_start3A_228, %add3A_227] : memref<2x327680xi32, #tpu.memory_space<hbm>> -> memref<2x128xi32, #tpu.memory_space<hbm>>
    %dma_start3A_230 = arith.constant 0 : i32
    %dma_start3A_231 = tpu.memref_slice %arg3[%dma_start3A_230, %add3A_227] : memref<2x327680xi32, #tpu.memory_space<hbm>> -> memref<2x128xi32, #tpu.memory_space<hbm>>
    tpu.enqueue_dma source(%dma_start3A_231 : memref<2x128xi32, #tpu.memory_space<hbm>>) target(%arg9 : memref<2x128xi32, #tpu.memory_space<vmem>>) target_semaphore(%arg16 : memref<!tpu.dma_semaphore, #tpu.memory_space<semaphore_mem>>)
    %dma_wait3A_232 = arith.constant 0 : i32
    %dma_wait3A_233 = arith.constant 0 : i32
    %dma_wait3A_234 = tpu.memref_slice %arg2[%dma_wait3A_232, %dma_wait3A_233] : memref<10000x128xf32, #tpu.memory_space<hbm>> -> memref<128x128xf32, #tpu.memory_space<hbm>>
    %dma_wait3A_235 = arith.constant 0 : i32
    %dma_wait3A_236 = arith.constant 0 : i32
    %dma_wait3A_237 = tpu.memref_slice %arg2[%dma_wait3A_235, %dma_wait3A_236] : memref<10000x128xf32, #tpu.memory_space<hbm>> -> memref<128x128xf32, #tpu.memory_space<hbm>>
    tpu.wait_dma2 semaphore(%arg18 : memref<!tpu.dma_semaphore, #tpu.memory_space<semaphore_mem>>) src(%dma_wait3A_237 : memref<128x128xf32, #tpu.memory_space<hbm>>) dst(%arg11 : memref<128x128xf32, #tpu.memory_space<vmem>>)
    %dma_start3A_238 = arith.constant 1 : i32
    %dma_start3A_239 = arith.constant 0 : i32
    %dma_start3A_240 = tpu.memref_slice %arg7[%dma_start3A_238, %dma_start3A_239] : memref<2x128xi32, #tpu.memory_space<vmem>> -> memref<1x128xi32, #tpu.memory_space<vmem>>
    %dma_start3A_241 = tpu.memref_squeeze %dma_start3A_240 : memref<1x128xi32, #tpu.memory_space<vmem>> -> memref<128xi32, #tpu.memory_space<vmem>>
    %dma_start3A_242 = arith.constant 0 : i32
    %dma_start3A_243 = arith.constant 0 : i32
    %dma_start3A_244 = tpu.memref_slice %arg12[%dma_start3A_242, %dma_start3A_243] : memref<10240x128xf32, #tpu.memory_space<vmem_shared>> -> memref<10240x128xf32, #tpu.memory_space<vmem_shared>>
    tpu.enqueue_indirect_dma source(%arg11 : memref<128x128xf32, #tpu.memory_space<vmem>>) target(%dma_start3A_244 : memref<10240x128xf32, #tpu.memory_space<vmem_shared>>) offsets(%dma_start3A_241 : memref<128xi32, #tpu.memory_space<vmem>>) semaphore(%arg20 : memref<!tpu.dma_semaphore, #tpu.memory_space<semaphore_mem>>) {add = true}
    %dma_wait3A_245 = arith.constant 0 : i32
    %dma_wait3A_246 = arith.constant 0 : i32
    %dma_wait3A_247 = tpu.memref_slice %arg12[%dma_wait3A_245, %dma_wait3A_246] : memref<10240x128xf32, #tpu.memory_space<vmem_shared>> -> memref<128x128xf32, #tpu.memory_space<vmem_shared>>
    %dma_wait3A_248 = arith.constant 0 : i32
    %dma_wait3A_249 = arith.constant 0 : i32
    %dma_wait3A_250 = tpu.memref_slice %arg12[%dma_wait3A_248, %dma_wait3A_249] : memref<10240x128xf32, #tpu.memory_space<vmem_shared>> -> memref<128x128xf32, #tpu.memory_space<vmem_shared>>
    tpu.wait_dma2 semaphore(%arg19 : memref<!tpu.dma_semaphore, #tpu.memory_space<semaphore_mem>>) src(%arg10 : memref<128x128xf32, #tpu.memory_space<vmem>>) dst(%dma_wait3A_250 : memref<128x128xf32, #tpu.memory_space<vmem_shared>>)
    %dma_wait3A_251 = arith.constant 0 : i32
    %dma_wait3A_252 = arith.constant 0 : i32
    %dma_wait3A_253 = tpu.memref_slice %arg3[%dma_wait3A_251, %dma_wait3A_252] : memref<2x327680xi32, #tpu.memory_space<hbm>> -> memref<2x128xi32, #tpu.memory_space<hbm>>
    %dma_wait3A_254 = arith.constant 0 : i32
    %dma_wait3A_255 = arith.constant 0 : i32
    %dma_wait3A_256 = tpu.memref_slice %arg3[%dma_wait3A_254, %dma_wait3A_255] : memref<2x327680xi32, #tpu.memory_space<hbm>> -> memref<2x128xi32, #tpu.memory_space<hbm>>
    tpu.wait_dma2 semaphore(%arg15 : memref<!tpu.dma_semaphore, #tpu.memory_space<semaphore_mem>>) src(%dma_wait3A_256 : memref<2x128xi32, #tpu.memory_space<hbm>>) dst(%arg8 : memref<2x128xi32, #tpu.memory_space<vmem>>)
    %dma_start3A_257 = arith.constant 0 : i32
    %dma_start3A_258 = arith.constant 0 : i32
    %dma_start3A_259 = tpu.memref_slice %arg8[%dma_start3A_257, %dma_start3A_258] : memref<2x128xi32, #tpu.memory_space<vmem>> -> memref<1x128xi32, #tpu.memory_space<vmem>>
    %dma_start3A_260 = tpu.memref_squeeze %dma_start3A_259 : memref<1x128xi32, #tpu.memory_space<vmem>> -> memref<128xi32, #tpu.memory_space<vmem>>
    %dma_start3A_261 = arith.constant 0 : i32
    %dma_start3A_262 = arith.constant 0 : i32
    %dma_start3A_263 = tpu.memref_slice %arg2[%dma_start3A_261, %dma_start3A_262] : memref<10000x128xf32, #tpu.memory_space<hbm>> -> memref<10000x128xf32, #tpu.memory_space<hbm>>
    tpu.enqueue_indirect_dma source(%dma_start3A_263 : memref<10000x128xf32, #tpu.memory_space<hbm>>) target(%arg10 : memref<128x128xf32, #tpu.memory_space<vmem>>) offsets(%dma_start3A_260 : memref<128xi32, #tpu.memory_space<vmem>>) semaphore(%arg17 : memref<!tpu.dma_semaphore, #tpu.memory_space<semaphore_mem>>)
    %dma_wait3A_264 = arith.constant 0 : i32
    %dma_wait3A_265 = arith.constant 0 : i32
    %dma_wait3A_266 = tpu.memref_slice %arg2[%dma_wait3A_264, %dma_wait3A_265] : memref<10000x128xf32, #tpu.memory_space<hbm>> -> memref<128x128xf32, #tpu.memory_space<hbm>>
    %dma_wait3A_267 = arith.constant 0 : i32
    %dma_wait3A_268 = arith.constant 0 : i32
    %dma_wait3A_269 = tpu.memref_slice %arg2[%dma_wait3A_267, %dma_wait3A_268] : memref<10000x128xf32, #tpu.memory_space<hbm>> -> memref<128x128xf32, #tpu.memory_space<hbm>>
    tpu.wait_dma2 semaphore(%arg17 : memref<!tpu.dma_semaphore, #tpu.memory_space<semaphore_mem>>) src(%dma_wait3A_269 : memref<128x128xf32, #tpu.memory_space<hbm>>) dst(%arg10 : memref<128x128xf32, #tpu.memory_space<vmem>>)
    %dma_start3A_270 = arith.constant 1 : i32
    %dma_start3A_271 = arith.constant 0 : i32
    %dma_start3A_272 = tpu.memref_slice %arg8[%dma_start3A_270, %dma_start3A_271] : memref<2x128xi32, #tpu.memory_space<vmem>> -> memref<1x128xi32, #tpu.memory_space<vmem>>
    %dma_start3A_273 = tpu.memref_squeeze %dma_start3A_272 : memref<1x128xi32, #tpu.memory_space<vmem>> -> memref<128xi32, #tpu.memory_space<vmem>>
    %dma_start3A_274 = arith.constant 0 : i32
    %dma_start3A_275 = arith.constant 0 : i32
    %dma_start3A_276 = tpu.memref_slice %arg12[%dma_start3A_274, %dma_start3A_275] : memref<10240x128xf32, #tpu.memory_space<vmem_shared>> -> memref<10240x128xf32, #tpu.memory_space<vmem_shared>>
    tpu.enqueue_indirect_dma source(%arg10 : memref<128x128xf32, #tpu.memory_space<vmem>>) target(%dma_start3A_276 : memref<10240x128xf32, #tpu.memory_space<vmem_shared>>) offsets(%dma_start3A_273 : memref<128xi32, #tpu.memory_space<vmem>>) semaphore(%arg19 : memref<!tpu.dma_semaphore, #tpu.memory_space<semaphore_mem>>) {add = true}
    %dma_wait3A_277 = arith.constant 0 : i32
    %dma_wait3A_278 = arith.constant 0 : i32
    %dma_wait3A_279 = tpu.memref_slice %arg12[%dma_wait3A_277, %dma_wait3A_278] : memref<10240x128xf32, #tpu.memory_space<vmem_shared>> -> memref<128x128xf32, #tpu.memory_space<vmem_shared>>
    %dma_wait3A_280 = arith.constant 0 : i32
    %dma_wait3A_281 = arith.constant 0 : i32
    %dma_wait3A_282 = tpu.memref_slice %arg12[%dma_wait3A_280, %dma_wait3A_281] : memref<10240x128xf32, #tpu.memory_space<vmem_shared>> -> memref<128x128xf32, #tpu.memory_space<vmem_shared>>
    tpu.wait_dma2 semaphore(%arg20 : memref<!tpu.dma_semaphore, #tpu.memory_space<semaphore_mem>>) src(%arg11 : memref<128x128xf32, #tpu.memory_space<vmem>>) dst(%dma_wait3A_282 : memref<128x128xf32, #tpu.memory_space<vmem_shared>>)
    %dma_wait3A_283 = arith.constant 0 : i32
    %dma_wait3A_284 = arith.constant 0 : i32
    %dma_wait3A_285 = tpu.memref_slice %arg3[%dma_wait3A_283, %dma_wait3A_284] : memref<2x327680xi32, #tpu.memory_space<hbm>> -> memref<2x128xi32, #tpu.memory_space<hbm>>
    %dma_wait3A_286 = arith.constant 0 : i32
    %dma_wait3A_287 = arith.constant 0 : i32
    %dma_wait3A_288 = tpu.memref_slice %arg3[%dma_wait3A_286, %dma_wait3A_287] : memref<2x327680xi32, #tpu.memory_space<hbm>> -> memref<2x128xi32, #tpu.memory_space<hbm>>
    tpu.wait_dma2 semaphore(%arg16 : memref<!tpu.dma_semaphore, #tpu.memory_space<semaphore_mem>>) src(%dma_wait3A_288 : memref<2x128xi32, #tpu.memory_space<hbm>>) dst(%arg9 : memref<2x128xi32, #tpu.memory_space<vmem>>)
    %dma_start3A_289 = arith.constant 0 : i32
    %dma_start3A_290 = arith.constant 0 : i32
    %dma_start3A_291 = tpu.memref_slice %arg9[%dma_start3A_289, %dma_start3A_290] : memref<2x128xi32, #tpu.memory_space<vmem>> -> memref<1x128xi32, #tpu.memory_space<vmem>>
    %dma_start3A_292 = tpu.memref_squeeze %dma_start3A_291 : memref<1x128xi32, #tpu.memory_space<vmem>> -> memref<128xi32, #tpu.memory_space<vmem>>
    %dma_start3A_293 = arith.constant 0 : i32
    %dma_start3A_294 = arith.constant 0 : i32
    %dma_start3A_295 = tpu.memref_slice %arg2[%dma_start3A_293, %dma_start3A_294] : memref<10000x128xf32, #tpu.memory_space<hbm>> -> memref<10000x128xf32, #tpu.memory_space<hbm>>
    tpu.enqueue_indirect_dma source(%dma_start3A_295 : memref<10000x128xf32, #tpu.memory_space<hbm>>) target(%arg11 : memref<128x128xf32, #tpu.memory_space<vmem>>) offsets(%dma_start3A_292 : memref<128xi32, #tpu.memory_space<vmem>>) semaphore(%arg18 : memref<!tpu.dma_semaphore, #tpu.memory_space<semaphore_mem>>)
    %dma_wait3A_296 = arith.constant 0 : i32
    %dma_wait3A_297 = arith.constant 0 : i32
    %dma_wait3A_298 = tpu.memref_slice %arg2[%dma_wait3A_296, %dma_wait3A_297] : memref<10000x128xf32, #tpu.memory_space<hbm>> -> memref<128x128xf32, #tpu.memory_space<hbm>>
    %dma_wait3A_299 = arith.constant 0 : i32
    %dma_wait3A_300 = arith.constant 0 : i32
    %dma_wait3A_301 = tpu.memref_slice %arg2[%dma_wait3A_299, %dma_wait3A_300] : memref<10000x128xf32, #tpu.memory_space<hbm>> -> memref<128x128xf32, #tpu.memory_space<hbm>>
    tpu.wait_dma2 semaphore(%arg18 : memref<!tpu.dma_semaphore, #tpu.memory_space<semaphore_mem>>) src(%dma_wait3A_301 : memref<128x128xf32, #tpu.memory_space<hbm>>) dst(%arg11 : memref<128x128xf32, #tpu.memory_space<vmem>>)
    %dma_start3A_302 = arith.constant 1 : i32
    %dma_start3A_303 = arith.constant 0 : i32
    %dma_start3A_304 = tpu.memref_slice %arg9[%dma_start3A_302, %dma_start3A_303] : memref<2x128xi32, #tpu.memory_space<vmem>> -> memref<1x128xi32, #tpu.memory_space<vmem>>
    %dma_start3A_305 = tpu.memref_squeeze %dma_start3A_304 : memref<1x128xi32, #tpu.memory_space<vmem>> -> memref<128xi32, #tpu.memory_space<vmem>>
    %dma_start3A_306 = arith.constant 0 : i32
    %dma_start3A_307 = arith.constant 0 : i32
    %dma_start3A_308 = tpu.memref_slice %arg12[%dma_start3A_306, %dma_start3A_307] : memref<10240x128xf32, #tpu.memory_space<vmem_shared>> -> memref<10240x128xf32, #tpu.memory_space<vmem_shared>>
    tpu.enqueue_indirect_dma source(%arg11 : memref<128x128xf32, #tpu.memory_space<vmem>>) target(%dma_start3A_308 : memref<10240x128xf32, #tpu.memory_space<vmem_shared>>) offsets(%dma_start3A_305 : memref<128xi32, #tpu.memory_space<vmem>>) semaphore(%arg20 : memref<!tpu.dma_semaphore, #tpu.memory_space<semaphore_mem>>) {add = true}
    %dma_wait3A_309 = arith.constant 0 : i32
    %dma_wait3A_310 = arith.constant 0 : i32
    %dma_wait3A_311 = tpu.memref_slice %arg12[%dma_wait3A_309, %dma_wait3A_310] : memref<10240x128xf32, #tpu.memory_space<vmem_shared>> -> memref<128x128xf32, #tpu.memory_space<vmem_shared>>
    %dma_wait3A_312 = arith.constant 0 : i32
    %dma_wait3A_313 = arith.constant 0 : i32
    %dma_wait3A_314 = tpu.memref_slice %arg12[%dma_wait3A_312, %dma_wait3A_313] : memref<10240x128xf32, #tpu.memory_space<vmem_shared>> -> memref<128x128xf32, #tpu.memory_space<vmem_shared>>
    tpu.wait_dma2 semaphore(%arg19 : memref<!tpu.dma_semaphore, #tpu.memory_space<semaphore_mem>>) src(%arg10 : memref<128x128xf32, #tpu.memory_space<vmem>>) dst(%dma_wait3A_314 : memref<128x128xf32, #tpu.memory_space<vmem_shared>>)
    %dma_wait3A_315 = arith.constant 0 : i32
    %dma_wait3A_316 = arith.constant 0 : i32
    %dma_wait3A_317 = tpu.memref_slice %arg12[%dma_wait3A_315, %dma_wait3A_316] : memref<10240x128xf32, #tpu.memory_space<vmem_shared>> -> memref<128x128xf32, #tpu.memory_space<vmem_shared>>
    %dma_wait3A_318 = arith.constant 0 : i32
    %dma_wait3A_319 = arith.constant 0 : i32
    %dma_wait3A_320 = tpu.memref_slice %arg12[%dma_wait3A_318, %dma_wait3A_319] : memref<10240x128xf32, #tpu.memory_space<vmem_shared>> -> memref<128x128xf32, #tpu.memory_space<vmem_shared>>
    tpu.wait_dma2 semaphore(%arg20 : memref<!tpu.dma_semaphore, #tpu.memory_space<semaphore_mem>>) src(%arg11 : memref<128x128xf32, #tpu.memory_space<vmem>>) dst(%dma_wait3A_320 : memref<128x128xf32, #tpu.memory_space<vmem_shared>>)
    %barrier3A_321 = arith.constant 0 : index
    tpu.barrier barrier_id(%barrier3A_321)
    %mul3A_322 = arith.constant 640 : i32
    %mul3A_323 = arith.muli %arg1, %mul3A_322 : i32
    %add3A_324 = arith.constant 0 : i32
    %add3A_325 = arith.addi %mul3A_323, %add3A_324 : i32
    "tpu.region"() ({
      %run_scoped3A = tpu.sem_alloc : memref<!tpu.dma_semaphore, #tpu.memory_space<semaphore_mem>>
      %dma_start3A_334 = arith.constant 0 : i32
      %dma_start3A_335 = tpu.memref_slice %arg12[%add3A_325, %dma_start3A_334] : memref<10240x128xf32, #tpu.memory_space<vmem_shared>> -> memref<128x128xf32, #tpu.memory_space<vmem_shared>>
      %dma_start3A_336 = arith.constant 0 : i32
      %dma_start3A_337 = tpu.memref_slice %arg12[%add3A_325, %dma_start3A_336] : memref<10240x128xf32, #tpu.memory_space<vmem_shared>> -> memref<128x128xf32, #tpu.memory_space<vmem_shared>>
      tpu.enqueue_dma source(%dma_start3A_337 : memref<128x128xf32, #tpu.memory_space<vmem_shared>>) target(%arg10 : memref<128x128xf32, #tpu.memory_space<vmem>>) target_semaphore(%run_scoped3A : memref<!tpu.dma_semaphore, #tpu.memory_space<semaphore_mem>>)
      %dma_wait3A_338 = arith.constant 0 : i32
      %dma_wait3A_339 = tpu.memref_slice %arg12[%add3A_325, %dma_wait3A_338] : memref<10240x128xf32, #tpu.memory_space<vmem_shared>> -> memref<128x128xf32, #tpu.memory_space<vmem_shared>>
      %dma_wait3A_340 = arith.constant 0 : i32
      %dma_wait3A_341 = tpu.memref_slice %arg12[%add3A_325, %dma_wait3A_340] : memref<10240x128xf32, #tpu.memory_space<vmem_shared>> -> memref<128x128xf32, #tpu.memory_space<vmem_shared>>
      tpu.wait_dma2 semaphore(%run_scoped3A : memref<!tpu.dma_semaphore, #tpu.memory_space<semaphore_mem>>) src(%dma_wait3A_341 : memref<128x128xf32, #tpu.memory_space<vmem_shared>>) dst(%arg10 : memref<128x128xf32, #tpu.memory_space<vmem>>)
      tpu.yield
    }) : () -> ()
    "tpu.region"() ({
      %run_scoped3A = tpu.sem_alloc : memref<!tpu.dma_semaphore, #tpu.memory_space<semaphore_mem>>
      %dma_start3A_334 = arith.constant 0 : i32
      %dma_start3A_335 = tpu.memref_slice %arg5[%arg0, %add3A_325, %dma_start3A_334] : memref<2x10240x128xf32, #tpu.memory_space<hbm>> -> memref<1x128x128xf32, #tpu.memory_space<hbm>>
      %dma_start3A_336 = tpu.memref_squeeze %dma_start3A_335 : memref<1x128x128xf32, #tpu.memory_space<hbm>> -> memref<128x128xf32, #tpu.memory_space<hbm>>
      %dma_start3A_337 = arith.constant 0 : i32
      %dma_start3A_338 = tpu.memref_slice %arg5[%arg0, %add3A_325, %dma_start3A_337] : memref<2x10240x128xf32, #tpu.memory_space<hbm>> -> memref<1x128x128xf32, #tpu.memory_space<hbm>>
      %dma_start3A_339 = tpu.memref_squeeze %dma_start3A_338 : memref<1x128x128xf32, #tpu.memory_space<hbm>> -> memref<128x128xf32, #tpu.memory_space<hbm>>
      tpu.enqueue_dma source(%arg10 : memref<128x128xf32, #tpu.memory_space<vmem>>) target(%dma_start3A_339 : memref<128x128xf32, #tpu.memory_space<hbm>>) target_semaphore(%run_scoped3A : memref<!tpu.dma_semaphore, #tpu.memory_space<semaphore_mem>>)
      %dma_wait3A_340 = arith.constant 0 : i32
      %dma_wait3A_341 = tpu.memref_slice %arg5[%arg0, %add3A_325, %dma_wait3A_340] : memref<2x10240x128xf32, #tpu.memory_space<hbm>> -> memref<1x128x128xf32, #tpu.memory_space<hbm>>
      %dma_wait3A_342 = tpu.memref_squeeze %dma_wait3A_341 : memref<1x128x128xf32, #tpu.memory_space<hbm>> -> memref<128x128xf32, #tpu.memory_space<hbm>>
      %dma_wait3A_343 = arith.constant 0 : i32
      %dma_wait3A_344 = tpu.memref_slice %arg5[%arg0, %add3A_325, %dma_wait3A_343] : memref<2x10240x128xf32, #tpu.memory_space<hbm>> -> memref<1x128x128xf32, #tpu.memory_space<hbm>>
      %dma_wait3A_345 = tpu.memref_squeeze %dma_wait3A_344 : memref<1x128x128xf32, #tpu.memory_space<hbm>> -> memref<128x128xf32, #tpu.memory_space<hbm>>
      tpu.wait_dma2 semaphore(%run_scoped3A : memref<!tpu.dma_semaphore, #tpu.memory_space<semaphore_mem>>) src(%arg10 : memref<128x128xf32, #tpu.memory_space<vmem>>) dst(%dma_wait3A_345 : memref<128x128xf32, #tpu.memory_space<hbm>>)
      tpu.yield
    }) : () -> ()
    %add3A_326 = arith.constant 128 : i32
    %add3A_327 = arith.addi %mul3A_323, %add3A_326 : i32
    "tpu.region"() ({
      %run_scoped3A = tpu.sem_alloc : memref<!tpu.dma_semaphore, #tpu.memory_space<semaphore_mem>>
      %dma_start3A_334 = arith.constant 0 : i32
      %dma_start3A_335 = tpu.memref_slice %arg12[%add3A_327, %dma_start3A_334] : memref<10240x128xf32, #tpu.memory_space<vmem_shared>> -> memref<128x128xf32, #tpu.memory_space<vmem_shared>>
      %dma_start3A_336 = arith.constant 0 : i32
      %dma_start3A_337 = tpu.memref_slice %arg12[%add3A_327, %dma_start3A_336] : memref<10240x128xf32, #tpu.memory_space<vmem_shared>> -> memref<128x128xf32, #tpu.memory_space<vmem_shared>>
      tpu.enqueue_dma source(%dma_start3A_337 : memref<128x128xf32, #tpu.memory_space<vmem_shared>>) target(%arg10 : memref<128x128xf32, #tpu.memory_space<vmem>>) target_semaphore(%run_scoped3A : memref<!tpu.dma_semaphore, #tpu.memory_space<semaphore_mem>>)
      %dma_wait3A_338 = arith.constant 0 : i32
      %dma_wait3A_339 = tpu.memref_slice %arg12[%add3A_327, %dma_wait3A_338] : memref<10240x128xf32, #tpu.memory_space<vmem_shared>> -> memref<128x128xf32, #tpu.memory_space<vmem_shared>>
      %dma_wait3A_340 = arith.constant 0 : i32
      %dma_wait3A_341 = tpu.memref_slice %arg12[%add3A_327, %dma_wait3A_340] : memref<10240x128xf32, #tpu.memory_space<vmem_shared>> -> memref<128x128xf32, #tpu.memory_space<vmem_shared>>
      tpu.wait_dma2 semaphore(%run_scoped3A : memref<!tpu.dma_semaphore, #tpu.memory_space<semaphore_mem>>) src(%dma_wait3A_341 : memref<128x128xf32, #tpu.memory_space<vmem_shared>>) dst(%arg10 : memref<128x128xf32, #tpu.memory_space<vmem>>)
      tpu.yield
    }) : () -> ()
    "tpu.region"() ({
      %run_scoped3A = tpu.sem_alloc : memref<!tpu.dma_semaphore, #tpu.memory_space<semaphore_mem>>
      %dma_start3A_334 = arith.constant 0 : i32
      %dma_start3A_335 = tpu.memref_slice %arg5[%arg0, %add3A_327, %dma_start3A_334] : memref<2x10240x128xf32, #tpu.memory_space<hbm>> -> memref<1x128x128xf32, #tpu.memory_space<hbm>>
      %dma_start3A_336 = tpu.memref_squeeze %dma_start3A_335 : memref<1x128x128xf32, #tpu.memory_space<hbm>> -> memref<128x128xf32, #tpu.memory_space<hbm>>
      %dma_start3A_337 = arith.constant 0 : i32
      %dma_start3A_338 = tpu.memref_slice %arg5[%arg0, %add3A_327, %dma_start3A_337] : memref<2x10240x128xf32, #tpu.memory_space<hbm>> -> memref<1x128x128xf32, #tpu.memory_space<hbm>>
      %dma_start3A_339 = tpu.memref_squeeze %dma_start3A_338 : memref<1x128x128xf32, #tpu.memory_space<hbm>> -> memref<128x128xf32, #tpu.memory_space<hbm>>
      tpu.enqueue_dma source(%arg10 : memref<128x128xf32, #tpu.memory_space<vmem>>) target(%dma_start3A_339 : memref<128x128xf32, #tpu.memory_space<hbm>>) target_semaphore(%run_scoped3A : memref<!tpu.dma_semaphore, #tpu.memory_space<semaphore_mem>>)
      %dma_wait3A_340 = arith.constant 0 : i32
      %dma_wait3A_341 = tpu.memref_slice %arg5[%arg0, %add3A_327, %dma_wait3A_340] : memref<2x10240x128xf32, #tpu.memory_space<hbm>> -> memref<1x128x128xf32, #tpu.memory_space<hbm>>
      %dma_wait3A_342 = tpu.memref_squeeze %dma_wait3A_341 : memref<1x128x128xf32, #tpu.memory_space<hbm>> -> memref<128x128xf32, #tpu.memory_space<hbm>>
      %dma_wait3A_343 = arith.constant 0 : i32
      %dma_wait3A_344 = tpu.memref_slice %arg5[%arg0, %add3A_327, %dma_wait3A_343] : memref<2x10240x128xf32, #tpu.memory_space<hbm>> -> memref<1x128x128xf32, #tpu.memory_space<hbm>>
      %dma_wait3A_345 = tpu.memref_squeeze %dma_wait3A_344 : memref<1x128x128xf32, #tpu.memory_space<hbm>> -> memref<128x128xf32, #tpu.memory_space<hbm>>
      tpu.wait_dma2 semaphore(%run_scoped3A : memref<!tpu.dma_semaphore, #tpu.memory_space<semaphore_mem>>) src(%arg10 : memref<128x128xf32, #tpu.memory_space<vmem>>) dst(%dma_wait3A_345 : memref<128x128xf32, #tpu.memory_space<hbm>>)
      tpu.yield
    }) : () -> ()
    %add3A_328 = arith.constant 256 : i32
    %add3A_329 = arith.addi %mul3A_323, %add3A_328 : i32
    "tpu.region"() ({
      %run_scoped3A = tpu.sem_alloc : memref<!tpu.dma_semaphore, #tpu.memory_space<semaphore_mem>>
      %dma_start3A_334 = arith.constant 0 : i32
      %dma_start3A_335 = tpu.memref_slice %arg12[%add3A_329, %dma_start3A_334] : memref<10240x128xf32, #tpu.memory_space<vmem_shared>> -> memref<128x128xf32, #tpu.memory_space<vmem_shared>>
      %dma_start3A_336 = arith.constant 0 : i32
      %dma_start3A_337 = tpu.memref_slice %arg12[%add3A_329, %dma_start3A_336] : memref<10240x128xf32, #tpu.memory_space<vmem_shared>> -> memref<128x128xf32, #tpu.memory_space<vmem_shared>>
      tpu.enqueue_dma source(%dma_start3A_337 : memref<128x128xf32, #tpu.memory_space<vmem_shared>>) target(%arg10 : memref<128x128xf32, #tpu.memory_space<vmem>>) target_semaphore(%run_scoped3A : memref<!tpu.dma_semaphore, #tpu.memory_space<semaphore_mem>>)
      %dma_wait3A_338 = arith.constant 0 : i32
      %dma_wait3A_339 = tpu.memref_slice %arg12[%add3A_329, %dma_wait3A_338] : memref<10240x128xf32, #tpu.memory_space<vmem_shared>> -> memref<128x128xf32, #tpu.memory_space<vmem_shared>>
      %dma_wait3A_340 = arith.constant 0 : i32
      %dma_wait3A_341 = tpu.memref_slice %arg12[%add3A_329, %dma_wait3A_340] : memref<10240x128xf32, #tpu.memory_space<vmem_shared>> -> memref<128x128xf32, #tpu.memory_space<vmem_shared>>
      tpu.wait_dma2 semaphore(%run_scoped3A : memref<!tpu.dma_semaphore, #tpu.memory_space<semaphore_mem>>) src(%dma_wait3A_341 : memref<128x128xf32, #tpu.memory_space<vmem_shared>>) dst(%arg10 : memref<128x128xf32, #tpu.memory_space<vmem>>)
      tpu.yield
    }) : () -> ()
    "tpu.region"() ({
      %run_scoped3A = tpu.sem_alloc : memref<!tpu.dma_semaphore, #tpu.memory_space<semaphore_mem>>
      %dma_start3A_334 = arith.constant 0 : i32
      %dma_start3A_335 = tpu.memref_slice %arg5[%arg0, %add3A_329, %dma_start3A_334] : memref<2x10240x128xf32, #tpu.memory_space<hbm>> -> memref<1x128x128xf32, #tpu.memory_space<hbm>>
      %dma_start3A_336 = tpu.memref_squeeze %dma_start3A_335 : memref<1x128x128xf32, #tpu.memory_space<hbm>> -> memref<128x128xf32, #tpu.memory_space<hbm>>
      %dma_start3A_337 = arith.constant 0 : i32
      %dma_start3A_338 = tpu.memref_slice %arg5[%arg0, %add3A_329, %dma_start3A_337] : memref<2x10240x128xf32, #tpu.memory_space<hbm>> -> memref<1x128x128xf32, #tpu.memory_space<hbm>>
      %dma_start3A_339 = tpu.memref_squeeze %dma_start3A_338 : memref<1x128x128xf32, #tpu.memory_space<hbm>> -> memref<128x128xf32, #tpu.memory_space<hbm>>
      tpu.enqueue_dma source(%arg10 : memref<128x128xf32, #tpu.memory_space<vmem>>) target(%dma_start3A_339 : memref<128x128xf32, #tpu.memory_space<hbm>>) target_semaphore(%run_scoped3A : memref<!tpu.dma_semaphore, #tpu.memory_space<semaphore_mem>>)
      %dma_wait3A_340 = arith.constant 0 : i32
      %dma_wait3A_341 = tpu.memref_slice %arg5[%arg0, %add3A_329, %dma_wait3A_340] : memref<2x10240x128xf32, #tpu.memory_space<hbm>> -> memref<1x128x128xf32, #tpu.memory_space<hbm>>
      %dma_wait3A_342 = tpu.memref_squeeze %dma_wait3A_341 : memref<1x128x128xf32, #tpu.memory_space<hbm>> -> memref<128x128xf32, #tpu.memory_space<hbm>>
      %dma_wait3A_343 = arith.constant 0 : i32
      %dma_wait3A_344 = tpu.memref_slice %arg5[%arg0, %add3A_329, %dma_wait3A_343] : memref<2x10240x128xf32, #tpu.memory_space<hbm>> -> memref<1x128x128xf32, #tpu.memory_space<hbm>>
      %dma_wait3A_345 = tpu.memref_squeeze %dma_wait3A_344 : memref<1x128x128xf32, #tpu.memory_space<hbm>> -> memref<128x128xf32, #tpu.memory_space<hbm>>
      tpu.wait_dma2 semaphore(%run_scoped3A : memref<!tpu.dma_semaphore, #tpu.memory_space<semaphore_mem>>) src(%arg10 : memref<128x128xf32, #tpu.memory_space<vmem>>) dst(%dma_wait3A_345 : memref<128x128xf32, #tpu.memory_space<hbm>>)
      tpu.yield
    }) : () -> ()
    %add3A_330 = arith.constant 384 : i32
    %add3A_331 = arith.addi %mul3A_323, %add3A_330 : i32
    "tpu.region"() ({
      %run_scoped3A = tpu.sem_alloc : memref<!tpu.dma_semaphore, #tpu.memory_space<semaphore_mem>>
      %dma_start3A_334 = arith.constant 0 : i32
      %dma_start3A_335 = tpu.memref_slice %arg12[%add3A_331, %dma_start3A_334] : memref<10240x128xf32, #tpu.memory_space<vmem_shared>> -> memref<128x128xf32, #tpu.memory_space<vmem_shared>>
      %dma_start3A_336 = arith.constant 0 : i32
      %dma_start3A_337 = tpu.memref_slice %arg12[%add3A_331, %dma_start3A_336] : memref<10240x128xf32, #tpu.memory_space<vmem_shared>> -> memref<128x128xf32, #tpu.memory_space<vmem_shared>>
      tpu.enqueue_dma source(%dma_start3A_337 : memref<128x128xf32, #tpu.memory_space<vmem_shared>>) target(%arg10 : memref<128x128xf32, #tpu.memory_space<vmem>>) target_semaphore(%run_scoped3A : memref<!tpu.dma_semaphore, #tpu.memory_space<semaphore_mem>>)
      %dma_wait3A_338 = arith.constant 0 : i32
      %dma_wait3A_339 = tpu.memref_slice %arg12[%add3A_331, %dma_wait3A_338] : memref<10240x128xf32, #tpu.memory_space<vmem_shared>> -> memref<128x128xf32, #tpu.memory_space<vmem_shared>>
      %dma_wait3A_340 = arith.constant 0 : i32
      %dma_wait3A_341 = tpu.memref_slice %arg12[%add3A_331, %dma_wait3A_340] : memref<10240x128xf32, #tpu.memory_space<vmem_shared>> -> memref<128x128xf32, #tpu.memory_space<vmem_shared>>
      tpu.wait_dma2 semaphore(%run_scoped3A : memref<!tpu.dma_semaphore, #tpu.memory_space<semaphore_mem>>) src(%dma_wait3A_341 : memref<128x128xf32, #tpu.memory_space<vmem_shared>>) dst(%arg10 : memref<128x128xf32, #tpu.memory_space<vmem>>)
      tpu.yield
    }) : () -> ()
    "tpu.region"() ({
      %run_scoped3A = tpu.sem_alloc : memref<!tpu.dma_semaphore, #tpu.memory_space<semaphore_mem>>
      %dma_start3A_334 = arith.constant 0 : i32
      %dma_start3A_335 = tpu.memref_slice %arg5[%arg0, %add3A_331, %dma_start3A_334] : memref<2x10240x128xf32, #tpu.memory_space<hbm>> -> memref<1x128x128xf32, #tpu.memory_space<hbm>>
      %dma_start3A_336 = tpu.memref_squeeze %dma_start3A_335 : memref<1x128x128xf32, #tpu.memory_space<hbm>> -> memref<128x128xf32, #tpu.memory_space<hbm>>
      %dma_start3A_337 = arith.constant 0 : i32
      %dma_start3A_338 = tpu.memref_slice %arg5[%arg0, %add3A_331, %dma_start3A_337] : memref<2x10240x128xf32, #tpu.memory_space<hbm>> -> memref<1x128x128xf32, #tpu.memory_space<hbm>>
      %dma_start3A_339 = tpu.memref_squeeze %dma_start3A_338 : memref<1x128x128xf32, #tpu.memory_space<hbm>> -> memref<128x128xf32, #tpu.memory_space<hbm>>
      tpu.enqueue_dma source(%arg10 : memref<128x128xf32, #tpu.memory_space<vmem>>) target(%dma_start3A_339 : memref<128x128xf32, #tpu.memory_space<hbm>>) target_semaphore(%run_scoped3A : memref<!tpu.dma_semaphore, #tpu.memory_space<semaphore_mem>>)
      %dma_wait3A_340 = arith.constant 0 : i32
      %dma_wait3A_341 = tpu.memref_slice %arg5[%arg0, %add3A_331, %dma_wait3A_340] : memref<2x10240x128xf32, #tpu.memory_space<hbm>> -> memref<1x128x128xf32, #tpu.memory_space<hbm>>
      %dma_wait3A_342 = tpu.memref_squeeze %dma_wait3A_341 : memref<1x128x128xf32, #tpu.memory_space<hbm>> -> memref<128x128xf32, #tpu.memory_space<hbm>>
      %dma_wait3A_343 = arith.constant 0 : i32
      %dma_wait3A_344 = tpu.memref_slice %arg5[%arg0, %add3A_331, %dma_wait3A_343] : memref<2x10240x128xf32, #tpu.memory_space<hbm>> -> memref<1x128x128xf32, #tpu.memory_space<hbm>>
      %dma_wait3A_345 = tpu.memref_squeeze %dma_wait3A_344 : memref<1x128x128xf32, #tpu.memory_space<hbm>> -> memref<128x128xf32, #tpu.memory_space<hbm>>
      tpu.wait_dma2 semaphore(%run_scoped3A : memref<!tpu.dma_semaphore, #tpu.memory_space<semaphore_mem>>) src(%arg10 : memref<128x128xf32, #tpu.memory_space<vmem>>) dst(%dma_wait3A_345 : memref<128x128xf32, #tpu.memory_space<hbm>>)
      tpu.yield
    }) : () -> ()
    %add3A_332 = arith.constant 512 : i32
    %add3A_333 = arith.addi %mul3A_323, %add3A_332 : i32
    "tpu.region"() ({
      %run_scoped3A = tpu.sem_alloc : memref<!tpu.dma_semaphore, #tpu.memory_space<semaphore_mem>>
      %dma_start3A_334 = arith.constant 0 : i32
      %dma_start3A_335 = tpu.memref_slice %arg12[%add3A_333, %dma_start3A_334] : memref<10240x128xf32, #tpu.memory_space<vmem_shared>> -> memref<128x128xf32, #tpu.memory_space<vmem_shared>>
      %dma_start3A_336 = arith.constant 0 : i32
      %dma_start3A_337 = tpu.memref_slice %arg12[%add3A_333, %dma_start3A_336] : memref<10240x128xf32, #tpu.memory_space<vmem_shared>> -> memref<128x128xf32, #tpu.memory_space<vmem_shared>>
      tpu.enqueue_dma source(%dma_start3A_337 : memref<128x128xf32, #tpu.memory_space<vmem_shared>>) target(%arg10 : memref<128x128xf32, #tpu.memory_space<vmem>>) target_semaphore(%run_scoped3A : memref<!tpu.dma_semaphore, #tpu.memory_space<semaphore_mem>>)
      %dma_wait3A_338 = arith.constant 0 : i32
      %dma_wait3A_339 = tpu.memref_slice %arg12[%add3A_333, %dma_wait3A_338] : memref<10240x128xf32, #tpu.memory_space<vmem_shared>> -> memref<128x128xf32, #tpu.memory_space<vmem_shared>>
      %dma_wait3A_340 = arith.constant 0 : i32
      %dma_wait3A_341 = tpu.memref_slice %arg12[%add3A_333, %dma_wait3A_340] : memref<10240x128xf32, #tpu.memory_space<vmem_shared>> -> memref<128x128xf32, #tpu.memory_space<vmem_shared>>
      tpu.wait_dma2 semaphore(%run_scoped3A : memref<!tpu.dma_semaphore, #tpu.memory_space<semaphore_mem>>) src(%dma_wait3A_341 : memref<128x128xf32, #tpu.memory_space<vmem_shared>>) dst(%arg10 : memref<128x128xf32, #tpu.memory_space<vmem>>)
      tpu.yield
    }) : () -> ()
    "tpu.region"() ({
      %run_scoped3A = tpu.sem_alloc : memref<!tpu.dma_semaphore, #tpu.memory_space<semaphore_mem>>
      %dma_start3A_334 = arith.constant 0 : i32
      %dma_start3A_335 = tpu.memref_slice %arg5[%arg0, %add3A_333, %dma_start3A_334] : memref<2x10240x128xf32, #tpu.memory_space<hbm>> -> memref<1x128x128xf32, #tpu.memory_space<hbm>>
      %dma_start3A_336 = tpu.memref_squeeze %dma_start3A_335 : memref<1x128x128xf32, #tpu.memory_space<hbm>> -> memref<128x128xf32, #tpu.memory_space<hbm>>
      %dma_start3A_337 = arith.constant 0 : i32
      %dma_start3A_338 = tpu.memref_slice %arg5[%arg0, %add3A_333, %dma_start3A_337] : memref<2x10240x128xf32, #tpu.memory_space<hbm>> -> memref<1x128x128xf32, #tpu.memory_space<hbm>>
      %dma_start3A_339 = tpu.memref_squeeze %dma_start3A_338 : memref<1x128x128xf32, #tpu.memory_space<hbm>> -> memref<128x128xf32, #tpu.memory_space<hbm>>
      tpu.enqueue_dma source(%arg10 : memref<128x128xf32, #tpu.memory_space<vmem>>) target(%dma_start3A_339 : memref<128x128xf32, #tpu.memory_space<hbm>>) target_semaphore(%run_scoped3A : memref<!tpu.dma_semaphore, #tpu.memory_space<semaphore_mem>>)
      %dma_wait3A_340 = arith.constant 0 : i32
      %dma_wait3A_341 = tpu.memref_slice %arg5[%arg0, %add3A_333, %dma_wait3A_340] : memref<2x10240x128xf32, #tpu.memory_space<hbm>> -> memref<1x128x128xf32, #tpu.memory_space<hbm>>
      %dma_wait3A_342 = tpu.memref_squeeze %dma_wait3A_341 : memref<1x128x128xf32, #tpu.memory_space<hbm>> -> memref<128x128xf32, #tpu.memory_space<hbm>>
      %dma_wait3A_343 = arith.constant 0 : i32
      %dma_wait3A_344 = tpu.memref_slice %arg5[%arg0, %add3A_333, %dma_wait3A_343] : memref<2x10240x128xf32, #tpu.memory_space<hbm>> -> memref<1x128x128xf32, #tpu.memory_space<hbm>>
      %dma_wait3A_345 = tpu.memref_squeeze %dma_wait3A_344 : memref<1x128x128xf32, #tpu.memory_space<hbm>> -> memref<128x128xf32, #tpu.memory_space<hbm>>
      tpu.wait_dma2 semaphore(%run_scoped3A : memref<!tpu.dma_semaphore, #tpu.memory_space<semaphore_mem>>) src(%arg10 : memref<128x128xf32, #tpu.memory_space<vmem>>) dst(%dma_wait3A_345 : memref<128x128xf32, #tpu.memory_space<hbm>>)
      tpu.yield
    }) : () -> ()
    return
  }
}

module attributes {stable_mosaic.version = 14 : i64} {
  func.func @_tc_layer_body(%arg0: i32, %arg1: memref<1000x128xf32, #tpu.memory_space<vmem>>, %arg2: memref<1000x128xf32, #tpu.memory_space<vmem>>, %arg3: memref<1000x128xf32, #tpu.memory_space<vmem>>, %arg4: memref<1000x1xf32, #tpu.memory_space<vmem>>, %arg5: memref<128x128xf32, #tpu.memory_space<vmem>>, %arg6: memref<128x128xf32, #tpu.memory_space<vmem>>, %arg7: memref<1x128xf32, #tpu.memory_space<vmem>>, %arg8: memref<1000x128xf32, #tpu.memory_space<vmem>>) attributes {dimension_semantics = [#tpu.dimension_semantics<arbitrary>], iteration_bounds = array<i64: 10>, scalar_prefetch = 0 : i64, scratch_operands = 0 : i64, tpu.core_type = #tpu.core_type<tc>, window_params = [{transform_indices = @transform_0, window_bounds = array<i64: 1000, 128>}, {transform_indices = @transform_1, window_bounds = array<i64: 1000, 128>}, {transform_indices = @transform_2, window_bounds = array<i64: 1000, 128>}, {transform_indices = @transform_3, window_bounds = array<i64: 1000, 1>}, {pipeline_mode = #tpu.pipeline_mode<synchronous>, transform_indices = @transform_4, window_bounds = array<i64: 128, 128>}, {pipeline_mode = #tpu.pipeline_mode<synchronous>, transform_indices = @transform_5, window_bounds = array<i64: 128, 128>}, {pipeline_mode = #tpu.pipeline_mode<synchronous>, transform_indices = @transform_6, window_bounds = array<i64: 1, 128>}, {transform_indices = @transform_7, window_bounds = array<i64: 1000, 128>}]} {
    %get3A = arith.constant 0 : index
    %get3A_0 = arith.constant 0 : index
    %get3A_1 = vector.load %arg4[%get3A, %get3A_0] : memref<1000x1xf32, #tpu.memory_space<vmem>>, vector<1000x1xf32>
    %max3A = arith.constant 1.000000e+00 : f32
    %max3A_2 = vector.broadcast %max3A : f32 to vector<1000x1xf32>
    %max3A_3 = arith.maximumf %get3A_1, %max3A_2 : vector<1000x1xf32>
    %div3A = arith.constant 1.000000e+00 : f32
    %div3A_4 = vector.broadcast %div3A : f32 to vector<1000x1xf32>
    %div3A_5 = arith.divf %div3A_4, %max3A_3 : vector<1000x1xf32>
    %get3A_6 = arith.constant 0 : index
    %get3A_7 = arith.constant 0 : index
    %get3A_8 = vector.load %arg2[%get3A_6, %get3A_7] : memref<1000x128xf32, #tpu.memory_space<vmem>>, vector<1000x128xf32>
    %get3A_9 = arith.constant 0 : index
    %get3A_10 = arith.constant 0 : index
    %get3A_11 = vector.load %arg3[%get3A_9, %get3A_10] : memref<1000x128xf32, #tpu.memory_space<vmem>>, vector<1000x128xf32>
    %add3A = arith.addf %get3A_8, %get3A_11 : vector<1000x128xf32>
    %mul3A = vector.broadcast %div3A_5 : vector<1000x1xf32> to vector<1000x128xf32>
    %mul3A_12 = arith.mulf %add3A, %mul3A : vector<1000x128xf32>
    %get3A_13 = arith.constant 0 : index
    %get3A_14 = arith.constant 0 : index
    %get3A_15 = vector.load %arg1[%get3A_13, %get3A_14] : memref<1000x128xf32, #tpu.memory_space<vmem>>, vector<1000x128xf32>
    %get3A_16 = arith.constant 0 : index
    %get3A_17 = arith.constant 0 : index
    %get3A_18 = vector.load %arg5[%get3A_16, %get3A_17] : memref<128x128xf32, #tpu.memory_space<vmem>>, vector<128x128xf32>
    %dot_general3A = arith.constant dense<0.000000e+00> : vector<1000x128xf32>
    %dot_general3A_19 = tpu.matmul %get3A_15, %get3A_18, %dot_general3A {dimension_numbers = #tpu.dot_dimension_numbers<[1], [0], [0], [1], [0, 0, 1, 1], [], []>, transpose_lhs_hint = false} : vector<1000x128xf32>, vector<128x128xf32>, vector<1000x128xf32> -> vector<1000x128xf32>
    %get3A_20 = arith.constant 0 : index
    %get3A_21 = arith.constant 0 : index
    %get3A_22 = vector.load %arg6[%get3A_20, %get3A_21] : memref<128x128xf32, #tpu.memory_space<vmem>>, vector<128x128xf32>
    %dot_general3A_23 = arith.constant dense<0.000000e+00> : vector<1000x128xf32>
    %dot_general3A_24 = tpu.matmul %mul3A_12, %get3A_22, %dot_general3A_23 {dimension_numbers = #tpu.dot_dimension_numbers<[1], [0], [0], [1], [0, 0, 1, 1], [], []>, transpose_lhs_hint = false} : vector<1000x128xf32>, vector<128x128xf32>, vector<1000x128xf32> -> vector<1000x128xf32>
    %add3A_25 = arith.addf %dot_general3A_19, %dot_general3A_24 : vector<1000x128xf32>
    %get3A_26 = arith.constant 0 : index
    %get3A_27 = arith.constant 0 : index
    %get3A_28 = vector.load %arg7[%get3A_26, %get3A_27] : memref<1x128xf32, #tpu.memory_space<vmem>>, vector<1x128xf32>
    %add3A_29 = vector.broadcast %get3A_28 : vector<1x128xf32> to vector<1000x128xf32>
    %add3A_30 = arith.addf %add3A_25, %add3A_29 : vector<1000x128xf32>
    %max3A_31 = arith.constant 0.000000e+00 : f32
    %max3A_32 = vector.broadcast %max3A_31 : f32 to vector<1000x128xf32>
    %max3A_33 = arith.maximumf %add3A_30, %max3A_32 : vector<1000x128xf32>
    %swap3A = arith.constant 0 : index
    %swap3A_34 = arith.constant 0 : index
    %swap3A_35 = vector.load %arg8[%swap3A, %swap3A_34] : memref<1000x128xf32, #tpu.memory_space<vmem>>, vector<1000x128xf32>
    tpu.vector_store %arg8[%swap3A, %swap3A_34], %max3A_33 {strides = array<i32>} : memref<1000x128xf32, #tpu.memory_space<vmem>>, vector<1000x128xf32>,
    return
  }
  func.func @transform_0(%arg0: i32) -> (i32, i32) {
    %c0_i32 = arith.constant 0 : i32
    %c0_i32_0 = arith.constant 0 : i32
    return %arg0, %c0_i32 : i32, i32
  }
  func.func @transform_1(%arg0: i32) -> (i32, i32) {
    %c0_i32 = arith.constant 0 : i32
    %c0_i32_0 = arith.constant 0 : i32
    return %arg0, %c0_i32 : i32, i32
  }
  func.func @transform_2(%arg0: i32) -> (i32, i32) {
    %c0_i32 = arith.constant 0 : i32
    %c0_i32_0 = arith.constant 0 : i32
    return %arg0, %c0_i32 : i32, i32
  }
  func.func @transform_3(%arg0: i32) -> (i32, i32) {
    %c0_i32 = arith.constant 0 : i32
    %c0_i32_0 = arith.constant 0 : i32
    return %arg0, %c0_i32 : i32, i32
  }
  func.func @transform_4(%arg0: i32) -> (i32, i32) {
    %c0_i32 = arith.constant 0 : i32
    %c0_i32_0 = arith.constant 0 : i32
    %c0_i32_1 = arith.constant 0 : i32
    return %c0_i32, %c0_i32_0 : i32, i32
  }
  func.func @transform_5(%arg0: i32) -> (i32, i32) {
    %c0_i32 = arith.constant 0 : i32
    %c0_i32_0 = arith.constant 0 : i32
    %c0_i32_1 = arith.constant 0 : i32
    return %c0_i32, %c0_i32_0 : i32, i32
  }
  func.func @transform_6(%arg0: i32) -> (i32, i32) {
    %c0_i32 = arith.constant 0 : i32
    %c0_i32_0 = arith.constant 0 : i32
    %c0_i32_1 = arith.constant 0 : i32
    return %c0_i32, %c0_i32_0 : i32, i32
  }
  func.func @transform_7(%arg0: i32) -> (i32, i32) {
    %c0_i32 = arith.constant 0 : i32
    %c0_i32_0 = arith.constant 0 : i32
    return %arg0, %c0_i32 : i32, i32
  }
}

module attributes {stable_mosaic.version = 14 : i64} {
  func.func @_tc_layer_body(%arg0: i32, %arg1: memref<1000x128xf32, #tpu.memory_space<vmem>>, %arg2: memref<1000x128xf32, #tpu.memory_space<vmem>>, %arg3: memref<1000x128xf32, #tpu.memory_space<vmem>>, %arg4: memref<1000x1xf32, #tpu.memory_space<vmem>>, %arg5: memref<128x128xf32, #tpu.memory_space<vmem>>, %arg6: memref<128x128xf32, #tpu.memory_space<vmem>>, %arg7: memref<1x128xf32, #tpu.memory_space<vmem>>, %arg8: memref<1000x128xf32, #tpu.memory_space<vmem>>) attributes {dimension_semantics = [#tpu.dimension_semantics<arbitrary>], iteration_bounds = array<i64: 10>, scalar_prefetch = 0 : i64, scratch_operands = 0 : i64, tpu.core_type = #tpu.core_type<tc>, window_params = [{transform_indices = @transform_0, window_bounds = array<i64: 1000, 128>}, {transform_indices = @transform_1, window_bounds = array<i64: 1000, 128>}, {transform_indices = @transform_2, window_bounds = array<i64: 1000, 128>}, {transform_indices = @transform_3, window_bounds = array<i64: 1000, 1>}, {pipeline_mode = #tpu.pipeline_mode<synchronous>, transform_indices = @transform_4, window_bounds = array<i64: 128, 128>}, {pipeline_mode = #tpu.pipeline_mode<synchronous>, transform_indices = @transform_5, window_bounds = array<i64: 128, 128>}, {pipeline_mode = #tpu.pipeline_mode<synchronous>, transform_indices = @transform_6, window_bounds = array<i64: 1, 128>}, {transform_indices = @transform_7, window_bounds = array<i64: 1000, 128>}]} {
    %get3A = arith.constant 0 : index
    %get3A_0 = arith.constant 0 : index
    %get3A_1 = vector.load %arg4[%get3A, %get3A_0] : memref<1000x1xf32, #tpu.memory_space<vmem>>, vector<1000x1xf32>
    %max3A = arith.constant 1.000000e+00 : f32
    %max3A_2 = vector.broadcast %max3A : f32 to vector<1000x1xf32>
    %max3A_3 = arith.maximumf %get3A_1, %max3A_2 : vector<1000x1xf32>
    %div3A = arith.constant 1.000000e+00 : f32
    %div3A_4 = vector.broadcast %div3A : f32 to vector<1000x1xf32>
    %div3A_5 = arith.divf %div3A_4, %max3A_3 : vector<1000x1xf32>
    %get3A_6 = arith.constant 0 : index
    %get3A_7 = arith.constant 0 : index
    %get3A_8 = vector.load %arg2[%get3A_6, %get3A_7] : memref<1000x128xf32, #tpu.memory_space<vmem>>, vector<1000x128xf32>
    %get3A_9 = arith.constant 0 : index
    %get3A_10 = arith.constant 0 : index
    %get3A_11 = vector.load %arg3[%get3A_9, %get3A_10] : memref<1000x128xf32, #tpu.memory_space<vmem>>, vector<1000x128xf32>
    %add3A = arith.addf %get3A_8, %get3A_11 : vector<1000x128xf32>
    %mul3A = vector.broadcast %div3A_5 : vector<1000x1xf32> to vector<1000x128xf32>
    %mul3A_12 = arith.mulf %add3A, %mul3A : vector<1000x128xf32>
    %get3A_13 = arith.constant 0 : index
    %get3A_14 = arith.constant 0 : index
    %get3A_15 = vector.load %arg1[%get3A_13, %get3A_14] : memref<1000x128xf32, #tpu.memory_space<vmem>>, vector<1000x128xf32>
    %get3A_16 = arith.constant 0 : index
    %get3A_17 = arith.constant 0 : index
    %get3A_18 = vector.load %arg5[%get3A_16, %get3A_17] : memref<128x128xf32, #tpu.memory_space<vmem>>, vector<128x128xf32>
    %dot_general3A = arith.constant dense<0.000000e+00> : vector<1000x128xf32>
    %dot_general3A_19 = tpu.matmul %get3A_15, %get3A_18, %dot_general3A {dimension_numbers = #tpu.dot_dimension_numbers<[1], [0], [0], [1], [0, 0, 1, 1], [], []>, transpose_lhs_hint = false} : vector<1000x128xf32>, vector<128x128xf32>, vector<1000x128xf32> -> vector<1000x128xf32>
    %get3A_20 = arith.constant 0 : index
    %get3A_21 = arith.constant 0 : index
    %get3A_22 = vector.load %arg6[%get3A_20, %get3A_21] : memref<128x128xf32, #tpu.memory_space<vmem>>, vector<128x128xf32>
    %dot_general3A_23 = arith.constant dense<0.000000e+00> : vector<1000x128xf32>
    %dot_general3A_24 = tpu.matmul %mul3A_12, %get3A_22, %dot_general3A_23 {dimension_numbers = #tpu.dot_dimension_numbers<[1], [0], [0], [1], [0, 0, 1, 1], [], []>, transpose_lhs_hint = false} : vector<1000x128xf32>, vector<128x128xf32>, vector<1000x128xf32> -> vector<1000x128xf32>
    %add3A_25 = arith.addf %dot_general3A_19, %dot_general3A_24 : vector<1000x128xf32>
    %get3A_26 = arith.constant 0 : index
    %get3A_27 = arith.constant 0 : index
    %get3A_28 = vector.load %arg7[%get3A_26, %get3A_27] : memref<1x128xf32, #tpu.memory_space<vmem>>, vector<1x128xf32>
    %add3A_29 = vector.broadcast %get3A_28 : vector<1x128xf32> to vector<1000x128xf32>
    %add3A_30 = arith.addf %add3A_25, %add3A_29 : vector<1000x128xf32>
    %reduce_max3A = arith.constant dense<0xFF800000> : vector<1000xf32>
    %reduce_max3A_31 = vector.multi_reduction <maximumf>, %add3A_30, %reduce_max3A [1] : vector<1000x128xf32> to vector<1000xf32>
    %broadcast_in_dim3A = vector.shape_cast %reduce_max3A_31 : vector<1000xf32> to vector<1000x1xf32>
    %sub3A = vector.broadcast %broadcast_in_dim3A : vector<1000x1xf32> to vector<1000x128xf32>
    %sub3A_32 = arith.subf %add3A_30, %sub3A : vector<1000x128xf32>
    %exp3A = math.exp %sub3A_32 : vector<1000x128xf32>
    %reduce_sum3A = arith.constant dense<0.000000e+00> : vector<1000xf32>
    %reduce_sum3A_33 = vector.multi_reduction <add>, %exp3A, %reduce_sum3A [1] : vector<1000x128xf32> to vector<1000xf32>
    %broadcast_in_dim3A_34 = vector.shape_cast %reduce_sum3A_33 : vector<1000xf32> to vector<1000x1xf32>
    %log3A = math.log %broadcast_in_dim3A_34 : vector<1000x1xf32>
    %sub3A_35 = vector.broadcast %log3A : vector<1000x1xf32> to vector<1000x128xf32>
    %sub3A_36 = arith.subf %sub3A_32, %sub3A_35 : vector<1000x128xf32>
    %swap3A = arith.constant 0 : index
    %swap3A_37 = arith.constant 0 : index
    %swap3A_38 = vector.load %arg8[%swap3A, %swap3A_37] : memref<1000x128xf32, #tpu.memory_space<vmem>>, vector<1000x128xf32>
    tpu.vector_store %arg8[%swap3A, %swap3A_37], %sub3A_36 {strides = array<i32>} : memref<1000x128xf32, #tpu.memory_space<vmem>>, vector<1000x128xf32>,
    return
  }
  func.func @transform_0(%arg0: i32) -> (i32, i32) {
    %c0_i32 = arith.constant 0 : i32
    %c0_i32_0 = arith.constant 0 : i32
    return %arg0, %c0_i32 : i32, i32
  }
  func.func @transform_1(%arg0: i32) -> (i32, i32) {
    %c0_i32 = arith.constant 0 : i32
    %c0_i32_0 = arith.constant 0 : i32
    return %arg0, %c0_i32 : i32, i32
  }
  func.func @transform_2(%arg0: i32) -> (i32, i32) {
    %c0_i32 = arith.constant 0 : i32
    %c0_i32_0 = arith.constant 0 : i32
    return %arg0, %c0_i32 : i32, i32
  }
  func.func @transform_3(%arg0: i32) -> (i32, i32) {
    %c0_i32 = arith.constant 0 : i32
    %c0_i32_0 = arith.constant 0 : i32
    return %arg0, %c0_i32 : i32, i32
  }
  func.func @transform_4(%arg0: i32) -> (i32, i32) {
    %c0_i32 = arith.constant 0 : i32
    %c0_i32_0 = arith.constant 0 : i32
    %c0_i32_1 = arith.constant 0 : i32
    return %c0_i32, %c0_i32_0 : i32, i32
  }
  func.func @transform_5(%arg0: i32) -> (i32, i32) {
    %c0_i32 = arith.constant 0 : i32
    %c0_i32_0 = arith.constant 0 : i32
    %c0_i32_1 = arith.constant 0 : i32
    return %c0_i32, %c0_i32_0 : i32, i32
  }
  func.func @transform_6(%arg0: i32) -> (i32, i32) {
    %c0_i32 = arith.constant 0 : i32
    %c0_i32_0 = arith.constant 0 : i32
    %c0_i32_1 = arith.constant 0 : i32
    return %c0_i32, %c0_i32_0 : i32, i32
  }
  func.func @transform_7(%arg0: i32) -> (i32, i32) {
    %c0_i32 = arith.constant 0 : i32
    %c0_i32_0 = arith.constant 0 : i32
    return %arg0, %c0_i32 : i32, i32
  }
}

</mosaic_0001>

<sc_bundles>
// kernel: kernel.10.cloned.1.call-start
scs
__scs_entry_jumppad:
0x0: {  	(pc) =	sbr.rel $0x88, $3  }
0x1: {  	(tag) =	ssettag $0x0;
	lr =	simm.s32 $0x1  }
0x2: {  	[smem:$0x3F99] =	sst lr;
	_ =	strace $0xD0000000  }
0x3: {  	_ = 	snop  }
0x4: {  	_ = 	snop  }
0x5: {  	_ = 	snop  }
0x6: {  	_ = 	snop  }
0x7: {  	_ = 	snop  }
__scs_overlays_trampoline_lowered:
0x8: {  	[smem:$0x3FA8] =	sst s0  }
0x9: {  	[smem:$0x3FA9] =	sst s1  }
0xa: {  	[smem:$0x3FAA] =	sst s2  }
0xb: {  	[smem:$0x3FAB] =	sst s3  }
0xc: {  	[smem:$0x3FAC] =	sst s4  }
0xd: {  	[smem:$0x3FAD] =	sst s5  }
0xe: {  	[smem:$0x3FAE] =	sst s6  }
0xf: {  	[smem:$0x3FAF] =	sst s7  }
0x10: {  	[smem:$0x3FB0] =	sst s8  }
0x11: {  	[smem:$0x3FB1] =	sst s9;
	s0 =	simm.s32 @!p0 $0x0  }
0x12: {  	s1 =	sld [smem:$0x3F97];
	s0 =	simm.s32 @p0 $0x1  }
0x13: {  	[smem:$0x3FB2] =	sst s0;
	s0 =	simm.s32 @!p1 $0x0  }
0x14: {  	s2 =	sld [smem:$0x3F96];
	s0 =	simm.s32 @p1 $0x1  }
0x15: {  	[smem:$0x3FB3] =	sst s0;
	s0 =	simm.s32 @!p2 $0x0  }
0x16: {  	s3 =	sld [smem:$0x3FDB];
	s0 =	simm.s32 @p2 $0x1  }
0x17: {  	s4 =	simm.s32 $0x1BF5;
	[smem:$0x3FB5] =	sst s0  }
0x18: {  	s0 =	sld [smem:$0x3F98];
	_ =	swait.ge [sflag:s4], $0x0  }
0x19: {  	s7 =	sld [smem:$0x3F99]  }
0x1a: {  	s8 =	sadd.s32 $0xFFFFE003, lr  }
0x1b: {  	s9 =	sadd.s32 $0xFFFFFEF7, lr;
	s5 =	simm.s32 $0xFFFFFFFF;
	p2 =	slt.u32 s8, $0xFFFFF086  }
0x1c: {  	p1 =	slt.u32 s9, $0xF7A;
	s5 =	simm.s32 @!p2 $0x0  }
0x1d: {  	s5 =	simm.s32 @p1 $0x1;
	p0 =	seq.s32 s7, s2  }
0x1e: {  	s7 =	smul.u32 @!p0 $0xF7A, s2;
	p2 =	seq.s32 @!p0 s5, $0x0  }
0x1f: {  	s9 =	smul.u32 $0xF7A, s1;
	s8 =	simm.s32 @!p0 $0x1BF5;
	p2 =	por !p2, p0  }
0x20: {  	[sflag:s8] =	ssyncset.s32 @!p0 $0xFFFFF086;
	s6 =	sadd.s32 @!p0 s3, s7;
	s7 =	simm.s32 @!p0 $0x108  }
0x21: {  	s3 =	sadd.s32 s3, s9;
	s6 =	sadd.s32 @!p0 $0x88, s6;
	s7 =	simm.s32 @p2 $0x1082  }
0x22: {  	[simem:s7], [sflag:s8] =	dma.local @!p0 [hbm:s6], $0xF7A  }
0x23: {  	s9 =	sor.u32 $0xD0000000, s2;
	s6 =	simm.s32 $0x108;
	_ =	swait.ge @!p0 [sflag:s8], $0x0  }
0x24: {  	s3 =	sadd.s32 $0x88, s3;
	s6 =	simm.s32 @!p1 $0x1082;
	[sflag:s4] =	ssyncset.s32 $0xFFFFF086  }
0x25: {  	[simem:s6], [sflag:s4] =	dma.local [hbm:s3], $0xF7A  }
0x26: {  	[smem:$0x3F99] =	sst s1;
	(tag) =	ssettag s2;
	_ =	strace s9  }
0x27: {  	s1 =	sld [smem:$0x3FA9]  }
0x28: {  	s2 =	sld [smem:$0x3FAA]  }
0x29: {  	s4 =	sld [smem:$0x3FAC]  }
0x2a: {  	p0 =	seq.s32 s5, $0x0;
	s5 =	sld [smem:$0x3FAD]  }
0x2b: {  	s6 =	sld [smem:$0x3FAE]  }
0x2c: {  	s7 =	sld [smem:$0x3FAF]  }
0x2d: {  	s3 =	simm.s32 $0x108;
	s8 =	sld [smem:$0x3FB0]  }
0x2e: {  	s3 =	simm.s32 @!p0 $0x1082;
	s9 =	sld [smem:$0x3FB1]  }
0x2f: {  	lr =	sadd.s32 s0, s3;
	s0 =	sld [smem:$0x3FA8]  }
0x30: {  	s3 =	sld [smem:$0x3FAB]  }
0x31: {  	[smem:$0x3FB4] =	sst s10  }
0x32: {  	s10 =	sld [smem:$0x3FB2];
	_ =	sdelay $0x3  }
0x33: {  	p0 =	seq.s32 s10, $0x1;
	s10 =	sld [smem:$0x3FB4];
	_ =	sdelay $0x3  }
0x34: {  	[smem:$0x3FB4] =	sst s10  }
0x35: {  	s10 =	sld [smem:$0x3FB3];
	_ =	sdelay $0x3  }
0x36: {  	p1 =	seq.s32 s10, $0x1;
	s10 =	sld [smem:$0x3FB4];
	_ =	sdelay $0x3  }
0x37: {  	[smem:$0x3FB4] =	sst s10  }
0x38: {  	s10 =	sld [smem:$0x3FB5]  }
0x39: {  	_ = 	snop;
	(pc) =	sbr.ind lr, $3  }
0x3a: {  	_ = 	snop  }
0x3b: {  	_ = 	snop  }
0x3c: {  	p2 =	seq.s32 s10, $0x1;
	s10 =	sld [smem:$0x3FB4]  }
0x3d: {  	_ =	shalt  }
0x3e: {  	_ =	shalt  }
0x3f: {  	_ =	shalt  }
0x40: {  	_ =	shalt  }
0x41: {  	_ =	shalt  }
0x42: {  	_ =	shalt  }
0x43: {  	_ =	shalt  }
0x44: {  	_ =	shalt  }
0x45: {  	_ =	shalt  }
0x46: {  	_ =	shalt  }
0x47: {  	_ =	shalt  }
0x48: {  	_ =	shalt  }
0x49: {  	_ =	shalt  }
0x4a: {  	_ =	shalt  }
0x4b: {  	_ =	shalt  }
0x4c: {  	_ =	shalt  }
0x4d: {  	_ =	shalt  }
0x4e: {  	_ =	shalt  }
0x4f: {  	_ =	shalt  }
0x50: {  	_ =	shalt  }
0x51: {  	_ =	shalt  }
0x52: {  	_ =	shalt  }
0x53: {  	_ =	shalt  }
0x54: {  	_ =	shalt  }
0x55: {  	_ =	shalt  }
0x56: {  	_ =	shalt  }
0x57: {  	_ =	shalt  }
0x58: {  	_ =	shalt  }
0x59: {  	_ =	shalt  }
0x5a: {  	_ =	shalt  }
0x5b: {  	_ =	shalt  }
0x5c: {  	_ =	shalt  }
0x5d: {  	_ =	shalt  }
0x5e: {  	_ =	shalt  }
0x5f: {  	_ =	shalt  }
0x60: {  	_ =	shalt  }
0x61: {  	_ =	shalt  }
0x62: {  	_ =	shalt  }
0x63: {  	_ =	shalt  }
0x64: {  	_ =	shalt  }
0x65: {  	_ =	shalt  }
0x66: {  	_ =	shalt  }
0x67: {  	_ =	shalt  }
0x68: {  	_ =	shalt  }
0x69: {  	_ =	shalt  }
0x6a: {  	_ =	shalt  }
0x6b: {  	_ =	shalt  }
0x6c: {  	_ =	shalt  }
0x6d: {  	_ =	shalt  }
0x6e: {  	_ =	shalt  }
0x6f: {  	_ =	shalt  }
0x70: {  	_ =	shalt  }
0x71: {  	_ =	shalt  }
0x72: {  	_ =	shalt  }
0x73: {  	_ =	shalt  }
0x74: {  	_ =	shalt  }
0x75: {  	_ =	shalt  }
0x76: {  	_ =	shalt  }
0x77: {  	_ =	shalt  }
0x78: {  	_ =	shalt  }
0x79: {  	_ =	shalt  }
0x7a: {  	_ =	shalt  }
0x7b: {  	_ =	shalt  }
0x7c: {  	_ =	shalt  }
0x7d: {  	_ =	shalt  }
0x7e: {  	_ =	shalt  }
0x7f: {  	_ =	shalt  }
0x80: {  	_ =	shalt  }
0x81: {  	_ =	shalt  }
0x82: {  	_ =	shalt  }
0x83: {  	_ =	shalt  }
0x84: {  	_ =	shalt  }
0x85: {  	_ =	shalt  }
0x86: {  	_ =	shalt  }
0x87: {  	_ =	shalt  }
.Lfunc_end0:
.L_simem_size_0:
called_computation.1_lowered:
.L_overlay_start_0:
0x88: {  	s2 =	sld [smem:$0x3FD9]  }
0x89: {  	s3 =	sld [smem:$0x3FFE];
	_ =	sdelay $0x1  }
0x8a: {  	s1 =	srdreg.scid  }
0x8b: {  	s0 =	sand.u32 $0x1, s1  }
0x8c: {  	s17 =	sshll.u32 s0, $0xA;
	s2 =	sadd.s32 s3, s2  }
0x8d: {  	s2 =	sadd.s32 s2, s17  }
0x8e: {  	[smem:$0x3FC0] =	sst s2  }
0x8f: {  	_ = 	snop  }
0x90: {  	s18 =	sld [smem:$0x3FC9];
	(tm) =	ssettm $0x1  }
0x91: {  	s19 =	sld [smem:$0x3FFB];
	_ =	sdelay $0x3  }
0x92: {  	_ =	strace s19  }
0x93: {  	s2 =	sld [smem:$0x3FFC];
	_ =	sdelay $0x3  }
0x94: {  	_ =	strace s2  }
0x95: {  	s2 =	sld [smem:$0x3FFD];
	_ =	sdelay $0x3  }
0x96: {  	_ =	strace s2  }
0x97: {  	_ =	strace $0x8FFFFFFF  }
0x98: {  	s20 =	sld [smem:$0x3FDB];
	_ =	sdelay $0x1  }
0x99: {  	s4 =	simm.s32 $_scs_section_size  }
0x9a: {  	s5 =	simm.s32 $_size__tile_overlayer_lowered;
	s6 =	simm.s32 $_tile_overlayer_lowered  }
0x9b: {  	s7 =	simm.s32 $0x1BFF;
	s21 =	sshll.u32 s6, $0x1;
	s4 =	sadd.s32 s4, s20  }
0x9c: {  	s22 =	simm.s32 $0x0;
	s5 =	sshll.u32 s5, $0x1;
	s6 =	sadd.s32 s21, s4  }
0x9d: {  	[timem:s22], [sflag:s7] =	dma.local [hbm:s6], s5  }
0x9e: {  	_ =	swait.ge [sflag:s7], s5  }
0x9f: {  	s5 =	ssub.s32 $0x0, s5;
	[sflag:s7] =	ssyncset.done $0x0  }
0xa0: {  	[sflag:s7] =	ssyncadd.s32 s5;
	_ =	sdelay $0x1  }
0xa1: {  	s23 =	simm.s32 $0x1B8B  }
0xa2: {  	_ =	swait.ge [sflag:s23], $0x1  }
0xa3: {  	[sflag:s23] =	ssyncset.done $0x0  }
0xa4: {  	[sflag:s23] =	ssyncadd.s32 $0xFFFFFFFF  }
0xa5: {  	s5 =	sld [smem:$0x0]  }
0xa6: {  	s6 =	sand.u32 $0xFFFFFFFE, s1  }
0xa7: {  	p0 =	sne.s32 s1, s6  }
0xa8: {  	s6 =	sshll.u32 @p0 s6, $0xE  }
0xa9: {  	s6 =	sadd.s32 @p0 $0x11B8D, s6;
	s7 =	sshll.u32 @p0 s5, $0x11  }
0xaa: {  	s6 =	sor.u32 @p0 s7, s6  }
0xab: {  	[sflag:s6] =	ssyncadd.remote.s32 @p0 $0x1;
	_ =	sdelay $0x1  }
0xac: {  	s6 =	simm.s32 @p0 $0x1B8D  }
0xad: {  	_ =	swait.eq @p0 [sflag:s6], $0x1  }
0xae: {  	[sflag:s6] =	ssyncadd.s32 @p0 $0xFFFFFFFF  }
0xaf: {  	s7 =	sshll.u32 @!p0 s1, $0xE  }
0xb0: {  	s7 =	sor.u32 @!p0 $0x4000, s7;
	s6 =	simm.s32 @!p0 $0x1B8D  }
0xb1: {  	s5 =	sshll.u32 @!p0 s5, $0x11;
	s7 =	sadd.s32 @!p0 $0x11B8D, s7;
	_ =	swait.eq @!p0 [sflag:s6], $0x1  }
0xb2: {  	s5 =	sor.u32 @!p0 s5, s7;
	[sflag:s6] =	ssyncadd.s32 @!p0 $0xFFFFFFFF  }
0xb3: {  	s25 =	simm.s32 $0x1B8E;
	s24 =	sld [smem:$0x3FFE];
	[sflag:s5] =	ssyncadd.remote.s32 @!p0 $0x1  }
0xb4: {  	s26 =	simm.s32 $execute0_lowered;
	[smem:$0x3FD2] =	sst s25  }
0xb5: {  	s6 =	sshll.u32 s26, $0x1;
	_ =	strace $0x80000049;
	[dreg:$0x1] =	wrdreg $0xFFFFFFFF  }
0xb6: {  	s28 =	simm.s32 $_size_execute0_lowered;
	s4 =	sadd.s32 s4, s6;
	[dreg:$0x0] =	wrdreg $0x0  }
0xb7: {  	s6 =	sshll.u32 s28, $0x1;
	[dreg:$0x2] =	wrdreg s4  }
0xb8: {  	[dreg:$0x3] =	wrdreg s6  }
0xb9: {  	[dreg:$0x4] =	wrdreg $0xC0  }
0xba: {  	_ =	task [dreg:s22], $0x5FFFF  }
0xbb: {  	[dreg:$0x1] =	wrdreg $0xFFFFFFFF  }
0xbc: {  	[dreg:$0x0] =	wrdreg $0x60  }
0xbd: {  	[dreg:$0x2] =	wrdreg s18  }
0xbe: {  	[dreg:$0x3] =	wrdreg s24  }
0xbf: {  	[dreg:$0x4] =	wrdreg $0x84000  }
0xc0: {  	[dreg:$0x5] =	wrdreg $0xA  }
0xc1: {  	_ =	task.clear_ibuf [dreg:s22], $0x6FFFF;
	_ =	strace $0x90000049  }
0xc2: {  	s29 =	simm.s32 $0xA;
	_ =	strace $0x8000004B  }
0xc3: {  	_ =	swait.ge [sflag:s29], $0x1  }
0xc4: {  	[sflag:s29] =	ssyncadd.s32 $0xFFFFFFFF  }
0xc5: {  	_ =	strace $0x9000004B  }
0xc6: {  	_ =	sfence  }
0xc7: {  	s30 =	sld [smem:$0x0];
	_ =	sdelay $0x2  }
0xc8: {  	s31 =	sshll.u32 s1, $0xD;
	s1 =	sshrl.u32 s1, $0x2  }
0xc9: {  	s4 =	sand.u32 $0x4000, s31;
	s1 =	sadd.s32 s1, s30  }
0xca: {  	s0 =	sor.u32 s4, s0;
	s1 =	sshll.u32 s1, $0x11  }
0xcb: {  	s0 =	sor.u32 s1, s0  }
0xcc: {  	s0 =	sadd.s32 $0x8F2B, s0  }
0xcd: {  	[sflag:s0] =	ssyncadd.remote.s32 $0x1  }
0xce: {  	_ =	sfence.sel $0xFFFF  }
0xcf: {  	[dreg:$0x0] =	wrdreg $0xFFFFFFFF;
	(pc) =	sbr.abs _section_cstart, $3  }
0xd0: {  	[dreg:$0x1] =	wrdreg $0xFFFFFFFF  }
0xd1: {  	_ =	task.clear_ibuf [dreg:s22], $0x2FFFF;
	_ =	strace $0x9FFFFFFF  }
0xd2: {  	(tm) =	ssettm $0x7FFFFFFF  }
0xd3: {  	_ =	shalt  }
tec
execute0_lowered:
.L_overlay_start_1:
0x0: {  	(tag) =	ssettag $0x1  }
0x1: {  	s1 =	rddreg [dreg:$0x0]  }
0x2: {  	s0 =	rddreg [dreg:$0x1]  }
0x3: {  	s2 =	rddreg [dreg:$0x2];
	s4 =	simm.s32 $0x0;
	s3 =	srdreg.scid  }
0x4: {  	s17 =	stileid.u32;
	s30 =	simm.s32 $0x400;
	s31 =	simm.s32 $0x9  }
0x5: {  	s28 =	simm.s32 $0x4;
	s29 =	simm.s32 $0x380;
	[smem:$0x7FF] =	sst s4  }
0x6: {  	s3 =	sand.u32 $0x1, s3;
	s6 =	smul.u32 $0x50000, s17;
	s7 =	sadd.s32 $0x2800, s0  }
0x7: {  	s10 =	smul.u32 $0x14000, s17;
	s9 =	sadd.s32 $0x16800, s0;
	s0 =	sadd.s32 $0x67000, s0  }
0x8: {  	_ =	strace $0x8000004A;
	s5 =	ssub.s32 $0x2, s3;
	s25 =	smul.u32 $0x140000, s3  }
0x9: {  	[dreg:$0x4] =	wrdreg s9;
	s22 =	sshll.u32 s3, $0x4;
	s3 =	smul.u32 $0x28000, s3  }
0xa: {  	s8 =	sshrl.u32 s5, $0x1;
	s6 =	sshrl.u32 s6, $0x2;
	s12 =	sadd.s32 $0x4000, s10  }
0xb: {  	s24 =	sor.u32 s17, s22;
	s13 =	sadd.s32 $0x8000, s10;
	s14 =	sadd.s32 $0xC000, s10  }
0xc: {  	s15 =	sadd.s32 $0x10000, s10;
	s17 =	smul.u32 $0x2800, s17;
	s5 =	ssub.s32 s5, s8  }
0xd: {  	s18 =	sadd.s32 s6, s2;
	s23 =	sadd.s32 s12, s2;
	s16 =	smul.u32 $0xA00, s24  }
0xe: {  	s11 =	sadd.s32 s13, s2;
	s9 =	sadd.s32 s14, s2;
	s6 =	smul.u32 $0x5000, s24  }
0xf: {  	s8 =	sadd.s32 s15, s2;
	s10 =	sadd.s32 s10, s25;
	s12 =	sadd.s32 s25, s12  }
0x10: {  	s13 =	sadd.s32 s25, s13;
	s21 =	sadd.s32 s25, s14;
	[dreg:$0x6] =	wrdreg s23  }
0x11: {  	s22 =	sadd.s32 s25, s15;
	s10 =	sshrl.u32 s10, $0x3;
	[dreg:$0x5] =	wrdreg s11  }
0x12: {  	s12 =	sshrl.u32 s12, $0x3;
	s20 =	sshrl.u32 s13, $0x3;
	[dreg:$0x7] =	wrdreg s9  }
0x13: {  	s3 =	sadd.s32 s17, s3;
	s25 =	sshrl.u32 s22, $0x3;
	[dreg:$0xa] =	wrdreg s8  }
0x14: {  	s23 =	sadd.s32 s7, s16;
	s6 =	sshrl.u32 s6, $0x3;
	s10 =	sadd.s32 s0, s10  }
0x15: {  	s24 =	sor.u32 $0x500, s3;
	s13 =	sor.u32 $0x480, s3;
	s14 =	sor.u32 $0x400, s3  }
0x16: {  	s3 =	sor.u32 $0x380, s3;
	s19 =	sadd.s32 $0x20, s23;
	[dreg:$0xd] =	wrdreg s10  }
0x17: {  	s26 =	sadd.s32 $0x40, s23;
	s6 =	sadd.s32 s7, s6;
	[dreg:$0x9] =	wrdreg s23  }
0x18: {  	s10 =	sadd.s32 s0, s20;
	s15 =	sshrl.u32 s14, $0x2;
	[dreg:$0xb] =	wrdreg s19  }
0x19: {  	s3 =	sshrl.u32 s3, $0x2;
	s16 =	sadd.s32 $0x60, s23;
	[dreg:$0xc] =	wrdreg s26  }
0x1a: {  	s14 =	simm.s32 $0x2;
	s19 =	sadd.s32 s0, s12;
	[dreg:$0xf] =	wrdreg s10  }
0x1b: {  	s10 =	sshrl.u32 s21, $0x3;
	s26 =	sshrl.u32 s24, $0x2;
	s21 =	sadd.s32 s15, s7  }
0x1c: {  	s22 =	sadd.s32 s3, s7;
	[dreg:$0x12] =	wrdreg s16;
	s17 =	sadd.s32 $0x9E0, s6  }
0x1d: {  	s24 =	sadd.s32 $0x80, s23;
	s3 =	simm.s32 $0x200;
	[dreg:$0xe] =	wrdreg s19  }
0x1e: {  	s12 =	simm.s32 $0x80;
	s15 =	simm.s32 $0x4400;
	[dreg:$0x13] =	wrdreg s17  }
0x1f: {  	s16 =	simm.s32 $0x300;
	s10 =	sadd.s32 s0, s10;
	[dreg:$0x15] =	wrdreg s24  }
0x20: {  	s0 =	sadd.s32 s0, s25;
	s19 =	sadd.s32 s26, s7;
	[dreg:$0x10] =	wrdreg s10  }
0x21: {  	s25 =	sadd.s32 $0xA0, s23;
	s26 =	sadd.s32 $0xC0, s23;
	[dreg:$0x11] =	wrdreg s0  }
0x22: {  	s17 =	simm.s32 $0x6;
	s23 =	simm.s32 $0x7;
	[dreg:$0x16] =	wrdreg s25  }
0x23: {  	s24 =	simm.s32 $0x3;
	s0 =	sshrl.u32 s13, $0x2;
	[dreg:$0x17] =	wrdreg s26  }
0x24: {  	s13 =	simm.s32 $0x5;
	s25 =	simm.s32 $0x280;
	s26 =	simm.s32 $0x8  }
0x25: {  	s20 =	sadd.s32 s0, s7;
	s7 =	smov.u32 s18;
	s18 =	smax.u32 s5, $0x1  }
0x26: {  	s10 =	simm.s32 $0x0;
	s0 =	simm.s32 $0x100;
	[dreg:$0x14] =	wrdreg s18  }
0x27: {  	s5 =	simm.s32 $0x1;
	s18 =	simm.s32 $0x180;
	[dreg:$0x8] =	wrdreg s7  }
.LBB2_1:
0x28: {  	s6 =	rddreg [dreg:$0x4]  }
0x29: {  	[tilespmem:s30], [sflag:$0x9] =	stream.linear.gather [hbm4b:s6+s4], $0x4000, $0x38;
	[tilespmem:$0x1C400] =	vst v63  }
0x2a: {  	_ =	swait.ge [sflag:s31], $0x4000  }
0x2b: {  	[sflag:s31] =	ssyncset.done $0x0  }
0x2c: {  	[sflag:s31] =	ssyncadd.s32 $0xFFFFC000  }
0x2d: {  	[spmem:s7] =	stream.linear.scatter [tilespmem:s30], [sflag:$0x9], $0x4000, $0x38;
	[tilespmem:$0x1C400] =	vst v63  }
0x2e: {  	_ =	swait.ge [sflag:s31], $0x4000  }
0x2f: {  	[sflag:s31] =	ssyncset.done $0x0  }
0x30: {  	s7 =	rddreg [dreg:$0x6];
	[sflag:s31] =	ssyncadd.s32 $0xFFFFC000  }
0x31: {  	[spmem:s7] =	stream.linear.scatter [tilespmem:s30], [sflag:$0x9], $0x4000, $0x38;
	[tilespmem:$0x1C400] =	vst v63  }
0x32: {  	_ =	swait.ge [sflag:s31], $0x4000  }
0x33: {  	[sflag:s31] =	ssyncset.done $0x0  }
0x34: {  	[sflag:s31] =	ssyncadd.s32 $0xFFFFC000  }
0x35: {  	[spmem:s11] =	stream.linear.scatter [tilespmem:s30], [sflag:$0x9], $0x4000, $0x38;
	[tilespmem:$0x1C400] =	vst v63  }
0x36: {  	_ =	swait.ge [sflag:s31], $0x4000  }
0x37: {  	[sflag:s31] =	ssyncset.done $0x0  }
0x38: {  	[sflag:s31] =	ssyncadd.s32 $0xFFFFC000  }
0x39: {  	[spmem:s9] =	stream.linear.scatter [tilespmem:s30], [sflag:$0x9], $0x4000, $0x38;
	[tilespmem:$0x1C400] =	vst v63  }
0x3a: {  	_ =	swait.ge [sflag:s31], $0x4000  }
0x3b: {  	[sflag:s31] =	ssyncset.done $0x0  }
0x3c: {  	[sflag:s31] =	ssyncadd.s32 $0xFFFFC000  }
0x3d: {  	[spmem:s8] =	stream.linear.scatter [tilespmem:s30], [sflag:$0x9], $0x4000, $0x38;
	[tilespmem:$0x1C400] =	vst v63  }
0x3e: {  	_ =	swait.ge [sflag:s31], $0x4000  }
0x3f: {  	[sflag:s31] =	ssyncset.done $0x0  }
0x40: {  	[sflag:s31] =	ssyncadd.s32 $0xFFFFC000  }
0x41: {  	[bflag:$0x0] =	sbarrier.arrive $0xFFFF  }
0x42: {  	s9 =	rddreg [dreg:$0x9]  }
0x43: {  	[tilespmem:s4], [sflag:$0x1] =	stream.linear.gather [hbm4b:s9+s4], $0x100, $0x38;
	[tilespmem:$0x1C400] =	vst v63  }
0x44: {  	s11 =	rddreg [dreg:$0xb]  }
0x45: {  	[tilespmem:s0], [sflag:$0x2] =	stream.linear.gather [hbm4b:s11+s4], $0x100, $0x38;
	[tilespmem:$0x1C400] =	vst v63  }
0x46: {  	s7 =	rddreg [dreg:$0xc]  }
0x47: {  	[tilespmem:s3], [sflag:$0x3] =	stream.linear.gather [hbm4b:s7+s4], $0x100, $0x38;
	[tilespmem:$0x1C400] =	vst v63  }
0x48: {  	_ =	swait.ge [sflag:s5], $0x100  }
0x49: {  	[sflag:s5] =	ssyncset.done $0x0  }
0x4a: {  	[sflag:s5] =	ssyncadd.s32 $0xFFFFFF00  }
0x4b: {  	[tilespmem:s30], [sflag:$0x5] =	stream.indirect.gather [hbm4b:s1+s12], $0x80, s4, s12, $0xb8;
	[tilespmem:$0x1C400] =	vst v63  }
0x4c: {  	_ =	swait.ge [sflag:s13], $0x4000  }
0x4d: {  	[sflag:s13] =	ssyncset.done $0x0  }
0x4e: {  	[sflag:s13] =	ssyncadd.s32 $0xFFFFC000  }
0x4f: {  	[spmem:s2] =	stream.indirect.scatter.add.f32 [tilespmem:s30], [sflag:$0x7], $0x80, s12, s12, $0xb8;
	[tilespmem:$0x1C400] =	vst v63  }
0x50: {  	_ =	swait.ge [sflag:s14], $0x100  }
0x51: {  	[sflag:s14] =	ssyncset.done $0x0  }
0x52: {  	[sflag:s14] =	ssyncadd.s32 $0xFFFFFF00  }
0x53: {  	[tilespmem:s15], [sflag:$0x6] =	stream.indirect.gather [hbm4b:s1+s12], $0x80, s0, s12, $0xb8;
	[tilespmem:$0x1C400] =	vst v63  }
0x54: {  	s8 =	rddreg [dreg:$0x12]  }
0x55: {  	[tilespmem:s16], [sflag:$0x4] =	stream.linear.gather [hbm4b:s8+s4], $0x100, $0x38;
	[tilespmem:$0x1C400] =	vst v63  }
0x56: {  	_ =	swait.ge [sflag:s17], $0x4000  }
0x57: {  	[sflag:s17] =	ssyncset.done $0x0  }
0x58: {  	[sflag:s17] =	ssyncadd.s32 $0xFFFFC000  }
0x59: {  	[spmem:s2] =	stream.indirect.scatter.add.f32 [tilespmem:s15], [sflag:$0x8], $0x80, s18, s12, $0xb8;
	[tilespmem:$0x1C400] =	vst v63  }
0x5a: {  	_ =	swait.ge [sflag:s23], $0x4000  }
0x5b: {  	[sflag:s23] =	ssyncset.done $0x0  }
0x5c: {  	[sflag:s23] =	ssyncadd.s32 $0xFFFFC000  }
0x5d: {  	_ =	swait.ge [sflag:s24], $0x100  }
0x5e: {  	[sflag:s24] =	ssyncset.done $0x0  }
0x5f: {  	[sflag:s24] =	ssyncadd.s32 $0xFFFFFF00  }
0x60: {  	[tilespmem:s30], [sflag:$0x5] =	stream.indirect.gather [hbm4b:s1+s12], $0x80, s3, s12, $0xb8;
	[tilespmem:$0x1C400] =	vst v63  }
0x61: {  	s9 =	rddreg [dreg:$0x15]  }
0x62: {  	[tilespmem:s4], [sflag:$0x1] =	stream.linear.gather [hbm4b:s9+s4], $0x100, $0x38;
	[tilespmem:$0x1C400] =	vst v63  }
0x63: {  	_ =	swait.ge [sflag:s13], $0x4000  }
0x64: {  	[sflag:s13] =	ssyncset.done $0x0  }
0x65: {  	[sflag:s13] =	ssyncadd.s32 $0xFFFFC000  }
0x66: {  	[spmem:s2] =	stream.indirect.scatter.add.f32 [tilespmem:s30], [sflag:$0x7], $0x80, s25, s12, $0xb8;
	[tilespmem:$0x1C400] =	vst v63  }
0x67: {  	_ =	swait.ge [sflag:s26], $0x4000  }
0x68: {  	[sflag:s26] =	ssyncset.done $0x0  }
0x69: {  	[sflag:s26] =	ssyncadd.s32 $0xFFFFC000  }
0x6a: {  	_ =	swait.ge [sflag:s28], $0x100  }
0x6b: {  	[sflag:s28] =	ssyncset.done $0x0  }
0x6c: {  	[sflag:s28] =	ssyncadd.s32 $0xFFFFFF00  }
0x6d: {  	[tilespmem:s15], [sflag:$0x6] =	stream.indirect.gather [hbm4b:s1+s12], $0x80, s16, s12, $0xb8;
	[tilespmem:$0x1C400] =	vst v63  }
0x6e: {  	s11 =	rddreg [dreg:$0x16]  }
0x6f: {  	[tilespmem:s0], [sflag:$0x2] =	stream.linear.gather [hbm4b:s11+s4], $0x100, $0x38;
	[tilespmem:$0x1C400] =	vst v63  }
0x70: {  	_ =	swait.ge [sflag:s17], $0x4000  }
0x71: {  	[sflag:s17] =	ssyncset.done $0x0  }
0x72: {  	[sflag:s17] =	ssyncadd.s32 $0xFFFFC000  }
0x73: {  	[spmem:s2] =	stream.indirect.scatter.add.f32 [tilespmem:s15], [sflag:$0x8], $0x80, s29, s12, $0xb8;
	[tilespmem:$0x1C400] =	vst v63  }
0x74: {  	_ =	swait.ge [sflag:s23], $0x4000  }
0x75: {  	[sflag:s23] =	ssyncset.done $0x0  }
0x76: {  	[sflag:s23] =	ssyncadd.s32 $0xFFFFC000  }
0x77: {  	_ =	swait.ge [sflag:s5], $0x100  }
0x78: {  	[sflag:s5] =	ssyncset.done $0x0  }
0x79: {  	[sflag:s5] =	ssyncadd.s32 $0xFFFFFF00  }
0x7a: {  	[tilespmem:s30], [sflag:$0x5] =	stream.indirect.gather [hbm4b:s1+s12], $0x80, s4, s12, $0xb8;
	[tilespmem:$0x1C400] =	vst v63  }
0x7b: {  	s7 =	rddreg [dreg:$0x17]  }
0x7c: {  	[tilespmem:s3], [sflag:$0x3] =	stream.linear.gather [hbm4b:s7+s4], $0x100, $0x38;
	[tilespmem:$0x1C400] =	vst v63  }
0x7d: {  	_ =	swait.ge [sflag:s13], $0x4000  }
0x7e: {  	[sflag:s13] =	ssyncset.done $0x0  }
0x7f: {  	[sflag:s13] =	ssyncadd.s32 $0xFFFFC000  }
0x80: {  	[spmem:s2] =	stream.indirect.scatter.add.f32 [tilespmem:s30], [sflag:$0x7], $0x80, s12, s12, $0xb8;
	[tilespmem:$0x1C400] =	vst v63  }
0x81: {  	_ =	swait.ge [sflag:s26], $0x4000  }
0x82: {  	[sflag:s26] =	ssyncset.done $0x0  }
0x83: {  	[sflag:s26] =	ssyncadd.s32 $0xFFFFC000  }
0x84: {  	_ =	swait.ge [sflag:s14], $0x100  }
0x85: {  	[sflag:s14] =	ssyncset.done $0x0  }
0x86: {  	[sflag:s14] =	ssyncadd.s32 $0xFFFFFF00  }
0x87: {  	[tilespmem:s15], [sflag:$0x6] =	stream.indirect.gather [hbm4b:s1+s12], $0x80, s0, s12, $0xb8;
	[tilespmem:$0x1C400] =	vst v63  }
0x88: {  	s8 =	sadd.s32 $0x0, s22  }
0x89: {  	[tilespmem:s16], [sflag:$0x4] =	stream.linear.gather [hbm4b:s8+s4], $0x100, $0x38;
	[tilespmem:$0x1C400] =	vst v63  }
0x8a: {  	_ =	swait.ge [sflag:s17], $0x4000  }
0x8b: {  	[sflag:s17] =	ssyncset.done $0x0  }
0x8c: {  	[sflag:s17] =	ssyncadd.s32 $0xFFFFC000  }
0x8d: {  	[spmem:s2] =	stream.indirect.scatter.add.f32 [tilespmem:s15], [sflag:$0x8], $0x80, s18, s12, $0xb8;
	[tilespmem:$0x1C400] =	vst v63  }
0x8e: {  	_ =	swait.ge [sflag:s23], $0x4000  }
0x8f: {  	[sflag:s23] =	ssyncset.done $0x0  }
0x90: {  	[sflag:s23] =	ssyncadd.s32 $0xFFFFC000  }
0x91: {  	_ =	swait.ge [sflag:s24], $0x100  }
0x92: {  	[sflag:s24] =	ssyncset.done $0x0  }
0x93: {  	[sflag:s24] =	ssyncadd.s32 $0xFFFFFF00  }
0x94: {  	[tilespmem:s30], [sflag:$0x5] =	stream.indirect.gather [hbm4b:s1+s12], $0x80, s3, s12, $0xb8;
	[tilespmem:$0x1C400] =	vst v63  }
0x95: {  	s9 =	sadd.s32 $0x0, s21  }
0x96: {  	[tilespmem:s4], [sflag:$0x1] =	stream.linear.gather [hbm4b:s9+s4], $0x100, $0x38;
	[tilespmem:$0x1C400] =	vst v63  }
0x97: {  	_ =	swait.ge [sflag:s13], $0x4000  }
0x98: {  	[sflag:s13] =	ssyncset.done $0x0  }
0x99: {  	[sflag:s13] =	ssyncadd.s32 $0xFFFFC000  }
0x9a: {  	[spmem:s2] =	stream.indirect.scatter.add.f32 [tilespmem:s30], [sflag:$0x7], $0x80, s25, s12, $0xb8;
	[tilespmem:$0x1C400] =	vst v63  }
0x9b: {  	_ =	swait.ge [sflag:s26], $0x4000  }
0x9c: {  	[sflag:s26] =	ssyncset.done $0x0  }
0x9d: {  	[sflag:s26] =	ssyncadd.s32 $0xFFFFC000  }
0x9e: {  	_ =	swait.ge [sflag:s28], $0x100  }
0x9f: {  	[sflag:s28] =	ssyncset.done $0x0  }
0xa0: {  	[sflag:s28] =	ssyncadd.s32 $0xFFFFFF00  }
0xa1: {  	[tilespmem:s15], [sflag:$0x6] =	stream.indirect.gather [hbm4b:s1+s12], $0x80, s16, s12, $0xb8;
	[tilespmem:$0x1C400] =	vst v63  }
0xa2: {  	s11 =	sadd.s32 $0x0, s20  }
0xa3: {  	[tilespmem:s0], [sflag:$0x2] =	stream.linear.gather [hbm4b:s11+s4], $0x100, $0x38;
	[tilespmem:$0x1C400] =	vst v63  }
0xa4: {  	_ =	swait.ge [sflag:s17], $0x4000  }
0xa5: {  	[sflag:s17] =	ssyncset.done $0x0  }
0xa6: {  	[sflag:s17] =	ssyncadd.s32 $0xFFFFC000  }
0xa7: {  	[spmem:s2] =	stream.indirect.scatter.add.f32 [tilespmem:s15], [sflag:$0x8], $0x80, s29, s12, $0xb8;
	[tilespmem:$0x1C400] =	vst v63  }
0xa8: {  	_ =	swait.ge [sflag:s23], $0x4000  }
0xa9: {  	[sflag:s23] =	ssyncset.done $0x0  }
0xaa: {  	[sflag:s23] =	ssyncadd.s32 $0xFFFFC000  }
0xab: {  	_ =	swait.ge [sflag:s5], $0x100  }
0xac: {  	[sflag:s5] =	ssyncset.done $0x0  }
0xad: {  	s6 =	simm.s32 $0x80;
	s7 =	sadd.s32 $0x0, s19;
	[sflag:s5] =	ssyncadd.s32 $0xFFFFFF00  }
0xae: {  	[tilespmem:s30], [sflag:$0x5] =	stream.indirect.gather [hbm4b:s1+s12], $0x80, s4, s12, $0xb8;
	[tilespmem:$0x1C400] =	vst v63  }
.LBB2_2:
0xaf: {  	[tilespmem:s3], [sflag:$0x3] =	stream.linear.gather [hbm4b:s7+s4], $0x100, $0x38;
	[tilespmem:$0x1C400] =	vst v63  }
0xb0: {  	s7 =	smov.u32 s6  }
0xb1: {  	p0 =	sne.s32 s6, $0x880;
	s6 =	sadd.s32 $0x80, s6;
	_ =	swait.ge [sflag:s13], $0x4000  }
0xb2: {  	[sflag:s13] =	ssyncset.done $0x0  }
0xb3: {  	[sflag:s13] =	ssyncadd.s32 $0xFFFFC000  }
0xb4: {  	[spmem:s2] =	stream.indirect.scatter.add.f32 [tilespmem:s30], [sflag:$0x7], $0x80, s12, s12, $0xb8;
	[tilespmem:$0x1C400] =	vst v63  }
0xb5: {  	_ =	swait.ge [sflag:s26], $0x4000  }
0xb6: {  	[sflag:s26] =	ssyncset.done $0x0  }
0xb7: {  	[sflag:s26] =	ssyncadd.s32 $0xFFFFC000  }
0xb8: {  	_ =	swait.ge [sflag:s14], $0x100  }
0xb9: {  	[sflag:s14] =	ssyncset.done $0x0  }
0xba: {  	[sflag:s14] =	ssyncadd.s32 $0xFFFFFF00  }
0xbb: {  	[tilespmem:s15], [sflag:$0x6] =	stream.indirect.gather [hbm4b:s1+s12], $0x80, s0, s12, $0xb8;
	[tilespmem:$0x1C400] =	vst v63  }
0xbc: {  	s8 =	sadd.s32 s7, s22  }
0xbd: {  	[tilespmem:s16], [sflag:$0x4] =	stream.linear.gather [hbm4b:s8+s4], $0x100, $0x38;
	[tilespmem:$0x1C400] =	vst v63  }
0xbe: {  	_ =	swait.ge [sflag:s17], $0x4000  }
0xbf: {  	[sflag:s17] =	ssyncset.done $0x0  }
0xc0: {  	[sflag:s17] =	ssyncadd.s32 $0xFFFFC000  }
0xc1: {  	[spmem:s2] =	stream.indirect.scatter.add.f32 [tilespmem:s15], [sflag:$0x8], $0x80, s18, s12, $0xb8;
	[tilespmem:$0x1C400] =	vst v63  }
0xc2: {  	_ =	swait.ge [sflag:s23], $0x4000  }
0xc3: {  	[sflag:s23] =	ssyncset.done $0x0  }
0xc4: {  	[sflag:s23] =	ssyncadd.s32 $0xFFFFC000  }
0xc5: {  	_ =	swait.ge [sflag:s24], $0x100  }
0xc6: {  	[sflag:s24] =	ssyncset.done $0x0  }
0xc7: {  	[sflag:s24] =	ssyncadd.s32 $0xFFFFFF00  }
0xc8: {  	[tilespmem:s30], [sflag:$0x5] =	stream.indirect.gather [hbm4b:s1+s12], $0x80, s3, s12, $0xb8;
	[tilespmem:$0x1C400] =	vst v63  }
0xc9: {  	s8 =	sadd.s32 s7, s21  }
0xca: {  	[tilespmem:s4], [sflag:$0x1] =	stream.linear.gather [hbm4b:s8+s4], $0x100, $0x38;
	[tilespmem:$0x1C400] =	vst v63  }
0xcb: {  	_ =	swait.ge [sflag:s13], $0x4000  }
0xcc: {  	[sflag:s13] =	ssyncset.done $0x0  }
0xcd: {  	[sflag:s13] =	ssyncadd.s32 $0xFFFFC000  }
0xce: {  	[spmem:s2] =	stream.indirect.scatter.add.f32 [tilespmem:s30], [sflag:$0x7], $0x80, s25, s12, $0xb8;
	[tilespmem:$0x1C400] =	vst v63  }
0xcf: {  	_ =	swait.ge [sflag:s26], $0x4000  }
0xd0: {  	[sflag:s26] =	ssyncset.done $0x0  }
0xd1: {  	[sflag:s26] =	ssyncadd.s32 $0xFFFFC000  }
0xd2: {  	_ =	swait.ge [sflag:s28], $0x100  }
0xd3: {  	[sflag:s28] =	ssyncset.done $0x0  }
0xd4: {  	[sflag:s28] =	ssyncadd.s32 $0xFFFFFF00  }
0xd5: {  	[tilespmem:s15], [sflag:$0x6] =	stream.indirect.gather [hbm4b:s1+s12], $0x80, s16, s12, $0xb8;
	[tilespmem:$0x1C400] =	vst v63  }
0xd6: {  	s8 =	sadd.s32 s7, s20  }
0xd7: {  	[tilespmem:s0], [sflag:$0x2] =	stream.linear.gather [hbm4b:s8+s4], $0x100, $0x38;
	[tilespmem:$0x1C400] =	vst v63  }
0xd8: {  	_ =	swait.ge [sflag:s17], $0x4000  }
0xd9: {  	[sflag:s17] =	ssyncset.done $0x0  }
0xda: {  	[sflag:s17] =	ssyncadd.s32 $0xFFFFC000  }
0xdb: {  	[spmem:s2] =	stream.indirect.scatter.add.f32 [tilespmem:s15], [sflag:$0x8], $0x80, s29, s12, $0xb8;
	[tilespmem:$0x1C400] =	vst v63  }
0xdc: {  	_ =	swait.ge [sflag:s23], $0x4000  }
0xdd: {  	[sflag:s23] =	ssyncset.done $0x0  }
0xde: {  	[sflag:s23] =	ssyncadd.s32 $0xFFFFC000  }
.Ltmp0:
0xdf: {  	_ =	swait.ge [sflag:s5], $0x100;
	(pc) =	sbr.rel @p0 .LBB2_2-.Ltmp0, $4  }
0xe0: {  	[sflag:s5] =	ssyncset.done $0x0  }
0xe1: {  	[sflag:s5] =	ssyncadd.s32 $0xFFFFFF00  }
0xe2: {  	[tilespmem:s30], [sflag:$0x5] =	stream.indirect.gather [hbm4b:s1+s12], $0x80, s4, s12, $0xb8;
	[tilespmem:$0x1C400] =	vst v63  }
0xe3: {  	s7 =	sadd.s32 s7, s19  }
0xe4: {  	[tilespmem:s3], [sflag:$0x3] =	stream.linear.gather [hbm4b:s7+s4], $0x100, $0x38;
	[tilespmem:$0x1C400] =	vst v63  }
0xe5: {  	_ =	swait.ge [sflag:s13], $0x4000  }
0xe6: {  	[sflag:s13] =	ssyncset.done $0x0  }
0xe7: {  	[sflag:s13] =	ssyncadd.s32 $0xFFFFC000  }
0xe8: {  	[spmem:s2] =	stream.indirect.scatter.add.f32 [tilespmem:s30], [sflag:$0x7], $0x80, s12, s12, $0xb8;
	[tilespmem:$0x1C400] =	vst v63  }
0xe9: {  	_ =	swait.ge [sflag:s26], $0x4000  }
0xea: {  	[sflag:s26] =	ssyncset.done $0x0  }
0xeb: {  	[sflag:s26] =	ssyncadd.s32 $0xFFFFC000  }
0xec: {  	_ =	swait.ge [sflag:s14], $0x100  }
0xed: {  	[sflag:s14] =	ssyncset.done $0x0  }
0xee: {  	[sflag:s14] =	ssyncadd.s32 $0xFFFFFF00  }
0xef: {  	[tilespmem:s15], [sflag:$0x6] =	stream.indirect.gather [hbm4b:s1+s12], $0x80, s0, s12, $0xb8;
	[tilespmem:$0x1C400] =	vst v63  }
0xf0: {  	s6 =	rddreg [dreg:$0x13]  }
0xf1: {  	[tilespmem:s16], [sflag:$0x4] =	stream.linear.gather [hbm4b:s6+s4], $0x100, $0x38;
	[tilespmem:$0x1C400] =	vst v63  }
0xf2: {  	_ =	swait.ge [sflag:s17], $0x4000  }
0xf3: {  	[sflag:s17] =	ssyncset.done $0x0  }
0xf4: {  	[sflag:s17] =	ssyncadd.s32 $0xFFFFC000  }
0xf5: {  	[spmem:s2] =	stream.indirect.scatter.add.f32 [tilespmem:s15], [sflag:$0x8], $0x80, s18, s12, $0xb8;
	[tilespmem:$0x1C400] =	vst v63  }
0xf6: {  	_ =	swait.ge [sflag:s23], $0x4000  }
0xf7: {  	[sflag:s23] =	ssyncset.done $0x0  }
0xf8: {  	[sflag:s23] =	ssyncadd.s32 $0xFFFFC000  }
0xf9: {  	_ =	swait.ge [sflag:s24], $0x100  }
0xfa: {  	[sflag:s24] =	ssyncset.done $0x0  }
0xfb: {  	[sflag:s24] =	ssyncadd.s32 $0xFFFFFF00  }
0xfc: {  	[tilespmem:s30], [sflag:$0x5] =	stream.indirect.gather [hbm4b:s1+s12], $0x80, s3, s12, $0xb8;
	[tilespmem:$0x1C400] =	vst v63  }
0xfd: {  	_ =	swait.ge [sflag:s13], $0x4000  }
0xfe: {  	[sflag:s13] =	ssyncset.done $0x0  }
0xff: {  	[sflag:s13] =	ssyncadd.s32 $0xFFFFC000  }
0x100: {  	[spmem:s2] =	stream.indirect.scatter.add.f32 [tilespmem:s30], [sflag:$0x7], $0x80, s25, s12, $0xb8;
	[tilespmem:$0x1C400] =	vst v63  }
0x101: {  	_ =	swait.ge [sflag:s26], $0x4000  }
0x102: {  	[sflag:s26] =	ssyncset.done $0x0  }
0x103: {  	[sflag:s26] =	ssyncadd.s32 $0xFFFFC000  }
0x104: {  	_ =	swait.ge [sflag:s28], $0x100  }
0x105: {  	[sflag:s28] =	ssyncset.done $0x0  }
0x106: {  	[sflag:s28] =	ssyncadd.s32 $0xFFFFFF00  }
0x107: {  	[tilespmem:s15], [sflag:$0x6] =	stream.indirect.gather [hbm4b:s1+s12], $0x80, s16, s12, $0xb8;
	[tilespmem:$0x1C400] =	vst v63  }
0x108: {  	_ =	swait.ge [sflag:s17], $0x4000  }
0x109: {  	[sflag:s17] =	ssyncset.done $0x0  }
0x10a: {  	[sflag:s17] =	ssyncadd.s32 $0xFFFFC000  }
0x10b: {  	[spmem:s2] =	stream.indirect.scatter.add.f32 [tilespmem:s15], [sflag:$0x8], $0x80, s29, s12, $0xb8;
	[tilespmem:$0x1C400] =	vst v63  }
0x10c: {  	_ =	swait.ge [sflag:s23], $0x4000  }
0x10d: {  	[sflag:s23] =	ssyncset.done $0x0  }
0x10e: {  	[sflag:s23] =	ssyncadd.s32 $0xFFFFC000  }
0x10f: {  	_ =	swait.ge [sflag:s26], $0x4000  }
0x110: {  	[sflag:s26] =	ssyncset.done $0x0  }
0x111: {  	[sflag:s26] =	ssyncadd.s32 $0xFFFFC000  }
0x112: {  	[bflag:$0x0] =	sbarrier.arrive $0xFFFF  }
0x113: {  	s7 =	rddreg [dreg:$0x8]  }
0x114: {  	[tilespmem:s30], [sflag:$0x9] =	stream.linear.gather [spmem:s7], $0x4000, $0x38;
	[tilespmem:$0x1C400] =	vst v63  }
0x115: {  	_ =	swait.ge [sflag:s31], $0x4000  }
0x116: {  	[sflag:s31] =	ssyncset.done $0x0  }
0x117: {  	s9 =	rddreg [dreg:$0xd];
	[sflag:s31] =	ssyncadd.s32 $0xFFFFC000  }
0x118: {  	[hbm4b:s9+s4] =	stream.linear.scatter [tilespmem:s30], [sflag:$0x9], $0x4000, $0x38;
	[tilespmem:$0x1C400] =	vst v63  }
0x119: {  	_ =	swait.ge [sflag:s31], $0x4000  }
0x11a: {  	[sflag:s31] =	ssyncset.done $0x0  }
0x11b: {  	s11 =	rddreg [dreg:$0x6];
	[sflag:s31] =	ssyncadd.s32 $0xFFFFC000  }
0x11c: {  	[tilespmem:s30], [sflag:$0x9] =	stream.linear.gather [spmem:s11], $0x4000, $0x38;
	[tilespmem:$0x1C400] =	vst v63  }
0x11d: {  	_ =	swait.ge [sflag:s31], $0x4000  }
0x11e: {  	[sflag:s31] =	ssyncset.done $0x0  }
0x11f: {  	s8 =	rddreg [dreg:$0xe];
	[sflag:s31] =	ssyncadd.s32 $0xFFFFC000  }
0x120: {  	[hbm4b:s8+s4] =	stream.linear.scatter [tilespmem:s30], [sflag:$0x9], $0x4000, $0x38;
	[tilespmem:$0x1C400] =	vst v63  }
0x121: {  	_ =	swait.ge [sflag:s31], $0x4000  }
0x122: {  	[sflag:s31] =	ssyncset.done $0x0  }
0x123: {  	s11 =	rddreg [dreg:$0x5];
	[sflag:s31] =	ssyncadd.s32 $0xFFFFC000  }
0x124: {  	[tilespmem:s30], [sflag:$0x9] =	stream.linear.gather [spmem:s11], $0x4000, $0x38;
	[tilespmem:$0x1C400] =	vst v63  }
0x125: {  	_ =	swait.ge [sflag:s31], $0x4000  }
0x126: {  	[sflag:s31] =	ssyncset.done $0x0  }
0x127: {  	s9 =	rddreg [dreg:$0xf];
	[sflag:s31] =	ssyncadd.s32 $0xFFFFC000  }
0x128: {  	[hbm4b:s9+s4] =	stream.linear.scatter [tilespmem:s30], [sflag:$0x9], $0x4000, $0x38;
	[tilespmem:$0x1C400] =	vst v63  }
0x129: {  	_ =	swait.ge [sflag:s31], $0x4000  }
0x12a: {  	[sflag:s31] =	ssyncset.done $0x0  }
0x12b: {  	s9 =	rddreg [dreg:$0x7];
	[sflag:s31] =	ssyncadd.s32 $0xFFFFC000  }
0x12c: {  	[tilespmem:s30], [sflag:$0x9] =	stream.linear.gather [spmem:s9], $0x4000, $0x38;
	[tilespmem:$0x1C400] =	vst v63  }
0x12d: {  	_ =	swait.ge [sflag:s31], $0x4000  }
0x12e: {  	[sflag:s31] =	ssyncset.done $0x0  }
0x12f: {  	s8 =	rddreg [dreg:$0x10];
	[sflag:s31] =	ssyncadd.s32 $0xFFFFC000  }
0x130: {  	[hbm4b:s8+s4] =	stream.linear.scatter [tilespmem:s30], [sflag:$0x9], $0x4000, $0x38;
	[tilespmem:$0x1C400] =	vst v63  }
0x131: {  	_ =	swait.ge [sflag:s31], $0x4000  }
0x132: {  	[sflag:s31] =	ssyncset.done $0x0  }
0x133: {  	s8 =	rddreg [dreg:$0xa];
	[sflag:s31] =	ssyncadd.s32 $0xFFFFC000  }
0x134: {  	[tilespmem:s30], [sflag:$0x9] =	stream.linear.gather [spmem:s8], $0x4000, $0x38;
	[tilespmem:$0x1C400] =	vst v63  }
0x135: {  	_ =	swait.ge [sflag:s31], $0x4000  }
0x136: {  	[sflag:s31] =	ssyncset.done $0x0  }
0x137: {  	s6 =	rddreg [dreg:$0x11];
	[sflag:s31] =	ssyncadd.s32 $0xFFFFC000  }
0x138: {  	[hbm4b:s6+s4] =	stream.linear.scatter [tilespmem:s30], [sflag:$0x9], $0x4000, $0x38;
	[tilespmem:$0x1C400] =	vst v63  }
0x139: {  	_ =	swait.ge [sflag:s31], $0x4000  }
0x13a: {  	s10 =	sadd.s32 $0x1, s10;
	s6 =	rddreg [dreg:$0x14]  }
0x13b: {  	p0 =	sne.s32 s10, s6  }
.Ltmp1:
0x13c: {  	_ = 	snop;
	(pc) =	sbr.rel @p0 .LBB2_1-.Ltmp1, $3  }
0x13d: {  	_ =	sdelay $0x1  }
0x13e: {  	[sflag:s31] =	ssyncset.done $0x0  }
0x13f: {  	[sflag:s31] =	ssyncadd.s32 $0xFFFFC000  }
0x140: {  	_ =	sfence.sel $0x180000  }
0x141: {  	[bflag:$0x0] =	sbarrier.arrive $0xFFFF  }
0x142: {  	_ =	strace $0x9000004A  }
0x143: {  	s0 =	stileid.u32;
	[bflag:$0x2] =	sbarrier.arrive $0xFFFF  }
0x144: {  	p0 =	sne.s32 s0, $0x0;
	s0 =	rddreg [dreg:$0x3]  }
0x145: {  	s0 =	sadd.s32 @!p0 $0x100000, s0  }
0x146: {  	[sflag:s0] =	ssyncadd.tile.s32 @!p0 $0x1;
	_ =	shalt  }
.Lfunc_end2:
_tile_overlayer_lowered:
.L_overlay_start_2:
0x147: {  	(tag) =	ssettag $0x2  }
0x148: {  	s0 =	rddreg [dreg:$0x0];
	s2 =	stileid.u32  }
0x149: {  	s1 =	rddreg [dreg:$0x1];
	p0 =	sne.s32 s2, $0x0  }
0x14a: {  	s3 =	rddreg [dreg:$0x2];
	[bflag:$0x3] =	sbarrier.arrive $0xFFFF;
	s2 =	simm.s32 @!p0 $0x1C09  }
0x14b: {  	[timem:s3], [sflag:s2] =	dma.local @!p0 [hbm:s0], s1  }
0x14c: {  	s0 =	simm.s32 @!p0 $0x9  }
0x14d: {  	_ =	swait.ge @!p0 [sflag:s0], s1  }
0x14e: {  	s1 =	ssub.s32 @!p0 $0x0, s1;
	[sflag:s0] =	ssyncset.done @!p0 $0x0  }
0x14f: {  	[sflag:s0] =	ssyncadd.s32 @!p0 s1  }
0x150: {  	[bflag:$0x3] =	sbarrier.arrive $0xFFFF  }
0x151: {  	_ =	shalt  }

// kernel: kernel.13.cloned.1.call-start
scs
__scs_entry_jumppad:
0x0: {  	(pc) =	sbr.rel $0x88, $3  }
0x1: {  	(tag) =	ssettag $0x0;
	lr =	simm.s32 $0x1  }
0x2: {  	[smem:$0x3F99] =	sst lr;
	_ =	strace $0xD0000000  }
0x3: {  	_ = 	snop  }
0x4: {  	_ = 	snop  }
0x5: {  	_ = 	snop  }
0x6: {  	_ = 	snop  }
0x7: {  	_ = 	snop  }
__scs_overlays_trampoline_lowered:
0x8: {  	[smem:$0x3FA8] =	sst s0  }
0x9: {  	[smem:$0x3FA9] =	sst s1  }
0xa: {  	[smem:$0x3FAA] =	sst s2  }
0xb: {  	[smem:$0x3FAB] =	sst s3  }
0xc: {  	[smem:$0x3FAC] =	sst s4  }
0xd: {  	[smem:$0x3FAD] =	sst s5  }
0xe: {  	[smem:$0x3FAE] =	sst s6  }
0xf: {  	[smem:$0x3FAF] =	sst s7  }
0x10: {  	[smem:$0x3FB0] =	sst s8  }
0x11: {  	[smem:$0x3FB1] =	sst s9;
	s0 =	simm.s32 @!p0 $0x0  }
0x12: {  	s1 =	sld [smem:$0x3F97];
	s0 =	simm.s32 @p0 $0x1  }
0x13: {  	[smem:$0x3FB2] =	sst s0;
	s0 =	simm.s32 @!p1 $0x0  }
0x14: {  	s2 =	sld [smem:$0x3F96];
	s0 =	simm.s32 @p1 $0x1  }
0x15: {  	[smem:$0x3FB3] =	sst s0;
	s0 =	simm.s32 @!p2 $0x0  }
0x16: {  	s3 =	sld [smem:$0x3FDB];
	s0 =	simm.s32 @p2 $0x1  }
0x17: {  	s4 =	simm.s32 $0x1BF5;
	[smem:$0x3FB5] =	sst s0  }
0x18: {  	s0 =	sld [smem:$0x3F98];
	_ =	swait.ge [sflag:s4], $0x0  }
0x19: {  	s7 =	sld [smem:$0x3F99]  }
0x1a: {  	s8 =	sadd.s32 $0xFFFFE003, lr  }
0x1b: {  	s9 =	sadd.s32 $0xFFFFFEF7, lr;
	s5 =	simm.s32 $0xFFFFFFFF;
	p2 =	slt.u32 s8, $0xFFFFF086  }
0x1c: {  	p1 =	slt.u32 s9, $0xF7A;
	s5 =	simm.s32 @!p2 $0x0  }
0x1d: {  	s5 =	simm.s32 @p1 $0x1;
	p0 =	seq.s32 s7, s2  }
0x1e: {  	s7 =	smul.u32 @!p0 $0xF7A, s2;
	p2 =	seq.s32 @!p0 s5, $0x0  }
0x1f: {  	s9 =	smul.u32 $0xF7A, s1;
	s8 =	simm.s32 @!p0 $0x1BF5;
	p2 =	por !p2, p0  }
0x20: {  	[sflag:s8] =	ssyncset.s32 @!p0 $0xFFFFF086;
	s6 =	sadd.s32 @!p0 s3, s7;
	s7 =	simm.s32 @!p0 $0x108  }
0x21: {  	s3 =	sadd.s32 s3, s9;
	s6 =	sadd.s32 @!p0 $0x88, s6;
	s7 =	simm.s32 @p2 $0x1082  }
0x22: {  	[simem:s7], [sflag:s8] =	dma.local @!p0 [hbm:s6], $0xF7A  }
0x23: {  	s9 =	sor.u32 $0xD0000000, s2;
	s6 =	simm.s32 $0x108;
	_ =	swait.ge @!p0 [sflag:s8], $0x0  }
0x24: {  	s3 =	sadd.s32 $0x88, s3;
	s6 =	simm.s32 @!p1 $0x1082;
	[sflag:s4] =	ssyncset.s32 $0xFFFFF086  }
0x25: {  	[simem:s6], [sflag:s4] =	dma.local [hbm:s3], $0xF7A  }
0x26: {  	[smem:$0x3F99] =	sst s1;
	(tag) =	ssettag s2;
	_ =	strace s9  }
0x27: {  	s1 =	sld [smem:$0x3FA9]  }
0x28: {  	s2 =	sld [smem:$0x3FAA]  }
0x29: {  	s4 =	sld [smem:$0x3FAC]  }
0x2a: {  	p0 =	seq.s32 s5, $0x0;
	s5 =	sld [smem:$0x3FAD]  }
0x2b: {  	s6 =	sld [smem:$0x3FAE]  }
0x2c: {  	s7 =	sld [smem:$0x3FAF]  }
0x2d: {  	s3 =	simm.s32 $0x108;
	s8 =	sld [smem:$0x3FB0]  }
0x2e: {  	s3 =	simm.s32 @!p0 $0x1082;
	s9 =	sld [smem:$0x3FB1]  }
0x2f: {  	lr =	sadd.s32 s0, s3;
	s0 =	sld [smem:$0x3FA8]  }
0x30: {  	s3 =	sld [smem:$0x3FAB]  }
0x31: {  	[smem:$0x3FB4] =	sst s10  }
0x32: {  	s10 =	sld [smem:$0x3FB2];
	_ =	sdelay $0x3  }
0x33: {  	p0 =	seq.s32 s10, $0x1;
	s10 =	sld [smem:$0x3FB4];
	_ =	sdelay $0x3  }
0x34: {  	[smem:$0x3FB4] =	sst s10  }
0x35: {  	s10 =	sld [smem:$0x3FB3];
	_ =	sdelay $0x3  }
0x36: {  	p1 =	seq.s32 s10, $0x1;
	s10 =	sld [smem:$0x3FB4];
	_ =	sdelay $0x3  }
0x37: {  	[smem:$0x3FB4] =	sst s10  }
0x38: {  	s10 =	sld [smem:$0x3FB5]  }
0x39: {  	_ = 	snop;
	(pc) =	sbr.ind lr, $3  }
0x3a: {  	_ = 	snop  }
0x3b: {  	_ = 	snop  }
0x3c: {  	p2 =	seq.s32 s10, $0x1;
	s10 =	sld [smem:$0x3FB4]  }
0x3d: {  	_ =	shalt  }
0x3e: {  	_ =	shalt  }
0x3f: {  	_ =	shalt  }
0x40: {  	_ =	shalt  }
0x41: {  	_ =	shalt  }
0x42: {  	_ =	shalt  }
0x43: {  	_ =	shalt  }
0x44: {  	_ =	shalt  }
0x45: {  	_ =	shalt  }
0x46: {  	_ =	shalt  }
0x47: {  	_ =	shalt  }
0x48: {  	_ =	shalt  }
0x49: {  	_ =	shalt  }
0x4a: {  	_ =	shalt  }
0x4b: {  	_ =	shalt  }
0x4c: {  	_ =	shalt  }
0x4d: {  	_ =	shalt  }
0x4e: {  	_ =	shalt  }
0x4f: {  	_ =	shalt  }
0x50: {  	_ =	shalt  }
0x51: {  	_ =	shalt  }
0x52: {  	_ =	shalt  }
0x53: {  	_ =	shalt  }
0x54: {  	_ =	shalt  }
0x55: {  	_ =	shalt  }
0x56: {  	_ =	shalt  }
0x57: {  	_ =	shalt  }
0x58: {  	_ =	shalt  }
0x59: {  	_ =	shalt  }
0x5a: {  	_ =	shalt  }
0x5b: {  	_ =	shalt  }
0x5c: {  	_ =	shalt  }
0x5d: {  	_ =	shalt  }
0x5e: {  	_ =	shalt  }
0x5f: {  	_ =	shalt  }
0x60: {  	_ =	shalt  }
0x61: {  	_ =	shalt  }
0x62: {  	_ =	shalt  }
0x63: {  	_ =	shalt  }
0x64: {  	_ =	shalt  }
0x65: {  	_ =	shalt  }
0x66: {  	_ =	shalt  }
0x67: {  	_ =	shalt  }
0x68: {  	_ =	shalt  }
0x69: {  	_ =	shalt  }
0x6a: {  	_ =	shalt  }
0x6b: {  	_ =	shalt  }
0x6c: {  	_ =	shalt  }
0x6d: {  	_ =	shalt  }
0x6e: {  	_ =	shalt  }
0x6f: {  	_ =	shalt  }
0x70: {  	_ =	shalt  }
0x71: {  	_ =	shalt  }
0x72: {  	_ =	shalt  }
0x73: {  	_ =	shalt  }
0x74: {  	_ =	shalt  }
0x75: {  	_ =	shalt  }
0x76: {  	_ =	shalt  }
0x77: {  	_ =	shalt  }
0x78: {  	_ =	shalt  }
0x79: {  	_ =	shalt  }
0x7a: {  	_ =	shalt  }
0x7b: {  	_ =	shalt  }
0x7c: {  	_ =	shalt  }
0x7d: {  	_ =	shalt  }
0x7e: {  	_ =	shalt  }
0x7f: {  	_ =	shalt  }
0x80: {  	_ =	shalt  }
0x81: {  	_ =	shalt  }
0x82: {  	_ =	shalt  }
0x83: {  	_ =	shalt  }
0x84: {  	_ =	shalt  }
0x85: {  	_ =	shalt  }
0x86: {  	_ =	shalt  }
0x87: {  	_ =	shalt  }
.Lfunc_end0:
.L_simem_size_0:
called_computation.2_lowered:
.L_overlay_start_0:
0x88: {  	s2 =	sld [smem:$0x3FD9]  }
0x89: {  	s3 =	sld [smem:$0x3FFE];
	_ =	sdelay $0x1  }
0x8a: {  	s1 =	srdreg.scid  }
0x8b: {  	s0 =	sand.u32 $0x1, s1  }
0x8c: {  	s16 =	sshll.u32 s0, $0xA;
	s2 =	sadd.s32 s3, s2  }
0x8d: {  	s2 =	sadd.s32 s2, s16  }
0x8e: {  	[smem:$0x3FC0] =	sst s2  }
0x8f: {  	_ = 	snop  }
0x90: {  	(tm) =	ssettm $0x1  }
0x91: {  	s17 =	sld [smem:$0x3FFB];
	_ =	sdelay $0x3  }
0x92: {  	_ =	strace s17  }
0x93: {  	s2 =	sld [smem:$0x3FFC];
	_ =	sdelay $0x3  }
0x94: {  	_ =	strace s2  }
0x95: {  	s2 =	sld [smem:$0x3FFD];
	_ =	sdelay $0x3  }
0x96: {  	_ =	strace s2  }
0x97: {  	_ =	strace $0x8FFFFFFF  }
0x98: {  	s18 =	sld [smem:$0x3FDB];
	_ =	sdelay $0x1  }
0x99: {  	s19 =	simm.s32 $_scs_section_size  }
0x9a: {  	s4 =	simm.s32 $_size__tile_overlayer_lowered;
	s5 =	simm.s32 $_tile_overlayer_lowered  }
0x9b: {  	s22 =	simm.s32 $0x1BFF;
	s21 =	sshll.u32 s5, $0x1;
	s2 =	sadd.s32 s19, s18  }
0x9c: {  	s6 =	simm.s32 $0x0;
	s20 =	sshll.u32 s4, $0x1;
	s4 =	sadd.s32 s21, s2  }
0x9d: {  	[timem:s6], [sflag:s22] =	dma.local [hbm:s4], s20  }
0x9e: {  	_ =	swait.ge [sflag:s22], s20  }
0x9f: {  	s3 =	ssub.s32 $0x0, s20;
	[sflag:s22] =	ssyncset.done $0x0  }
0xa0: {  	[sflag:s22] =	ssyncadd.s32 s3;
	_ =	sdelay $0x1  }
0xa1: {  	s23 =	simm.s32 $0x1B8B  }
0xa2: {  	_ =	swait.ge [sflag:s23], $0x1  }
0xa3: {  	[sflag:s23] =	ssyncset.done $0x0  }
0xa4: {  	s25 =	simm.s32 $0x1B8E;
	s24 =	sld [smem:$0x3FFE];
	[sflag:s23] =	ssyncadd.s32 $0xFFFFFFFF  }
0xa5: {  	s26 =	simm.s32 $execute0_lowered;
	[smem:$0x3FD2] =	sst s25  }
0xa6: {  	s4 =	sshll.u32 s26, $0x1;
	_ =	strace $0x8000004C;
	[dreg:$0x1] =	wrdreg $0xFFFFFFFF  }
0xa7: {  	s28 =	simm.s32 $_size_execute0_lowered;
	s2 =	sadd.s32 s2, s4;
	[dreg:$0x0] =	wrdreg $0x0  }
0xa8: {  	s4 =	sshll.u32 s28, $0x1;
	[dreg:$0x2] =	wrdreg s2  }
0xa9: {  	[dreg:$0x3] =	wrdreg s4  }
0xaa: {  	[dreg:$0x4] =	wrdreg $0xC0  }
0xab: {  	_ =	task [dreg:s6], $0x5FFFF  }
0xac: {  	[dreg:$0x1] =	wrdreg $0xFFFFFFFF  }
0xad: {  	[dreg:$0x0] =	wrdreg $0x60  }
0xae: {  	[dreg:$0x2] =	wrdreg s24  }
0xaf: {  	[dreg:$0x3] =	wrdreg $0x84000  }
0xb0: {  	[dreg:$0x4] =	wrdreg $0x9  }
0xb1: {  	_ =	task.clear_ibuf [dreg:s6], $0x5FFFF;
	_ =	strace $0x9000004C  }
0xb2: {  	s29 =	simm.s32 $0x9;
	_ =	strace $0x8000004E  }
0xb3: {  	_ =	swait.ge [sflag:s29], $0x1  }
0xb4: {  	[sflag:s29] =	ssyncadd.s32 $0xFFFFFFFF  }
0xb5: {  	_ =	strace $0x9000004E  }
0xb6: {  	_ =	sfence  }
0xb7: {  	s30 =	sld [smem:$0x0];
	_ =	sdelay $0x2  }
0xb8: {  	s31 =	sshll.u32 s1, $0xD;
	s1 =	sshrl.u32 s1, $0x2  }
0xb9: {  	s3 =	sand.u32 $0x4000, s31;
	s1 =	sadd.s32 s1, s30  }
0xba: {  	s0 =	sor.u32 s3, s0;
	s1 =	sshll.u32 s1, $0x11  }
0xbb: {  	s0 =	sor.u32 s1, s0  }
0xbc: {  	s0 =	sadd.s32 $0x8F2B, s0  }
0xbd: {  	[sflag:s0] =	ssyncadd.remote.s32 $0x1  }
0xbe: {  	_ =	sfence.sel $0xFFFF  }
0xbf: {  	[dreg:$0x0] =	wrdreg $0xFFFFFFFF;
	(pc) =	sbr.abs _section_cstart, $3  }
0xc0: {  	[dreg:$0x1] =	wrdreg $0xFFFFFFFF  }
0xc1: {  	_ =	task.clear_ibuf [dreg:s6], $0x2FFFF;
	_ =	strace $0x9FFFFFFF  }
0xc2: {  	(tm) =	ssettm $0x7FFFFFFF  }
0xc3: {  	_ =	shalt  }
tec
execute0_lowered:
.L_overlay_start_1:
0x0: {  	(tag) =	ssettag $0x1  }
0x1: {  	s0 =	rddreg [dreg:$0x0]  }
0x2: {  	s1 =	rddreg [dreg:$0x1]  }
0x3: {  	s3 =	simm.s32 $0x0;
	s2 =	srdreg.scid;
	s17 =	stileid.u32  }
0x4: {  	s30 =	simm.s32 $0x400;
	s31 =	simm.s32 $0x9;
	s28 =	simm.s32 $0x4  }
0x5: {  	s29 =	simm.s32 $0x380;
	[smem:$0x7FF] =	sst s3;
	s2 =	sand.u32 $0x1, s2  }
0x6: {  	s4 =	sadd.s32 $0x17000, s0;
	s6 =	smul.u32 $0x50000, s17;
	s7 =	sadd.s32 $0x2800, s0  }
0x7: {  	s10 =	smul.u32 $0x14000, s17;
	s9 =	sadd.s32 $0x16800, s0;
	s0 =	sadd.s32 $0x3E200, s0  }
0x8: {  	_ =	strace $0x8000004D;
	s5 =	ssub.s32 $0x2, s2;
	s25 =	smul.u32 $0x140000, s2  }
0x9: {  	[dreg:$0x3] =	wrdreg s9;
	s22 =	sshll.u32 s2, $0x4;
	s2 =	smul.u32 $0x28000, s2  }
0xa: {  	s8 =	sshrl.u32 s5, $0x1;
	s6 =	sshrl.u32 s6, $0x2;
	s12 =	sadd.s32 $0x4000, s10  }
0xb: {  	s24 =	sor.u32 s17, s22;
	s13 =	sadd.s32 $0x8000, s10;
	s14 =	sadd.s32 $0xC000, s10  }
0xc: {  	s15 =	sadd.s32 $0x10000, s10;
	s17 =	smul.u32 $0x2800, s17;
	s5 =	ssub.s32 s5, s8  }
0xd: {  	s18 =	sadd.s32 s6, s1;
	s23 =	sadd.s32 s12, s1;
	s16 =	smul.u32 $0xA00, s24  }
0xe: {  	s11 =	sadd.s32 s13, s1;
	s9 =	sadd.s32 s14, s1;
	s6 =	smul.u32 $0x5000, s24  }
0xf: {  	s8 =	sadd.s32 s15, s1;
	s10 =	sadd.s32 s10, s25;
	s12 =	sadd.s32 s25, s12  }
0x10: {  	s13 =	sadd.s32 s25, s13;
	s21 =	sadd.s32 s25, s14;
	[dreg:$0x5] =	wrdreg s23  }
0x11: {  	s22 =	sadd.s32 s25, s15;
	s10 =	sshrl.u32 s10, $0x3;
	[dreg:$0x4] =	wrdreg s11  }
0x12: {  	s12 =	sshrl.u32 s12, $0x3;
	s20 =	sshrl.u32 s13, $0x3;
	[dreg:$0x6] =	wrdreg s9  }
0x13: {  	s2 =	sadd.s32 s17, s2;
	s25 =	sshrl.u32 s22, $0x3;
	[dreg:$0x9] =	wrdreg s8  }
0x14: {  	s23 =	sadd.s32 s7, s16;
	s6 =	sshrl.u32 s6, $0x3;
	s10 =	sadd.s32 s0, s10  }
0x15: {  	s24 =	sor.u32 $0x500, s2;
	s13 =	sor.u32 $0x480, s2;
	s14 =	sor.u32 $0x400, s2  }
0x16: {  	s2 =	sor.u32 $0x380, s2;
	s19 =	sadd.s32 $0x20, s23;
	[dreg:$0xc] =	wrdreg s10  }
0x17: {  	s26 =	sadd.s32 $0x40, s23;
	s6 =	sadd.s32 s7, s6;
	[dreg:$0x8] =	wrdreg s23  }
0x18: {  	s10 =	sadd.s32 s0, s20;
	s15 =	sshrl.u32 s14, $0x2;
	[dreg:$0xa] =	wrdreg s19  }
0x19: {  	s2 =	sshrl.u32 s2, $0x2;
	s16 =	sadd.s32 $0x60, s23;
	[dreg:$0xb] =	wrdreg s26  }
0x1a: {  	s14 =	simm.s32 $0x2;
	s19 =	sadd.s32 s0, s12;
	[dreg:$0xe] =	wrdreg s10  }
0x1b: {  	s10 =	sshrl.u32 s21, $0x3;
	s26 =	sshrl.u32 s24, $0x2;
	s21 =	sadd.s32 s15, s7  }
0x1c: {  	s22 =	sadd.s32 s2, s7;
	[dreg:$0x11] =	wrdreg s16;
	s17 =	sadd.s32 $0x9E0, s6  }
0x1d: {  	s24 =	sadd.s32 $0x80, s23;
	s2 =	simm.s32 $0x200;
	[dreg:$0xd] =	wrdreg s19  }
0x1e: {  	s12 =	simm.s32 $0x80;
	s15 =	simm.s32 $0x4400;
	[dreg:$0x12] =	wrdreg s17  }
0x1f: {  	s16 =	simm.s32 $0x300;
	s10 =	sadd.s32 s0, s10;
	[dreg:$0x14] =	wrdreg s24  }
0x20: {  	s0 =	sadd.s32 s0, s25;
	s19 =	sadd.s32 s26, s7;
	[dreg:$0xf] =	wrdreg s10  }
0x21: {  	s25 =	sadd.s32 $0xA0, s23;
	s26 =	sadd.s32 $0xC0, s23;
	[dreg:$0x10] =	wrdreg s0  }
0x22: {  	s17 =	simm.s32 $0x6;
	s23 =	simm.s32 $0x7;
	[dreg:$0x15] =	wrdreg s25  }
0x23: {  	s24 =	simm.s32 $0x3;
	s0 =	sshrl.u32 s13, $0x2;
	[dreg:$0x16] =	wrdreg s26  }
0x24: {  	s13 =	simm.s32 $0x5;
	s25 =	simm.s32 $0x280;
	s26 =	simm.s32 $0x8  }
0x25: {  	s20 =	sadd.s32 s0, s7;
	s7 =	smov.u32 s18;
	s18 =	smax.u32 s5, $0x1  }
0x26: {  	s10 =	simm.s32 $0x0;
	s0 =	simm.s32 $0x100;
	[dreg:$0x13] =	wrdreg s18  }
0x27: {  	s5 =	simm.s32 $0x1;
	s18 =	simm.s32 $0x180;
	[dreg:$0x7] =	wrdreg s7  }
.LBB2_1:
0x28: {  	s6 =	rddreg [dreg:$0x3]  }
0x29: {  	[tilespmem:s30], [sflag:$0x9] =	stream.linear.gather [hbm4b:s6+s3], $0x4000, $0x38;
	[tilespmem:$0x1C400] =	vst v63  }
0x2a: {  	_ =	swait.ge [sflag:s31], $0x4000  }
0x2b: {  	[sflag:s31] =	ssyncset.done $0x0  }
0x2c: {  	[sflag:s31] =	ssyncadd.s32 $0xFFFFC000  }
0x2d: {  	[spmem:s7] =	stream.linear.scatter [tilespmem:s30], [sflag:$0x9], $0x4000, $0x38;
	[tilespmem:$0x1C400] =	vst v63  }
0x2e: {  	_ =	swait.ge [sflag:s31], $0x4000  }
0x2f: {  	[sflag:s31] =	ssyncset.done $0x0  }
0x30: {  	s7 =	rddreg [dreg:$0x5];
	[sflag:s31] =	ssyncadd.s32 $0xFFFFC000  }
0x31: {  	[spmem:s7] =	stream.linear.scatter [tilespmem:s30], [sflag:$0x9], $0x4000, $0x38;
	[tilespmem:$0x1C400] =	vst v63  }
0x32: {  	_ =	swait.ge [sflag:s31], $0x4000  }
0x33: {  	[sflag:s31] =	ssyncset.done $0x0  }
0x34: {  	[sflag:s31] =	ssyncadd.s32 $0xFFFFC000  }
0x35: {  	[spmem:s11] =	stream.linear.scatter [tilespmem:s30], [sflag:$0x9], $0x4000, $0x38;
	[tilespmem:$0x1C400] =	vst v63  }
0x36: {  	_ =	swait.ge [sflag:s31], $0x4000  }
0x37: {  	[sflag:s31] =	ssyncset.done $0x0  }
0x38: {  	[sflag:s31] =	ssyncadd.s32 $0xFFFFC000  }
0x39: {  	[spmem:s9] =	stream.linear.scatter [tilespmem:s30], [sflag:$0x9], $0x4000, $0x38;
	[tilespmem:$0x1C400] =	vst v63  }
0x3a: {  	_ =	swait.ge [sflag:s31], $0x4000  }
0x3b: {  	[sflag:s31] =	ssyncset.done $0x0  }
0x3c: {  	[sflag:s31] =	ssyncadd.s32 $0xFFFFC000  }
0x3d: {  	[spmem:s8] =	stream.linear.scatter [tilespmem:s30], [sflag:$0x9], $0x4000, $0x38;
	[tilespmem:$0x1C400] =	vst v63  }
0x3e: {  	_ =	swait.ge [sflag:s31], $0x4000  }
0x3f: {  	[sflag:s31] =	ssyncset.done $0x0  }
0x40: {  	[sflag:s31] =	ssyncadd.s32 $0xFFFFC000  }
0x41: {  	[bflag:$0x0] =	sbarrier.arrive $0xFFFF  }
0x42: {  	s9 =	rddreg [dreg:$0x8]  }
0x43: {  	[tilespmem:s3], [sflag:$0x1] =	stream.linear.gather [hbm4b:s9+s3], $0x100, $0x38;
	[tilespmem:$0x1C400] =	vst v63  }
0x44: {  	s11 =	rddreg [dreg:$0xa]  }
0x45: {  	[tilespmem:s0], [sflag:$0x2] =	stream.linear.gather [hbm4b:s11+s3], $0x100, $0x38;
	[tilespmem:$0x1C400] =	vst v63  }
0x46: {  	s7 =	rddreg [dreg:$0xb]  }
0x47: {  	[tilespmem:s2], [sflag:$0x3] =	stream.linear.gather [hbm4b:s7+s3], $0x100, $0x38;
	[tilespmem:$0x1C400] =	vst v63  }
0x48: {  	_ =	swait.ge [sflag:s5], $0x100  }
0x49: {  	[sflag:s5] =	ssyncset.done $0x0  }
0x4a: {  	[sflag:s5] =	ssyncadd.s32 $0xFFFFFF00  }
0x4b: {  	[tilespmem:s30], [sflag:$0x5] =	stream.indirect.gather [hbm4b:s4+s12], $0x80, s3, s12, $0xb8;
	[tilespmem:$0x1C400] =	vst v63  }
0x4c: {  	_ =	swait.ge [sflag:s13], $0x4000  }
0x4d: {  	[sflag:s13] =	ssyncset.done $0x0  }
0x4e: {  	[sflag:s13] =	ssyncadd.s32 $0xFFFFC000  }
0x4f: {  	[spmem:s1] =	stream.indirect.scatter.add.f32 [tilespmem:s30], [sflag:$0x7], $0x80, s12, s12, $0xb8;
	[tilespmem:$0x1C400] =	vst v63  }
0x50: {  	_ =	swait.ge [sflag:s14], $0x100  }
0x51: {  	[sflag:s14] =	ssyncset.done $0x0  }
0x52: {  	[sflag:s14] =	ssyncadd.s32 $0xFFFFFF00  }
0x53: {  	[tilespmem:s15], [sflag:$0x6] =	stream.indirect.gather [hbm4b:s4+s12], $0x80, s0, s12, $0xb8;
	[tilespmem:$0x1C400] =	vst v63  }
0x54: {  	s8 =	rddreg [dreg:$0x11]  }
0x55: {  	[tilespmem:s16], [sflag:$0x4] =	stream.linear.gather [hbm4b:s8+s3], $0x100, $0x38;
	[tilespmem:$0x1C400] =	vst v63  }
0x56: {  	_ =	swait.ge [sflag:s17], $0x4000  }
0x57: {  	[sflag:s17] =	ssyncset.done $0x0  }
0x58: {  	[sflag:s17] =	ssyncadd.s32 $0xFFFFC000  }
0x59: {  	[spmem:s1] =	stream.indirect.scatter.add.f32 [tilespmem:s15], [sflag:$0x8], $0x80, s18, s12, $0xb8;
	[tilespmem:$0x1C400] =	vst v63  }
0x5a: {  	_ =	swait.ge [sflag:s23], $0x4000  }
0x5b: {  	[sflag:s23] =	ssyncset.done $0x0  }
0x5c: {  	[sflag:s23] =	ssyncadd.s32 $0xFFFFC000  }
0x5d: {  	_ =	swait.ge [sflag:s24], $0x100  }
0x5e: {  	[sflag:s24] =	ssyncset.done $0x0  }
0x5f: {  	[sflag:s24] =	ssyncadd.s32 $0xFFFFFF00  }
0x60: {  	[tilespmem:s30], [sflag:$0x5] =	stream.indirect.gather [hbm4b:s4+s12], $0x80, s2, s12, $0xb8;
	[tilespmem:$0x1C400] =	vst v63  }
0x61: {  	s9 =	rddreg [dreg:$0x14]  }
0x62: {  	[tilespmem:s3], [sflag:$0x1] =	stream.linear.gather [hbm4b:s9+s3], $0x100, $0x38;
	[tilespmem:$0x1C400] =	vst v63  }
0x63: {  	_ =	swait.ge [sflag:s13], $0x4000  }
0x64: {  	[sflag:s13] =	ssyncset.done $0x0  }
0x65: {  	[sflag:s13] =	ssyncadd.s32 $0xFFFFC000  }
0x66: {  	[spmem:s1] =	stream.indirect.scatter.add.f32 [tilespmem:s30], [sflag:$0x7], $0x80, s25, s12, $0xb8;
	[tilespmem:$0x1C400] =	vst v63  }
0x67: {  	_ =	swait.ge [sflag:s26], $0x4000  }
0x68: {  	[sflag:s26] =	ssyncset.done $0x0  }
0x69: {  	[sflag:s26] =	ssyncadd.s32 $0xFFFFC000  }
0x6a: {  	_ =	swait.ge [sflag:s28], $0x100  }
0x6b: {  	[sflag:s28] =	ssyncset.done $0x0  }
0x6c: {  	[sflag:s28] =	ssyncadd.s32 $0xFFFFFF00  }
0x6d: {  	[tilespmem:s15], [sflag:$0x6] =	stream.indirect.gather [hbm4b:s4+s12], $0x80, s16, s12, $0xb8;
	[tilespmem:$0x1C400] =	vst v63  }
0x6e: {  	s11 =	rddreg [dreg:$0x15]  }
0x6f: {  	[tilespmem:s0], [sflag:$0x2] =	stream.linear.gather [hbm4b:s11+s3], $0x100, $0x38;
	[tilespmem:$0x1C400] =	vst v63  }
0x70: {  	_ =	swait.ge [sflag:s17], $0x4000  }
0x71: {  	[sflag:s17] =	ssyncset.done $0x0  }
0x72: {  	[sflag:s17] =	ssyncadd.s32 $0xFFFFC000  }
0x73: {  	[spmem:s1] =	stream.indirect.scatter.add.f32 [tilespmem:s15], [sflag:$0x8], $0x80, s29, s12, $0xb8;
	[tilespmem:$0x1C400] =	vst v63  }
0x74: {  	_ =	swait.ge [sflag:s23], $0x4000  }
0x75: {  	[sflag:s23] =	ssyncset.done $0x0  }
0x76: {  	[sflag:s23] =	ssyncadd.s32 $0xFFFFC000  }
0x77: {  	_ =	swait.ge [sflag:s5], $0x100  }
0x78: {  	[sflag:s5] =	ssyncset.done $0x0  }
0x79: {  	[sflag:s5] =	ssyncadd.s32 $0xFFFFFF00  }
0x7a: {  	[tilespmem:s30], [sflag:$0x5] =	stream.indirect.gather [hbm4b:s4+s12], $0x80, s3, s12, $0xb8;
	[tilespmem:$0x1C400] =	vst v63  }
0x7b: {  	s7 =	rddreg [dreg:$0x16]  }
0x7c: {  	[tilespmem:s2], [sflag:$0x3] =	stream.linear.gather [hbm4b:s7+s3], $0x100, $0x38;
	[tilespmem:$0x1C400] =	vst v63  }
0x7d: {  	_ =	swait.ge [sflag:s13], $0x4000  }
0x7e: {  	[sflag:s13] =	ssyncset.done $0x0  }
0x7f: {  	[sflag:s13] =	ssyncadd.s32 $0xFFFFC000  }
0x80: {  	[spmem:s1] =	stream.indirect.scatter.add.f32 [tilespmem:s30], [sflag:$0x7], $0x80, s12, s12, $0xb8;
	[tilespmem:$0x1C400] =	vst v63  }
0x81: {  	_ =	swait.ge [sflag:s26], $0x4000  }
0x82: {  	[sflag:s26] =	ssyncset.done $0x0  }
0x83: {  	[sflag:s26] =	ssyncadd.s32 $0xFFFFC000  }
0x84: {  	_ =	swait.ge [sflag:s14], $0x100  }
0x85: {  	[sflag:s14] =	ssyncset.done $0x0  }
0x86: {  	[sflag:s14] =	ssyncadd.s32 $0xFFFFFF00  }
0x87: {  	[tilespmem:s15], [sflag:$0x6] =	stream.indirect.gather [hbm4b:s4+s12], $0x80, s0, s12, $0xb8;
	[tilespmem:$0x1C400] =	vst v63  }
0x88: {  	s8 =	sadd.s32 $0x0, s22  }
0x89: {  	[tilespmem:s16], [sflag:$0x4] =	stream.linear.gather [hbm4b:s8+s3], $0x100, $0x38;
	[tilespmem:$0x1C400] =	vst v63  }
0x8a: {  	_ =	swait.ge [sflag:s17], $0x4000  }
0x8b: {  	[sflag:s17] =	ssyncset.done $0x0  }
0x8c: {  	[sflag:s17] =	ssyncadd.s32 $0xFFFFC000  }
0x8d: {  	[spmem:s1] =	stream.indirect.scatter.add.f32 [tilespmem:s15], [sflag:$0x8], $0x80, s18, s12, $0xb8;
	[tilespmem:$0x1C400] =	vst v63  }
0x8e: {  	_ =	swait.ge [sflag:s23], $0x4000  }
0x8f: {  	[sflag:s23] =	ssyncset.done $0x0  }
0x90: {  	[sflag:s23] =	ssyncadd.s32 $0xFFFFC000  }
0x91: {  	_ =	swait.ge [sflag:s24], $0x100  }
0x92: {  	[sflag:s24] =	ssyncset.done $0x0  }
0x93: {  	[sflag:s24] =	ssyncadd.s32 $0xFFFFFF00  }
0x94: {  	[tilespmem:s30], [sflag:$0x5] =	stream.indirect.gather [hbm4b:s4+s12], $0x80, s2, s12, $0xb8;
	[tilespmem:$0x1C400] =	vst v63  }
0x95: {  	s9 =	sadd.s32 $0x0, s21  }
0x96: {  	[tilespmem:s3], [sflag:$0x1] =	stream.linear.gather [hbm4b:s9+s3], $0x100, $0x38;
	[tilespmem:$0x1C400] =	vst v63  }
0x97: {  	_ =	swait.ge [sflag:s13], $0x4000  }
0x98: {  	[sflag:s13] =	ssyncset.done $0x0  }
0x99: {  	[sflag:s13] =	ssyncadd.s32 $0xFFFFC000  }
0x9a: {  	[spmem:s1] =	stream.indirect.scatter.add.f32 [tilespmem:s30], [sflag:$0x7], $0x80, s25, s12, $0xb8;
	[tilespmem:$0x1C400] =	vst v63  }
0x9b: {  	_ =	swait.ge [sflag:s26], $0x4000  }
0x9c: {  	[sflag:s26] =	ssyncset.done $0x0  }
0x9d: {  	[sflag:s26] =	ssyncadd.s32 $0xFFFFC000  }
0x9e: {  	_ =	swait.ge [sflag:s28], $0x100  }
0x9f: {  	[sflag:s28] =	ssyncset.done $0x0  }
0xa0: {  	[sflag:s28] =	ssyncadd.s32 $0xFFFFFF00  }
0xa1: {  	[tilespmem:s15], [sflag:$0x6] =	stream.indirect.gather [hbm4b:s4+s12], $0x80, s16, s12, $0xb8;
	[tilespmem:$0x1C400] =	vst v63  }
0xa2: {  	s11 =	sadd.s32 $0x0, s20  }
0xa3: {  	[tilespmem:s0], [sflag:$0x2] =	stream.linear.gather [hbm4b:s11+s3], $0x100, $0x38;
	[tilespmem:$0x1C400] =	vst v63  }
0xa4: {  	_ =	swait.ge [sflag:s17], $0x4000  }
0xa5: {  	[sflag:s17] =	ssyncset.done $0x0  }
0xa6: {  	[sflag:s17] =	ssyncadd.s32 $0xFFFFC000  }
0xa7: {  	[spmem:s1] =	stream.indirect.scatter.add.f32 [tilespmem:s15], [sflag:$0x8], $0x80, s29, s12, $0xb8;
	[tilespmem:$0x1C400] =	vst v63  }
0xa8: {  	_ =	swait.ge [sflag:s23], $0x4000  }
0xa9: {  	[sflag:s23] =	ssyncset.done $0x0  }
0xaa: {  	[sflag:s23] =	ssyncadd.s32 $0xFFFFC000  }
0xab: {  	_ =	swait.ge [sflag:s5], $0x100  }
0xac: {  	[sflag:s5] =	ssyncset.done $0x0  }
0xad: {  	s6 =	simm.s32 $0x80;
	s7 =	sadd.s32 $0x0, s19;
	[sflag:s5] =	ssyncadd.s32 $0xFFFFFF00  }
0xae: {  	[tilespmem:s30], [sflag:$0x5] =	stream.indirect.gather [hbm4b:s4+s12], $0x80, s3, s12, $0xb8;
	[tilespmem:$0x1C400] =	vst v63  }
.LBB2_2:
0xaf: {  	[tilespmem:s2], [sflag:$0x3] =	stream.linear.gather [hbm4b:s7+s3], $0x100, $0x38;
	[tilespmem:$0x1C400] =	vst v63  }
0xb0: {  	s7 =	smov.u32 s6  }
0xb1: {  	p0 =	sne.s32 s6, $0x880;
	s6 =	sadd.s32 $0x80, s6;
	_ =	swait.ge [sflag:s13], $0x4000  }
0xb2: {  	[sflag:s13] =	ssyncset.done $0x0  }
0xb3: {  	[sflag:s13] =	ssyncadd.s32 $0xFFFFC000  }
0xb4: {  	[spmem:s1] =	stream.indirect.scatter.add.f32 [tilespmem:s30], [sflag:$0x7], $0x80, s12, s12, $0xb8;
	[tilespmem:$0x1C400] =	vst v63  }
0xb5: {  	_ =	swait.ge [sflag:s26], $0x4000  }
0xb6: {  	[sflag:s26] =	ssyncset.done $0x0  }
0xb7: {  	[sflag:s26] =	ssyncadd.s32 $0xFFFFC000  }
0xb8: {  	_ =	swait.ge [sflag:s14], $0x100  }
0xb9: {  	[sflag:s14] =	ssyncset.done $0x0  }
0xba: {  	[sflag:s14] =	ssyncadd.s32 $0xFFFFFF00  }
0xbb: {  	[tilespmem:s15], [sflag:$0x6] =	stream.indirect.gather [hbm4b:s4+s12], $0x80, s0, s12, $0xb8;
	[tilespmem:$0x1C400] =	vst v63  }
0xbc: {  	s8 =	sadd.s32 s7, s22  }
0xbd: {  	[tilespmem:s16], [sflag:$0x4] =	stream.linear.gather [hbm4b:s8+s3], $0x100, $0x38;
	[tilespmem:$0x1C400] =	vst v63  }
0xbe: {  	_ =	swait.ge [sflag:s17], $0x4000  }
0xbf: {  	[sflag:s17] =	ssyncset.done $0x0  }
0xc0: {  	[sflag:s17] =	ssyncadd.s32 $0xFFFFC000  }
0xc1: {  	[spmem:s1] =	stream.indirect.scatter.add.f32 [tilespmem:s15], [sflag:$0x8], $0x80, s18, s12, $0xb8;
	[tilespmem:$0x1C400] =	vst v63  }
0xc2: {  	_ =	swait.ge [sflag:s23], $0x4000  }
0xc3: {  	[sflag:s23] =	ssyncset.done $0x0  }
0xc4: {  	[sflag:s23] =	ssyncadd.s32 $0xFFFFC000  }
0xc5: {  	_ =	swait.ge [sflag:s24], $0x100  }
0xc6: {  	[sflag:s24] =	ssyncset.done $0x0  }
0xc7: {  	[sflag:s24] =	ssyncadd.s32 $0xFFFFFF00  }
0xc8: {  	[tilespmem:s30], [sflag:$0x5] =	stream.indirect.gather [hbm4b:s4+s12], $0x80, s2, s12, $0xb8;
	[tilespmem:$0x1C400] =	vst v63  }
0xc9: {  	s8 =	sadd.s32 s7, s21  }
0xca: {  	[tilespmem:s3], [sflag:$0x1] =	stream.linear.gather [hbm4b:s8+s3], $0x100, $0x38;
	[tilespmem:$0x1C400] =	vst v63  }
0xcb: {  	_ =	swait.ge [sflag:s13], $0x4000  }
0xcc: {  	[sflag:s13] =	ssyncset.done $0x0  }
0xcd: {  	[sflag:s13] =	ssyncadd.s32 $0xFFFFC000  }
0xce: {  	[spmem:s1] =	stream.indirect.scatter.add.f32 [tilespmem:s30], [sflag:$0x7], $0x80, s25, s12, $0xb8;
	[tilespmem:$0x1C400] =	vst v63  }
0xcf: {  	_ =	swait.ge [sflag:s26], $0x4000  }
0xd0: {  	[sflag:s26] =	ssyncset.done $0x0  }
0xd1: {  	[sflag:s26] =	ssyncadd.s32 $0xFFFFC000  }
0xd2: {  	_ =	swait.ge [sflag:s28], $0x100  }
0xd3: {  	[sflag:s28] =	ssyncset.done $0x0  }
0xd4: {  	[sflag:s28] =	ssyncadd.s32 $0xFFFFFF00  }
0xd5: {  	[tilespmem:s15], [sflag:$0x6] =	stream.indirect.gather [hbm4b:s4+s12], $0x80, s16, s12, $0xb8;
	[tilespmem:$0x1C400] =	vst v63  }
0xd6: {  	s8 =	sadd.s32 s7, s20  }
0xd7: {  	[tilespmem:s0], [sflag:$0x2] =	stream.linear.gather [hbm4b:s8+s3], $0x100, $0x38;
	[tilespmem:$0x1C400] =	vst v63  }
0xd8: {  	_ =	swait.ge [sflag:s17], $0x4000  }
0xd9: {  	[sflag:s17] =	ssyncset.done $0x0  }
0xda: {  	[sflag:s17] =	ssyncadd.s32 $0xFFFFC000  }
0xdb: {  	[spmem:s1] =	stream.indirect.scatter.add.f32 [tilespmem:s15], [sflag:$0x8], $0x80, s29, s12, $0xb8;
	[tilespmem:$0x1C400] =	vst v63  }
0xdc: {  	_ =	swait.ge [sflag:s23], $0x4000  }
0xdd: {  	[sflag:s23] =	ssyncset.done $0x0  }
0xde: {  	[sflag:s23] =	ssyncadd.s32 $0xFFFFC000  }
.Ltmp0:
0xdf: {  	_ =	swait.ge [sflag:s5], $0x100;
	(pc) =	sbr.rel @p0 .LBB2_2-.Ltmp0, $4  }
0xe0: {  	[sflag:s5] =	ssyncset.done $0x0  }
0xe1: {  	[sflag:s5] =	ssyncadd.s32 $0xFFFFFF00  }
0xe2: {  	[tilespmem:s30], [sflag:$0x5] =	stream.indirect.gather [hbm4b:s4+s12], $0x80, s3, s12, $0xb8;
	[tilespmem:$0x1C400] =	vst v63  }
0xe3: {  	s7 =	sadd.s32 s7, s19  }
0xe4: {  	[tilespmem:s2], [sflag:$0x3] =	stream.linear.gather [hbm4b:s7+s3], $0x100, $0x38;
	[tilespmem:$0x1C400] =	vst v63  }
0xe5: {  	_ =	swait.ge [sflag:s13], $0x4000  }
0xe6: {  	[sflag:s13] =	ssyncset.done $0x0  }
0xe7: {  	[sflag:s13] =	ssyncadd.s32 $0xFFFFC000  }
0xe8: {  	[spmem:s1] =	stream.indirect.scatter.add.f32 [tilespmem:s30], [sflag:$0x7], $0x80, s12, s12, $0xb8;
	[tilespmem:$0x1C400] =	vst v63  }
0xe9: {  	_ =	swait.ge [sflag:s26], $0x4000  }
0xea: {  	[sflag:s26] =	ssyncset.done $0x0  }
0xeb: {  	[sflag:s26] =	ssyncadd.s32 $0xFFFFC000  }
0xec: {  	_ =	swait.ge [sflag:s14], $0x100  }
0xed: {  	[sflag:s14] =	ssyncset.done $0x0  }
0xee: {  	[sflag:s14] =	ssyncadd.s32 $0xFFFFFF00  }
0xef: {  	[tilespmem:s15], [sflag:$0x6] =	stream.indirect.gather [hbm4b:s4+s12], $0x80, s0, s12, $0xb8;
	[tilespmem:$0x1C400] =	vst v63  }
0xf0: {  	s6 =	rddreg [dreg:$0x12]  }
0xf1: {  	[tilespmem:s16], [sflag:$0x4] =	stream.linear.gather [hbm4b:s6+s3], $0x100, $0x38;
	[tilespmem:$0x1C400] =	vst v63  }
0xf2: {  	_ =	swait.ge [sflag:s17], $0x4000  }
0xf3: {  	[sflag:s17] =	ssyncset.done $0x0  }
0xf4: {  	[sflag:s17] =	ssyncadd.s32 $0xFFFFC000  }
0xf5: {  	[spmem:s1] =	stream.indirect.scatter.add.f32 [tilespmem:s15], [sflag:$0x8], $0x80, s18, s12, $0xb8;
	[tilespmem:$0x1C400] =	vst v63  }
0xf6: {  	_ =	swait.ge [sflag:s23], $0x4000  }
0xf7: {  	[sflag:s23] =	ssyncset.done $0x0  }
0xf8: {  	[sflag:s23] =	ssyncadd.s32 $0xFFFFC000  }
0xf9: {  	_ =	swait.ge [sflag:s24], $0x100  }
0xfa: {  	[sflag:s24] =	ssyncset.done $0x0  }
0xfb: {  	[sflag:s24] =	ssyncadd.s32 $0xFFFFFF00  }
0xfc: {  	[tilespmem:s30], [sflag:$0x5] =	stream.indirect.gather [hbm4b:s4+s12], $0x80, s2, s12, $0xb8;
	[tilespmem:$0x1C400] =	vst v63  }
0xfd: {  	_ =	swait.ge [sflag:s13], $0x4000  }
0xfe: {  	[sflag:s13] =	ssyncset.done $0x0  }
0xff: {  	[sflag:s13] =	ssyncadd.s32 $0xFFFFC000  }
0x100: {  	[spmem:s1] =	stream.indirect.scatter.add.f32 [tilespmem:s30], [sflag:$0x7], $0x80, s25, s12, $0xb8;
	[tilespmem:$0x1C400] =	vst v63  }
0x101: {  	_ =	swait.ge [sflag:s26], $0x4000  }
0x102: {  	[sflag:s26] =	ssyncset.done $0x0  }
0x103: {  	[sflag:s26] =	ssyncadd.s32 $0xFFFFC000  }
0x104: {  	_ =	swait.ge [sflag:s28], $0x100  }
0x105: {  	[sflag:s28] =	ssyncset.done $0x0  }
0x106: {  	[sflag:s28] =	ssyncadd.s32 $0xFFFFFF00  }
0x107: {  	[tilespmem:s15], [sflag:$0x6] =	stream.indirect.gather [hbm4b:s4+s12], $0x80, s16, s12, $0xb8;
	[tilespmem:$0x1C400] =	vst v63  }
0x108: {  	_ =	swait.ge [sflag:s17], $0x4000  }
0x109: {  	[sflag:s17] =	ssyncset.done $0x0  }
0x10a: {  	[sflag:s17] =	ssyncadd.s32 $0xFFFFC000  }
0x10b: {  	[spmem:s1] =	stream.indirect.scatter.add.f32 [tilespmem:s15], [sflag:$0x8], $0x80, s29, s12, $0xb8;
	[tilespmem:$0x1C400] =	vst v63  }
0x10c: {  	_ =	swait.ge [sflag:s23], $0x4000  }
0x10d: {  	[sflag:s23] =	ssyncset.done $0x0  }
0x10e: {  	[sflag:s23] =	ssyncadd.s32 $0xFFFFC000  }
0x10f: {  	_ =	swait.ge [sflag:s26], $0x4000  }
0x110: {  	[sflag:s26] =	ssyncset.done $0x0  }
0x111: {  	[sflag:s26] =	ssyncadd.s32 $0xFFFFC000  }
0x112: {  	[bflag:$0x0] =	sbarrier.arrive $0xFFFF  }
0x113: {  	s7 =	rddreg [dreg:$0x7]  }
0x114: {  	[tilespmem:s30], [sflag:$0x9] =	stream.linear.gather [spmem:s7], $0x4000, $0x38;
	[tilespmem:$0x1C400] =	vst v63  }
0x115: {  	_ =	swait.ge [sflag:s31], $0x4000  }
0x116: {  	[sflag:s31] =	ssyncset.done $0x0  }
0x117: {  	s9 =	rddreg [dreg:$0xc];
	[sflag:s31] =	ssyncadd.s32 $0xFFFFC000  }
0x118: {  	[hbm4b:s9+s3] =	stream.linear.scatter [tilespmem:s30], [sflag:$0x9], $0x4000, $0x38;
	[tilespmem:$0x1C400] =	vst v63  }
0x119: {  	_ =	swait.ge [sflag:s31], $0x4000  }
0x11a: {  	[sflag:s31] =	ssyncset.done $0x0  }
0x11b: {  	s11 =	rddreg [dreg:$0x5];
	[sflag:s31] =	ssyncadd.s32 $0xFFFFC000  }
0x11c: {  	[tilespmem:s30], [sflag:$0x9] =	stream.linear.gather [spmem:s11], $0x4000, $0x38;
	[tilespmem:$0x1C400] =	vst v63  }
0x11d: {  	_ =	swait.ge [sflag:s31], $0x4000  }
0x11e: {  	[sflag:s31] =	ssyncset.done $0x0  }
0x11f: {  	s8 =	rddreg [dreg:$0xd];
	[sflag:s31] =	ssyncadd.s32 $0xFFFFC000  }
0x120: {  	[hbm4b:s8+s3] =	stream.linear.scatter [tilespmem:s30], [sflag:$0x9], $0x4000, $0x38;
	[tilespmem:$0x1C400] =	vst v63  }
0x121: {  	_ =	swait.ge [sflag:s31], $0x4000  }
0x122: {  	[sflag:s31] =	ssyncset.done $0x0  }
0x123: {  	s11 =	rddreg [dreg:$0x4];
	[sflag:s31] =	ssyncadd.s32 $0xFFFFC000  }
0x124: {  	[tilespmem:s30], [sflag:$0x9] =	stream.linear.gather [spmem:s11], $0x4000, $0x38;
	[tilespmem:$0x1C400] =	vst v63  }
0x125: {  	_ =	swait.ge [sflag:s31], $0x4000  }
0x126: {  	[sflag:s31] =	ssyncset.done $0x0  }
0x127: {  	s9 =	rddreg [dreg:$0xe];
	[sflag:s31] =	ssyncadd.s32 $0xFFFFC000  }
0x128: {  	[hbm4b:s9+s3] =	stream.linear.scatter [tilespmem:s30], [sflag:$0x9], $0x4000, $0x38;
	[tilespmem:$0x1C400] =	vst v63  }
0x129: {  	_ =	swait.ge [sflag:s31], $0x4000  }
0x12a: {  	[sflag:s31] =	ssyncset.done $0x0  }
0x12b: {  	s9 =	rddreg [dreg:$0x6];
	[sflag:s31] =	ssyncadd.s32 $0xFFFFC000  }
0x12c: {  	[tilespmem:s30], [sflag:$0x9] =	stream.linear.gather [spmem:s9], $0x4000, $0x38;
	[tilespmem:$0x1C400] =	vst v63  }
0x12d: {  	_ =	swait.ge [sflag:s31], $0x4000  }
0x12e: {  	[sflag:s31] =	ssyncset.done $0x0  }
0x12f: {  	s8 =	rddreg [dreg:$0xf];
	[sflag:s31] =	ssyncadd.s32 $0xFFFFC000  }
0x130: {  	[hbm4b:s8+s3] =	stream.linear.scatter [tilespmem:s30], [sflag:$0x9], $0x4000, $0x38;
	[tilespmem:$0x1C400] =	vst v63  }
0x131: {  	_ =	swait.ge [sflag:s31], $0x4000  }
0x132: {  	[sflag:s31] =	ssyncset.done $0x0  }
0x133: {  	s8 =	rddreg [dreg:$0x9];
	[sflag:s31] =	ssyncadd.s32 $0xFFFFC000  }
0x134: {  	[tilespmem:s30], [sflag:$0x9] =	stream.linear.gather [spmem:s8], $0x4000, $0x38;
	[tilespmem:$0x1C400] =	vst v63  }
0x135: {  	_ =	swait.ge [sflag:s31], $0x4000  }
0x136: {  	[sflag:s31] =	ssyncset.done $0x0  }
0x137: {  	s6 =	rddreg [dreg:$0x10];
	[sflag:s31] =	ssyncadd.s32 $0xFFFFC000  }
0x138: {  	[hbm4b:s6+s3] =	stream.linear.scatter [tilespmem:s30], [sflag:$0x9], $0x4000, $0x38;
	[tilespmem:$0x1C400] =	vst v63  }
0x139: {  	_ =	swait.ge [sflag:s31], $0x4000  }
0x13a: {  	s10 =	sadd.s32 $0x1, s10;
	s6 =	rddreg [dreg:$0x13]  }
0x13b: {  	p0 =	sne.s32 s10, s6  }
.Ltmp1:
0x13c: {  	_ = 	snop;
	(pc) =	sbr.rel @p0 .LBB2_1-.Ltmp1, $3  }
0x13d: {  	_ =	sdelay $0x1  }
0x13e: {  	[sflag:s31] =	ssyncset.done $0x0  }
0x13f: {  	[sflag:s31] =	ssyncadd.s32 $0xFFFFC000  }
0x140: {  	_ =	sfence.sel $0x180000  }
0x141: {  	[bflag:$0x0] =	sbarrier.arrive $0xFFFF  }
0x142: {  	_ =	strace $0x9000004D  }
0x143: {  	s0 =	stileid.u32;
	[bflag:$0x2] =	sbarrier.arrive $0xFFFF  }
0x144: {  	p0 =	sne.s32 s0, $0x0;
	s0 =	rddreg [dreg:$0x2]  }
0x145: {  	s0 =	sadd.s32 @!p0 $0x100000, s0  }
0x146: {  	[sflag:s0] =	ssyncadd.tile.s32 @!p0 $0x1;
	_ =	shalt  }
.Lfunc_end2:
_tile_overlayer_lowered:
.L_overlay_start_2:
0x147: {  	(tag) =	ssettag $0x2  }
0x148: {  	s0 =	rddreg [dreg:$0x0];
	s2 =	stileid.u32  }
0x149: {  	s1 =	rddreg [dreg:$0x1];
	p0 =	sne.s32 s2, $0x0  }
0x14a: {  	s3 =	rddreg [dreg:$0x2];
	[bflag:$0x3] =	sbarrier.arrive $0xFFFF;
	s2 =	simm.s32 @!p0 $0x1C09  }
0x14b: {  	[timem:s3], [sflag:s2] =	dma.local @!p0 [hbm:s0], s1  }
0x14c: {  	s0 =	simm.s32 @!p0 $0x9  }
0x14d: {  	_ =	swait.ge @!p0 [sflag:s0], s1  }
0x14e: {  	s1 =	ssub.s32 @!p0 $0x0, s1;
	[sflag:s0] =	ssyncset.done @!p0 $0x0  }
0x14f: {  	[sflag:s0] =	ssyncadd.s32 @!p0 s1  }
0x150: {  	[bflag:$0x3] =	sbarrier.arrive $0xFFFF  }
0x151: {  	_ =	shalt  }

// kernel: kernel.7.cloned.1.call-start
scs
__scs_entry_jumppad:
0x0: {  	(pc) =	sbr.rel $0x88, $3  }
0x1: {  	(tag) =	ssettag $0x0;
	lr =	simm.s32 $0x1  }
0x2: {  	[smem:$0x3F99] =	sst lr;
	_ =	strace $0xD0000000  }
0x3: {  	_ = 	snop  }
0x4: {  	_ = 	snop  }
0x5: {  	_ = 	snop  }
0x6: {  	_ = 	snop  }
0x7: {  	_ = 	snop  }
__scs_overlays_trampoline_lowered:
0x8: {  	[smem:$0x3FA8] =	sst s0  }
0x9: {  	[smem:$0x3FA9] =	sst s1  }
0xa: {  	[smem:$0x3FAA] =	sst s2  }
0xb: {  	[smem:$0x3FAB] =	sst s3  }
0xc: {  	[smem:$0x3FAC] =	sst s4  }
0xd: {  	[smem:$0x3FAD] =	sst s5  }
0xe: {  	[smem:$0x3FAE] =	sst s6  }
0xf: {  	[smem:$0x3FAF] =	sst s7  }
0x10: {  	[smem:$0x3FB0] =	sst s8  }
0x11: {  	[smem:$0x3FB1] =	sst s9;
	s0 =	simm.s32 @!p0 $0x0  }
0x12: {  	s1 =	sld [smem:$0x3F97];
	s0 =	simm.s32 @p0 $0x1  }
0x13: {  	[smem:$0x3FB2] =	sst s0;
	s0 =	simm.s32 @!p1 $0x0  }
0x14: {  	s2 =	sld [smem:$0x3F96];
	s0 =	simm.s32 @p1 $0x1  }
0x15: {  	[smem:$0x3FB3] =	sst s0;
	s0 =	simm.s32 @!p2 $0x0  }
0x16: {  	s3 =	sld [smem:$0x3FDB];
	s0 =	simm.s32 @p2 $0x1  }
0x17: {  	s4 =	simm.s32 $0x1BF5;
	[smem:$0x3FB5] =	sst s0  }
0x18: {  	s0 =	sld [smem:$0x3F98];
	_ =	swait.ge [sflag:s4], $0x0  }
0x19: {  	s7 =	sld [smem:$0x3F99]  }
0x1a: {  	s8 =	sadd.s32 $0xFFFFE003, lr  }
0x1b: {  	s9 =	sadd.s32 $0xFFFFFEF7, lr;
	s5 =	simm.s32 $0xFFFFFFFF;
	p2 =	slt.u32 s8, $0xFFFFF086  }
0x1c: {  	p1 =	slt.u32 s9, $0xF7A;
	s5 =	simm.s32 @!p2 $0x0  }
0x1d: {  	s5 =	simm.s32 @p1 $0x1;
	p0 =	seq.s32 s7, s2  }
0x1e: {  	s7 =	smul.u32 @!p0 $0xF7A, s2;
	p2 =	seq.s32 @!p0 s5, $0x0  }
0x1f: {  	s9 =	smul.u32 $0xF7A, s1;
	s8 =	simm.s32 @!p0 $0x1BF5;
	p2 =	por !p2, p0  }
0x20: {  	[sflag:s8] =	ssyncset.s32 @!p0 $0xFFFFF086;
	s6 =	sadd.s32 @!p0 s3, s7;
	s7 =	simm.s32 @!p0 $0x108  }
0x21: {  	s3 =	sadd.s32 s3, s9;
	s6 =	sadd.s32 @!p0 $0x88, s6;
	s7 =	simm.s32 @p2 $0x1082  }
0x22: {  	[simem:s7], [sflag:s8] =	dma.local @!p0 [hbm:s6], $0xF7A  }
0x23: {  	s9 =	sor.u32 $0xD0000000, s2;
	s6 =	simm.s32 $0x108;
	_ =	swait.ge @!p0 [sflag:s8], $0x0  }
0x24: {  	s3 =	sadd.s32 $0x88, s3;
	s6 =	simm.s32 @!p1 $0x1082;
	[sflag:s4] =	ssyncset.s32 $0xFFFFF086  }
0x25: {  	[simem:s6], [sflag:s4] =	dma.local [hbm:s3], $0xF7A  }
0x26: {  	[smem:$0x3F99] =	sst s1;
	(tag) =	ssettag s2;
	_ =	strace s9  }
0x27: {  	s1 =	sld [smem:$0x3FA9]  }
0x28: {  	s2 =	sld [smem:$0x3FAA]  }
0x29: {  	s4 =	sld [smem:$0x3FAC]  }
0x2a: {  	p0 =	seq.s32 s5, $0x0;
	s5 =	sld [smem:$0x3FAD]  }
0x2b: {  	s6 =	sld [smem:$0x3FAE]  }
0x2c: {  	s7 =	sld [smem:$0x3FAF]  }
0x2d: {  	s3 =	simm.s32 $0x108;
	s8 =	sld [smem:$0x3FB0]  }
0x2e: {  	s3 =	simm.s32 @!p0 $0x1082;
	s9 =	sld [smem:$0x3FB1]  }
0x2f: {  	lr =	sadd.s32 s0, s3;
	s0 =	sld [smem:$0x3FA8]  }
0x30: {  	s3 =	sld [smem:$0x3FAB]  }
0x31: {  	[smem:$0x3FB4] =	sst s10  }
0x32: {  	s10 =	sld [smem:$0x3FB2];
	_ =	sdelay $0x3  }
0x33: {  	p0 =	seq.s32 s10, $0x1;
	s10 =	sld [smem:$0x3FB4];
	_ =	sdelay $0x3  }
0x34: {  	[smem:$0x3FB4] =	sst s10  }
0x35: {  	s10 =	sld [smem:$0x3FB3];
	_ =	sdelay $0x3  }
0x36: {  	p1 =	seq.s32 s10, $0x1;
	s10 =	sld [smem:$0x3FB4];
	_ =	sdelay $0x3  }
0x37: {  	[smem:$0x3FB4] =	sst s10  }
0x38: {  	s10 =	sld [smem:$0x3FB5]  }
0x39: {  	_ = 	snop;
	(pc) =	sbr.ind lr, $3  }
0x3a: {  	_ = 	snop  }
0x3b: {  	_ = 	snop  }
0x3c: {  	p2 =	seq.s32 s10, $0x1;
	s10 =	sld [smem:$0x3FB4]  }
0x3d: {  	_ =	shalt  }
0x3e: {  	_ =	shalt  }
0x3f: {  	_ =	shalt  }
0x40: {  	_ =	shalt  }
0x41: {  	_ =	shalt  }
0x42: {  	_ =	shalt  }
0x43: {  	_ =	shalt  }
0x44: {  	_ =	shalt  }
0x45: {  	_ =	shalt  }
0x46: {  	_ =	shalt  }
0x47: {  	_ =	shalt  }
0x48: {  	_ =	shalt  }
0x49: {  	_ =	shalt  }
0x4a: {  	_ =	shalt  }
0x4b: {  	_ =	shalt  }
0x4c: {  	_ =	shalt  }
0x4d: {  	_ =	shalt  }
0x4e: {  	_ =	shalt  }
0x4f: {  	_ =	shalt  }
0x50: {  	_ =	shalt  }
0x51: {  	_ =	shalt  }
0x52: {  	_ =	shalt  }
0x53: {  	_ =	shalt  }
0x54: {  	_ =	shalt  }
0x55: {  	_ =	shalt  }
0x56: {  	_ =	shalt  }
0x57: {  	_ =	shalt  }
0x58: {  	_ =	shalt  }
0x59: {  	_ =	shalt  }
0x5a: {  	_ =	shalt  }
0x5b: {  	_ =	shalt  }
0x5c: {  	_ =	shalt  }
0x5d: {  	_ =	shalt  }
0x5e: {  	_ =	shalt  }
0x5f: {  	_ =	shalt  }
0x60: {  	_ =	shalt  }
0x61: {  	_ =	shalt  }
0x62: {  	_ =	shalt  }
0x63: {  	_ =	shalt  }
0x64: {  	_ =	shalt  }
0x65: {  	_ =	shalt  }
0x66: {  	_ =	shalt  }
0x67: {  	_ =	shalt  }
0x68: {  	_ =	shalt  }
0x69: {  	_ =	shalt  }
0x6a: {  	_ =	shalt  }
0x6b: {  	_ =	shalt  }
0x6c: {  	_ =	shalt  }
0x6d: {  	_ =	shalt  }
0x6e: {  	_ =	shalt  }
0x6f: {  	_ =	shalt  }
0x70: {  	_ =	shalt  }
0x71: {  	_ =	shalt  }
0x72: {  	_ =	shalt  }
0x73: {  	_ =	shalt  }
0x74: {  	_ =	shalt  }
0x75: {  	_ =	shalt  }
0x76: {  	_ =	shalt  }
0x77: {  	_ =	shalt  }
0x78: {  	_ =	shalt  }
0x79: {  	_ =	shalt  }
0x7a: {  	_ =	shalt  }
0x7b: {  	_ =	shalt  }
0x7c: {  	_ =	shalt  }
0x7d: {  	_ =	shalt  }
0x7e: {  	_ =	shalt  }
0x7f: {  	_ =	shalt  }
0x80: {  	_ =	shalt  }
0x81: {  	_ =	shalt  }
0x82: {  	_ =	shalt  }
0x83: {  	_ =	shalt  }
0x84: {  	_ =	shalt  }
0x85: {  	_ =	shalt  }
0x86: {  	_ =	shalt  }
0x87: {  	_ =	shalt  }
.Lfunc_end0:
.L_simem_size_0:
called_computation_lowered:
.L_overlay_start_0:
0x88: {  	s2 =	sld [smem:$0x3FD9]  }
0x89: {  	s3 =	sld [smem:$0x3FFE];
	_ =	sdelay $0x1  }
0x8a: {  	s1 =	srdreg.scid  }
0x8b: {  	s0 =	sand.u32 $0x1, s1  }
0x8c: {  	s16 =	sshll.u32 s0, $0xA;
	s2 =	sadd.s32 s3, s2  }
0x8d: {  	s2 =	sadd.s32 s2, s16  }
0x8e: {  	[smem:$0x3FC0] =	sst s2  }
0x8f: {  	_ = 	snop  }
0x90: {  	(tm) =	ssettm $0x1  }
0x91: {  	s17 =	sld [smem:$0x3FFB];
	_ =	sdelay $0x3  }
0x92: {  	_ =	strace s17  }
0x93: {  	s2 =	sld [smem:$0x3FFC];
	_ =	sdelay $0x3  }
0x94: {  	_ =	strace s2  }
0x95: {  	s2 =	sld [smem:$0x3FFD];
	_ =	sdelay $0x3  }
0x96: {  	_ =	strace s2  }
0x97: {  	_ =	strace $0x8FFFFFFF  }
0x98: {  	s18 =	sld [smem:$0x3FDB];
	_ =	sdelay $0x1  }
0x99: {  	s19 =	simm.s32 $_scs_section_size  }
0x9a: {  	s4 =	simm.s32 $_size__tile_overlayer_lowered;
	s5 =	simm.s32 $_tile_overlayer_lowered  }
0x9b: {  	s22 =	simm.s32 $0x1BFF;
	s21 =	sshll.u32 s5, $0x1;
	s2 =	sadd.s32 s19, s18  }
0x9c: {  	s6 =	simm.s32 $0x0;
	s20 =	sshll.u32 s4, $0x1;
	s4 =	sadd.s32 s21, s2  }
0x9d: {  	[timem:s6], [sflag:s22] =	dma.local [hbm:s4], s20  }
0x9e: {  	_ =	swait.ge [sflag:s22], s20  }
0x9f: {  	s3 =	ssub.s32 $0x0, s20;
	[sflag:s22] =	ssyncset.done $0x0  }
0xa0: {  	[sflag:s22] =	ssyncadd.s32 s3;
	_ =	sdelay $0x1  }
0xa1: {  	s23 =	simm.s32 $0x1B8B  }
0xa2: {  	_ =	swait.ge [sflag:s23], $0x1  }
0xa3: {  	[sflag:s23] =	ssyncset.done $0x0  }
0xa4: {  	s25 =	simm.s32 $0x1B8E;
	s24 =	sld [smem:$0x3FFE];
	[sflag:s23] =	ssyncadd.s32 $0xFFFFFFFF  }
0xa5: {  	s26 =	simm.s32 $execute0_lowered;
	[smem:$0x3FD2] =	sst s25  }
0xa6: {  	s4 =	sshll.u32 s26, $0x1;
	_ =	strace $0x80000046;
	[dreg:$0x1] =	wrdreg $0xFFFFFFFF  }
0xa7: {  	s28 =	simm.s32 $_size_execute0_lowered;
	s2 =	sadd.s32 s2, s4;
	[dreg:$0x0] =	wrdreg $0x0  }
0xa8: {  	s4 =	sshll.u32 s28, $0x1;
	[dreg:$0x2] =	wrdreg s2  }
0xa9: {  	[dreg:$0x3] =	wrdreg s4  }
0xaa: {  	[dreg:$0x4] =	wrdreg $0xC0  }
0xab: {  	_ =	task [dreg:s6], $0x5FFFF  }
0xac: {  	[dreg:$0x1] =	wrdreg $0xFFFFFFFF  }
0xad: {  	[dreg:$0x0] =	wrdreg $0x60  }
0xae: {  	[dreg:$0x2] =	wrdreg s24  }
0xaf: {  	[dreg:$0x3] =	wrdreg $0x84000  }
0xb0: {  	[dreg:$0x4] =	wrdreg $0x9  }
0xb1: {  	_ =	task.clear_ibuf [dreg:s6], $0x5FFFF;
	_ =	strace $0x90000046  }
0xb2: {  	s29 =	simm.s32 $0x9;
	_ =	strace $0x80000048  }
0xb3: {  	_ =	swait.ge [sflag:s29], $0x1  }
0xb4: {  	[sflag:s29] =	ssyncadd.s32 $0xFFFFFFFF  }
0xb5: {  	_ =	strace $0x90000048  }
0xb6: {  	_ =	sfence  }
0xb7: {  	s30 =	sld [smem:$0x0];
	_ =	sdelay $0x2  }
0xb8: {  	s31 =	sshll.u32 s1, $0xD;
	s1 =	sshrl.u32 s1, $0x2  }
0xb9: {  	s3 =	sand.u32 $0x4000, s31;
	s1 =	sadd.s32 s1, s30  }
0xba: {  	s0 =	sor.u32 s3, s0;
	s1 =	sshll.u32 s1, $0x11  }
0xbb: {  	s0 =	sor.u32 s1, s0  }
0xbc: {  	s0 =	sadd.s32 $0x8F2B, s0  }
0xbd: {  	[sflag:s0] =	ssyncadd.remote.s32 $0x1  }
0xbe: {  	_ =	sfence.sel $0xFFFF  }
0xbf: {  	[dreg:$0x0] =	wrdreg $0xFFFFFFFF;
	(pc) =	sbr.abs _section_cstart, $3  }
0xc0: {  	[dreg:$0x1] =	wrdreg $0xFFFFFFFF  }
0xc1: {  	_ =	task.clear_ibuf [dreg:s6], $0x2FFFF;
	_ =	strace $0x9FFFFFFF  }
0xc2: {  	(tm) =	ssettm $0x7FFFFFFF  }
0xc3: {  	_ =	shalt  }
tec
execute0_lowered:
.L_overlay_start_1:
0x0: {  	(tag) =	ssettag $0x1  }
0x1: {  	s0 =	rddreg [dreg:$0x0]  }
0x2: {  	s1 =	rddreg [dreg:$0x1];
	s3 =	simm.s32 $0x0;
	s2 =	srdreg.scid  }
0x3: {  	s19 =	stileid.u32;
	s29 =	simm.s32 $0x4400;
	s30 =	simm.s32 $0x6  }
0x4: {  	s31 =	simm.s32 $0x100;
	[smem:$0x7FF] =	sst s3;
	s5 =	smul.u32 $0x50000, s19  }
0x5: {  	s2 =	sand.u32 $0x1, s2;
	s11 =	sadd.s32 $0x2800, s0;
	s12 =	smul.u32 $0x14000, s19  }
0x6: {  	s7 =	sadd.s32 $0x16800, s0;
	s0 =	sadd.s32 $0x17000, s0;
	_ =	strace $0x80000047  }
0x7: {  	s4 =	ssub.s32 $0x2, s2;
	[dreg:$0x3] =	wrdreg s7;
	s18 =	smul.u32 $0x140000, s2  }
0x8: {  	s23 =	sshll.u32 s2, $0x4;
	s2 =	smul.u32 $0x28000, s2;
	s6 =	sshrl.u32 s4, $0x1  }
0x9: {  	s5 =	sshrl.u32 s5, $0x2;
	s13 =	sadd.s32 $0x4000, s12;
	s9 =	sor.u32 s19, s23  }
0xa: {  	s14 =	sadd.s32 $0x8000, s12;
	s15 =	sadd.s32 $0xC000, s12;
	s17 =	sadd.s32 $0x10000, s12  }
0xb: {  	s19 =	smul.u32 $0x2800, s19;
	s4 =	ssub.s32 s4, s6;
	s5 =	sadd.s32 s5, s1  }
0xc: {  	s6 =	sadd.s32 s13, s1;
	s10 =	smul.u32 $0xA00, s9;
	s7 =	sadd.s32 s14, s1  }
0xd: {  	s8 =	sadd.s32 s15, s1;
	s16 =	smul.u32 $0x5000, s9;
	s12 =	sadd.s32 s12, s18  }
0xe: {  	s13 =	sadd.s32 s18, s13;
	s14 =	sadd.s32 s18, s14;
	s15 =	sadd.s32 s18, s15  }
0xf: {  	s12 =	sshrl.u32 s12, $0x3;
	s26 =	sshrl.u32 s13, $0x3;
	s28 =	sshrl.u32 s14, $0x3  }
0x10: {  	s2 =	sadd.s32 s19, s2;
	s19 =	sadd.s32 s18, s17;
	s18 =	simm.s32 $0x4  }
0x11: {  	s9 =	sadd.s32 s11, s10;
	s10 =	sadd.s32 s17, s1;
	s12 =	sadd.s32 s0, s12  }
0x12: {  	s16 =	sshrl.u32 s16, $0x3;
	s14 =	sadd.s32 s0, s28;
	[dreg:$0x8] =	wrdreg s12  }
0x13: {  	s13 =	sshrl.u32 s19, $0x3;
	s21 =	sor.u32 $0x480, s2;
	[dreg:$0xa] =	wrdreg s14  }
0x14: {  	s22 =	sor.u32 $0x400, s2;
	s20 =	sadd.s32 $0x20, s9;
	[dreg:$0x4] =	wrdreg s9  }
0x15: {  	s17 =	simm.s32 $0x280;
	s24 =	sadd.s32 $0x40, s9;
	[dreg:$0x5] =	wrdreg s20  }
0x16: {  	s25 =	sadd.s32 $0x60, s9;
	s16 =	sadd.s32 s11, s16;
	[dreg:$0x6] =	wrdreg s24  }
0x17: {  	s12 =	sadd.s32 s0, s26;
	s23 =	sadd.s32 $0x80, s9;
	[dreg:$0x7] =	wrdreg s25  }
0x18: {  	s26 =	sadd.s32 $0xA0, s9;
	s28 =	sadd.s32 $0xC0, s9;
	[dreg:$0x9] =	wrdreg s12  }
0x19: {  	s20 =	sor.u32 $0x500, s2;
	s12 =	sshrl.u32 s15, $0x3;
	[dreg:$0xd] =	wrdreg s23  }
0x1a: {  	s2 =	sor.u32 $0x380, s2;
	s24 =	sadd.s32 $0x9E0, s16;
	[dreg:$0x10] =	wrdreg s26  }
0x1b: {  	s25 =	smax.u32 s4, $0x1;
	[dreg:$0x11] =	wrdreg s28;
	s4 =	simm.s32 $0x80  }
0x1c: {  	s15 =	simm.s32 $0x180;
	s16 =	simm.s32 $0x3;
	s23 =	simm.s32 $0x380  }
0x1d: {  	s14 =	sshrl.u32 s20, $0x2;
	s12 =	sadd.s32 s0, s12;
	[dreg:$0xe] =	wrdreg s24  }
0x1e: {  	s0 =	sadd.s32 s0, s13;
	s2 =	sshrl.u32 s2, $0x2;
	[dreg:$0xf] =	wrdreg s25  }
0x1f: {  	s13 =	simm.s32 $0x2;
	s24 =	simm.s32 $0x0;
	[dreg:$0xb] =	wrdreg s12  }
0x20: {  	[dreg:$0xc] =	wrdreg s0;
	s19 =	sadd.s32 s14, s11;
	s0 =	sshrl.u32 s21, $0x2  }
0x21: {  	s12 =	sshrl.u32 s22, $0x2;
	s22 =	sadd.s32 s2, s11;
	s2 =	simm.s32 $0x1  }
0x22: {  	s14 =	simm.s32 $0x5;
	s20 =	sadd.s32 s0, s11;
	s21 =	sadd.s32 s12, s11  }
0x23: {  	v0 =	vimm.f32 $1.000000000e+00;
	s0 =	simm.s32 $0x200;
	s11 =	simm.s32 $0x400;
	s12 =	simm.s32 $0x300  }
.LBB2_1:
0x24: {  	s9 =	rddreg [dreg:$0x3]  }
0x25: {  	[tilespmem:s29], [sflag:$0x6] =	stream.linear.gather [hbm4b:s9+s3], $0x4000, $0x38;
	[tilespmem:$0x1C400] =	vst v63  }
0x26: {  	_ =	swait.ge [sflag:s30], $0x4000  }
0x27: {  	[sflag:s30] =	ssyncset.done $0x0  }
0x28: {  	[sflag:s30] =	ssyncadd.s32 $0xFFFFC000  }
0x29: {  	[spmem:s5] =	stream.linear.scatter [tilespmem:s29], [sflag:$0x6], $0x4000, $0x38;
	[tilespmem:$0x1C400] =	vst v63  }
0x2a: {  	_ =	swait.ge [sflag:s30], $0x4000  }
0x2b: {  	[sflag:s30] =	ssyncset.done $0x0  }
0x2c: {  	[sflag:s30] =	ssyncadd.s32 $0xFFFFC000  }
0x2d: {  	[spmem:s6] =	stream.linear.scatter [tilespmem:s29], [sflag:$0x6], $0x4000, $0x38;
	[tilespmem:$0x1C400] =	vst v63  }
0x2e: {  	_ =	swait.ge [sflag:s30], $0x4000  }
0x2f: {  	[sflag:s30] =	ssyncset.done $0x0  }
0x30: {  	[sflag:s30] =	ssyncadd.s32 $0xFFFFC000  }
0x31: {  	[spmem:s7] =	stream.linear.scatter [tilespmem:s29], [sflag:$0x6], $0x4000, $0x38;
	[tilespmem:$0x1C400] =	vst v63  }
0x32: {  	_ =	swait.ge [sflag:s30], $0x4000  }
0x33: {  	[sflag:s30] =	ssyncset.done $0x0  }
0x34: {  	[sflag:s30] =	ssyncadd.s32 $0xFFFFC000  }
0x35: {  	[spmem:s8] =	stream.linear.scatter [tilespmem:s29], [sflag:$0x6], $0x4000, $0x38;
	[tilespmem:$0x1C400] =	vst v63  }
0x36: {  	_ =	swait.ge [sflag:s30], $0x4000  }
0x37: {  	[sflag:s30] =	ssyncset.done $0x0  }
0x38: {  	[sflag:s30] =	ssyncadd.s32 $0xFFFFC000  }
0x39: {  	[spmem:s10] =	stream.linear.scatter [tilespmem:s29], [sflag:$0x6], $0x4000, $0x38;
	[tilespmem:$0x1C400] =	vst v63  }
0x3a: {  	s25 =	sand.u32 $0xFE00, s3;
	s26 =	sand.u32 $0x70, s3;
	_ =	swait.ge [sflag:s30], $0x4000  }
0x3b: {  	s28 =	sshrl.u32 s25, $0x2;
	s25 =	simm.s32 $0x40;
	[sflag:s30] =	ssyncset.done $0x0  }
0x3c: {  	s28 =	sor.u32 s26, s28;
	s26 =	simm.s32 $0x0;
	[sflag:s30] =	ssyncadd.s32 $0xFFFFC000  }
.LBB2_2:
0x3d: {  	p0 =	sne.s32 s25, $0xFFC0  }
0x3e: {  	[tilespmem:s28+$0x400] =	vst v0;
	s26 =	sadd.s32 $0x10, s26;
	s28 =	smov.u32 s25;
	s25 =	sadd.s32 $0x40, s25  }
.Ltmp0:
0x3f: {  	(pc) =	sbr.rel @p0 .LBB2_2-.Ltmp0, $4  }
0x40: {  	_ = 	snop  }
0x41: {  	s28 =	sand.u32 $0xFE00, s28  }
0x42: {  	s9 =	sand.u32 $0x70, s26;
	s28 =	sshrl.u32 s28, $0x2  }
0x43: {  	s28 =	sor.u32 s9, s28  }
0x44: {  	[tilespmem:s28+$0x400] =	vst v0  }
0x45: {  	[bflag:$0x0] =	sbarrier.arrive $0xFFFF  }
0x46: {  	s9 =	simm.s32 $0x0;
	s25 =	rddreg [dreg:$0x4]  }
0x47: {  	[tilespmem:s9], [sflag:$0x1] =	stream.linear.gather [hbm4b:s25+s9], $0x100, $0x38;
	[tilespmem:$0x1C400] =	vst v63  }
0x48: {  	s26 =	rddreg [dreg:$0x5]  }
0x49: {  	[tilespmem:s31], [sflag:$0x2] =	stream.linear.gather [hbm4b:s26+s9], $0x100, $0x38;
	[tilespmem:$0x1C400] =	vst v63  }
0x4a: {  	s28 =	rddreg [dreg:$0x6]  }
0x4b: {  	[tilespmem:s0], [sflag:$0x3] =	stream.linear.gather [hbm4b:s28+s9], $0x100, $0x38;
	[tilespmem:$0x1C400] =	vst v63  }
0x4c: {  	_ =	swait.ge [sflag:s2], $0x100  }
0x4d: {  	[sflag:s2] =	ssyncset.done $0x0  }
0x4e: {  	[sflag:s2] =	ssyncadd.s32 $0xFFFFFF00  }
0x4f: {  	[spmem:s1] =	stream.indirect.scatter.add.f32 [tilespmem:s11], [sflag:$0x5], $0x80, s4, s4, $0xb8;
	[tilespmem:$0x1C400] =	vst v63  }
0x50: {  	s26 =	rddreg [dreg:$0x7]  }
0x51: {  	[tilespmem:s12], [sflag:$0x4] =	stream.linear.gather [hbm4b:s26+s9], $0x100, $0x38;
	[tilespmem:$0x1C400] =	vst v63  }
0x52: {  	_ =	swait.ge [sflag:s13], $0x100  }
0x53: {  	[sflag:s13] =	ssyncset.done $0x0  }
0x54: {  	[sflag:s13] =	ssyncadd.s32 $0xFFFFFF00  }
0x55: {  	_ =	swait.ge [sflag:s14], $0x4000  }
0x56: {  	[sflag:s14] =	ssyncset.done $0x0  }
0x57: {  	[sflag:s14] =	ssyncadd.s32 $0xFFFFC000  }
0x58: {  	[spmem:s1] =	stream.indirect.scatter.add.f32 [tilespmem:s11], [sflag:$0x5], $0x80, s15, s4, $0xb8;
	[tilespmem:$0x1C400] =	vst v63  }
0x59: {  	s28 =	rddreg [dreg:$0xd]  }
0x5a: {  	[tilespmem:s9], [sflag:$0x1] =	stream.linear.gather [hbm4b:s28+s9], $0x100, $0x38;
	[tilespmem:$0x1C400] =	vst v63  }
0x5b: {  	_ =	swait.ge [sflag:s16], $0x100  }
0x5c: {  	[sflag:s16] =	ssyncset.done $0x0  }
0x5d: {  	[sflag:s16] =	ssyncadd.s32 $0xFFFFFF00  }
0x5e: {  	_ =	swait.ge [sflag:s14], $0x4000  }
0x5f: {  	[sflag:s14] =	ssyncset.done $0x0  }
0x60: {  	[sflag:s14] =	ssyncadd.s32 $0xFFFFC000  }
0x61: {  	[spmem:s1] =	stream.indirect.scatter.add.f32 [tilespmem:s11], [sflag:$0x5], $0x80, s17, s4, $0xb8;
	[tilespmem:$0x1C400] =	vst v63  }
0x62: {  	s26 =	rddreg [dreg:$0x10]  }
0x63: {  	[tilespmem:s31], [sflag:$0x2] =	stream.linear.gather [hbm4b:s26+s9], $0x100, $0x38;
	[tilespmem:$0x1C400] =	vst v63  }
0x64: {  	_ =	swait.ge [sflag:s18], $0x100  }
0x65: {  	[sflag:s18] =	ssyncset.done $0x0  }
0x66: {  	[sflag:s18] =	ssyncadd.s32 $0xFFFFFF00  }
0x67: {  	_ =	swait.ge [sflag:s14], $0x4000  }
0x68: {  	[sflag:s14] =	ssyncset.done $0x0  }
0x69: {  	[sflag:s14] =	ssyncadd.s32 $0xFFFFC000  }
0x6a: {  	[spmem:s1] =	stream.indirect.scatter.add.f32 [tilespmem:s11], [sflag:$0x5], $0x80, s23, s4, $0xb8;
	[tilespmem:$0x1C400] =	vst v63  }
0x6b: {  	s28 =	rddreg [dreg:$0x11]  }
0x6c: {  	[tilespmem:s0], [sflag:$0x3] =	stream.linear.gather [hbm4b:s28+s9], $0x100, $0x38;
	[tilespmem:$0x1C400] =	vst v63  }
0x6d: {  	_ =	swait.ge [sflag:s2], $0x100  }
0x6e: {  	[sflag:s2] =	ssyncset.done $0x0  }
0x6f: {  	[sflag:s2] =	ssyncadd.s32 $0xFFFFFF00  }
0x70: {  	_ =	swait.ge [sflag:s14], $0x4000  }
0x71: {  	[sflag:s14] =	ssyncset.done $0x0  }
0x72: {  	[sflag:s14] =	ssyncadd.s32 $0xFFFFC000  }
0x73: {  	[spmem:s1] =	stream.indirect.scatter.add.f32 [tilespmem:s11], [sflag:$0x5], $0x80, s4, s4, $0xb8;
	[tilespmem:$0x1C400] =	vst v63  }
0x74: {  	s25 =	sadd.s32 $0x0, s22  }
0x75: {  	[tilespmem:s12], [sflag:$0x4] =	stream.linear.gather [hbm4b:s25+s3], $0x100, $0x38;
	[tilespmem:$0x1C400] =	vst v63  }
0x76: {  	_ =	swait.ge [sflag:s13], $0x100  }
0x77: {  	[sflag:s13] =	ssyncset.done $0x0  }
0x78: {  	[sflag:s13] =	ssyncadd.s32 $0xFFFFFF00  }
0x79: {  	_ =	swait.ge [sflag:s14], $0x4000  }
0x7a: {  	[sflag:s14] =	ssyncset.done $0x0  }
0x7b: {  	[sflag:s14] =	ssyncadd.s32 $0xFFFFC000  }
0x7c: {  	[spmem:s1] =	stream.indirect.scatter.add.f32 [tilespmem:s11], [sflag:$0x5], $0x80, s15, s4, $0xb8;
	[tilespmem:$0x1C400] =	vst v63  }
0x7d: {  	s26 =	sadd.s32 $0x0, s21  }
0x7e: {  	[tilespmem:s3], [sflag:$0x1] =	stream.linear.gather [hbm4b:s26+s3], $0x100, $0x38;
	[tilespmem:$0x1C400] =	vst v63  }
0x7f: {  	_ =	swait.ge [sflag:s16], $0x100  }
0x80: {  	[sflag:s16] =	ssyncset.done $0x0  }
0x81: {  	[sflag:s16] =	ssyncadd.s32 $0xFFFFFF00  }
0x82: {  	_ =	swait.ge [sflag:s14], $0x4000  }
0x83: {  	[sflag:s14] =	ssyncset.done $0x0  }
0x84: {  	[sflag:s14] =	ssyncadd.s32 $0xFFFFC000  }
0x85: {  	[spmem:s1] =	stream.indirect.scatter.add.f32 [tilespmem:s11], [sflag:$0x5], $0x80, s17, s4, $0xb8;
	[tilespmem:$0x1C400] =	vst v63  }
0x86: {  	s28 =	sadd.s32 $0x0, s20  }
0x87: {  	[tilespmem:s31], [sflag:$0x2] =	stream.linear.gather [hbm4b:s28+s3], $0x100, $0x38;
	[tilespmem:$0x1C400] =	vst v63  }
0x88: {  	_ =	swait.ge [sflag:s18], $0x100  }
0x89: {  	[sflag:s18] =	ssyncset.done $0x0  }
0x8a: {  	[sflag:s18] =	ssyncadd.s32 $0xFFFFFF00  }
0x8b: {  	_ =	swait.ge [sflag:s14], $0x4000  }
0x8c: {  	[sflag:s14] =	ssyncset.done $0x0  }
0x8d: {  	s25 =	simm.s32 $0x80;
	s26 =	sadd.s32 $0x0, s19;
	[sflag:s14] =	ssyncadd.s32 $0xFFFFC000  }
0x8e: {  	[spmem:s1] =	stream.indirect.scatter.add.f32 [tilespmem:s11], [sflag:$0x5], $0x80, s23, s4, $0xb8;
	[tilespmem:$0x1C400] =	vst v63  }
.LBB2_4:
0x8f: {  	[tilespmem:s0], [sflag:$0x3] =	stream.linear.gather [hbm4b:s26+s3], $0x100, $0x38;
	[tilespmem:$0x1C400] =	vst v63  }
0x90: {  	s26 =	smov.u32 s25  }
0x91: {  	p0 =	sne.s32 s25, $0x880;
	s25 =	sadd.s32 $0x80, s25;
	_ =	swait.ge [sflag:s2], $0x100  }
0x92: {  	[sflag:s2] =	ssyncset.done $0x0  }
0x93: {  	[sflag:s2] =	ssyncadd.s32 $0xFFFFFF00  }
0x94: {  	_ =	swait.ge [sflag:s14], $0x4000  }
0x95: {  	[sflag:s14] =	ssyncset.done $0x0  }
0x96: {  	[sflag:s14] =	ssyncadd.s32 $0xFFFFC000  }
0x97: {  	[spmem:s1] =	stream.indirect.scatter.add.f32 [tilespmem:s11], [sflag:$0x5], $0x80, s4, s4, $0xb8;
	[tilespmem:$0x1C400] =	vst v63  }
0x98: {  	s9 =	sadd.s32 s26, s22  }
0x99: {  	[tilespmem:s12], [sflag:$0x4] =	stream.linear.gather [hbm4b:s9+s3], $0x100, $0x38;
	[tilespmem:$0x1C400] =	vst v63  }
0x9a: {  	_ =	swait.ge [sflag:s13], $0x100  }
0x9b: {  	[sflag:s13] =	ssyncset.done $0x0  }
0x9c: {  	[sflag:s13] =	ssyncadd.s32 $0xFFFFFF00  }
0x9d: {  	_ =	swait.ge [sflag:s14], $0x4000  }
0x9e: {  	[sflag:s14] =	ssyncset.done $0x0  }
0x9f: {  	[sflag:s14] =	ssyncadd.s32 $0xFFFFC000  }
0xa0: {  	[spmem:s1] =	stream.indirect.scatter.add.f32 [tilespmem:s11], [sflag:$0x5], $0x80, s15, s4, $0xb8;
	[tilespmem:$0x1C400] =	vst v63  }
0xa1: {  	s9 =	sadd.s32 s26, s21  }
0xa2: {  	[tilespmem:s3], [sflag:$0x1] =	stream.linear.gather [hbm4b:s9+s3], $0x100, $0x38;
	[tilespmem:$0x1C400] =	vst v63  }
0xa3: {  	_ =	swait.ge [sflag:s16], $0x100  }
0xa4: {  	[sflag:s16] =	ssyncset.done $0x0  }
0xa5: {  	[sflag:s16] =	ssyncadd.s32 $0xFFFFFF00  }
0xa6: {  	_ =	swait.ge [sflag:s14], $0x4000  }
0xa7: {  	[sflag:s14] =	ssyncset.done $0x0  }
0xa8: {  	[sflag:s14] =	ssyncadd.s32 $0xFFFFC000  }
0xa9: {  	[spmem:s1] =	stream.indirect.scatter.add.f32 [tilespmem:s11], [sflag:$0x5], $0x80, s17, s4, $0xb8;
	[tilespmem:$0x1C400] =	vst v63  }
0xaa: {  	s9 =	sadd.s32 s26, s20  }
0xab: {  	[tilespmem:s31], [sflag:$0x2] =	stream.linear.gather [hbm4b:s9+s3], $0x100, $0x38;
	[tilespmem:$0x1C400] =	vst v63  }
0xac: {  	_ =	swait.ge [sflag:s18], $0x100  }
0xad: {  	[sflag:s18] =	ssyncset.done $0x0  }
0xae: {  	[sflag:s18] =	ssyncadd.s32 $0xFFFFFF00  }
.Ltmp1:
0xaf: {  	_ =	swait.ge [sflag:s14], $0x4000;
	(pc) =	sbr.rel @p0 .LBB2_4-.Ltmp1, $4  }
0xb0: {  	[sflag:s14] =	ssyncset.done $0x0  }
0xb1: {  	[sflag:s14] =	ssyncadd.s32 $0xFFFFC000  }
0xb2: {  	[spmem:s1] =	stream.indirect.scatter.add.f32 [tilespmem:s11], [sflag:$0x5], $0x80, s23, s4, $0xb8;
	[tilespmem:$0x1C400] =	vst v63  }
0xb3: {  	s26 =	sadd.s32 s26, s19  }
0xb4: {  	[tilespmem:s0], [sflag:$0x3] =	stream.linear.gather [hbm4b:s26+s3], $0x100, $0x38;
	[tilespmem:$0x1C400] =	vst v63  }
0xb5: {  	_ =	swait.ge [sflag:s2], $0x100  }
0xb6: {  	[sflag:s2] =	ssyncset.done $0x0  }
0xb7: {  	[sflag:s2] =	ssyncadd.s32 $0xFFFFFF00  }
0xb8: {  	_ =	swait.ge [sflag:s14], $0x4000  }
0xb9: {  	[sflag:s14] =	ssyncset.done $0x0  }
0xba: {  	[sflag:s14] =	ssyncadd.s32 $0xFFFFC000  }
0xbb: {  	[spmem:s1] =	stream.indirect.scatter.add.f32 [tilespmem:s11], [sflag:$0x5], $0x80, s4, s4, $0xb8;
	[tilespmem:$0x1C400] =	vst v63  }
0xbc: {  	s9 =	rddreg [dreg:$0xe]  }
0xbd: {  	[tilespmem:s12], [sflag:$0x4] =	stream.linear.gather [hbm4b:s9+s3], $0x100, $0x38;
	[tilespmem:$0x1C400] =	vst v63  }
0xbe: {  	_ =	swait.ge [sflag:s13], $0x100  }
0xbf: {  	[sflag:s13] =	ssyncset.done $0x0  }
0xc0: {  	[sflag:s13] =	ssyncadd.s32 $0xFFFFFF00  }
0xc1: {  	_ =	swait.ge [sflag:s14], $0x4000  }
0xc2: {  	[sflag:s14] =	ssyncset.done $0x0  }
0xc3: {  	[sflag:s14] =	ssyncadd.s32 $0xFFFFC000  }
0xc4: {  	[spmem:s1] =	stream.indirect.scatter.add.f32 [tilespmem:s11], [sflag:$0x5], $0x80, s15, s4, $0xb8;
	[tilespmem:$0x1C400] =	vst v63  }
0xc5: {  	_ =	swait.ge [sflag:s16], $0x100  }
0xc6: {  	[sflag:s16] =	ssyncset.done $0x0  }
0xc7: {  	[sflag:s16] =	ssyncadd.s32 $0xFFFFFF00  }
0xc8: {  	_ =	swait.ge [sflag:s14], $0x4000  }
0xc9: {  	[sflag:s14] =	ssyncset.done $0x0  }
0xca: {  	[sflag:s14] =	ssyncadd.s32 $0xFFFFC000  }
0xcb: {  	[spmem:s1] =	stream.indirect.scatter.add.f32 [tilespmem:s11], [sflag:$0x5], $0x80, s17, s4, $0xb8;
	[tilespmem:$0x1C400] =	vst v63  }
0xcc: {  	_ =	swait.ge [sflag:s18], $0x100  }
0xcd: {  	[sflag:s18] =	ssyncset.done $0x0  }
0xce: {  	[sflag:s18] =	ssyncadd.s32 $0xFFFFFF00  }
0xcf: {  	_ =	swait.ge [sflag:s14], $0x4000  }
0xd0: {  	[sflag:s14] =	ssyncset.done $0x0  }
0xd1: {  	[sflag:s14] =	ssyncadd.s32 $0xFFFFC000  }
0xd2: {  	[spmem:s1] =	stream.indirect.scatter.add.f32 [tilespmem:s11], [sflag:$0x5], $0x80, s23, s4, $0xb8;
	[tilespmem:$0x1C400] =	vst v63  }
0xd3: {  	_ =	swait.ge [sflag:s14], $0x4000  }
0xd4: {  	[sflag:s14] =	ssyncset.done $0x0  }
0xd5: {  	[sflag:s14] =	ssyncadd.s32 $0xFFFFC000  }
0xd6: {  	[bflag:$0x0] =	sbarrier.arrive $0xFFFF  }
0xd7: {  	[tilespmem:s29], [sflag:$0x6] =	stream.linear.gather [spmem:s5], $0x4000, $0x38;
	[tilespmem:$0x1C400] =	vst v63  }
0xd8: {  	_ =	swait.ge [sflag:s30], $0x4000  }
0xd9: {  	[sflag:s30] =	ssyncset.done $0x0  }
0xda: {  	s25 =	rddreg [dreg:$0x8];
	[sflag:s30] =	ssyncadd.s32 $0xFFFFC000  }
0xdb: {  	[hbm4b:s25+s3] =	stream.linear.scatter [tilespmem:s29], [sflag:$0x6], $0x4000, $0x38;
	[tilespmem:$0x1C400] =	vst v63  }
0xdc: {  	_ =	swait.ge [sflag:s30], $0x4000  }
0xdd: {  	[sflag:s30] =	ssyncset.done $0x0  }
0xde: {  	[sflag:s30] =	ssyncadd.s32 $0xFFFFC000  }
0xdf: {  	[tilespmem:s29], [sflag:$0x6] =	stream.linear.gather [spmem:s6], $0x4000, $0x38;
	[tilespmem:$0x1C400] =	vst v63  }
0xe0: {  	_ =	swait.ge [sflag:s30], $0x4000  }
0xe1: {  	[sflag:s30] =	ssyncset.done $0x0  }
0xe2: {  	s26 =	rddreg [dreg:$0x9];
	[sflag:s30] =	ssyncadd.s32 $0xFFFFC000  }
0xe3: {  	[hbm4b:s26+s3] =	stream.linear.scatter [tilespmem:s29], [sflag:$0x6], $0x4000, $0x38;
	[tilespmem:$0x1C400] =	vst v63  }
0xe4: {  	_ =	swait.ge [sflag:s30], $0x4000  }
0xe5: {  	[sflag:s30] =	ssyncset.done $0x0  }
0xe6: {  	[sflag:s30] =	ssyncadd.s32 $0xFFFFC000  }
0xe7: {  	[tilespmem:s29], [sflag:$0x6] =	stream.linear.gather [spmem:s7], $0x4000, $0x38;
	[tilespmem:$0x1C400] =	vst v63  }
0xe8: {  	_ =	swait.ge [sflag:s30], $0x4000  }
0xe9: {  	[sflag:s30] =	ssyncset.done $0x0  }
0xea: {  	s28 =	rddreg [dreg:$0xa];
	[sflag:s30] =	ssyncadd.s32 $0xFFFFC000  }
0xeb: {  	[hbm4b:s28+s3] =	stream.linear.scatter [tilespmem:s29], [sflag:$0x6], $0x4000, $0x38;
	[tilespmem:$0x1C400] =	vst v63  }
0xec: {  	_ =	swait.ge [sflag:s30], $0x4000  }
0xed: {  	[sflag:s30] =	ssyncset.done $0x0  }
0xee: {  	[sflag:s30] =	ssyncadd.s32 $0xFFFFC000  }
0xef: {  	[tilespmem:s29], [sflag:$0x6] =	stream.linear.gather [spmem:s8], $0x4000, $0x38;
	[tilespmem:$0x1C400] =	vst v63  }
0xf0: {  	_ =	swait.ge [sflag:s30], $0x4000  }
0xf1: {  	[sflag:s30] =	ssyncset.done $0x0  }
0xf2: {  	s25 =	rddreg [dreg:$0xb];
	[sflag:s30] =	ssyncadd.s32 $0xFFFFC000  }
0xf3: {  	[hbm4b:s25+s3] =	stream.linear.scatter [tilespmem:s29], [sflag:$0x6], $0x4000, $0x38;
	[tilespmem:$0x1C400] =	vst v63  }
0xf4: {  	_ =	swait.ge [sflag:s30], $0x4000  }
0xf5: {  	[sflag:s30] =	ssyncset.done $0x0  }
0xf6: {  	[sflag:s30] =	ssyncadd.s32 $0xFFFFC000  }
0xf7: {  	[tilespmem:s29], [sflag:$0x6] =	stream.linear.gather [spmem:s10], $0x4000, $0x38;
	[tilespmem:$0x1C400] =	vst v63  }
0xf8: {  	_ =	swait.ge [sflag:s30], $0x4000  }
0xf9: {  	[sflag:s30] =	ssyncset.done $0x0  }
0xfa: {  	s26 =	rddreg [dreg:$0xc];
	[sflag:s30] =	ssyncadd.s32 $0xFFFFC000  }
0xfb: {  	[hbm4b:s26+s3] =	stream.linear.scatter [tilespmem:s29], [sflag:$0x6], $0x4000, $0x38;
	[tilespmem:$0x1C400] =	vst v63  }
0xfc: {  	_ =	swait.ge [sflag:s30], $0x4000  }
0xfd: {  	s24 =	sadd.s32 $0x1, s24;
	s28 =	rddreg [dreg:$0xf]  }
0xfe: {  	p0 =	sne.s32 s24, s28  }
.Ltmp2:
0xff: {  	_ = 	snop;
	(pc) =	sbr.rel @p0 .LBB2_1-.Ltmp2, $3  }
0x100: {  	_ =	sdelay $0x1  }
0x101: {  	[sflag:s30] =	ssyncset.done $0x0  }
0x102: {  	[sflag:s30] =	ssyncadd.s32 $0xFFFFC000  }
0x103: {  	_ =	sfence.sel $0x180000  }
0x104: {  	[bflag:$0x0] =	sbarrier.arrive $0xFFFF  }
0x105: {  	_ =	strace $0x90000047  }
0x106: {  	s0 =	stileid.u32;
	[bflag:$0x2] =	sbarrier.arrive $0xFFFF  }
0x107: {  	p0 =	sne.s32 s0, $0x0;
	s0 =	rddreg [dreg:$0x2]  }
0x108: {  	s0 =	sadd.s32 @!p0 $0x100000, s0  }
0x109: {  	[sflag:s0] =	ssyncadd.tile.s32 @!p0 $0x1;
	_ =	shalt  }
.Lfunc_end2:
_tile_overlayer_lowered:
.L_overlay_start_2:
0x10a: {  	(tag) =	ssettag $0x2  }
0x10b: {  	s0 =	rddreg [dreg:$0x0];
	s2 =	stileid.u32  }
0x10c: {  	s1 =	rddreg [dreg:$0x1];
	p0 =	sne.s32 s2, $0x0  }
0x10d: {  	s3 =	rddreg [dreg:$0x2];
	[bflag:$0x3] =	sbarrier.arrive $0xFFFF;
	s2 =	simm.s32 @!p0 $0x1C06  }
0x10e: {  	[timem:s3], [sflag:s2] =	dma.local @!p0 [hbm:s0], s1  }
0x10f: {  	s0 =	simm.s32 @!p0 $0x6  }
0x110: {  	_ =	swait.ge @!p0 [sflag:s0], s1  }
0x111: {  	s1 =	ssub.s32 @!p0 $0x0, s1;
	[sflag:s0] =	ssyncset.done @!p0 $0x0  }
0x112: {  	[sflag:s0] =	ssyncadd.s32 @!p0 s1  }
0x113: {  	[bflag:$0x3] =	sbarrier.arrive $0xFFFF  }
0x114: {  	_ =	shalt  }

</sc_bundles>
